<compile_context>
chip_gen: v7x
topology: tpu7x:2x2x1
jax: 0.10.2.dev20260603
libtpu: 0.0.44.dev20260713+nightly
codegen_flags: <defaults>
</compile_context>

<pallas_src>
import functools

import jax
import jax.numpy as jnp
from jax import lax
from jax.experimental import pallas as pl
from jax.experimental.pallas import tpu as pltpu
from jax.experimental.pallas import tpu_sc as plsc

N = 10000
E = 320000
N_PAD = 10240
NC = 2
NS = 16
CHUNK = 80
ROWS_PER_TILE = N_PAD // NS

_f32 = jnp.float32
_i32 = jnp.int32


def _sc_mesh():
    return plsc.VectorSubcoreMesh(
        core_axis_name="c", subcore_axis_name="s", num_cores=NC,
        num_subcores=NS)


def _zero_rows(buf, nrows):
    def zrow(i, _):
        for j in range(128 // 16):
            buf[i, pl.ds(j * 16, 16)] = jnp.zeros((16,), _f32)
        return 0
    lax.fori_loop(0, nrows, zrow, 0)


PER_TILE = E // (NC * NS)
NCHUNKS = PER_TILE // CHUNK


def _copy_idx(dst, src, i):
    for j in range(CHUNK // 16):
        dst[pl.ds(j * 16, 16)] = src[pl.ds(i * CHUNK + j * 16, 16)]


@functools.partial(
    pl.kernel,
    out_type=jax.ShapeDtypeStruct((NC, N_PAD, 128), _f32),
    mesh=_sc_mesh(),
    scratch_types=[
        pltpu.VMEM((CHUNK, 128), _f32),
        pltpu.VMEM((PER_TILE,), _i32),
        pltpu.VMEM((CHUNK,), _i32),
        pltpu.VMEM((CHUNK,), _i32),
        pltpu.VMEM((CHUNK,), _i32),
        pltpu.VMEM((CHUNK,), _i32),
        pltpu.VMEM_SHARED((N_PAD, 128), _f32),
        pltpu.SemaphoreType.DMA,
        pltpu.SemaphoreType.DMA,
        pltpu.SemaphoreType.DMA,
        pltpu.SemaphoreType.DMA,
        pltpu.SemaphoreType.DMA,
    ],
)
def _sc_deg(col_hbm, deg_out, ones_v, call_v, ib0, ib1, ib2, ib3, deg_sh,
            sem, sd0, sd1, sd2, sd3):
    cid = lax.axis_index("c")
    sid = lax.axis_index("s")
    base = cid * (E // NC) + sid * PER_TILE
    ld = pltpu.async_copy(col_hbm.at[pl.ds(base, PER_TILE)], call_v, sem)

    _zero_rows(ones_v, CHUNK)
    for k in range(ROWS_PER_TILE // CHUNK):
        pltpu.sync_copy(
            ones_v, deg_sh.at[pl.ds(sid * ROWS_PER_TILE + k * CHUNK, CHUNK)])

    def orow(i, _):
        for j in range(128 // 16):
            ones_v[i, pl.ds(j * 16, 16)] = jnp.full((16,), 1.0, _f32)
        return 0
    lax.fori_loop(0, CHUNK, orow, 0)
    ld.wait()
    plsc.subcore_barrier()

    ibufs = (ib0, ib1, ib2, ib3)
    dsems = (sd0, sd1, sd2, sd3)

    def drain(k):
        pltpu.make_async_copy(ones_v, deg_sh.at[ibufs[k]], dsems[k]).wait()

    def step(g, _):
        for k in range(4):
            i = 4 * g + k

            @pl.when(jnp.logical_and(i >= 4, i < NCHUNKS))
            def _():
                drain(k)

            @pl.when(i < NCHUNKS)
            def _():
                _copy_idx(ibufs[k], call_v, i)
                pltpu.async_copy(ones_v, deg_sh.at[ibufs[k]], dsems[k],
                                 add=True)
        return 0
    lax.fori_loop(0, (NCHUNKS + 3) // 4, step, 0)
    for k in range(4):
        drain(k)
    plsc.subcore_barrier()

    for k in range(ROWS_PER_TILE // CHUNK):
        r0 = sid * ROWS_PER_TILE + k * CHUNK
        pltpu.sync_copy(deg_sh.at[pl.ds(r0, CHUNK)],
                        deg_out.at[cid, pl.ds(r0, CHUNK)])


NBUF = 4
IBUF = 8
GAHEAD = 3


@functools.partial(
    pl.kernel,
    out_type=jax.ShapeDtypeStruct((NC, N_PAD, 128), _f32),
    mesh=_sc_mesh(),
    scratch_types=(
        [pltpu.VMEM((CHUNK, 128), _f32) for _ in range(NBUF)] +
        [pltpu.VMEM((CHUNK,), _i32) for _ in range(IBUF)] +
        [pltpu.VMEM((CHUNK,), _i32) for _ in range(IBUF)] +
        [pltpu.VMEM_SHARED((N_PAD, 128), _f32)] +
        [pltpu.SemaphoreType.DMA for _ in range(NBUF + IBUF)]
    ),
)
def _sc_agg(row_hbm, col_hbm, hs_hbm, out_hbm, *refs):
    gbufs = refs[0:NBUF]
    rbufs = refs[NBUF:NBUF + IBUF]
    cbufs = refs[NBUF + IBUF:NBUF + 2 * IBUF]
    acc_sh = refs[NBUF + 2 * IBUF]
    gsems = refs[NBUF + 2 * IBUF + 1:NBUF + 2 * IBUF + 1 + NBUF]
    isems = refs[NBUF + 2 * IBUF + 1 + NBUF:]

    cid = lax.axis_index("c")
    sid = lax.axis_index("s")
    base = cid * (E // NC) + sid * PER_TILE

    def load_idx(i, b):
        e0 = base + i * CHUNK
        pltpu.async_copy(row_hbm.at[pl.ds(e0, CHUNK)], rbufs[b], isems[b])
        pltpu.async_copy(col_hbm.at[pl.ds(e0, CHUNK)], cbufs[b], isems[b])

    def wait_idx(b):
        pltpu.make_async_copy(row_hbm.at[pl.ds(0, CHUNK)], rbufs[b],
                              isems[b]).wait()
        pltpu.make_async_copy(col_hbm.at[pl.ds(0, CHUNK)], cbufs[b],
                              isems[b]).wait()

    def issue_gather(bi, bg):
        pltpu.async_copy(hs_hbm.at[rbufs[bi]], gbufs[bg], gsems[bg])

    def drain_scatter(bi, bg):
        pltpu.make_async_copy(hs_hbm.at[rbufs[bi]], gbufs[bg],
                              gsems[bg]).wait()
        pltpu.sync_copy(gbufs[bg], acc_sh.at[cbufs[bi]], add=True)

    for j in range(IBUF - 1):
        load_idx(j, j)

    _zero_rows(gbufs[NBUF - 1], CHUNK)
    for k in range(ROWS_PER_TILE // CHUNK):
        pltpu.sync_copy(
            gbufs[NBUF - 1],
            acc_sh.at[pl.ds(sid * ROWS_PER_TILE + k * CHUNK, CHUNK)])
    plsc.subcore_barrier()

    for j in range(GAHEAD):
        wait_idx(j)
        issue_gather(j, j)

    def body(g, _):
        for k in range(IBUF):
            i = IBUF * g + k

            @pl.when(i + IBUF - 1 < NCHUNKS)
            def _():
                load_idx(i + IBUF - 1, (k + IBUF - 1) % IBUF)

            @pl.when(i + GAHEAD < NCHUNKS)
            def _():
                wait_idx((k + GAHEAD) % IBUF)
                issue_gather((k + GAHEAD) % IBUF, (k + GAHEAD) % NBUF)

            @pl.when(i < NCHUNKS)
            def _():
                drain_scatter(k, k % NBUF)
        return 0
    lax.fori_loop(0, (NCHUNKS + IBUF - 1) // IBUF, body, 0)
    plsc.subcore_barrier()

    for k in range(ROWS_PER_TILE // CHUNK):
        r0 = sid * ROWS_PER_TILE + k * CHUNK
        pltpu.sync_copy(acc_sh.at[pl.ds(r0, CHUNK)],
                        out_hbm.at[cid, pl.ds(r0, CHUNK)])


BN = 400


def _hs1_body(x_ref, deg_ref, w_ref, o_ref):
    dinv = lax.rsqrt(deg_ref[0] + deg_ref[1] + 1.0)
    h = jnp.dot(x_ref[...], w_ref[...], preferred_element_type=_f32)
    o_ref[...] = h * dinv


def _tc_hs1(x, deg_parts, W1):
    return pl.pallas_call(
        _hs1_body,
        grid=(N // BN,),
        in_specs=[pl.BlockSpec((BN, 128), lambda i: (i, 0)),
                  pl.BlockSpec((2, BN, 128), lambda i: (0, i, 0)),
                  pl.BlockSpec((128, 128), lambda i: (0, 0))],
        out_specs=pl.BlockSpec((BN, 128), lambda i: (i, 0)),
        out_shape=jax.ShapeDtypeStruct((N_PAD, 128), _f32),
    )(x, deg_parts, W1)


def _mid_body(agg_ref, hs_ref, deg_ref, w_ref, b_ref, o_ref):
    dinv = lax.rsqrt(deg_ref[0] + deg_ref[1] + 1.0)
    s = agg_ref[0] + agg_ref[1] + hs_ref[...]
    h1 = jnp.maximum(dinv * s + b_ref[...], 0.0)
    hs2 = jnp.dot(h1, w_ref[...], preferred_element_type=_f32) * dinv[:, :64]
    o_ref[...] = jnp.concatenate(
        [hs2, jnp.zeros((BN, 64), _f32)], axis=1)


def _tc_mid(agg1, hs1, deg_parts, W2, b1):
    return pl.pallas_call(
        _mid_body,
        grid=(N // BN,),
        in_specs=[pl.BlockSpec((2, BN, 128), lambda i: (0, i, 0)),
                  pl.BlockSpec((BN, 128), lambda i: (i, 0)),
                  pl.BlockSpec((2, BN, 128), lambda i: (0, i, 0)),
                  pl.BlockSpec((128, 64), lambda i: (0, 0)),
                  pl.BlockSpec((1, 128), lambda i: (0, 0))],
        out_specs=pl.BlockSpec((BN, 128), lambda i: (i, 0)),
        out_shape=jax.ShapeDtypeStruct((N_PAD, 128), _f32),
    )(agg1, hs1, deg_parts, W2, b1)


def _out_body(agg_ref, hs_ref, deg_ref, b_ref, o_ref):
    dinv = lax.rsqrt(deg_ref[0] + deg_ref[1] + 1.0)
    s = agg_ref[0] + agg_ref[1] + hs_ref[...]
    o_ref[...] = dinv[:, :64] * s[:, :64] + b_ref[...]


def _tc_out(agg2, hs2, deg_parts, b2):
    return pl.pallas_call(
        _out_body,
        grid=(N // BN,),
        in_specs=[pl.BlockSpec((2, BN, 128), lambda i: (0, i, 0)),
                  pl.BlockSpec((BN, 128), lambda i: (i, 0)),
                  pl.BlockSpec((2, BN, 128), lambda i: (0, i, 0)),
                  pl.BlockSpec((1, 64), lambda i: (0, 0))],
        out_specs=pl.BlockSpec((BN, 64), lambda i: (i, 0)),
        out_shape=jax.ShapeDtypeStruct((N, 64), _f32),
    )(agg2, hs2, deg_parts, b2)


def kernel(x, edge_index, W1, b1, W2, b2):
    row = edge_index[0]
    col = edge_index[1]

    deg_parts = _sc_deg(col)
    hs1 = _tc_hs1(x, deg_parts, W1)
    agg1 = _sc_agg(row, col, hs1)
    hs2 = _tc_mid(agg1, hs1, deg_parts, W2,
                  b1.reshape(1, 128))
    agg2 = _sc_agg(row, col, hs2)
    return _tc_out(agg2, hs2, deg_parts, b2.reshape(1, 64))

# --- scband reference (transcript-rebuilt; emitter-appended) ---
"""Pipeline reference for scband-place-gnn-9010841387576 (READ-ONLY COPY).

The authoritative reference and input builder live on the scoring server;
editing this copy changes nothing except your own understanding.
"""

import jax, jax.numpy as jnp
import numpy as np

N = 10000
E = 320000
D_IN = 128
D_H = 128
D_OUT = 64


def setup_inputs(seed: int = 0) -> dict:
    key = jax.random.key(seed)
    k1, k2, k3, k4 = jax.random.split(key, 4)
    x = jax.random.normal(k1, (N, D_IN), dtype=jnp.float32)
    edge_index = jax.random.randint(k2, (2, E), 0, N, dtype=jnp.int32)
    W1 = jax.random.normal(k3, (D_IN, D_H), dtype=jnp.float32) * (1.0 / np.sqrt(D_IN))
    b1 = jnp.zeros((D_H,), dtype=jnp.float32)
    W2 = jax.random.normal(k4, (D_H, D_OUT), dtype=jnp.float32) * (1.0 / np.sqrt(D_H))
    b2 = jnp.zeros((D_OUT,), dtype=jnp.float32)
    return {"x": x, "edge_index": edge_index, "W1": W1, "b1": b1, "W2": W2, "b2": b2}


def gcn_conv(x, edge_index, W, b):
    # GCNConv: linear transform, add self-loops, symmetric (deg^-1/2) normalization,
    # scatter-add aggregation at destination nodes, then bias.
    n = x.shape[0]
    h = x @ W
    row = edge_index[0]
    col = edge_index[1]
    loop = jnp.arange(n, dtype=row.dtype)
    row = jnp.concatenate([row, loop])
    col = jnp.concatenate([col, loop])
    deg = jax.ops.segment_sum(jnp.ones_like(col, dtype=h.dtype), col, num_segments=n)
    dinv = jnp.where(deg > 0, jax.lax.rsqrt(deg), 0.0)
    norm = dinv[row] * dinv[col]
    msg = h[row] * norm[:, None]
    out = jax.ops.segment_sum(msg, col, num_segments=n)
    return out + b


def reference(x, edge_index, W1, b1, W2, b2):
    h = jax.nn.relu(gcn_conv(x, edge_index, W1, b1))
    # dropout(p=0.3) is identity at inference time
    out = gcn_conv(h, edge_index, W2, b2)
    return out

if __name__ == "__main__":
    import jax
    _d = setup_inputs()
    print(jax.jit(kernel)(*tuple(_d.values())))

</pallas_src>

<mosaic_0001>
#map = affine_map<(d0, d1) -> (0)>
#map1 = affine_map<(d0, d1) -> (0, 0)>
#map2 = affine_map<(d0, d1) -> (0, 0, 0)>
module attributes {stable_mosaic.version = 14 : i64} {
  func.func @_sc_agg(%arg0: i32, %arg1: i32, %arg2: memref<320000xi32, #tpu.memory_space<hbm>>, %arg3: memref<320000xi32, #tpu.memory_space<hbm>>, %arg4: memref<10240x128xf32, #tpu.memory_space<hbm>>, %arg5: memref<2x10240x128xf32, #tpu.memory_space<hbm>>, %arg6: memref<80x128xf32, #tpu.memory_space<vmem>>, %arg7: memref<80x128xf32, #tpu.memory_space<vmem>>, %arg8: memref<80x128xf32, #tpu.memory_space<vmem>>, %arg9: memref<80x128xf32, #tpu.memory_space<vmem>>, %arg10: memref<80xi32, #tpu.memory_space<vmem>>, %arg11: memref<80xi32, #tpu.memory_space<vmem>>, %arg12: memref<80xi32, #tpu.memory_space<vmem>>, %arg13: memref<80xi32, #tpu.memory_space<vmem>>, %arg14: memref<80xi32, #tpu.memory_space<vmem>>, %arg15: memref<80xi32, #tpu.memory_space<vmem>>, %arg16: memref<80xi32, #tpu.memory_space<vmem>>, %arg17: memref<80xi32, #tpu.memory_space<vmem>>, %arg18: memref<80xi32, #tpu.memory_space<vmem>>, %arg19: memref<80xi32, #tpu.memory_space<vmem>>, %arg20: memref<80xi32, #tpu.memory_space<vmem>>, %arg21: memref<80xi32, #tpu.memory_space<vmem>>, %arg22: memref<80xi32, #tpu.memory_space<vmem>>, %arg23: memref<80xi32, #tpu.memory_space<vmem>>, %arg24: memref<80xi32, #tpu.memory_space<vmem>>, %arg25: memref<80xi32, #tpu.memory_space<vmem>>, %arg26: memref<10240x128xf32, #tpu.memory_space<vmem_shared>>, %arg27: memref<!tpu.dma_semaphore, #tpu.memory_space<semaphore_mem>>, %arg28: memref<!tpu.dma_semaphore, #tpu.memory_space<semaphore_mem>>, %arg29: memref<!tpu.dma_semaphore, #tpu.memory_space<semaphore_mem>>, %arg30: memref<!tpu.dma_semaphore, #tpu.memory_space<semaphore_mem>>, %arg31: memref<!tpu.dma_semaphore, #tpu.memory_space<semaphore_mem>>, %arg32: memref<!tpu.dma_semaphore, #tpu.memory_space<semaphore_mem>>, %arg33: memref<!tpu.dma_semaphore, #tpu.memory_space<semaphore_mem>>, %arg34: memref<!tpu.dma_semaphore, #tpu.memory_space<semaphore_mem>>, %arg35: memref<!tpu.dma_semaphore, #tpu.memory_space<semaphore_mem>>, %arg36: memref<!tpu.dma_semaphore, #tpu.memory_space<semaphore_mem>>, %arg37: memref<!tpu.dma_semaphore, #tpu.memory_space<semaphore_mem>>, %arg38: memref<!tpu.dma_semaphore, #tpu.memory_space<semaphore_mem>>) attributes {dimension_semantics = [#tpu.dimension_semantics<core_parallel>, #tpu.dimension_semantics<subcore_parallel>], iteration_bounds = array<i64: 2, 16>, scalar_prefetch = 0 : i64, scratch_operands = 33 : i64, tpu.core_type = #tpu.core_type<sc_vector_subcore>, window_params = [{transform_indices = #map}, {transform_indices = #map}, {transform_indices = #map1}, {transform_indices = #map2}]} {
    %mul3A = arith.constant 160000 : i32
    %mul3A_0 = arith.muli %arg0, %mul3A : i32
    %mul3A_1 = arith.constant 10000 : i32
    %mul3A_2 = arith.muli %arg1, %mul3A_1 : i32
    %add3A = arith.addi %mul3A_0, %mul3A_2 : i32
    %add3A_3 = arith.constant 0 : i32
    %add3A_4 = arith.addi %add3A, %add3A_3 : i32
    %dma_start3A = tpu.memref_slice %arg2[%add3A_4] : memref<320000xi32, #tpu.memory_space<hbm>> -> memref<80xi32, #tpu.memory_space<hbm>>
    %dma_start3A_5 = tpu.memref_slice %arg2[%add3A_4] : memref<320000xi32, #tpu.memory_space<hbm>> -> memref<80xi32, #tpu.memory_space<hbm>>
    tpu.enqueue_dma source(%dma_start3A_5 : memref<80xi32, #tpu.memory_space<hbm>>) target(%arg10 : memref<80xi32, #tpu.memory_space<vmem>>) target_semaphore(%arg31 : memref<!tpu.dma_semaphore, #tpu.memory_space<semaphore_mem>>)
    %dma_start3A_6 = tpu.memref_slice %arg3[%add3A_4] : memref<320000xi32, #tpu.memory_space<hbm>> -> memref<80xi32, #tpu.memory_space<hbm>>
    %dma_start3A_7 = tpu.memref_slice %arg3[%add3A_4] : memref<320000xi32, #tpu.memory_space<hbm>> -> memref<80xi32, #tpu.memory_space<hbm>>
    tpu.enqueue_dma source(%dma_start3A_7 : memref<80xi32, #tpu.memory_space<hbm>>) target(%arg18 : memref<80xi32, #tpu.memory_space<vmem>>) target_semaphore(%arg31 : memref<!tpu.dma_semaphore, #tpu.memory_space<semaphore_mem>>)
    %add3A_8 = arith.constant 80 : i32
    %add3A_9 = arith.addi %add3A, %add3A_8 : i32
    %dma_start3A_10 = tpu.memref_slice %arg2[%add3A_9] : memref<320000xi32, #tpu.memory_space<hbm>> -> memref<80xi32, #tpu.memory_space<hbm>>
    %dma_start3A_11 = tpu.memref_slice %arg2[%add3A_9] : memref<320000xi32, #tpu.memory_space<hbm>> -> memref<80xi32, #tpu.memory_space<hbm>>
    tpu.enqueue_dma source(%dma_start3A_11 : memref<80xi32, #tpu.memory_space<hbm>>) target(%arg11 : memref<80xi32, #tpu.memory_space<vmem>>) target_semaphore(%arg32 : memref<!tpu.dma_semaphore, #tpu.memory_space<semaphore_mem>>)
    %dma_start3A_12 = tpu.memref_slice %arg3[%add3A_9] : memref<320000xi32, #tpu.memory_space<hbm>> -> memref<80xi32, #tpu.memory_space<hbm>>
    %dma_start3A_13 = tpu.memref_slice %arg3[%add3A_9] : memref<320000xi32, #tpu.memory_space<hbm>> -> memref<80xi32, #tpu.memory_space<hbm>>
    tpu.enqueue_dma source(%dma_start3A_13 : memref<80xi32, #tpu.memory_space<hbm>>) target(%arg19 : memref<80xi32, #tpu.memory_space<vmem>>) target_semaphore(%arg32 : memref<!tpu.dma_semaphore, #tpu.memory_space<semaphore_mem>>)
    %add3A_14 = arith.constant 160 : i32
    %add3A_15 = arith.addi %add3A, %add3A_14 : i32
    %dma_start3A_16 = tpu.memref_slice %arg2[%add3A_15] : memref<320000xi32, #tpu.memory_space<hbm>> -> memref<80xi32, #tpu.memory_space<hbm>>
    %dma_start3A_17 = tpu.memref_slice %arg2[%add3A_15] : memref<320000xi32, #tpu.memory_space<hbm>> -> memref<80xi32, #tpu.memory_space<hbm>>
    tpu.enqueue_dma source(%dma_start3A_17 : memref<80xi32, #tpu.memory_space<hbm>>) target(%arg12 : memref<80xi32, #tpu.memory_space<vmem>>) target_semaphore(%arg33 : memref<!tpu.dma_semaphore, #tpu.memory_space<semaphore_mem>>)
    %dma_start3A_18 = tpu.memref_slice %arg3[%add3A_15] : memref<320000xi32, #tpu.memory_space<hbm>> -> memref<80xi32, #tpu.memory_space<hbm>>
    %dma_start3A_19 = tpu.memref_slice %arg3[%add3A_15] : memref<320000xi32, #tpu.memory_space<hbm>> -> memref<80xi32, #tpu.memory_space<hbm>>
    tpu.enqueue_dma source(%dma_start3A_19 : memref<80xi32, #tpu.memory_space<hbm>>) target(%arg20 : memref<80xi32, #tpu.memory_space<vmem>>) target_semaphore(%arg33 : memref<!tpu.dma_semaphore, #tpu.memory_space<semaphore_mem>>)
    %add3A_20 = arith.constant 240 : i32
    %add3A_21 = arith.addi %add3A, %add3A_20 : i32
    %dma_start3A_22 = tpu.memref_slice %arg2[%add3A_21] : memref<320000xi32, #tpu.memory_space<hbm>> -> memref<80xi32, #tpu.memory_space<hbm>>
    %dma_start3A_23 = tpu.memref_slice %arg2[%add3A_21] : memref<320000xi32, #tpu.memory_space<hbm>> -> memref<80xi32, #tpu.memory_space<hbm>>
    tpu.enqueue_dma source(%dma_start3A_23 : memref<80xi32, #tpu.memory_space<hbm>>) target(%arg13 : memref<80xi32, #tpu.memory_space<vmem>>) target_semaphore(%arg34 : memref<!tpu.dma_semaphore, #tpu.memory_space<semaphore_mem>>)
    %dma_start3A_24 = tpu.memref_slice %arg3[%add3A_21] : memref<320000xi32, #tpu.memory_space<hbm>> -> memref<80xi32, #tpu.memory_space<hbm>>
    %dma_start3A_25 = tpu.memref_slice %arg3[%add3A_21] : memref<320000xi32, #tpu.memory_space<hbm>> -> memref<80xi32, #tpu.memory_space<hbm>>
    tpu.enqueue_dma source(%dma_start3A_25 : memref<80xi32, #tpu.memory_space<hbm>>) target(%arg21 : memref<80xi32, #tpu.memory_space<vmem>>) target_semaphore(%arg34 : memref<!tpu.dma_semaphore, #tpu.memory_space<semaphore_mem>>)
    %add3A_26 = arith.constant 320 : i32
    %add3A_27 = arith.addi %add3A, %add3A_26 : i32
    %dma_start3A_28 = tpu.memref_slice %arg2[%add3A_27] : memref<320000xi32, #tpu.memory_space<hbm>> -> memref<80xi32, #tpu.memory_space<hbm>>
    %dma_start3A_29 = tpu.memref_slice %arg2[%add3A_27] : memref<320000xi32, #tpu.memory_space<hbm>> -> memref<80xi32, #tpu.memory_space<hbm>>
    tpu.enqueue_dma source(%dma_start3A_29 : memref<80xi32, #tpu.memory_space<hbm>>) target(%arg14 : memref<80xi32, #tpu.memory_space<vmem>>) target_semaphore(%arg35 : memref<!tpu.dma_semaphore, #tpu.memory_space<semaphore_mem>>)
    %dma_start3A_30 = tpu.memref_slice %arg3[%add3A_27] : memref<320000xi32, #tpu.memory_space<hbm>> -> memref<80xi32, #tpu.memory_space<hbm>>
    %dma_start3A_31 = tpu.memref_slice %arg3[%add3A_27] : memref<320000xi32, #tpu.memory_space<hbm>> -> memref<80xi32, #tpu.memory_space<hbm>>
    tpu.enqueue_dma source(%dma_start3A_31 : memref<80xi32, #tpu.memory_space<hbm>>) target(%arg22 : memref<80xi32, #tpu.memory_space<vmem>>) target_semaphore(%arg35 : memref<!tpu.dma_semaphore, #tpu.memory_space<semaphore_mem>>)
    %add3A_32 = arith.constant 400 : i32
    %add3A_33 = arith.addi %add3A, %add3A_32 : i32
    %dma_start3A_34 = tpu.memref_slice %arg2[%add3A_33] : memref<320000xi32, #tpu.memory_space<hbm>> -> memref<80xi32, #tpu.memory_space<hbm>>
    %dma_start3A_35 = tpu.memref_slice %arg2[%add3A_33] : memref<320000xi32, #tpu.memory_space<hbm>> -> memref<80xi32, #tpu.memory_space<hbm>>
    tpu.enqueue_dma source(%dma_start3A_35 : memref<80xi32, #tpu.memory_space<hbm>>) target(%arg15 : memref<80xi32, #tpu.memory_space<vmem>>) target_semaphore(%arg36 : memref<!tpu.dma_semaphore, #tpu.memory_space<semaphore_mem>>)
    %dma_start3A_36 = tpu.memref_slice %arg3[%add3A_33] : memref<320000xi32, #tpu.memory_space<hbm>> -> memref<80xi32, #tpu.memory_space<hbm>>
    %dma_start3A_37 = tpu.memref_slice %arg3[%add3A_33] : memref<320000xi32, #tpu.memory_space<hbm>> -> memref<80xi32, #tpu.memory_space<hbm>>
    tpu.enqueue_dma source(%dma_start3A_37 : memref<80xi32, #tpu.memory_space<hbm>>) target(%arg23 : memref<80xi32, #tpu.memory_space<vmem>>) target_semaphore(%arg36 : memref<!tpu.dma_semaphore, #tpu.memory_space<semaphore_mem>>)
    %add3A_38 = arith.constant 480 : i32
    %add3A_39 = arith.addi %add3A, %add3A_38 : i32
    %dma_start3A_40 = tpu.memref_slice %arg2[%add3A_39] : memref<320000xi32, #tpu.memory_space<hbm>> -> memref<80xi32, #tpu.memory_space<hbm>>
    %dma_start3A_41 = tpu.memref_slice %arg2[%add3A_39] : memref<320000xi32, #tpu.memory_space<hbm>> -> memref<80xi32, #tpu.memory_space<hbm>>
    tpu.enqueue_dma source(%dma_start3A_41 : memref<80xi32, #tpu.memory_space<hbm>>) target(%arg16 : memref<80xi32, #tpu.memory_space<vmem>>) target_semaphore(%arg37 : memref<!tpu.dma_semaphore, #tpu.memory_space<semaphore_mem>>)
    %dma_start3A_42 = tpu.memref_slice %arg3[%add3A_39] : memref<320000xi32, #tpu.memory_space<hbm>> -> memref<80xi32, #tpu.memory_space<hbm>>
    %dma_start3A_43 = tpu.memref_slice %arg3[%add3A_39] : memref<320000xi32, #tpu.memory_space<hbm>> -> memref<80xi32, #tpu.memory_space<hbm>>
    tpu.enqueue_dma source(%dma_start3A_43 : memref<80xi32, #tpu.memory_space<hbm>>) target(%arg24 : memref<80xi32, #tpu.memory_space<vmem>>) target_semaphore(%arg37 : memref<!tpu.dma_semaphore, #tpu.memory_space<semaphore_mem>>)
    %scan3A = arith.constant 0 : i32
    %scan3A_44 = arith.constant 0 : i32
    %scan3A_45 = arith.constant 80 : i32
    %scan3A_46 = arith.addi %scan3A_44, %scan3A_45 : i32
    %scan3A_47 = arith.constant 1 : i32
    %scan3A_48 = scf.for %scan3A_154 = %scan3A_44 to %scan3A_46 step %scan3A_47 iter_args(%scan3A_155 = %scan3A) -> (i32)  : i32 {
      %broadcast_in_dim3A = arith.constant 0.000000e+00 : f32
      %broadcast_in_dim3A_156 = vector.broadcast %broadcast_in_dim3A : f32 to vector<16xf32>
      %swap3A = arith.index_cast %scan3A_154 : i32 to index
      %swap3A_157 = arith.constant 0 : index
      %swap3A_158 = tpu.vector_load %arg9[%swap3A, %swap3A_157] {strides = array<i32>} : memref<80x128xf32, #tpu.memory_space<vmem>>, vector<1x16xf32>,
      %swap3A_159 = vector.shape_cast %swap3A_158 : vector<1x16xf32> to vector<16xf32>
      %swap3A_160 = vector.shape_cast %broadcast_in_dim3A_156 : vector<16xf32> to vector<1x16xf32>
      tpu.vector_store %arg9[%swap3A, %swap3A_157], %swap3A_160 {strides = array<i32>} : memref<80x128xf32, #tpu.memory_space<vmem>>, vector<1x16xf32>,
      %broadcast_in_dim3A_161 = arith.constant 0.000000e+00 : f32
      %broadcast_in_dim3A_162 = vector.broadcast %broadcast_in_dim3A_161 : f32 to vector<16xf32>
      %swap3A_163 = arith.index_cast %scan3A_154 : i32 to index
      %swap3A_164 = arith.constant 16 : index
      %swap3A_165 = tpu.vector_load %arg9[%swap3A_163, %swap3A_164] {strides = array<i32>} : memref<80x128xf32, #tpu.memory_space<vmem>>, vector<1x16xf32>,
      %swap3A_166 = vector.shape_cast %swap3A_165 : vector<1x16xf32> to vector<16xf32>
      %swap3A_167 = vector.shape_cast %broadcast_in_dim3A_162 : vector<16xf32> to vector<1x16xf32>
      tpu.vector_store %arg9[%swap3A_163, %swap3A_164], %swap3A_167 {strides = array<i32>} : memref<80x128xf32, #tpu.memory_space<vmem>>, vector<1x16xf32>,
      %broadcast_in_dim3A_168 = arith.constant 0.000000e+00 : f32
      %broadcast_in_dim3A_169 = vector.broadcast %broadcast_in_dim3A_168 : f32 to vector<16xf32>
      %swap3A_170 = arith.index_cast %scan3A_154 : i32 to index
      %swap3A_171 = arith.constant 32 : index
      %swap3A_172 = tpu.vector_load %arg9[%swap3A_170, %swap3A_171] {strides = array<i32>} : memref<80x128xf32, #tpu.memory_space<vmem>>, vector<1x16xf32>,
      %swap3A_173 = vector.shape_cast %swap3A_172 : vector<1x16xf32> to vector<16xf32>
      %swap3A_174 = vector.shape_cast %broadcast_in_dim3A_169 : vector<16xf32> to vector<1x16xf32>
      tpu.vector_store %arg9[%swap3A_170, %swap3A_171], %swap3A_174 {strides = array<i32>} : memref<80x128xf32, #tpu.memory_space<vmem>>, vector<1x16xf32>,
      %broadcast_in_dim3A_175 = arith.constant 0.000000e+00 : f32
      %broadcast_in_dim3A_176 = vector.broadcast %broadcast_in_dim3A_175 : f32 to vector<16xf32>
      %swap3A_177 = arith.index_cast %scan3A_154 : i32 to index
      %swap3A_178 = arith.constant 48 : index
      %swap3A_179 = tpu.vector_load %arg9[%swap3A_177, %swap3A_178] {strides = array<i32>} : memref<80x128xf32, #tpu.memory_space<vmem>>, vector<1x16xf32>,
      %swap3A_180 = vector.shape_cast %swap3A_179 : vector<1x16xf32> to vector<16xf32>
      %swap3A_181 = vector.shape_cast %broadcast_in_dim3A_176 : vector<16xf32> to vector<1x16xf32>
      tpu.vector_store %arg9[%swap3A_177, %swap3A_178], %swap3A_181 {strides = array<i32>} : memref<80x128xf32, #tpu.memory_space<vmem>>, vector<1x16xf32>,
      %broadcast_in_dim3A_182 = arith.constant 0.000000e+00 : f32
      %broadcast_in_dim3A_183 = vector.broadcast %broadcast_in_dim3A_182 : f32 to vector<16xf32>
      %swap3A_184 = arith.index_cast %scan3A_154 : i32 to index
      %swap3A_185 = arith.constant 64 : index
      %swap3A_186 = tpu.vector_load %arg9[%swap3A_184, %swap3A_185] {strides = array<i32>} : memref<80x128xf32, #tpu.memory_space<vmem>>, vector<1x16xf32>,
      %swap3A_187 = vector.shape_cast %swap3A_186 : vector<1x16xf32> to vector<16xf32>
      %swap3A_188 = vector.shape_cast %broadcast_in_dim3A_183 : vector<16xf32> to vector<1x16xf32>
      tpu.vector_store %arg9[%swap3A_184, %swap3A_185], %swap3A_188 {strides = array<i32>} : memref<80x128xf32, #tpu.memory_space<vmem>>, vector<1x16xf32>,
      %broadcast_in_dim3A_189 = arith.constant 0.000000e+00 : f32
      %broadcast_in_dim3A_190 = vector.broadcast %broadcast_in_dim3A_189 : f32 to vector<16xf32>
      %swap3A_191 = arith.index_cast %scan3A_154 : i32 to index
      %swap3A_192 = arith.constant 80 : index
      %swap3A_193 = tpu.vector_load %arg9[%swap3A_191, %swap3A_192] {strides = array<i32>} : memref<80x128xf32, #tpu.memory_space<vmem>>, vector<1x16xf32>,
      %swap3A_194 = vector.shape_cast %swap3A_193 : vector<1x16xf32> to vector<16xf32>
      %swap3A_195 = vector.shape_cast %broadcast_in_dim3A_190 : vector<16xf32> to vector<1x16xf32>
      tpu.vector_store %arg9[%swap3A_191, %swap3A_192], %swap3A_195 {strides = array<i32>} : memref<80x128xf32, #tpu.memory_space<vmem>>, vector<1x16xf32>,
      %broadcast_in_dim3A_196 = arith.constant 0.000000e+00 : f32
      %broadcast_in_dim3A_197 = vector.broadcast %broadcast_in_dim3A_196 : f32 to vector<16xf32>
      %swap3A_198 = arith.index_cast %scan3A_154 : i32 to index
      %swap3A_199 = arith.constant 96 : index
      %swap3A_200 = tpu.vector_load %arg9[%swap3A_198, %swap3A_199] {strides = array<i32>} : memref<80x128xf32, #tpu.memory_space<vmem>>, vector<1x16xf32>,
      %swap3A_201 = vector.shape_cast %swap3A_200 : vector<1x16xf32> to vector<16xf32>
      %swap3A_202 = vector.shape_cast %broadcast_in_dim3A_197 : vector<16xf32> to vector<1x16xf32>
      tpu.vector_store %arg9[%swap3A_198, %swap3A_199], %swap3A_202 {strides = array<i32>} : memref<80x128xf32, #tpu.memory_space<vmem>>, vector<1x16xf32>,
      %broadcast_in_dim3A_203 = arith.constant 0.000000e+00 : f32
      %broadcast_in_dim3A_204 = vector.broadcast %broadcast_in_dim3A_203 : f32 to vector<16xf32>
      %swap3A_205 = arith.index_cast %scan3A_154 : i32 to index
      %swap3A_206 = arith.constant 112 : index
      %swap3A_207 = tpu.vector_load %arg9[%swap3A_205, %swap3A_206] {strides = array<i32>} : memref<80x128xf32, #tpu.memory_space<vmem>>, vector<1x16xf32>,
      %swap3A_208 = vector.shape_cast %swap3A_207 : vector<1x16xf32> to vector<16xf32>
      %swap3A_209 = vector.shape_cast %broadcast_in_dim3A_204 : vector<16xf32> to vector<1x16xf32>
      tpu.vector_store %arg9[%swap3A_205, %swap3A_206], %swap3A_209 {strides = array<i32>} : memref<80x128xf32, #tpu.memory_space<vmem>>, vector<1x16xf32>,
      %scan3A_210 = arith.constant 0 : i32
      scf.yield %scan3A_210 : i32
    }
    %scan3A_49 = arith.constant 80 : i32
    %mul3A_50 = arith.constant 640 : i32
    %mul3A_51 = arith.muli %arg1, %mul3A_50 : i32
    %add3A_52 = arith.constant 0 : i32
    %add3A_53 = arith.addi %mul3A_51, %add3A_52 : i32
    "tpu.region"() ({
      %run_scoped3A = tpu.sem_alloc : memref<!tpu.dma_semaphore, #tpu.memory_space<semaphore_mem>>
      %dma_start3A_154 = arith.constant 0 : i32
      %dma_start3A_155 = tpu.memref_slice %arg26[%add3A_53, %dma_start3A_154] : memref<10240x128xf32, #tpu.memory_space<vmem_shared>> -> memref<80x128xf32, #tpu.memory_space<vmem_shared>>
      %dma_start3A_156 = arith.constant 0 : i32
      %dma_start3A_157 = tpu.memref_slice %arg26[%add3A_53, %dma_start3A_156] : memref<10240x128xf32, #tpu.memory_space<vmem_shared>> -> memref<80x128xf32, #tpu.memory_space<vmem_shared>>
      tpu.enqueue_dma source(%arg9 : memref<80x128xf32, #tpu.memory_space<vmem>>) target(%dma_start3A_157 : memref<80x128xf32, #tpu.memory_space<vmem_shared>>) target_semaphore(%run_scoped3A : memref<!tpu.dma_semaphore, #tpu.memory_space<semaphore_mem>>)
      %dma_wait3A_158 = arith.constant 0 : i32
      %dma_wait3A_159 = tpu.memref_slice %arg26[%add3A_53, %dma_wait3A_158] : memref<10240x128xf32, #tpu.memory_space<vmem_shared>> -> memref<80x128xf32, #tpu.memory_space<vmem_shared>>
      %dma_wait3A_160 = arith.constant 0 : i32
      %dma_wait3A_161 = tpu.memref_slice %arg26[%add3A_53, %dma_wait3A_160] : memref<10240x128xf32, #tpu.memory_space<vmem_shared>> -> memref<80x128xf32, #tpu.memory_space<vmem_shared>>
      tpu.wait_dma2 semaphore(%run_scoped3A : memref<!tpu.dma_semaphore, #tpu.memory_space<semaphore_mem>>) src(%arg9 : memref<80x128xf32, #tpu.memory_space<vmem>>) dst(%dma_wait3A_161 : memref<80x128xf32, #tpu.memory_space<vmem_shared>>)
      tpu.yield
    }) : () -> ()
    %mul3A_54 = arith.constant 640 : i32
    %mul3A_55 = arith.muli %arg1, %mul3A_54 : i32
    %add3A_56 = arith.constant 80 : i32
    %add3A_57 = arith.addi %mul3A_55, %add3A_56 : i32
    "tpu.region"() ({
      %run_scoped3A = tpu.sem_alloc : memref<!tpu.dma_semaphore, #tpu.memory_space<semaphore_mem>>
      %dma_start3A_154 = arith.constant 0 : i32
      %dma_start3A_155 = tpu.memref_slice %arg26[%add3A_57, %dma_start3A_154] : memref<10240x128xf32, #tpu.memory_space<vmem_shared>> -> memref<80x128xf32, #tpu.memory_space<vmem_shared>>
      %dma_start3A_156 = arith.constant 0 : i32
      %dma_start3A_157 = tpu.memref_slice %arg26[%add3A_57, %dma_start3A_156] : memref<10240x128xf32, #tpu.memory_space<vmem_shared>> -> memref<80x128xf32, #tpu.memory_space<vmem_shared>>
      tpu.enqueue_dma source(%arg9 : memref<80x128xf32, #tpu.memory_space<vmem>>) target(%dma_start3A_157 : memref<80x128xf32, #tpu.memory_space<vmem_shared>>) target_semaphore(%run_scoped3A : memref<!tpu.dma_semaphore, #tpu.memory_space<semaphore_mem>>)
      %dma_wait3A_158 = arith.constant 0 : i32
      %dma_wait3A_159 = tpu.memref_slice %arg26[%add3A_57, %dma_wait3A_158] : memref<10240x128xf32, #tpu.memory_space<vmem_shared>> -> memref<80x128xf32, #tpu.memory_space<vmem_shared>>
      %dma_wait3A_160 = arith.constant 0 : i32
      %dma_wait3A_161 = tpu.memref_slice %arg26[%add3A_57, %dma_wait3A_160] : memref<10240x128xf32, #tpu.memory_space<vmem_shared>> -> memref<80x128xf32, #tpu.memory_space<vmem_shared>>
      tpu.wait_dma2 semaphore(%run_scoped3A : memref<!tpu.dma_semaphore, #tpu.memory_space<semaphore_mem>>) src(%arg9 : memref<80x128xf32, #tpu.memory_space<vmem>>) dst(%dma_wait3A_161 : memref<80x128xf32, #tpu.memory_space<vmem_shared>>)
      tpu.yield
    }) : () -> ()
    %mul3A_58 = arith.constant 640 : i32
    %mul3A_59 = arith.muli %arg1, %mul3A_58 : i32
    %add3A_60 = arith.constant 160 : i32
    %add3A_61 = arith.addi %mul3A_59, %add3A_60 : i32
    "tpu.region"() ({
      %run_scoped3A = tpu.sem_alloc : memref<!tpu.dma_semaphore, #tpu.memory_space<semaphore_mem>>
      %dma_start3A_154 = arith.constant 0 : i32
      %dma_start3A_155 = tpu.memref_slice %arg26[%add3A_61, %dma_start3A_154] : memref<10240x128xf32, #tpu.memory_space<vmem_shared>> -> memref<80x128xf32, #tpu.memory_space<vmem_shared>>
      %dma_start3A_156 = arith.constant 0 : i32
      %dma_start3A_157 = tpu.memref_slice %arg26[%add3A_61, %dma_start3A_156] : memref<10240x128xf32, #tpu.memory_space<vmem_shared>> -> memref<80x128xf32, #tpu.memory_space<vmem_shared>>
      tpu.enqueue_dma source(%arg9 : memref<80x128xf32, #tpu.memory_space<vmem>>) target(%dma_start3A_157 : memref<80x128xf32, #tpu.memory_space<vmem_shared>>) target_semaphore(%run_scoped3A : memref<!tpu.dma_semaphore, #tpu.memory_space<semaphore_mem>>)
      %dma_wait3A_158 = arith.constant 0 : i32
      %dma_wait3A_159 = tpu.memref_slice %arg26[%add3A_61, %dma_wait3A_158] : memref<10240x128xf32, #tpu.memory_space<vmem_shared>> -> memref<80x128xf32, #tpu.memory_space<vmem_shared>>
      %dma_wait3A_160 = arith.constant 0 : i32
      %dma_wait3A_161 = tpu.memref_slice %arg26[%add3A_61, %dma_wait3A_160] : memref<10240x128xf32, #tpu.memory_space<vmem_shared>> -> memref<80x128xf32, #tpu.memory_space<vmem_shared>>
      tpu.wait_dma2 semaphore(%run_scoped3A : memref<!tpu.dma_semaphore, #tpu.memory_space<semaphore_mem>>) src(%arg9 : memref<80x128xf32, #tpu.memory_space<vmem>>) dst(%dma_wait3A_161 : memref<80x128xf32, #tpu.memory_space<vmem_shared>>)
      tpu.yield
    }) : () -> ()
    %mul3A_62 = arith.constant 640 : i32
    %mul3A_63 = arith.muli %arg1, %mul3A_62 : i32
    %add3A_64 = arith.constant 240 : i32
    %add3A_65 = arith.addi %mul3A_63, %add3A_64 : i32
    "tpu.region"() ({
      %run_scoped3A = tpu.sem_alloc : memref<!tpu.dma_semaphore, #tpu.memory_space<semaphore_mem>>
      %dma_start3A_154 = arith.constant 0 : i32
      %dma_start3A_155 = tpu.memref_slice %arg26[%add3A_65, %dma_start3A_154] : memref<10240x128xf32, #tpu.memory_space<vmem_shared>> -> memref<80x128xf32, #tpu.memory_space<vmem_shared>>
      %dma_start3A_156 = arith.constant 0 : i32
      %dma_start3A_157 = tpu.memref_slice %arg26[%add3A_65, %dma_start3A_156] : memref<10240x128xf32, #tpu.memory_space<vmem_shared>> -> memref<80x128xf32, #tpu.memory_space<vmem_shared>>
      tpu.enqueue_dma source(%arg9 : memref<80x128xf32, #tpu.memory_space<vmem>>) target(%dma_start3A_157 : memref<80x128xf32, #tpu.memory_space<vmem_shared>>) target_semaphore(%run_scoped3A : memref<!tpu.dma_semaphore, #tpu.memory_space<semaphore_mem>>)
      %dma_wait3A_158 = arith.constant 0 : i32
      %dma_wait3A_159 = tpu.memref_slice %arg26[%add3A_65, %dma_wait3A_158] : memref<10240x128xf32, #tpu.memory_space<vmem_shared>> -> memref<80x128xf32, #tpu.memory_space<vmem_shared>>
      %dma_wait3A_160 = arith.constant 0 : i32
      %dma_wait3A_161 = tpu.memref_slice %arg26[%add3A_65, %dma_wait3A_160] : memref<10240x128xf32, #tpu.memory_space<vmem_shared>> -> memref<80x128xf32, #tpu.memory_space<vmem_shared>>
      tpu.wait_dma2 semaphore(%run_scoped3A : memref<!tpu.dma_semaphore, #tpu.memory_space<semaphore_mem>>) src(%arg9 : memref<80x128xf32, #tpu.memory_space<vmem>>) dst(%dma_wait3A_161 : memref<80x128xf32, #tpu.memory_space<vmem_shared>>)
      tpu.yield
    }) : () -> ()
    %mul3A_66 = arith.constant 640 : i32
    %mul3A_67 = arith.muli %arg1, %mul3A_66 : i32
    %add3A_68 = arith.constant 320 : i32
    %add3A_69 = arith.addi %mul3A_67, %add3A_68 : i32
    "tpu.region"() ({
      %run_scoped3A = tpu.sem_alloc : memref<!tpu.dma_semaphore, #tpu.memory_space<semaphore_mem>>
      %dma_start3A_154 = arith.constant 0 : i32
      %dma_start3A_155 = tpu.memref_slice %arg26[%add3A_69, %dma_start3A_154] : memref<10240x128xf32, #tpu.memory_space<vmem_shared>> -> memref<80x128xf32, #tpu.memory_space<vmem_shared>>
      %dma_start3A_156 = arith.constant 0 : i32
      %dma_start3A_157 = tpu.memref_slice %arg26[%add3A_69, %dma_start3A_156] : memref<10240x128xf32, #tpu.memory_space<vmem_shared>> -> memref<80x128xf32, #tpu.memory_space<vmem_shared>>
      tpu.enqueue_dma source(%arg9 : memref<80x128xf32, #tpu.memory_space<vmem>>) target(%dma_start3A_157 : memref<80x128xf32, #tpu.memory_space<vmem_shared>>) target_semaphore(%run_scoped3A : memref<!tpu.dma_semaphore, #tpu.memory_space<semaphore_mem>>)
      %dma_wait3A_158 = arith.constant 0 : i32
      %dma_wait3A_159 = tpu.memref_slice %arg26[%add3A_69, %dma_wait3A_158] : memref<10240x128xf32, #tpu.memory_space<vmem_shared>> -> memref<80x128xf32, #tpu.memory_space<vmem_shared>>
      %dma_wait3A_160 = arith.constant 0 : i32
      %dma_wait3A_161 = tpu.memref_slice %arg26[%add3A_69, %dma_wait3A_160] : memref<10240x128xf32, #tpu.memory_space<vmem_shared>> -> memref<80x128xf32, #tpu.memory_space<vmem_shared>>
      tpu.wait_dma2 semaphore(%run_scoped3A : memref<!tpu.dma_semaphore, #tpu.memory_space<semaphore_mem>>) src(%arg9 : memref<80x128xf32, #tpu.memory_space<vmem>>) dst(%dma_wait3A_161 : memref<80x128xf32, #tpu.memory_space<vmem_shared>>)
      tpu.yield
    }) : () -> ()
    %mul3A_70 = arith.constant 640 : i32
    %mul3A_71 = arith.muli %arg1, %mul3A_70 : i32
    %add3A_72 = arith.constant 400 : i32
    %add3A_73 = arith.addi %mul3A_71, %add3A_72 : i32
    "tpu.region"() ({
      %run_scoped3A = tpu.sem_alloc : memref<!tpu.dma_semaphore, #tpu.memory_space<semaphore_mem>>
      %dma_start3A_154 = arith.constant 0 : i32
      %dma_start3A_155 = tpu.memref_slice %arg26[%add3A_73, %dma_start3A_154] : memref<10240x128xf32, #tpu.memory_space<vmem_shared>> -> memref<80x128xf32, #tpu.memory_space<vmem_shared>>
      %dma_start3A_156 = arith.constant 0 : i32
      %dma_start3A_157 = tpu.memref_slice %arg26[%add3A_73, %dma_start3A_156] : memref<10240x128xf32, #tpu.memory_space<vmem_shared>> -> memref<80x128xf32, #tpu.memory_space<vmem_shared>>
      tpu.enqueue_dma source(%arg9 : memref<80x128xf32, #tpu.memory_space<vmem>>) target(%dma_start3A_157 : memref<80x128xf32, #tpu.memory_space<vmem_shared>>) target_semaphore(%run_scoped3A : memref<!tpu.dma_semaphore, #tpu.memory_space<semaphore_mem>>)
      %dma_wait3A_158 = arith.constant 0 : i32
      %dma_wait3A_159 = tpu.memref_slice %arg26[%add3A_73, %dma_wait3A_158] : memref<10240x128xf32, #tpu.memory_space<vmem_shared>> -> memref<80x128xf32, #tpu.memory_space<vmem_shared>>
      %dma_wait3A_160 = arith.constant 0 : i32
      %dma_wait3A_161 = tpu.memref_slice %arg26[%add3A_73, %dma_wait3A_160] : memref<10240x128xf32, #tpu.memory_space<vmem_shared>> -> memref<80x128xf32, #tpu.memory_space<vmem_shared>>
      tpu.wait_dma2 semaphore(%run_scoped3A : memref<!tpu.dma_semaphore, #tpu.memory_space<semaphore_mem>>) src(%arg9 : memref<80x128xf32, #tpu.memory_space<vmem>>) dst(%dma_wait3A_161 : memref<80x128xf32, #tpu.memory_space<vmem_shared>>)
      tpu.yield
    }) : () -> ()
    %mul3A_74 = arith.constant 640 : i32
    %mul3A_75 = arith.muli %arg1, %mul3A_74 : i32
    %add3A_76 = arith.constant 480 : i32
    %add3A_77 = arith.addi %mul3A_75, %add3A_76 : i32
    "tpu.region"() ({
      %run_scoped3A = tpu.sem_alloc : memref<!tpu.dma_semaphore, #tpu.memory_space<semaphore_mem>>
      %dma_start3A_154 = arith.constant 0 : i32
      %dma_start3A_155 = tpu.memref_slice %arg26[%add3A_77, %dma_start3A_154] : memref<10240x128xf32, #tpu.memory_space<vmem_shared>> -> memref<80x128xf32, #tpu.memory_space<vmem_shared>>
      %dma_start3A_156 = arith.constant 0 : i32
      %dma_start3A_157 = tpu.memref_slice %arg26[%add3A_77, %dma_start3A_156] : memref<10240x128xf32, #tpu.memory_space<vmem_shared>> -> memref<80x128xf32, #tpu.memory_space<vmem_shared>>
      tpu.enqueue_dma source(%arg9 : memref<80x128xf32, #tpu.memory_space<vmem>>) target(%dma_start3A_157 : memref<80x128xf32, #tpu.memory_space<vmem_shared>>) target_semaphore(%run_scoped3A : memref<!tpu.dma_semaphore, #tpu.memory_space<semaphore_mem>>)
      %dma_wait3A_158 = arith.constant 0 : i32
      %dma_wait3A_159 = tpu.memref_slice %arg26[%add3A_77, %dma_wait3A_158] : memref<10240x128xf32, #tpu.memory_space<vmem_shared>> -> memref<80x128xf32, #tpu.memory_space<vmem_shared>>
      %dma_wait3A_160 = arith.constant 0 : i32
      %dma_wait3A_161 = tpu.memref_slice %arg26[%add3A_77, %dma_wait3A_160] : memref<10240x128xf32, #tpu.memory_space<vmem_shared>> -> memref<80x128xf32, #tpu.memory_space<vmem_shared>>
      tpu.wait_dma2 semaphore(%run_scoped3A : memref<!tpu.dma_semaphore, #tpu.memory_space<semaphore_mem>>) src(%arg9 : memref<80x128xf32, #tpu.memory_space<vmem>>) dst(%dma_wait3A_161 : memref<80x128xf32, #tpu.memory_space<vmem_shared>>)
      tpu.yield
    }) : () -> ()
    %mul3A_78 = arith.constant 640 : i32
    %mul3A_79 = arith.muli %arg1, %mul3A_78 : i32
    %add3A_80 = arith.constant 560 : i32
    %add3A_81 = arith.addi %mul3A_79, %add3A_80 : i32
    "tpu.region"() ({
      %run_scoped3A = tpu.sem_alloc : memref<!tpu.dma_semaphore, #tpu.memory_space<semaphore_mem>>
      %dma_start3A_154 = arith.constant 0 : i32
      %dma_start3A_155 = tpu.memref_slice %arg26[%add3A_81, %dma_start3A_154] : memref<10240x128xf32, #tpu.memory_space<vmem_shared>> -> memref<80x128xf32, #tpu.memory_space<vmem_shared>>
      %dma_start3A_156 = arith.constant 0 : i32
      %dma_start3A_157 = tpu.memref_slice %arg26[%add3A_81, %dma_start3A_156] : memref<10240x128xf32, #tpu.memory_space<vmem_shared>> -> memref<80x128xf32, #tpu.memory_space<vmem_shared>>
      tpu.enqueue_dma source(%arg9 : memref<80x128xf32, #tpu.memory_space<vmem>>) target(%dma_start3A_157 : memref<80x128xf32, #tpu.memory_space<vmem_shared>>) target_semaphore(%run_scoped3A : memref<!tpu.dma_semaphore, #tpu.memory_space<semaphore_mem>>)
      %dma_wait3A_158 = arith.constant 0 : i32
      %dma_wait3A_159 = tpu.memref_slice %arg26[%add3A_81, %dma_wait3A_158] : memref<10240x128xf32, #tpu.memory_space<vmem_shared>> -> memref<80x128xf32, #tpu.memory_space<vmem_shared>>
      %dma_wait3A_160 = arith.constant 0 : i32
      %dma_wait3A_161 = tpu.memref_slice %arg26[%add3A_81, %dma_wait3A_160] : memref<10240x128xf32, #tpu.memory_space<vmem_shared>> -> memref<80x128xf32, #tpu.memory_space<vmem_shared>>
      tpu.wait_dma2 semaphore(%run_scoped3A : memref<!tpu.dma_semaphore, #tpu.memory_space<semaphore_mem>>) src(%arg9 : memref<80x128xf32, #tpu.memory_space<vmem>>) dst(%dma_wait3A_161 : memref<80x128xf32, #tpu.memory_space<vmem_shared>>)
      tpu.yield
    }) : () -> ()
    %barrier3A = arith.constant 0 : index
    tpu.barrier barrier_id(%barrier3A)
    %dma_wait3A = arith.constant 0 : i32
    %dma_wait3A_82 = tpu.memref_slice %arg2[%dma_wait3A] : memref<320000xi32, #tpu.memory_space<hbm>> -> memref<80xi32, #tpu.memory_space<hbm>>
    %dma_wait3A_83 = arith.constant 0 : i32
    %dma_wait3A_84 = tpu.memref_slice %arg2[%dma_wait3A_83] : memref<320000xi32, #tpu.memory_space<hbm>> -> memref<80xi32, #tpu.memory_space<hbm>>
    tpu.wait_dma2 semaphore(%arg31 : memref<!tpu.dma_semaphore, #tpu.memory_space<semaphore_mem>>) src(%dma_wait3A_84 : memref<80xi32, #tpu.memory_space<hbm>>) dst(%arg10 : memref<80xi32, #tpu.memory_space<vmem>>)
    %dma_wait3A_85 = arith.constant 0 : i32
    %dma_wait3A_86 = tpu.memref_slice %arg3[%dma_wait3A_85] : memref<320000xi32, #tpu.memory_space<hbm>> -> memref<80xi32, #tpu.memory_space<hbm>>
    %dma_wait3A_87 = arith.constant 0 : i32
    %dma_wait3A_88 = tpu.memref_slice %arg3[%dma_wait3A_87] : memref<320000xi32, #tpu.memory_space<hbm>> -> memref<80xi32, #tpu.memory_space<hbm>>
    tpu.wait_dma2 semaphore(%arg31 : memref<!tpu.dma_semaphore, #tpu.memory_space<semaphore_mem>>) src(%dma_wait3A_88 : memref<80xi32, #tpu.memory_space<hbm>>) dst(%arg18 : memref<80xi32, #tpu.memory_space<vmem>>)
    %dma_start3A_89 = arith.constant 0 : i32
    %dma_start3A_90 = arith.constant 0 : i32
    %dma_start3A_91 = tpu.memref_slice %arg4[%dma_start3A_89, %dma_start3A_90] : memref<10240x128xf32, #tpu.memory_space<hbm>> -> memref<10240x128xf32, #tpu.memory_space<hbm>>
    tpu.enqueue_indirect_dma source(%dma_start3A_91 : memref<10240x128xf32, #tpu.memory_space<hbm>>) target(%arg6 : memref<80x128xf32, #tpu.memory_space<vmem>>) offsets(%arg10 : memref<80xi32, #tpu.memory_space<vmem>>) semaphore(%arg27 : memref<!tpu.dma_semaphore, #tpu.memory_space<semaphore_mem>>)
    %dma_wait3A_92 = arith.constant 0 : i32
    %dma_wait3A_93 = tpu.memref_slice %arg2[%dma_wait3A_92] : memref<320000xi32, #tpu.memory_space<hbm>> -> memref<80xi32, #tpu.memory_space<hbm>>
    %dma_wait3A_94 = arith.constant 0 : i32
    %dma_wait3A_95 = tpu.memref_slice %arg2[%dma_wait3A_94] : memref<320000xi32, #tpu.memory_space<hbm>> -> memref<80xi32, #tpu.memory_space<hbm>>
    tpu.wait_dma2 semaphore(%arg32 : memref<!tpu.dma_semaphore, #tpu.memory_space<semaphore_mem>>) src(%dma_wait3A_95 : memref<80xi32, #tpu.memory_space<hbm>>) dst(%arg11 : memref<80xi32, #tpu.memory_space<vmem>>)
    %dma_wait3A_96 = arith.constant 0 : i32
    %dma_wait3A_97 = tpu.memref_slice %arg3[%dma_wait3A_96] : memref<320000xi32, #tpu.memory_space<hbm>> -> memref<80xi32, #tpu.memory_space<hbm>>
    %dma_wait3A_98 = arith.constant 0 : i32
    %dma_wait3A_99 = tpu.memref_slice %arg3[%dma_wait3A_98] : memref<320000xi32, #tpu.memory_space<hbm>> -> memref<80xi32, #tpu.memory_space<hbm>>
    tpu.wait_dma2 semaphore(%arg32 : memref<!tpu.dma_semaphore, #tpu.memory_space<semaphore_mem>>) src(%dma_wait3A_99 : memref<80xi32, #tpu.memory_space<hbm>>) dst(%arg19 : memref<80xi32, #tpu.memory_space<vmem>>)
    %dma_start3A_100 = arith.constant 0 : i32
    %dma_start3A_101 = arith.constant 0 : i32
    %dma_start3A_102 = tpu.memref_slice %arg4[%dma_start3A_100, %dma_start3A_101] : memref<10240x128xf32, #tpu.memory_space<hbm>> -> memref<10240x128xf32, #tpu.memory_space<hbm>>
    tpu.enqueue_indirect_dma source(%dma_start3A_102 : memref<10240x128xf32, #tpu.memory_space<hbm>>) target(%arg7 : memref<80x128xf32, #tpu.memory_space<vmem>>) offsets(%arg11 : memref<80xi32, #tpu.memory_space<vmem>>) semaphore(%arg28 : memref<!tpu.dma_semaphore, #tpu.memory_space<semaphore_mem>>)
    %dma_wait3A_103 = arith.constant 0 : i32
    %dma_wait3A_104 = tpu.memref_slice %arg2[%dma_wait3A_103] : memref<320000xi32, #tpu.memory_space<hbm>> -> memref<80xi32, #tpu.memory_space<hbm>>
    %dma_wait3A_105 = arith.constant 0 : i32
    %dma_wait3A_106 = tpu.memref_slice %arg2[%dma_wait3A_105] : memref<320000xi32, #tpu.memory_space<hbm>> -> memref<80xi32, #tpu.memory_space<hbm>>
    tpu.wait_dma2 semaphore(%arg33 : memref<!tpu.dma_semaphore, #tpu.memory_space<semaphore_mem>>) src(%dma_wait3A_106 : memref<80xi32, #tpu.memory_space<hbm>>) dst(%arg12 : memref<80xi32, #tpu.memory_space<vmem>>)
    %dma_wait3A_107 = arith.constant 0 : i32
    %dma_wait3A_108 = tpu.memref_slice %arg3[%dma_wait3A_107] : memref<320000xi32, #tpu.memory_space<hbm>> -> memref<80xi32, #tpu.memory_space<hbm>>
    %dma_wait3A_109 = arith.constant 0 : i32
    %dma_wait3A_110 = tpu.memref_slice %arg3[%dma_wait3A_109] : memref<320000xi32, #tpu.memory_space<hbm>> -> memref<80xi32, #tpu.memory_space<hbm>>
    tpu.wait_dma2 semaphore(%arg33 : memref<!tpu.dma_semaphore, #tpu.memory_space<semaphore_mem>>) src(%dma_wait3A_110 : memref<80xi32, #tpu.memory_space<hbm>>) dst(%arg20 : memref<80xi32, #tpu.memory_space<vmem>>)
    %dma_start3A_111 = arith.constant 0 : i32
    %dma_start3A_112 = arith.constant 0 : i32
    %dma_start3A_113 = tpu.memref_slice %arg4[%dma_start3A_111, %dma_start3A_112] : memref<10240x128xf32, #tpu.memory_space<hbm>> -> memref<10240x128xf32, #tpu.memory_space<hbm>>
    tpu.enqueue_indirect_dma source(%dma_start3A_113 : memref<10240x128xf32, #tpu.memory_space<hbm>>) target(%arg8 : memref<80x128xf32, #tpu.memory_space<vmem>>) offsets(%arg12 : memref<80xi32, #tpu.memory_space<vmem>>) semaphore(%arg29 : memref<!tpu.dma_semaphore, #tpu.memory_space<semaphore_mem>>)
    %scan3A_114 = arith.constant 0 : i32
    %scan3A_115 = arith.constant 0 : i32
    %scan3A_116 = arith.constant 16 : i32
    %scan3A_117 = arith.addi %scan3A_115, %scan3A_116 : i32
    %scan3A_118 = arith.constant 1 : i32
    %scan3A_119 = scf.for %scan3A_154 = %scan3A_115 to %scan3A_117 step %scan3A_118 iter_args(%scan3A_155 = %scan3A_114) -> (i32)  : i32 {
      %mul3A_156 = arith.constant 8 : i32
      %mul3A_157 = arith.muli %mul3A_156, %scan3A_154 : i32
      %add3A_158 = arith.constant 0 : i32
      %add3A_159 = arith.addi %mul3A_157, %add3A_158 : i32
      %add3A_160 = arith.constant 8 : i32
      %add3A_161 = arith.addi %add3A_159, %add3A_160 : i32
      %sub3A = arith.constant 1 : i32
      %sub3A_162 = arith.subi %add3A_161, %sub3A : i32
      %lt3A = arith.constant 125 : i32
      %lt3A_163 = arith.cmpi slt, %sub3A_162, %lt3A : i32
      %convert_element_type3A = arith.extui %lt3A_163 : i1 to i32
      %cond3A = arith.constant 0 : i32
      %cond3A_164 = arith.cmpi ne, %convert_element_type3A, %cond3A : i32
      scf.if %cond3A_164 {
        %add3A_353 = arith.constant 8 : i32
        %add3A_354 = arith.addi %add3A_159, %add3A_353 : i32
        %sub3A_355 = arith.constant 1 : i32
        %sub3A_356 = arith.subi %add3A_354, %sub3A_355 : i32
        %mul3A_357 = arith.constant 80 : i32
        %mul3A_358 = arith.muli %sub3A_356, %mul3A_357 : i32
        %add3A_359 = arith.addi %add3A, %mul3A_358 : i32
        %dma_start3A_360 = tpu.memref_slice %arg2[%add3A_359] : memref<320000xi32, #tpu.memory_space<hbm>> -> memref<80xi32, #tpu.memory_space<hbm>>
        %dma_start3A_361 = tpu.memref_slice %arg2[%add3A_359] : memref<320000xi32, #tpu.memory_space<hbm>> -> memref<80xi32, #tpu.memory_space<hbm>>
        tpu.enqueue_dma source(%dma_start3A_361 : memref<80xi32, #tpu.memory_space<hbm>>) target(%arg17 : memref<80xi32, #tpu.memory_space<vmem>>) target_semaphore(%arg38 : memref<!tpu.dma_semaphore, #tpu.memory_space<semaphore_mem>>)
        %dma_start3A_362 = tpu.memref_slice %arg3[%add3A_359] : memref<320000xi32, #tpu.memory_space<hbm>> -> memref<80xi32, #tpu.memory_space<hbm>>
        %dma_start3A_363 = tpu.memref_slice %arg3[%add3A_359] : memref<320000xi32, #tpu.memory_space<hbm>> -> memref<80xi32, #tpu.memory_space<hbm>>
        tpu.enqueue_dma source(%dma_start3A_363 : memref<80xi32, #tpu.memory_space<hbm>>) target(%arg25 : memref<80xi32, #tpu.memory_space<vmem>>) target_semaphore(%arg38 : memref<!tpu.dma_semaphore, #tpu.memory_space<semaphore_mem>>)
      } else {
      }
      %add3A_165 = arith.constant 3 : i32
      %add3A_166 = arith.addi %add3A_159, %add3A_165 : i32
      %lt3A_167 = arith.constant 125 : i32
      %lt3A_168 = arith.cmpi slt, %add3A_166, %lt3A_167 : i32
      %convert_element_type3A_169 = arith.extui %lt3A_168 : i1 to i32
      %cond3A_170 = arith.constant 0 : i32
      %cond3A_171 = arith.cmpi ne, %convert_element_type3A_169, %cond3A_170 : i32
      scf.if %cond3A_171 {
        %dma_wait3A_353 = arith.constant 0 : i32
        %dma_wait3A_354 = tpu.memref_slice %arg2[%dma_wait3A_353] : memref<320000xi32, #tpu.memory_space<hbm>> -> memref<80xi32, #tpu.memory_space<hbm>>
        %dma_wait3A_355 = arith.constant 0 : i32
        %dma_wait3A_356 = tpu.memref_slice %arg2[%dma_wait3A_355] : memref<320000xi32, #tpu.memory_space<hbm>> -> memref<80xi32, #tpu.memory_space<hbm>>
        tpu.wait_dma2 semaphore(%arg34 : memref<!tpu.dma_semaphore, #tpu.memory_space<semaphore_mem>>) src(%dma_wait3A_356 : memref<80xi32, #tpu.memory_space<hbm>>) dst(%arg13 : memref<80xi32, #tpu.memory_space<vmem>>)
        %dma_wait3A_357 = arith.constant 0 : i32
        %dma_wait3A_358 = tpu.memref_slice %arg3[%dma_wait3A_357] : memref<320000xi32, #tpu.memory_space<hbm>> -> memref<80xi32, #tpu.memory_space<hbm>>
        %dma_wait3A_359 = arith.constant 0 : i32
        %dma_wait3A_360 = tpu.memref_slice %arg3[%dma_wait3A_359] : memref<320000xi32, #tpu.memory_space<hbm>> -> memref<80xi32, #tpu.memory_space<hbm>>
        tpu.wait_dma2 semaphore(%arg34 : memref<!tpu.dma_semaphore, #tpu.memory_space<semaphore_mem>>) src(%dma_wait3A_360 : memref<80xi32, #tpu.memory_space<hbm>>) dst(%arg21 : memref<80xi32, #tpu.memory_space<vmem>>)
        %dma_start3A_361 = arith.constant 0 : i32
        %dma_start3A_362 = arith.constant 0 : i32
        %dma_start3A_363 = tpu.memref_slice %arg4[%dma_start3A_361, %dma_start3A_362] : memref<10240x128xf32, #tpu.memory_space<hbm>> -> memref<10240x128xf32, #tpu.memory_space<hbm>>
        tpu.enqueue_indirect_dma source(%dma_start3A_363 : memref<10240x128xf32, #tpu.memory_space<hbm>>) target(%arg9 : memref<80x128xf32, #tpu.memory_space<vmem>>) offsets(%arg13 : memref<80xi32, #tpu.memory_space<vmem>>) semaphore(%arg30 : memref<!tpu.dma_semaphore, #tpu.memory_space<semaphore_mem>>)
      } else {
      }
      %lt3A_172 = arith.constant 125 : i32
      %lt3A_173 = arith.cmpi slt, %add3A_159, %lt3A_172 : i32
      %convert_element_type3A_174 = arith.extui %lt3A_173 : i1 to i32
      %cond3A_175 = arith.constant 0 : i32
      %cond3A_176 = arith.cmpi ne, %convert_element_type3A_174, %cond3A_175 : i32
      scf.if %cond3A_176 {
        %dma_wait3A_353 = arith.constant 0 : i32
        %dma_wait3A_354 = arith.constant 0 : i32
        %dma_wait3A_355 = tpu.memref_slice %arg4[%dma_wait3A_353, %dma_wait3A_354] : memref<10240x128xf32, #tpu.memory_space<hbm>> -> memref<10240x128xf32, #tpu.memory_space<hbm>>
        tpu.wait_indirect_dma semaphore(%arg27 : memref<!tpu.dma_semaphore, #tpu.memory_space<semaphore_mem>>) src(%dma_wait3A_355 : memref<10240x128xf32, #tpu.memory_space<hbm>>) dst(%arg6 : memref<80x128xf32, #tpu.memory_space<vmem>>)
        "tpu.region"() ({
          %run_scoped3A = tpu.sem_alloc : memref<!tpu.dma_semaphore, #tpu.memory_space<semaphore_mem>>
          %dma_start3A_356 = arith.constant 0 : i32
          %dma_start3A_357 = arith.constant 0 : i32
          %dma_start3A_358 = tpu.memref_slice %arg26[%dma_start3A_356, %dma_start3A_357] : memref<10240x128xf32, #tpu.memory_space<vmem_shared>> -> memref<10240x128xf32, #tpu.memory_space<vmem_shared>>
          tpu.enqueue_indirect_dma source(%arg6 : memref<80x128xf32, #tpu.memory_space<vmem>>) target(%dma_start3A_358 : memref<10240x128xf32, #tpu.memory_space<vmem_shared>>) offsets(%arg18 : memref<80xi32, #tpu.memory_space<vmem>>) semaphore(%run_scoped3A : memref<!tpu.dma_semaphore, #tpu.memory_space<semaphore_mem>>) {add = true}
          %dma_wait3A_359 = arith.constant 0 : i32
          %dma_wait3A_360 = arith.constant 0 : i32
          %dma_wait3A_361 = tpu.memref_slice %arg26[%dma_wait3A_359, %dma_wait3A_360] : memref<10240x128xf32, #tpu.memory_space<vmem_shared>> -> memref<10240x128xf32, #tpu.memory_space<vmem_shared>>
          tpu.wait_indirect_dma semaphore(%run_scoped3A : memref<!tpu.dma_semaphore, #tpu.memory_space<semaphore_mem>>) src(%arg6 : memref<80x128xf32, #tpu.memory_space<vmem>>) dst(%dma_wait3A_361 : memref<10240x128xf32, #tpu.memory_space<vmem_shared>>)
          tpu.yield
        }) : () -> ()
      } else {
      }
      %mul3A_177 = arith.constant 8 : i32
      %mul3A_178 = arith.muli %mul3A_177, %scan3A_154 : i32
      %add3A_179 = arith.constant 1 : i32
      %add3A_180 = arith.addi %mul3A_178, %add3A_179 : i32
      %add3A_181 = arith.constant 8 : i32
      %add3A_182 = arith.addi %add3A_180, %add3A_181 : i32
      %sub3A_183 = arith.constant 1 : i32
      %sub3A_184 = arith.subi %add3A_182, %sub3A_183 : i32
      %lt3A_185 = arith.constant 125 : i32
      %lt3A_186 = arith.cmpi slt, %sub3A_184, %lt3A_185 : i32
      %convert_element_type3A_187 = arith.extui %lt3A_186 : i1 to i32
      %cond3A_188 = arith.constant 0 : i32
      %cond3A_189 = arith.cmpi ne, %convert_element_type3A_187, %cond3A_188 : i32
      scf.if %cond3A_189 {
        %add3A_353 = arith.constant 8 : i32
        %add3A_354 = arith.addi %add3A_180, %add3A_353 : i32
        %sub3A_355 = arith.constant 1 : i32
        %sub3A_356 = arith.subi %add3A_354, %sub3A_355 : i32
        %mul3A_357 = arith.constant 80 : i32
        %mul3A_358 = arith.muli %sub3A_356, %mul3A_357 : i32
        %add3A_359 = arith.addi %add3A, %mul3A_358 : i32
        %dma_start3A_360 = tpu.memref_slice %arg2[%add3A_359] : memref<320000xi32, #tpu.memory_space<hbm>> -> memref<80xi32, #tpu.memory_space<hbm>>
        %dma_start3A_361 = tpu.memref_slice %arg2[%add3A_359] : memref<320000xi32, #tpu.memory_space<hbm>> -> memref<80xi32, #tpu.memory_space<hbm>>
        tpu.enqueue_dma source(%dma_start3A_361 : memref<80xi32, #tpu.memory_space<hbm>>) target(%arg10 : memref<80xi32, #tpu.memory_space<vmem>>) target_semaphore(%arg31 : memref<!tpu.dma_semaphore, #tpu.memory_space<semaphore_mem>>)
        %dma_start3A_362 = tpu.memref_slice %arg3[%add3A_359] : memref<320000xi32, #tpu.memory_space<hbm>> -> memref<80xi32, #tpu.memory_space<hbm>>
        %dma_start3A_363 = tpu.memref_slice %arg3[%add3A_359] : memref<320000xi32, #tpu.memory_space<hbm>> -> memref<80xi32, #tpu.memory_space<hbm>>
        tpu.enqueue_dma source(%dma_start3A_363 : memref<80xi32, #tpu.memory_space<hbm>>) target(%arg18 : memref<80xi32, #tpu.memory_space<vmem>>) target_semaphore(%arg31 : memref<!tpu.dma_semaphore, #tpu.memory_space<semaphore_mem>>)
      } else {
      }
      %add3A_190 = arith.constant 3 : i32
      %add3A_191 = arith.addi %add3A_180, %add3A_190 : i32
      %lt3A_192 = arith.constant 125 : i32
      %lt3A_193 = arith.cmpi slt, %add3A_191, %lt3A_192 : i32
      %convert_element_type3A_194 = arith.extui %lt3A_193 : i1 to i32
      %cond3A_195 = arith.constant 0 : i32
      %cond3A_196 = arith.cmpi ne, %convert_element_type3A_194, %cond3A_195 : i32
      scf.if %cond3A_196 {
        %dma_wait3A_353 = arith.constant 0 : i32
        %dma_wait3A_354 = tpu.memref_slice %arg2[%dma_wait3A_353] : memref<320000xi32, #tpu.memory_space<hbm>> -> memref<80xi32, #tpu.memory_space<hbm>>
        %dma_wait3A_355 = arith.constant 0 : i32
        %dma_wait3A_356 = tpu.memref_slice %arg2[%dma_wait3A_355] : memref<320000xi32, #tpu.memory_space<hbm>> -> memref<80xi32, #tpu.memory_space<hbm>>
        tpu.wait_dma2 semaphore(%arg35 : memref<!tpu.dma_semaphore, #tpu.memory_space<semaphore_mem>>) src(%dma_wait3A_356 : memref<80xi32, #tpu.memory_space<hbm>>) dst(%arg14 : memref<80xi32, #tpu.memory_space<vmem>>)
        %dma_wait3A_357 = arith.constant 0 : i32
        %dma_wait3A_358 = tpu.memref_slice %arg3[%dma_wait3A_357] : memref<320000xi32, #tpu.memory_space<hbm>> -> memref<80xi32, #tpu.memory_space<hbm>>
        %dma_wait3A_359 = arith.constant 0 : i32
        %dma_wait3A_360 = tpu.memref_slice %arg3[%dma_wait3A_359] : memref<320000xi32, #tpu.memory_space<hbm>> -> memref<80xi32, #tpu.memory_space<hbm>>
        tpu.wait_dma2 semaphore(%arg35 : memref<!tpu.dma_semaphore, #tpu.memory_space<semaphore_mem>>) src(%dma_wait3A_360 : memref<80xi32, #tpu.memory_space<hbm>>) dst(%arg22 : memref<80xi32, #tpu.memory_space<vmem>>)
        %dma_start3A_361 = arith.constant 0 : i32
        %dma_start3A_362 = arith.constant 0 : i32
        %dma_start3A_363 = tpu.memref_slice %arg4[%dma_start3A_361, %dma_start3A_362] : memref<10240x128xf32, #tpu.memory_space<hbm>> -> memref<10240x128xf32, #tpu.memory_space<hbm>>
        tpu.enqueue_indirect_dma source(%dma_start3A_363 : memref<10240x128xf32, #tpu.memory_space<hbm>>) target(%arg6 : memref<80x128xf32, #tpu.memory_space<vmem>>) offsets(%arg14 : memref<80xi32, #tpu.memory_space<vmem>>) semaphore(%arg27 : memref<!tpu.dma_semaphore, #tpu.memory_space<semaphore_mem>>)
      } else {
      }
      %lt3A_197 = arith.constant 125 : i32
      %lt3A_198 = arith.cmpi slt, %add3A_180, %lt3A_197 : i32
      %convert_element_type3A_199 = arith.extui %lt3A_198 : i1 to i32
      %cond3A_200 = arith.constant 0 : i32
      %cond3A_201 = arith.cmpi ne, %convert_element_type3A_199, %cond3A_200 : i32
      scf.if %cond3A_201 {
        %dma_wait3A_353 = arith.constant 0 : i32
        %dma_wait3A_354 = arith.constant 0 : i32
        %dma_wait3A_355 = tpu.memref_slice %arg4[%dma_wait3A_353, %dma_wait3A_354] : memref<10240x128xf32, #tpu.memory_space<hbm>> -> memref<10240x128xf32, #tpu.memory_space<hbm>>
        tpu.wait_indirect_dma semaphore(%arg28 : memref<!tpu.dma_semaphore, #tpu.memory_space<semaphore_mem>>) src(%dma_wait3A_355 : memref<10240x128xf32, #tpu.memory_space<hbm>>) dst(%arg7 : memref<80x128xf32, #tpu.memory_space<vmem>>)
        "tpu.region"() ({
          %run_scoped3A = tpu.sem_alloc : memref<!tpu.dma_semaphore, #tpu.memory_space<semaphore_mem>>
          %dma_start3A_356 = arith.constant 0 : i32
          %dma_start3A_357 = arith.constant 0 : i32
          %dma_start3A_358 = tpu.memref_slice %arg26[%dma_start3A_356, %dma_start3A_357] : memref<10240x128xf32, #tpu.memory_space<vmem_shared>> -> memref<10240x128xf32, #tpu.memory_space<vmem_shared>>
          tpu.enqueue_indirect_dma source(%arg7 : memref<80x128xf32, #tpu.memory_space<vmem>>) target(%dma_start3A_358 : memref<10240x128xf32, #tpu.memory_space<vmem_shared>>) offsets(%arg19 : memref<80xi32, #tpu.memory_space<vmem>>) semaphore(%run_scoped3A : memref<!tpu.dma_semaphore, #tpu.memory_space<semaphore_mem>>) {add = true}
          %dma_wait3A_359 = arith.constant 0 : i32
          %dma_wait3A_360 = arith.constant 0 : i32
          %dma_wait3A_361 = tpu.memref_slice %arg26[%dma_wait3A_359, %dma_wait3A_360] : memref<10240x128xf32, #tpu.memory_space<vmem_shared>> -> memref<10240x128xf32, #tpu.memory_space<vmem_shared>>
          tpu.wait_indirect_dma semaphore(%run_scoped3A : memref<!tpu.dma_semaphore, #tpu.memory_space<semaphore_mem>>) src(%arg7 : memref<80x128xf32, #tpu.memory_space<vmem>>) dst(%dma_wait3A_361 : memref<10240x128xf32, #tpu.memory_space<vmem_shared>>)
          tpu.yield
        }) : () -> ()
      } else {
      }
      %mul3A_202 = arith.constant 8 : i32
      %mul3A_203 = arith.muli %mul3A_202, %scan3A_154 : i32
      %add3A_204 = arith.constant 2 : i32
      %add3A_205 = arith.addi %mul3A_203, %add3A_204 : i32
      %add3A_206 = arith.constant 8 : i32
      %add3A_207 = arith.addi %add3A_205, %add3A_206 : i32
      %sub3A_208 = arith.constant 1 : i32
      %sub3A_209 = arith.subi %add3A_207, %sub3A_208 : i32
      %lt3A_210 = arith.constant 125 : i32
      %lt3A_211 = arith.cmpi slt, %sub3A_209, %lt3A_210 : i32
      %convert_element_type3A_212 = arith.extui %lt3A_211 : i1 to i32
      %cond3A_213 = arith.constant 0 : i32
      %cond3A_214 = arith.cmpi ne, %convert_element_type3A_212, %cond3A_213 : i32
      scf.if %cond3A_214 {
        %add3A_353 = arith.constant 8 : i32
        %add3A_354 = arith.addi %add3A_205, %add3A_353 : i32
        %sub3A_355 = arith.constant 1 : i32
        %sub3A_356 = arith.subi %add3A_354, %sub3A_355 : i32
        %mul3A_357 = arith.constant 80 : i32
        %mul3A_358 = arith.muli %sub3A_356, %mul3A_357 : i32
        %add3A_359 = arith.addi %add3A, %mul3A_358 : i32
        %dma_start3A_360 = tpu.memref_slice %arg2[%add3A_359] : memref<320000xi32, #tpu.memory_space<hbm>> -> memref<80xi32, #tpu.memory_space<hbm>>
        %dma_start3A_361 = tpu.memref_slice %arg2[%add3A_359] : memref<320000xi32, #tpu.memory_space<hbm>> -> memref<80xi32, #tpu.memory_space<hbm>>
        tpu.enqueue_dma source(%dma_start3A_361 : memref<80xi32, #tpu.memory_space<hbm>>) target(%arg11 : memref<80xi32, #tpu.memory_space<vmem>>) target_semaphore(%arg32 : memref<!tpu.dma_semaphore, #tpu.memory_space<semaphore_mem>>)
        %dma_start3A_362 = tpu.memref_slice %arg3[%add3A_359] : memref<320000xi32, #tpu.memory_space<hbm>> -> memref<80xi32, #tpu.memory_space<hbm>>
        %dma_start3A_363 = tpu.memref_slice %arg3[%add3A_359] : memref<320000xi32, #tpu.memory_space<hbm>> -> memref<80xi32, #tpu.memory_space<hbm>>
        tpu.enqueue_dma source(%dma_start3A_363 : memref<80xi32, #tpu.memory_space<hbm>>) target(%arg19 : memref<80xi32, #tpu.memory_space<vmem>>) target_semaphore(%arg32 : memref<!tpu.dma_semaphore, #tpu.memory_space<semaphore_mem>>)
      } else {
      }
      %add3A_215 = arith.constant 3 : i32
      %add3A_216 = arith.addi %add3A_205, %add3A_215 : i32
      %lt3A_217 = arith.constant 125 : i32
      %lt3A_218 = arith.cmpi slt, %add3A_216, %lt3A_217 : i32
      %convert_element_type3A_219 = arith.extui %lt3A_218 : i1 to i32
      %cond3A_220 = arith.constant 0 : i32
      %cond3A_221 = arith.cmpi ne, %convert_element_type3A_219, %cond3A_220 : i32
      scf.if %cond3A_221 {
        %dma_wait3A_353 = arith.constant 0 : i32
        %dma_wait3A_354 = tpu.memref_slice %arg2[%dma_wait3A_353] : memref<320000xi32, #tpu.memory_space<hbm>> -> memref<80xi32, #tpu.memory_space<hbm>>
        %dma_wait3A_355 = arith.constant 0 : i32
        %dma_wait3A_356 = tpu.memref_slice %arg2[%dma_wait3A_355] : memref<320000xi32, #tpu.memory_space<hbm>> -> memref<80xi32, #tpu.memory_space<hbm>>
        tpu.wait_dma2 semaphore(%arg36 : memref<!tpu.dma_semaphore, #tpu.memory_space<semaphore_mem>>) src(%dma_wait3A_356 : memref<80xi32, #tpu.memory_space<hbm>>) dst(%arg15 : memref<80xi32, #tpu.memory_space<vmem>>)
        %dma_wait3A_357 = arith.constant 0 : i32
        %dma_wait3A_358 = tpu.memref_slice %arg3[%dma_wait3A_357] : memref<320000xi32, #tpu.memory_space<hbm>> -> memref<80xi32, #tpu.memory_space<hbm>>
        %dma_wait3A_359 = arith.constant 0 : i32
        %dma_wait3A_360 = tpu.memref_slice %arg3[%dma_wait3A_359] : memref<320000xi32, #tpu.memory_space<hbm>> -> memref<80xi32, #tpu.memory_space<hbm>>
        tpu.wait_dma2 semaphore(%arg36 : memref<!tpu.dma_semaphore, #tpu.memory_space<semaphore_mem>>) src(%dma_wait3A_360 : memref<80xi32, #tpu.memory_space<hbm>>) dst(%arg23 : memref<80xi32, #tpu.memory_space<vmem>>)
        %dma_start3A_361 = arith.constant 0 : i32
        %dma_start3A_362 = arith.constant 0 : i32
        %dma_start3A_363 = tpu.memref_slice %arg4[%dma_start3A_361, %dma_start3A_362] : memref<10240x128xf32, #tpu.memory_space<hbm>> -> memref<10240x128xf32, #tpu.memory_space<hbm>>
        tpu.enqueue_indirect_dma source(%dma_start3A_363 : memref<10240x128xf32, #tpu.memory_space<hbm>>) target(%arg7 : memref<80x128xf32, #tpu.memory_space<vmem>>) offsets(%arg15 : memref<80xi32, #tpu.memory_space<vmem>>) semaphore(%arg28 : memref<!tpu.dma_semaphore, #tpu.memory_space<semaphore_mem>>)
      } else {
      }
      %lt3A_222 = arith.constant 125 : i32
      %lt3A_223 = arith.cmpi slt, %add3A_205, %lt3A_222 : i32
      %convert_element_type3A_224 = arith.extui %lt3A_223 : i1 to i32
      %cond3A_225 = arith.constant 0 : i32
      %cond3A_226 = arith.cmpi ne, %convert_element_type3A_224, %cond3A_225 : i32
      scf.if %cond3A_226 {
        %dma_wait3A_353 = arith.constant 0 : i32
        %dma_wait3A_354 = arith.constant 0 : i32
        %dma_wait3A_355 = tpu.memref_slice %arg4[%dma_wait3A_353, %dma_wait3A_354] : memref<10240x128xf32, #tpu.memory_space<hbm>> -> memref<10240x128xf32, #tpu.memory_space<hbm>>
        tpu.wait_indirect_dma semaphore(%arg29 : memref<!tpu.dma_semaphore, #tpu.memory_space<semaphore_mem>>) src(%dma_wait3A_355 : memref<10240x128xf32, #tpu.memory_space<hbm>>) dst(%arg8 : memref<80x128xf32, #tpu.memory_space<vmem>>)
        "tpu.region"() ({
          %run_scoped3A = tpu.sem_alloc : memref<!tpu.dma_semaphore, #tpu.memory_space<semaphore_mem>>
          %dma_start3A_356 = arith.constant 0 : i32
          %dma_start3A_357 = arith.constant 0 : i32
          %dma_start3A_358 = tpu.memref_slice %arg26[%dma_start3A_356, %dma_start3A_357] : memref<10240x128xf32, #tpu.memory_space<vmem_shared>> -> memref<10240x128xf32, #tpu.memory_space<vmem_shared>>
          tpu.enqueue_indirect_dma source(%arg8 : memref<80x128xf32, #tpu.memory_space<vmem>>) target(%dma_start3A_358 : memref<10240x128xf32, #tpu.memory_space<vmem_shared>>) offsets(%arg20 : memref<80xi32, #tpu.memory_space<vmem>>) semaphore(%run_scoped3A : memref<!tpu.dma_semaphore, #tpu.memory_space<semaphore_mem>>) {add = true}
          %dma_wait3A_359 = arith.constant 0 : i32
          %dma_wait3A_360 = arith.constant 0 : i32
          %dma_wait3A_361 = tpu.memref_slice %arg26[%dma_wait3A_359, %dma_wait3A_360] : memref<10240x128xf32, #tpu.memory_space<vmem_shared>> -> memref<10240x128xf32, #tpu.memory_space<vmem_shared>>
          tpu.wait_indirect_dma semaphore(%run_scoped3A : memref<!tpu.dma_semaphore, #tpu.memory_space<semaphore_mem>>) src(%arg8 : memref<80x128xf32, #tpu.memory_space<vmem>>) dst(%dma_wait3A_361 : memref<10240x128xf32, #tpu.memory_space<vmem_shared>>)
          tpu.yield
        }) : () -> ()
      } else {
      }
      %mul3A_227 = arith.constant 8 : i32
      %mul3A_228 = arith.muli %mul3A_227, %scan3A_154 : i32
      %add3A_229 = arith.constant 3 : i32
      %add3A_230 = arith.addi %mul3A_228, %add3A_229 : i32
      %add3A_231 = arith.constant 8 : i32
      %add3A_232 = arith.addi %add3A_230, %add3A_231 : i32
      %sub3A_233 = arith.constant 1 : i32
      %sub3A_234 = arith.subi %add3A_232, %sub3A_233 : i32
      %lt3A_235 = arith.constant 125 : i32
      %lt3A_236 = arith.cmpi slt, %sub3A_234, %lt3A_235 : i32
      %convert_element_type3A_237 = arith.extui %lt3A_236 : i1 to i32
      %cond3A_238 = arith.constant 0 : i32
      %cond3A_239 = arith.cmpi ne, %convert_element_type3A_237, %cond3A_238 : i32
      scf.if %cond3A_239 {
        %add3A_353 = arith.constant 8 : i32
        %add3A_354 = arith.addi %add3A_230, %add3A_353 : i32
        %sub3A_355 = arith.constant 1 : i32
        %sub3A_356 = arith.subi %add3A_354, %sub3A_355 : i32
        %mul3A_357 = arith.constant 80 : i32
        %mul3A_358 = arith.muli %sub3A_356, %mul3A_357 : i32
        %add3A_359 = arith.addi %add3A, %mul3A_358 : i32
        %dma_start3A_360 = tpu.memref_slice %arg2[%add3A_359] : memref<320000xi32, #tpu.memory_space<hbm>> -> memref<80xi32, #tpu.memory_space<hbm>>
        %dma_start3A_361 = tpu.memref_slice %arg2[%add3A_359] : memref<320000xi32, #tpu.memory_space<hbm>> -> memref<80xi32, #tpu.memory_space<hbm>>
        tpu.enqueue_dma source(%dma_start3A_361 : memref<80xi32, #tpu.memory_space<hbm>>) target(%arg12 : memref<80xi32, #tpu.memory_space<vmem>>) target_semaphore(%arg33 : memref<!tpu.dma_semaphore, #tpu.memory_space<semaphore_mem>>)
        %dma_start3A_362 = tpu.memref_slice %arg3[%add3A_359] : memref<320000xi32, #tpu.memory_space<hbm>> -> memref<80xi32, #tpu.memory_space<hbm>>
        %dma_start3A_363 = tpu.memref_slice %arg3[%add3A_359] : memref<320000xi32, #tpu.memory_space<hbm>> -> memref<80xi32, #tpu.memory_space<hbm>>
        tpu.enqueue_dma source(%dma_start3A_363 : memref<80xi32, #tpu.memory_space<hbm>>) target(%arg20 : memref<80xi32, #tpu.memory_space<vmem>>) target_semaphore(%arg33 : memref<!tpu.dma_semaphore, #tpu.memory_space<semaphore_mem>>)
      } else {
      }
      %add3A_240 = arith.constant 3 : i32
      %add3A_241 = arith.addi %add3A_230, %add3A_240 : i32
      %lt3A_242 = arith.constant 125 : i32
      %lt3A_243 = arith.cmpi slt, %add3A_241, %lt3A_242 : i32
      %convert_element_type3A_244 = arith.extui %lt3A_243 : i1 to i32
      %cond3A_245 = arith.constant 0 : i32
      %cond3A_246 = arith.cmpi ne, %convert_element_type3A_244, %cond3A_245 : i32
      scf.if %cond3A_246 {
        %dma_wait3A_353 = arith.constant 0 : i32
        %dma_wait3A_354 = tpu.memref_slice %arg2[%dma_wait3A_353] : memref<320000xi32, #tpu.memory_space<hbm>> -> memref<80xi32, #tpu.memory_space<hbm>>
        %dma_wait3A_355 = arith.constant 0 : i32
        %dma_wait3A_356 = tpu.memref_slice %arg2[%dma_wait3A_355] : memref<320000xi32, #tpu.memory_space<hbm>> -> memref<80xi32, #tpu.memory_space<hbm>>
        tpu.wait_dma2 semaphore(%arg37 : memref<!tpu.dma_semaphore, #tpu.memory_space<semaphore_mem>>) src(%dma_wait3A_356 : memref<80xi32, #tpu.memory_space<hbm>>) dst(%arg16 : memref<80xi32, #tpu.memory_space<vmem>>)
        %dma_wait3A_357 = arith.constant 0 : i32
        %dma_wait3A_358 = tpu.memref_slice %arg3[%dma_wait3A_357] : memref<320000xi32, #tpu.memory_space<hbm>> -> memref<80xi32, #tpu.memory_space<hbm>>
        %dma_wait3A_359 = arith.constant 0 : i32
        %dma_wait3A_360 = tpu.memref_slice %arg3[%dma_wait3A_359] : memref<320000xi32, #tpu.memory_space<hbm>> -> memref<80xi32, #tpu.memory_space<hbm>>
        tpu.wait_dma2 semaphore(%arg37 : memref<!tpu.dma_semaphore, #tpu.memory_space<semaphore_mem>>) src(%dma_wait3A_360 : memref<80xi32, #tpu.memory_space<hbm>>) dst(%arg24 : memref<80xi32, #tpu.memory_space<vmem>>)
        %dma_start3A_361 = arith.constant 0 : i32
        %dma_start3A_362 = arith.constant 0 : i32
        %dma_start3A_363 = tpu.memref_slice %arg4[%dma_start3A_361, %dma_start3A_362] : memref<10240x128xf32, #tpu.memory_space<hbm>> -> memref<10240x128xf32, #tpu.memory_space<hbm>>
        tpu.enqueue_indirect_dma source(%dma_start3A_363 : memref<10240x128xf32, #tpu.memory_space<hbm>>) target(%arg8 : memref<80x128xf32, #tpu.memory_space<vmem>>) offsets(%arg16 : memref<80xi32, #tpu.memory_space<vmem>>) semaphore(%arg29 : memref<!tpu.dma_semaphore, #tpu.memory_space<semaphore_mem>>)
      } else {
      }
      %lt3A_247 = arith.constant 125 : i32
      %lt3A_248 = arith.cmpi slt, %add3A_230, %lt3A_247 : i32
      %convert_element_type3A_249 = arith.extui %lt3A_248 : i1 to i32
      %cond3A_250 = arith.constant 0 : i32
      %cond3A_251 = arith.cmpi ne, %convert_element_type3A_249, %cond3A_250 : i32
      scf.if %cond3A_251 {
        %dma_wait3A_353 = arith.constant 0 : i32
        %dma_wait3A_354 = arith.constant 0 : i32
        %dma_wait3A_355 = tpu.memref_slice %arg4[%dma_wait3A_353, %dma_wait3A_354] : memref<10240x128xf32, #tpu.memory_space<hbm>> -> memref<10240x128xf32, #tpu.memory_space<hbm>>
        tpu.wait_indirect_dma semaphore(%arg30 : memref<!tpu.dma_semaphore, #tpu.memory_space<semaphore_mem>>) src(%dma_wait3A_355 : memref<10240x128xf32, #tpu.memory_space<hbm>>) dst(%arg9 : memref<80x128xf32, #tpu.memory_space<vmem>>)
        "tpu.region"() ({
          %run_scoped3A = tpu.sem_alloc : memref<!tpu.dma_semaphore, #tpu.memory_space<semaphore_mem>>
          %dma_start3A_356 = arith.constant 0 : i32
          %dma_start3A_357 = arith.constant 0 : i32
          %dma_start3A_358 = tpu.memref_slice %arg26[%dma_start3A_356, %dma_start3A_357] : memref<10240x128xf32, #tpu.memory_space<vmem_shared>> -> memref<10240x128xf32, #tpu.memory_space<vmem_shared>>
          tpu.enqueue_indirect_dma source(%arg9 : memref<80x128xf32, #tpu.memory_space<vmem>>) target(%dma_start3A_358 : memref<10240x128xf32, #tpu.memory_space<vmem_shared>>) offsets(%arg21 : memref<80xi32, #tpu.memory_space<vmem>>) semaphore(%run_scoped3A : memref<!tpu.dma_semaphore, #tpu.memory_space<semaphore_mem>>) {add = true}
          %dma_wait3A_359 = arith.constant 0 : i32
          %dma_wait3A_360 = arith.constant 0 : i32
          %dma_wait3A_361 = tpu.memref_slice %arg26[%dma_wait3A_359, %dma_wait3A_360] : memref<10240x128xf32, #tpu.memory_space<vmem_shared>> -> memref<10240x128xf32, #tpu.memory_space<vmem_shared>>
          tpu.wait_indirect_dma semaphore(%run_scoped3A : memref<!tpu.dma_semaphore, #tpu.memory_space<semaphore_mem>>) src(%arg9 : memref<80x128xf32, #tpu.memory_space<vmem>>) dst(%dma_wait3A_361 : memref<10240x128xf32, #tpu.memory_space<vmem_shared>>)
          tpu.yield
        }) : () -> ()
      } else {
      }
      %mul3A_252 = arith.constant 8 : i32
      %mul3A_253 = arith.muli %mul3A_252, %scan3A_154 : i32
      %add3A_254 = arith.constant 4 : i32
      %add3A_255 = arith.addi %mul3A_253, %add3A_254 : i32
      %add3A_256 = arith.constant 8 : i32
      %add3A_257 = arith.addi %add3A_255, %add3A_256 : i32
      %sub3A_258 = arith.constant 1 : i32
      %sub3A_259 = arith.subi %add3A_257, %sub3A_258 : i32
      %lt3A_260 = arith.constant 125 : i32
      %lt3A_261 = arith.cmpi slt, %sub3A_259, %lt3A_260 : i32
      %convert_element_type3A_262 = arith.extui %lt3A_261 : i1 to i32
      %cond3A_263 = arith.constant 0 : i32
      %cond3A_264 = arith.cmpi ne, %convert_element_type3A_262, %cond3A_263 : i32
      scf.if %cond3A_264 {
        %add3A_353 = arith.constant 8 : i32
        %add3A_354 = arith.addi %add3A_255, %add3A_353 : i32
        %sub3A_355 = arith.constant 1 : i32
        %sub3A_356 = arith.subi %add3A_354, %sub3A_355 : i32
        %mul3A_357 = arith.constant 80 : i32
        %mul3A_358 = arith.muli %sub3A_356, %mul3A_357 : i32
        %add3A_359 = arith.addi %add3A, %mul3A_358 : i32
        %dma_start3A_360 = tpu.memref_slice %arg2[%add3A_359] : memref<320000xi32, #tpu.memory_space<hbm>> -> memref<80xi32, #tpu.memory_space<hbm>>
        %dma_start3A_361 = tpu.memref_slice %arg2[%add3A_359] : memref<320000xi32, #tpu.memory_space<hbm>> -> memref<80xi32, #tpu.memory_space<hbm>>
        tpu.enqueue_dma source(%dma_start3A_361 : memref<80xi32, #tpu.memory_space<hbm>>) target(%arg13 : memref<80xi32, #tpu.memory_space<vmem>>) target_semaphore(%arg34 : memref<!tpu.dma_semaphore, #tpu.memory_space<semaphore_mem>>)
        %dma_start3A_362 = tpu.memref_slice %arg3[%add3A_359] : memref<320000xi32, #tpu.memory_space<hbm>> -> memref<80xi32, #tpu.memory_space<hbm>>
        %dma_start3A_363 = tpu.memref_slice %arg3[%add3A_359] : memref<320000xi32, #tpu.memory_space<hbm>> -> memref<80xi32, #tpu.memory_space<hbm>>
        tpu.enqueue_dma source(%dma_start3A_363 : memref<80xi32, #tpu.memory_space<hbm>>) target(%arg21 : memref<80xi32, #tpu.memory_space<vmem>>) target_semaphore(%arg34 : memref<!tpu.dma_semaphore, #tpu.memory_space<semaphore_mem>>)
      } else {
      }
      %add3A_265 = arith.constant 3 : i32
      %add3A_266 = arith.addi %add3A_255, %add3A_265 : i32
      %lt3A_267 = arith.constant 125 : i32
      %lt3A_268 = arith.cmpi slt, %add3A_266, %lt3A_267 : i32
      %convert_element_type3A_269 = arith.extui %lt3A_268 : i1 to i32
      %cond3A_270 = arith.constant 0 : i32
      %cond3A_271 = arith.cmpi ne, %convert_element_type3A_269, %cond3A_270 : i32
      scf.if %cond3A_271 {
        %dma_wait3A_353 = arith.constant 0 : i32
        %dma_wait3A_354 = tpu.memref_slice %arg2[%dma_wait3A_353] : memref<320000xi32, #tpu.memory_space<hbm>> -> memref<80xi32, #tpu.memory_space<hbm>>
        %dma_wait3A_355 = arith.constant 0 : i32
        %dma_wait3A_356 = tpu.memref_slice %arg2[%dma_wait3A_355] : memref<320000xi32, #tpu.memory_space<hbm>> -> memref<80xi32, #tpu.memory_space<hbm>>
        tpu.wait_dma2 semaphore(%arg38 : memref<!tpu.dma_semaphore, #tpu.memory_space<semaphore_mem>>) src(%dma_wait3A_356 : memref<80xi32, #tpu.memory_space<hbm>>) dst(%arg17 : memref<80xi32, #tpu.memory_space<vmem>>)
        %dma_wait3A_357 = arith.constant 0 : i32
        %dma_wait3A_358 = tpu.memref_slice %arg3[%dma_wait3A_357] : memref<320000xi32, #tpu.memory_space<hbm>> -> memref<80xi32, #tpu.memory_space<hbm>>
        %dma_wait3A_359 = arith.constant 0 : i32
        %dma_wait3A_360 = tpu.memref_slice %arg3[%dma_wait3A_359] : memref<320000xi32, #tpu.memory_space<hbm>> -> memref<80xi32, #tpu.memory_space<hbm>>
        tpu.wait_dma2 semaphore(%arg38 : memref<!tpu.dma_semaphore, #tpu.memory_space<semaphore_mem>>) src(%dma_wait3A_360 : memref<80xi32, #tpu.memory_space<hbm>>) dst(%arg25 : memref<80xi32, #tpu.memory_space<vmem>>)
        %dma_start3A_361 = arith.constant 0 : i32
        %dma_start3A_362 = arith.constant 0 : i32
        %dma_start3A_363 = tpu.memref_slice %arg4[%dma_start3A_361, %dma_start3A_362] : memref<10240x128xf32, #tpu.memory_space<hbm>> -> memref<10240x128xf32, #tpu.memory_space<hbm>>
        tpu.enqueue_indirect_dma source(%dma_start3A_363 : memref<10240x128xf32, #tpu.memory_space<hbm>>) target(%arg9 : memref<80x128xf32, #tpu.memory_space<vmem>>) offsets(%arg17 : memref<80xi32, #tpu.memory_space<vmem>>) semaphore(%arg30 : memref<!tpu.dma_semaphore, #tpu.memory_space<semaphore_mem>>)
      } else {
      }
      %lt3A_272 = arith.constant 125 : i32
      %lt3A_273 = arith.cmpi slt, %add3A_255, %lt3A_272 : i32
      %convert_element_type3A_274 = arith.extui %lt3A_273 : i1 to i32
      %cond3A_275 = arith.constant 0 : i32
      %cond3A_276 = arith.cmpi ne, %convert_element_type3A_274, %cond3A_275 : i32
      scf.if %cond3A_276 {
        %dma_wait3A_353 = arith.constant 0 : i32
        %dma_wait3A_354 = arith.constant 0 : i32
        %dma_wait3A_355 = tpu.memref_slice %arg4[%dma_wait3A_353, %dma_wait3A_354] : memref<10240x128xf32, #tpu.memory_space<hbm>> -> memref<10240x128xf32, #tpu.memory_space<hbm>>
        tpu.wait_indirect_dma semaphore(%arg27 : memref<!tpu.dma_semaphore, #tpu.memory_space<semaphore_mem>>) src(%dma_wait3A_355 : memref<10240x128xf32, #tpu.memory_space<hbm>>) dst(%arg6 : memref<80x128xf32, #tpu.memory_space<vmem>>)
        "tpu.region"() ({
          %run_scoped3A = tpu.sem_alloc : memref<!tpu.dma_semaphore, #tpu.memory_space<semaphore_mem>>
          %dma_start3A_356 = arith.constant 0 : i32
          %dma_start3A_357 = arith.constant 0 : i32
          %dma_start3A_358 = tpu.memref_slice %arg26[%dma_start3A_356, %dma_start3A_357] : memref<10240x128xf32, #tpu.memory_space<vmem_shared>> -> memref<10240x128xf32, #tpu.memory_space<vmem_shared>>
          tpu.enqueue_indirect_dma source(%arg6 : memref<80x128xf32, #tpu.memory_space<vmem>>) target(%dma_start3A_358 : memref<10240x128xf32, #tpu.memory_space<vmem_shared>>) offsets(%arg22 : memref<80xi32, #tpu.memory_space<vmem>>) semaphore(%run_scoped3A : memref<!tpu.dma_semaphore, #tpu.memory_space<semaphore_mem>>) {add = true}
          %dma_wait3A_359 = arith.constant 0 : i32
          %dma_wait3A_360 = arith.constant 0 : i32
          %dma_wait3A_361 = tpu.memref_slice %arg26[%dma_wait3A_359, %dma_wait3A_360] : memref<10240x128xf32, #tpu.memory_space<vmem_shared>> -> memref<10240x128xf32, #tpu.memory_space<vmem_shared>>
          tpu.wait_indirect_dma semaphore(%run_scoped3A : memref<!tpu.dma_semaphore, #tpu.memory_space<semaphore_mem>>) src(%arg6 : memref<80x128xf32, #tpu.memory_space<vmem>>) dst(%dma_wait3A_361 : memref<10240x128xf32, #tpu.memory_space<vmem_shared>>)
          tpu.yield
        }) : () -> ()
      } else {
      }
      %mul3A_277 = arith.constant 8 : i32
      %mul3A_278 = arith.muli %mul3A_277, %scan3A_154 : i32
      %add3A_279 = arith.constant 5 : i32
      %add3A_280 = arith.addi %mul3A_278, %add3A_279 : i32
      %add3A_281 = arith.constant 8 : i32
      %add3A_282 = arith.addi %add3A_280, %add3A_281 : i32
      %sub3A_283 = arith.constant 1 : i32
      %sub3A_284 = arith.subi %add3A_282, %sub3A_283 : i32
      %lt3A_285 = arith.constant 125 : i32
      %lt3A_286 = arith.cmpi slt, %sub3A_284, %lt3A_285 : i32
      %convert_element_type3A_287 = arith.extui %lt3A_286 : i1 to i32
      %cond3A_288 = arith.constant 0 : i32
      %cond3A_289 = arith.cmpi ne, %convert_element_type3A_287, %cond3A_288 : i32
      scf.if %cond3A_289 {
        %add3A_353 = arith.constant 8 : i32
        %add3A_354 = arith.addi %add3A_280, %add3A_353 : i32
        %sub3A_355 = arith.constant 1 : i32
        %sub3A_356 = arith.subi %add3A_354, %sub3A_355 : i32
        %mul3A_357 = arith.constant 80 : i32
        %mul3A_358 = arith.muli %sub3A_356, %mul3A_357 : i32
        %add3A_359 = arith.addi %add3A, %mul3A_358 : i32
        %dma_start3A_360 = tpu.memref_slice %arg2[%add3A_359] : memref<320000xi32, #tpu.memory_space<hbm>> -> memref<80xi32, #tpu.memory_space<hbm>>
        %dma_start3A_361 = tpu.memref_slice %arg2[%add3A_359] : memref<320000xi32, #tpu.memory_space<hbm>> -> memref<80xi32, #tpu.memory_space<hbm>>
        tpu.enqueue_dma source(%dma_start3A_361 : memref<80xi32, #tpu.memory_space<hbm>>) target(%arg14 : memref<80xi32, #tpu.memory_space<vmem>>) target_semaphore(%arg35 : memref<!tpu.dma_semaphore, #tpu.memory_space<semaphore_mem>>)
        %dma_start3A_362 = tpu.memref_slice %arg3[%add3A_359] : memref<320000xi32, #tpu.memory_space<hbm>> -> memref<80xi32, #tpu.memory_space<hbm>>
        %dma_start3A_363 = tpu.memref_slice %arg3[%add3A_359] : memref<320000xi32, #tpu.memory_space<hbm>> -> memref<80xi32, #tpu.memory_space<hbm>>
        tpu.enqueue_dma source(%dma_start3A_363 : memref<80xi32, #tpu.memory_space<hbm>>) target(%arg22 : memref<80xi32, #tpu.memory_space<vmem>>) target_semaphore(%arg35 : memref<!tpu.dma_semaphore, #tpu.memory_space<semaphore_mem>>)
      } else {
      }
      %add3A_290 = arith.constant 3 : i32
      %add3A_291 = arith.addi %add3A_280, %add3A_290 : i32
      %lt3A_292 = arith.constant 125 : i32
      %lt3A_293 = arith.cmpi slt, %add3A_291, %lt3A_292 : i32
      %convert_element_type3A_294 = arith.extui %lt3A_293 : i1 to i32
      %cond3A_295 = arith.constant 0 : i32
      %cond3A_296 = arith.cmpi ne, %convert_element_type3A_294, %cond3A_295 : i32
      scf.if %cond3A_296 {
        %dma_wait3A_353 = arith.constant 0 : i32
        %dma_wait3A_354 = tpu.memref_slice %arg2[%dma_wait3A_353] : memref<320000xi32, #tpu.memory_space<hbm>> -> memref<80xi32, #tpu.memory_space<hbm>>
        %dma_wait3A_355 = arith.constant 0 : i32
        %dma_wait3A_356 = tpu.memref_slice %arg2[%dma_wait3A_355] : memref<320000xi32, #tpu.memory_space<hbm>> -> memref<80xi32, #tpu.memory_space<hbm>>
        tpu.wait_dma2 semaphore(%arg31 : memref<!tpu.dma_semaphore, #tpu.memory_space<semaphore_mem>>) src(%dma_wait3A_356 : memref<80xi32, #tpu.memory_space<hbm>>) dst(%arg10 : memref<80xi32, #tpu.memory_space<vmem>>)
        %dma_wait3A_357 = arith.constant 0 : i32
        %dma_wait3A_358 = tpu.memref_slice %arg3[%dma_wait3A_357] : memref<320000xi32, #tpu.memory_space<hbm>> -> memref<80xi32, #tpu.memory_space<hbm>>
        %dma_wait3A_359 = arith.constant 0 : i32
        %dma_wait3A_360 = tpu.memref_slice %arg3[%dma_wait3A_359] : memref<320000xi32, #tpu.memory_space<hbm>> -> memref<80xi32, #tpu.memory_space<hbm>>
        tpu.wait_dma2 semaphore(%arg31 : memref<!tpu.dma_semaphore, #tpu.memory_space<semaphore_mem>>) src(%dma_wait3A_360 : memref<80xi32, #tpu.memory_space<hbm>>) dst(%arg18 : memref<80xi32, #tpu.memory_space<vmem>>)
        %dma_start3A_361 = arith.constant 0 : i32
        %dma_start3A_362 = arith.constant 0 : i32
        %dma_start3A_363 = tpu.memref_slice %arg4[%dma_start3A_361, %dma_start3A_362] : memref<10240x128xf32, #tpu.memory_space<hbm>> -> memref<10240x128xf32, #tpu.memory_space<hbm>>
        tpu.enqueue_indirect_dma source(%dma_start3A_363 : memref<10240x128xf32, #tpu.memory_space<hbm>>) target(%arg6 : memref<80x128xf32, #tpu.memory_space<vmem>>) offsets(%arg10 : memref<80xi32, #tpu.memory_space<vmem>>) semaphore(%arg27 : memref<!tpu.dma_semaphore, #tpu.memory_space<semaphore_mem>>)
      } else {
      }
      %lt3A_297 = arith.constant 125 : i32
      %lt3A_298 = arith.cmpi slt, %add3A_280, %lt3A_297 : i32
      %convert_element_type3A_299 = arith.extui %lt3A_298 : i1 to i32
      %cond3A_300 = arith.constant 0 : i32
      %cond3A_301 = arith.cmpi ne, %convert_element_type3A_299, %cond3A_300 : i32
      scf.if %cond3A_301 {
        %dma_wait3A_353 = arith.constant 0 : i32
        %dma_wait3A_354 = arith.constant 0 : i32
        %dma_wait3A_355 = tpu.memref_slice %arg4[%dma_wait3A_353, %dma_wait3A_354] : memref<10240x128xf32, #tpu.memory_space<hbm>> -> memref<10240x128xf32, #tpu.memory_space<hbm>>
        tpu.wait_indirect_dma semaphore(%arg28 : memref<!tpu.dma_semaphore, #tpu.memory_space<semaphore_mem>>) src(%dma_wait3A_355 : memref<10240x128xf32, #tpu.memory_space<hbm>>) dst(%arg7 : memref<80x128xf32, #tpu.memory_space<vmem>>)
        "tpu.region"() ({
          %run_scoped3A = tpu.sem_alloc : memref<!tpu.dma_semaphore, #tpu.memory_space<semaphore_mem>>
          %dma_start3A_356 = arith.constant 0 : i32
          %dma_start3A_357 = arith.constant 0 : i32
          %dma_start3A_358 = tpu.memref_slice %arg26[%dma_start3A_356, %dma_start3A_357] : memref<10240x128xf32, #tpu.memory_space<vmem_shared>> -> memref<10240x128xf32, #tpu.memory_space<vmem_shared>>
          tpu.enqueue_indirect_dma source(%arg7 : memref<80x128xf32, #tpu.memory_space<vmem>>) target(%dma_start3A_358 : memref<10240x128xf32, #tpu.memory_space<vmem_shared>>) offsets(%arg23 : memref<80xi32, #tpu.memory_space<vmem>>) semaphore(%run_scoped3A : memref<!tpu.dma_semaphore, #tpu.memory_space<semaphore_mem>>) {add = true}
          %dma_wait3A_359 = arith.constant 0 : i32
          %dma_wait3A_360 = arith.constant 0 : i32
          %dma_wait3A_361 = tpu.memref_slice %arg26[%dma_wait3A_359, %dma_wait3A_360] : memref<10240x128xf32, #tpu.memory_space<vmem_shared>> -> memref<10240x128xf32, #tpu.memory_space<vmem_shared>>
          tpu.wait_indirect_dma semaphore(%run_scoped3A : memref<!tpu.dma_semaphore, #tpu.memory_space<semaphore_mem>>) src(%arg7 : memref<80x128xf32, #tpu.memory_space<vmem>>) dst(%dma_wait3A_361 : memref<10240x128xf32, #tpu.memory_space<vmem_shared>>)
          tpu.yield
        }) : () -> ()
      } else {
      }
      %mul3A_302 = arith.constant 8 : i32
      %mul3A_303 = arith.muli %mul3A_302, %scan3A_154 : i32
      %add3A_304 = arith.constant 6 : i32
      %add3A_305 = arith.addi %mul3A_303, %add3A_304 : i32
      %add3A_306 = arith.constant 8 : i32
      %add3A_307 = arith.addi %add3A_305, %add3A_306 : i32
      %sub3A_308 = arith.constant 1 : i32
      %sub3A_309 = arith.subi %add3A_307, %sub3A_308 : i32
      %lt3A_310 = arith.constant 125 : i32
      %lt3A_311 = arith.cmpi slt, %sub3A_309, %lt3A_310 : i32
      %convert_element_type3A_312 = arith.extui %lt3A_311 : i1 to i32
      %cond3A_313 = arith.constant 0 : i32
      %cond3A_314 = arith.cmpi ne, %convert_element_type3A_312, %cond3A_313 : i32
      scf.if %cond3A_314 {
        %add3A_353 = arith.constant 8 : i32
        %add3A_354 = arith.addi %add3A_305, %add3A_353 : i32
        %sub3A_355 = arith.constant 1 : i32
        %sub3A_356 = arith.subi %add3A_354, %sub3A_355 : i32
        %mul3A_357 = arith.constant 80 : i32
        %mul3A_358 = arith.muli %sub3A_356, %mul3A_357 : i32
        %add3A_359 = arith.addi %add3A, %mul3A_358 : i32
        %dma_start3A_360 = tpu.memref_slice %arg2[%add3A_359] : memref<320000xi32, #tpu.memory_space<hbm>> -> memref<80xi32, #tpu.memory_space<hbm>>
        %dma_start3A_361 = tpu.memref_slice %arg2[%add3A_359] : memref<320000xi32, #tpu.memory_space<hbm>> -> memref<80xi32, #tpu.memory_space<hbm>>
        tpu.enqueue_dma source(%dma_start3A_361 : memref<80xi32, #tpu.memory_space<hbm>>) target(%arg15 : memref<80xi32, #tpu.memory_space<vmem>>) target_semaphore(%arg36 : memref<!tpu.dma_semaphore, #tpu.memory_space<semaphore_mem>>)
        %dma_start3A_362 = tpu.memref_slice %arg3[%add3A_359] : memref<320000xi32, #tpu.memory_space<hbm>> -> memref<80xi32, #tpu.memory_space<hbm>>
        %dma_start3A_363 = tpu.memref_slice %arg3[%add3A_359] : memref<320000xi32, #tpu.memory_space<hbm>> -> memref<80xi32, #tpu.memory_space<hbm>>
        tpu.enqueue_dma source(%dma_start3A_363 : memref<80xi32, #tpu.memory_space<hbm>>) target(%arg23 : memref<80xi32, #tpu.memory_space<vmem>>) target_semaphore(%arg36 : memref<!tpu.dma_semaphore, #tpu.memory_space<semaphore_mem>>)
      } else {
      }
      %add3A_315 = arith.constant 3 : i32
      %add3A_316 = arith.addi %add3A_305, %add3A_315 : i32
      %lt3A_317 = arith.constant 125 : i32
      %lt3A_318 = arith.cmpi slt, %add3A_316, %lt3A_317 : i32
      %convert_element_type3A_319 = arith.extui %lt3A_318 : i1 to i32
      %cond3A_320 = arith.constant 0 : i32
      %cond3A_321 = arith.cmpi ne, %convert_element_type3A_319, %cond3A_320 : i32
      scf.if %cond3A_321 {
        %dma_wait3A_353 = arith.constant 0 : i32
        %dma_wait3A_354 = tpu.memref_slice %arg2[%dma_wait3A_353] : memref<320000xi32, #tpu.memory_space<hbm>> -> memref<80xi32, #tpu.memory_space<hbm>>
        %dma_wait3A_355 = arith.constant 0 : i32
        %dma_wait3A_356 = tpu.memref_slice %arg2[%dma_wait3A_355] : memref<320000xi32, #tpu.memory_space<hbm>> -> memref<80xi32, #tpu.memory_space<hbm>>
        tpu.wait_dma2 semaphore(%arg32 : memref<!tpu.dma_semaphore, #tpu.memory_space<semaphore_mem>>) src(%dma_wait3A_356 : memref<80xi32, #tpu.memory_space<hbm>>) dst(%arg11 : memref<80xi32, #tpu.memory_space<vmem>>)
        %dma_wait3A_357 = arith.constant 0 : i32
        %dma_wait3A_358 = tpu.memref_slice %arg3[%dma_wait3A_357] : memref<320000xi32, #tpu.memory_space<hbm>> -> memref<80xi32, #tpu.memory_space<hbm>>
        %dma_wait3A_359 = arith.constant 0 : i32
        %dma_wait3A_360 = tpu.memref_slice %arg3[%dma_wait3A_359] : memref<320000xi32, #tpu.memory_space<hbm>> -> memref<80xi32, #tpu.memory_space<hbm>>
        tpu.wait_dma2 semaphore(%arg32 : memref<!tpu.dma_semaphore, #tpu.memory_space<semaphore_mem>>) src(%dma_wait3A_360 : memref<80xi32, #tpu.memory_space<hbm>>) dst(%arg19 : memref<80xi32, #tpu.memory_space<vmem>>)
        %dma_start3A_361 = arith.constant 0 : i32
        %dma_start3A_362 = arith.constant 0 : i32
        %dma_start3A_363 = tpu.memref_slice %arg4[%dma_start3A_361, %dma_start3A_362] : memref<10240x128xf32, #tpu.memory_space<hbm>> -> memref<10240x128xf32, #tpu.memory_space<hbm>>
        tpu.enqueue_indirect_dma source(%dma_start3A_363 : memref<10240x128xf32, #tpu.memory_space<hbm>>) target(%arg7 : memref<80x128xf32, #tpu.memory_space<vmem>>) offsets(%arg11 : memref<80xi32, #tpu.memory_space<vmem>>) semaphore(%arg28 : memref<!tpu.dma_semaphore, #tpu.memory_space<semaphore_mem>>)
      } else {
      }
      %lt3A_322 = arith.constant 125 : i32
      %lt3A_323 = arith.cmpi slt, %add3A_305, %lt3A_322 : i32
      %convert_element_type3A_324 = arith.extui %lt3A_323 : i1 to i32
      %cond3A_325 = arith.constant 0 : i32
      %cond3A_326 = arith.cmpi ne, %convert_element_type3A_324, %cond3A_325 : i32
      scf.if %cond3A_326 {
        %dma_wait3A_353 = arith.constant 0 : i32
        %dma_wait3A_354 = arith.constant 0 : i32
        %dma_wait3A_355 = tpu.memref_slice %arg4[%dma_wait3A_353, %dma_wait3A_354] : memref<10240x128xf32, #tpu.memory_space<hbm>> -> memref<10240x128xf32, #tpu.memory_space<hbm>>
        tpu.wait_indirect_dma semaphore(%arg29 : memref<!tpu.dma_semaphore, #tpu.memory_space<semaphore_mem>>) src(%dma_wait3A_355 : memref<10240x128xf32, #tpu.memory_space<hbm>>) dst(%arg8 : memref<80x128xf32, #tpu.memory_space<vmem>>)
        "tpu.region"() ({
          %run_scoped3A = tpu.sem_alloc : memref<!tpu.dma_semaphore, #tpu.memory_space<semaphore_mem>>
          %dma_start3A_356 = arith.constant 0 : i32
          %dma_start3A_357 = arith.constant 0 : i32
          %dma_start3A_358 = tpu.memref_slice %arg26[%dma_start3A_356, %dma_start3A_357] : memref<10240x128xf32, #tpu.memory_space<vmem_shared>> -> memref<10240x128xf32, #tpu.memory_space<vmem_shared>>
          tpu.enqueue_indirect_dma source(%arg8 : memref<80x128xf32, #tpu.memory_space<vmem>>) target(%dma_start3A_358 : memref<10240x128xf32, #tpu.memory_space<vmem_shared>>) offsets(%arg24 : memref<80xi32, #tpu.memory_space<vmem>>) semaphore(%run_scoped3A : memref<!tpu.dma_semaphore, #tpu.memory_space<semaphore_mem>>) {add = true}
          %dma_wait3A_359 = arith.constant 0 : i32
          %dma_wait3A_360 = arith.constant 0 : i32
          %dma_wait3A_361 = tpu.memref_slice %arg26[%dma_wait3A_359, %dma_wait3A_360] : memref<10240x128xf32, #tpu.memory_space<vmem_shared>> -> memref<10240x128xf32, #tpu.memory_space<vmem_shared>>
          tpu.wait_indirect_dma semaphore(%run_scoped3A : memref<!tpu.dma_semaphore, #tpu.memory_space<semaphore_mem>>) src(%arg8 : memref<80x128xf32, #tpu.memory_space<vmem>>) dst(%dma_wait3A_361 : memref<10240x128xf32, #tpu.memory_space<vmem_shared>>)
          tpu.yield
        }) : () -> ()
      } else {
      }
      %mul3A_327 = arith.constant 8 : i32
      %mul3A_328 = arith.muli %mul3A_327, %scan3A_154 : i32
      %add3A_329 = arith.constant 7 : i32
      %add3A_330 = arith.addi %mul3A_328, %add3A_329 : i32
      %add3A_331 = arith.constant 8 : i32
      %add3A_332 = arith.addi %add3A_330, %add3A_331 : i32
      %sub3A_333 = arith.constant 1 : i32
      %sub3A_334 = arith.subi %add3A_332, %sub3A_333 : i32
      %lt3A_335 = arith.constant 125 : i32
      %lt3A_336 = arith.cmpi slt, %sub3A_334, %lt3A_335 : i32
      %convert_element_type3A_337 = arith.extui %lt3A_336 : i1 to i32
      %cond3A_338 = arith.constant 0 : i32
      %cond3A_339 = arith.cmpi ne, %convert_element_type3A_337, %cond3A_338 : i32
      scf.if %cond3A_339 {
        %add3A_353 = arith.constant 8 : i32
        %add3A_354 = arith.addi %add3A_330, %add3A_353 : i32
        %sub3A_355 = arith.constant 1 : i32
        %sub3A_356 = arith.subi %add3A_354, %sub3A_355 : i32
        %mul3A_357 = arith.constant 80 : i32
        %mul3A_358 = arith.muli %sub3A_356, %mul3A_357 : i32
        %add3A_359 = arith.addi %add3A, %mul3A_358 : i32
        %dma_start3A_360 = tpu.memref_slice %arg2[%add3A_359] : memref<320000xi32, #tpu.memory_space<hbm>> -> memref<80xi32, #tpu.memory_space<hbm>>
        %dma_start3A_361 = tpu.memref_slice %arg2[%add3A_359] : memref<320000xi32, #tpu.memory_space<hbm>> -> memref<80xi32, #tpu.memory_space<hbm>>
        tpu.enqueue_dma source(%dma_start3A_361 : memref<80xi32, #tpu.memory_space<hbm>>) target(%arg16 : memref<80xi32, #tpu.memory_space<vmem>>) target_semaphore(%arg37 : memref<!tpu.dma_semaphore, #tpu.memory_space<semaphore_mem>>)
        %dma_start3A_362 = tpu.memref_slice %arg3[%add3A_359] : memref<320000xi32, #tpu.memory_space<hbm>> -> memref<80xi32, #tpu.memory_space<hbm>>
        %dma_start3A_363 = tpu.memref_slice %arg3[%add3A_359] : memref<320000xi32, #tpu.memory_space<hbm>> -> memref<80xi32, #tpu.memory_space<hbm>>
        tpu.enqueue_dma source(%dma_start3A_363 : memref<80xi32, #tpu.memory_space<hbm>>) target(%arg24 : memref<80xi32, #tpu.memory_space<vmem>>) target_semaphore(%arg37 : memref<!tpu.dma_semaphore, #tpu.memory_space<semaphore_mem>>)
      } else {
      }
      %add3A_340 = arith.constant 3 : i32
      %add3A_341 = arith.addi %add3A_330, %add3A_340 : i32
      %lt3A_342 = arith.constant 125 : i32
      %lt3A_343 = arith.cmpi slt, %add3A_341, %lt3A_342 : i32
      %convert_element_type3A_344 = arith.extui %lt3A_343 : i1 to i32
      %cond3A_345 = arith.constant 0 : i32
      %cond3A_346 = arith.cmpi ne, %convert_element_type3A_344, %cond3A_345 : i32
      scf.if %cond3A_346 {
        %dma_wait3A_353 = arith.constant 0 : i32
        %dma_wait3A_354 = tpu.memref_slice %arg2[%dma_wait3A_353] : memref<320000xi32, #tpu.memory_space<hbm>> -> memref<80xi32, #tpu.memory_space<hbm>>
        %dma_wait3A_355 = arith.constant 0 : i32
        %dma_wait3A_356 = tpu.memref_slice %arg2[%dma_wait3A_355] : memref<320000xi32, #tpu.memory_space<hbm>> -> memref<80xi32, #tpu.memory_space<hbm>>
        tpu.wait_dma2 semaphore(%arg33 : memref<!tpu.dma_semaphore, #tpu.memory_space<semaphore_mem>>) src(%dma_wait3A_356 : memref<80xi32, #tpu.memory_space<hbm>>) dst(%arg12 : memref<80xi32, #tpu.memory_space<vmem>>)
        %dma_wait3A_357 = arith.constant 0 : i32
        %dma_wait3A_358 = tpu.memref_slice %arg3[%dma_wait3A_357] : memref<320000xi32, #tpu.memory_space<hbm>> -> memref<80xi32, #tpu.memory_space<hbm>>
        %dma_wait3A_359 = arith.constant 0 : i32
        %dma_wait3A_360 = tpu.memref_slice %arg3[%dma_wait3A_359] : memref<320000xi32, #tpu.memory_space<hbm>> -> memref<80xi32, #tpu.memory_space<hbm>>
        tpu.wait_dma2 semaphore(%arg33 : memref<!tpu.dma_semaphore, #tpu.memory_space<semaphore_mem>>) src(%dma_wait3A_360 : memref<80xi32, #tpu.memory_space<hbm>>) dst(%arg20 : memref<80xi32, #tpu.memory_space<vmem>>)
        %dma_start3A_361 = arith.constant 0 : i32
        %dma_start3A_362 = arith.constant 0 : i32
        %dma_start3A_363 = tpu.memref_slice %arg4[%dma_start3A_361, %dma_start3A_362] : memref<10240x128xf32, #tpu.memory_space<hbm>> -> memref<10240x128xf32, #tpu.memory_space<hbm>>
        tpu.enqueue_indirect_dma source(%dma_start3A_363 : memref<10240x128xf32, #tpu.memory_space<hbm>>) target(%arg8 : memref<80x128xf32, #tpu.memory_space<vmem>>) offsets(%arg12 : memref<80xi32, #tpu.memory_space<vmem>>) semaphore(%arg29 : memref<!tpu.dma_semaphore, #tpu.memory_space<semaphore_mem>>)
      } else {
      }
      %lt3A_347 = arith.constant 125 : i32
      %lt3A_348 = arith.cmpi slt, %add3A_330, %lt3A_347 : i32
      %convert_element_type3A_349 = arith.extui %lt3A_348 : i1 to i32
      %cond3A_350 = arith.constant 0 : i32
      %cond3A_351 = arith.cmpi ne, %convert_element_type3A_349, %cond3A_350 : i32
      scf.if %cond3A_351 {
        %dma_wait3A_353 = arith.constant 0 : i32
        %dma_wait3A_354 = arith.constant 0 : i32
        %dma_wait3A_355 = tpu.memref_slice %arg4[%dma_wait3A_353, %dma_wait3A_354] : memref<10240x128xf32, #tpu.memory_space<hbm>> -> memref<10240x128xf32, #tpu.memory_space<hbm>>
        tpu.wait_indirect_dma semaphore(%arg30 : memref<!tpu.dma_semaphore, #tpu.memory_space<semaphore_mem>>) src(%dma_wait3A_355 : memref<10240x128xf32, #tpu.memory_space<hbm>>) dst(%arg9 : memref<80x128xf32, #tpu.memory_space<vmem>>)
        "tpu.region"() ({
          %run_scoped3A = tpu.sem_alloc : memref<!tpu.dma_semaphore, #tpu.memory_space<semaphore_mem>>
          %dma_start3A_356 = arith.constant 0 : i32
          %dma_start3A_357 = arith.constant 0 : i32
          %dma_start3A_358 = tpu.memref_slice %arg26[%dma_start3A_356, %dma_start3A_357] : memref<10240x128xf32, #tpu.memory_space<vmem_shared>> -> memref<10240x128xf32, #tpu.memory_space<vmem_shared>>
          tpu.enqueue_indirect_dma source(%arg9 : memref<80x128xf32, #tpu.memory_space<vmem>>) target(%dma_start3A_358 : memref<10240x128xf32, #tpu.memory_space<vmem_shared>>) offsets(%arg25 : memref<80xi32, #tpu.memory_space<vmem>>) semaphore(%run_scoped3A : memref<!tpu.dma_semaphore, #tpu.memory_space<semaphore_mem>>) {add = true}
          %dma_wait3A_359 = arith.constant 0 : i32
          %dma_wait3A_360 = arith.constant 0 : i32
          %dma_wait3A_361 = tpu.memref_slice %arg26[%dma_wait3A_359, %dma_wait3A_360] : memref<10240x128xf32, #tpu.memory_space<vmem_shared>> -> memref<10240x128xf32, #tpu.memory_space<vmem_shared>>
          tpu.wait_indirect_dma semaphore(%run_scoped3A : memref<!tpu.dma_semaphore, #tpu.memory_space<semaphore_mem>>) src(%arg9 : memref<80x128xf32, #tpu.memory_space<vmem>>) dst(%dma_wait3A_361 : memref<10240x128xf32, #tpu.memory_space<vmem_shared>>)
          tpu.yield
        }) : () -> ()
      } else {
      }
      %scan3A_352 = arith.constant 0 : i32
      scf.yield %scan3A_352 : i32
    }
    %scan3A_120 = arith.constant 16 : i32
    %barrier3A_121 = arith.constant 0 : index
    tpu.barrier barrier_id(%barrier3A_121)
    %mul3A_122 = arith.constant 640 : i32
    %mul3A_123 = arith.muli %arg1, %mul3A_122 : i32
    %add3A_124 = arith.constant 0 : i32
    %add3A_125 = arith.addi %mul3A_123, %add3A_124 : i32
    "tpu.region"() ({
      %run_scoped3A = tpu.sem_alloc : memref<!tpu.dma_semaphore, #tpu.memory_space<semaphore_mem>>
      %dma_start3A_154 = arith.constant 0 : i32
      %dma_start3A_155 = tpu.memref_slice %arg5[%arg0, %add3A_125, %dma_start3A_154] : memref<2x10240x128xf32, #tpu.memory_space<hbm>> -> memref<1x80x128xf32, #tpu.memory_space<hbm>>
      %dma_start3A_156 = tpu.memref_squeeze %dma_start3A_155 : memref<1x80x128xf32, #tpu.memory_space<hbm>> -> memref<80x128xf32, #tpu.memory_space<hbm>>
      %dma_start3A_157 = arith.constant 0 : i32
      %dma_start3A_158 = tpu.memref_slice %arg26[%add3A_125, %dma_start3A_157] : memref<10240x128xf32, #tpu.memory_space<vmem_shared>> -> memref<80x128xf32, #tpu.memory_space<vmem_shared>>
      tpu.enqueue_dma source(%dma_start3A_158 : memref<80x128xf32, #tpu.memory_space<vmem_shared>>) target(%dma_start3A_156 : memref<80x128xf32, #tpu.memory_space<hbm>>) target_semaphore(%run_scoped3A : memref<!tpu.dma_semaphore, #tpu.memory_space<semaphore_mem>>)
      %dma_wait3A_159 = arith.constant 0 : i32
      %dma_wait3A_160 = tpu.memref_slice %arg5[%arg0, %add3A_125, %dma_wait3A_159] : memref<2x10240x128xf32, #tpu.memory_space<hbm>> -> memref<1x80x128xf32, #tpu.memory_space<hbm>>
      %dma_wait3A_161 = tpu.memref_squeeze %dma_wait3A_160 : memref<1x80x128xf32, #tpu.memory_space<hbm>> -> memref<80x128xf32, #tpu.memory_space<hbm>>
      %dma_wait3A_162 = arith.constant 0 : i32
      %dma_wait3A_163 = tpu.memref_slice %arg26[%add3A_125, %dma_wait3A_162] : memref<10240x128xf32, #tpu.memory_space<vmem_shared>> -> memref<80x128xf32, #tpu.memory_space<vmem_shared>>
      tpu.wait_dma2 semaphore(%run_scoped3A : memref<!tpu.dma_semaphore, #tpu.memory_space<semaphore_mem>>) src(%dma_wait3A_163 : memref<80x128xf32, #tpu.memory_space<vmem_shared>>) dst(%dma_wait3A_161 : memref<80x128xf32, #tpu.memory_space<hbm>>)
      tpu.yield
    }) : () -> ()
    %mul3A_126 = arith.constant 640 : i32
    %mul3A_127 = arith.muli %arg1, %mul3A_126 : i32
    %add3A_128 = arith.constant 80 : i32
    %add3A_129 = arith.addi %mul3A_127, %add3A_128 : i32
    "tpu.region"() ({
      %run_scoped3A = tpu.sem_alloc : memref<!tpu.dma_semaphore, #tpu.memory_space<semaphore_mem>>
      %dma_start3A_154 = arith.constant 0 : i32
      %dma_start3A_155 = tpu.memref_slice %arg5[%arg0, %add3A_129, %dma_start3A_154] : memref<2x10240x128xf32, #tpu.memory_space<hbm>> -> memref<1x80x128xf32, #tpu.memory_space<hbm>>
      %dma_start3A_156 = tpu.memref_squeeze %dma_start3A_155 : memref<1x80x128xf32, #tpu.memory_space<hbm>> -> memref<80x128xf32, #tpu.memory_space<hbm>>
      %dma_start3A_157 = arith.constant 0 : i32
      %dma_start3A_158 = tpu.memref_slice %arg26[%add3A_129, %dma_start3A_157] : memref<10240x128xf32, #tpu.memory_space<vmem_shared>> -> memref<80x128xf32, #tpu.memory_space<vmem_shared>>
      tpu.enqueue_dma source(%dma_start3A_158 : memref<80x128xf32, #tpu.memory_space<vmem_shared>>) target(%dma_start3A_156 : memref<80x128xf32, #tpu.memory_space<hbm>>) target_semaphore(%run_scoped3A : memref<!tpu.dma_semaphore, #tpu.memory_space<semaphore_mem>>)
      %dma_wait3A_159 = arith.constant 0 : i32
      %dma_wait3A_160 = tpu.memref_slice %arg5[%arg0, %add3A_129, %dma_wait3A_159] : memref<2x10240x128xf32, #tpu.memory_space<hbm>> -> memref<1x80x128xf32, #tpu.memory_space<hbm>>
      %dma_wait3A_161 = tpu.memref_squeeze %dma_wait3A_160 : memref<1x80x128xf32, #tpu.memory_space<hbm>> -> memref<80x128xf32, #tpu.memory_space<hbm>>
      %dma_wait3A_162 = arith.constant 0 : i32
      %dma_wait3A_163 = tpu.memref_slice %arg26[%add3A_129, %dma_wait3A_162] : memref<10240x128xf32, #tpu.memory_space<vmem_shared>> -> memref<80x128xf32, #tpu.memory_space<vmem_shared>>
      tpu.wait_dma2 semaphore(%run_scoped3A : memref<!tpu.dma_semaphore, #tpu.memory_space<semaphore_mem>>) src(%dma_wait3A_163 : memref<80x128xf32, #tpu.memory_space<vmem_shared>>) dst(%dma_wait3A_161 : memref<80x128xf32, #tpu.memory_space<hbm>>)
      tpu.yield
    }) : () -> ()
    %mul3A_130 = arith.constant 640 : i32
    %mul3A_131 = arith.muli %arg1, %mul3A_130 : i32
    %add3A_132 = arith.constant 160 : i32
    %add3A_133 = arith.addi %mul3A_131, %add3A_132 : i32
    "tpu.region"() ({
      %run_scoped3A = tpu.sem_alloc : memref<!tpu.dma_semaphore, #tpu.memory_space<semaphore_mem>>
      %dma_start3A_154 = arith.constant 0 : i32
      %dma_start3A_155 = tpu.memref_slice %arg5[%arg0, %add3A_133, %dma_start3A_154] : memref<2x10240x128xf32, #tpu.memory_space<hbm>> -> memref<1x80x128xf32, #tpu.memory_space<hbm>>
      %dma_start3A_156 = tpu.memref_squeeze %dma_start3A_155 : memref<1x80x128xf32, #tpu.memory_space<hbm>> -> memref<80x128xf32, #tpu.memory_space<hbm>>
      %dma_start3A_157 = arith.constant 0 : i32
      %dma_start3A_158 = tpu.memref_slice %arg26[%add3A_133, %dma_start3A_157] : memref<10240x128xf32, #tpu.memory_space<vmem_shared>> -> memref<80x128xf32, #tpu.memory_space<vmem_shared>>
      tpu.enqueue_dma source(%dma_start3A_158 : memref<80x128xf32, #tpu.memory_space<vmem_shared>>) target(%dma_start3A_156 : memref<80x128xf32, #tpu.memory_space<hbm>>) target_semaphore(%run_scoped3A : memref<!tpu.dma_semaphore, #tpu.memory_space<semaphore_mem>>)
      %dma_wait3A_159 = arith.constant 0 : i32
      %dma_wait3A_160 = tpu.memref_slice %arg5[%arg0, %add3A_133, %dma_wait3A_159] : memref<2x10240x128xf32, #tpu.memory_space<hbm>> -> memref<1x80x128xf32, #tpu.memory_space<hbm>>
      %dma_wait3A_161 = tpu.memref_squeeze %dma_wait3A_160 : memref<1x80x128xf32, #tpu.memory_space<hbm>> -> memref<80x128xf32, #tpu.memory_space<hbm>>
      %dma_wait3A_162 = arith.constant 0 : i32
      %dma_wait3A_163 = tpu.memref_slice %arg26[%add3A_133, %dma_wait3A_162] : memref<10240x128xf32, #tpu.memory_space<vmem_shared>> -> memref<80x128xf32, #tpu.memory_space<vmem_shared>>
      tpu.wait_dma2 semaphore(%run_scoped3A : memref<!tpu.dma_semaphore, #tpu.memory_space<semaphore_mem>>) src(%dma_wait3A_163 : memref<80x128xf32, #tpu.memory_space<vmem_shared>>) dst(%dma_wait3A_161 : memref<80x128xf32, #tpu.memory_space<hbm>>)
      tpu.yield
    }) : () -> ()
    %mul3A_134 = arith.constant 640 : i32
    %mul3A_135 = arith.muli %arg1, %mul3A_134 : i32
    %add3A_136 = arith.constant 240 : i32
    %add3A_137 = arith.addi %mul3A_135, %add3A_136 : i32
    "tpu.region"() ({
      %run_scoped3A = tpu.sem_alloc : memref<!tpu.dma_semaphore, #tpu.memory_space<semaphore_mem>>
      %dma_start3A_154 = arith.constant 0 : i32
      %dma_start3A_155 = tpu.memref_slice %arg5[%arg0, %add3A_137, %dma_start3A_154] : memref<2x10240x128xf32, #tpu.memory_space<hbm>> -> memref<1x80x128xf32, #tpu.memory_space<hbm>>
      %dma_start3A_156 = tpu.memref_squeeze %dma_start3A_155 : memref<1x80x128xf32, #tpu.memory_space<hbm>> -> memref<80x128xf32, #tpu.memory_space<hbm>>
      %dma_start3A_157 = arith.constant 0 : i32
      %dma_start3A_158 = tpu.memref_slice %arg26[%add3A_137, %dma_start3A_157] : memref<10240x128xf32, #tpu.memory_space<vmem_shared>> -> memref<80x128xf32, #tpu.memory_space<vmem_shared>>
      tpu.enqueue_dma source(%dma_start3A_158 : memref<80x128xf32, #tpu.memory_space<vmem_shared>>) target(%dma_start3A_156 : memref<80x128xf32, #tpu.memory_space<hbm>>) target_semaphore(%run_scoped3A : memref<!tpu.dma_semaphore, #tpu.memory_space<semaphore_mem>>)
      %dma_wait3A_159 = arith.constant 0 : i32
      %dma_wait3A_160 = tpu.memref_slice %arg5[%arg0, %add3A_137, %dma_wait3A_159] : memref<2x10240x128xf32, #tpu.memory_space<hbm>> -> memref<1x80x128xf32, #tpu.memory_space<hbm>>
      %dma_wait3A_161 = tpu.memref_squeeze %dma_wait3A_160 : memref<1x80x128xf32, #tpu.memory_space<hbm>> -> memref<80x128xf32, #tpu.memory_space<hbm>>
      %dma_wait3A_162 = arith.constant 0 : i32
      %dma_wait3A_163 = tpu.memref_slice %arg26[%add3A_137, %dma_wait3A_162] : memref<10240x128xf32, #tpu.memory_space<vmem_shared>> -> memref<80x128xf32, #tpu.memory_space<vmem_shared>>
      tpu.wait_dma2 semaphore(%run_scoped3A : memref<!tpu.dma_semaphore, #tpu.memory_space<semaphore_mem>>) src(%dma_wait3A_163 : memref<80x128xf32, #tpu.memory_space<vmem_shared>>) dst(%dma_wait3A_161 : memref<80x128xf32, #tpu.memory_space<hbm>>)
      tpu.yield
    }) : () -> ()
    %mul3A_138 = arith.constant 640 : i32
    %mul3A_139 = arith.muli %arg1, %mul3A_138 : i32
    %add3A_140 = arith.constant 320 : i32
    %add3A_141 = arith.addi %mul3A_139, %add3A_140 : i32
    "tpu.region"() ({
      %run_scoped3A = tpu.sem_alloc : memref<!tpu.dma_semaphore, #tpu.memory_space<semaphore_mem>>
      %dma_start3A_154 = arith.constant 0 : i32
      %dma_start3A_155 = tpu.memref_slice %arg5[%arg0, %add3A_141, %dma_start3A_154] : memref<2x10240x128xf32, #tpu.memory_space<hbm>> -> memref<1x80x128xf32, #tpu.memory_space<hbm>>
      %dma_start3A_156 = tpu.memref_squeeze %dma_start3A_155 : memref<1x80x128xf32, #tpu.memory_space<hbm>> -> memref<80x128xf32, #tpu.memory_space<hbm>>
      %dma_start3A_157 = arith.constant 0 : i32
      %dma_start3A_158 = tpu.memref_slice %arg26[%add3A_141, %dma_start3A_157] : memref<10240x128xf32, #tpu.memory_space<vmem_shared>> -> memref<80x128xf32, #tpu.memory_space<vmem_shared>>
      tpu.enqueue_dma source(%dma_start3A_158 : memref<80x128xf32, #tpu.memory_space<vmem_shared>>) target(%dma_start3A_156 : memref<80x128xf32, #tpu.memory_space<hbm>>) target_semaphore(%run_scoped3A : memref<!tpu.dma_semaphore, #tpu.memory_space<semaphore_mem>>)
      %dma_wait3A_159 = arith.constant 0 : i32
      %dma_wait3A_160 = tpu.memref_slice %arg5[%arg0, %add3A_141, %dma_wait3A_159] : memref<2x10240x128xf32, #tpu.memory_space<hbm>> -> memref<1x80x128xf32, #tpu.memory_space<hbm>>
      %dma_wait3A_161 = tpu.memref_squeeze %dma_wait3A_160 : memref<1x80x128xf32, #tpu.memory_space<hbm>> -> memref<80x128xf32, #tpu.memory_space<hbm>>
      %dma_wait3A_162 = arith.constant 0 : i32
      %dma_wait3A_163 = tpu.memref_slice %arg26[%add3A_141, %dma_wait3A_162] : memref<10240x128xf32, #tpu.memory_space<vmem_shared>> -> memref<80x128xf32, #tpu.memory_space<vmem_shared>>
      tpu.wait_dma2 semaphore(%run_scoped3A : memref<!tpu.dma_semaphore, #tpu.memory_space<semaphore_mem>>) src(%dma_wait3A_163 : memref<80x128xf32, #tpu.memory_space<vmem_shared>>) dst(%dma_wait3A_161 : memref<80x128xf32, #tpu.memory_space<hbm>>)
      tpu.yield
    }) : () -> ()
    %mul3A_142 = arith.constant 640 : i32
    %mul3A_143 = arith.muli %arg1, %mul3A_142 : i32
    %add3A_144 = arith.constant 400 : i32
    %add3A_145 = arith.addi %mul3A_143, %add3A_144 : i32
    "tpu.region"() ({
      %run_scoped3A = tpu.sem_alloc : memref<!tpu.dma_semaphore, #tpu.memory_space<semaphore_mem>>
      %dma_start3A_154 = arith.constant 0 : i32
      %dma_start3A_155 = tpu.memref_slice %arg5[%arg0, %add3A_145, %dma_start3A_154] : memref<2x10240x128xf32, #tpu.memory_space<hbm>> -> memref<1x80x128xf32, #tpu.memory_space<hbm>>
      %dma_start3A_156 = tpu.memref_squeeze %dma_start3A_155 : memref<1x80x128xf32, #tpu.memory_space<hbm>> -> memref<80x128xf32, #tpu.memory_space<hbm>>
      %dma_start3A_157 = arith.constant 0 : i32
      %dma_start3A_158 = tpu.memref_slice %arg26[%add3A_145, %dma_start3A_157] : memref<10240x128xf32, #tpu.memory_space<vmem_shared>> -> memref<80x128xf32, #tpu.memory_space<vmem_shared>>
      tpu.enqueue_dma source(%dma_start3A_158 : memref<80x128xf32, #tpu.memory_space<vmem_shared>>) target(%dma_start3A_156 : memref<80x128xf32, #tpu.memory_space<hbm>>) target_semaphore(%run_scoped3A : memref<!tpu.dma_semaphore, #tpu.memory_space<semaphore_mem>>)
      %dma_wait3A_159 = arith.constant 0 : i32
      %dma_wait3A_160 = tpu.memref_slice %arg5[%arg0, %add3A_145, %dma_wait3A_159] : memref<2x10240x128xf32, #tpu.memory_space<hbm>> -> memref<1x80x128xf32, #tpu.memory_space<hbm>>
      %dma_wait3A_161 = tpu.memref_squeeze %dma_wait3A_160 : memref<1x80x128xf32, #tpu.memory_space<hbm>> -> memref<80x128xf32, #tpu.memory_space<hbm>>
      %dma_wait3A_162 = arith.constant 0 : i32
      %dma_wait3A_163 = tpu.memref_slice %arg26[%add3A_145, %dma_wait3A_162] : memref<10240x128xf32, #tpu.memory_space<vmem_shared>> -> memref<80x128xf32, #tpu.memory_space<vmem_shared>>
      tpu.wait_dma2 semaphore(%run_scoped3A : memref<!tpu.dma_semaphore, #tpu.memory_space<semaphore_mem>>) src(%dma_wait3A_163 : memref<80x128xf32, #tpu.memory_space<vmem_shared>>) dst(%dma_wait3A_161 : memref<80x128xf32, #tpu.memory_space<hbm>>)
      tpu.yield
    }) : () -> ()
    %mul3A_146 = arith.constant 640 : i32
    %mul3A_147 = arith.muli %arg1, %mul3A_146 : i32
    %add3A_148 = arith.constant 480 : i32
    %add3A_149 = arith.addi %mul3A_147, %add3A_148 : i32
    "tpu.region"() ({
      %run_scoped3A = tpu.sem_alloc : memref<!tpu.dma_semaphore, #tpu.memory_space<semaphore_mem>>
      %dma_start3A_154 = arith.constant 0 : i32
      %dma_start3A_155 = tpu.memref_slice %arg5[%arg0, %add3A_149, %dma_start3A_154] : memref<2x10240x128xf32, #tpu.memory_space<hbm>> -> memref<1x80x128xf32, #tpu.memory_space<hbm>>
      %dma_start3A_156 = tpu.memref_squeeze %dma_start3A_155 : memref<1x80x128xf32, #tpu.memory_space<hbm>> -> memref<80x128xf32, #tpu.memory_space<hbm>>
      %dma_start3A_157 = arith.constant 0 : i32
      %dma_start3A_158 = tpu.memref_slice %arg26[%add3A_149, %dma_start3A_157] : memref<10240x128xf32, #tpu.memory_space<vmem_shared>> -> memref<80x128xf32, #tpu.memory_space<vmem_shared>>
      tpu.enqueue_dma source(%dma_start3A_158 : memref<80x128xf32, #tpu.memory_space<vmem_shared>>) target(%dma_start3A_156 : memref<80x128xf32, #tpu.memory_space<hbm>>) target_semaphore(%run_scoped3A : memref<!tpu.dma_semaphore, #tpu.memory_space<semaphore_mem>>)
      %dma_wait3A_159 = arith.constant 0 : i32
      %dma_wait3A_160 = tpu.memref_slice %arg5[%arg0, %add3A_149, %dma_wait3A_159] : memref<2x10240x128xf32, #tpu.memory_space<hbm>> -> memref<1x80x128xf32, #tpu.memory_space<hbm>>
      %dma_wait3A_161 = tpu.memref_squeeze %dma_wait3A_160 : memref<1x80x128xf32, #tpu.memory_space<hbm>> -> memref<80x128xf32, #tpu.memory_space<hbm>>
      %dma_wait3A_162 = arith.constant 0 : i32
      %dma_wait3A_163 = tpu.memref_slice %arg26[%add3A_149, %dma_wait3A_162] : memref<10240x128xf32, #tpu.memory_space<vmem_shared>> -> memref<80x128xf32, #tpu.memory_space<vmem_shared>>
      tpu.wait_dma2 semaphore(%run_scoped3A : memref<!tpu.dma_semaphore, #tpu.memory_space<semaphore_mem>>) src(%dma_wait3A_163 : memref<80x128xf32, #tpu.memory_space<vmem_shared>>) dst(%dma_wait3A_161 : memref<80x128xf32, #tpu.memory_space<hbm>>)
      tpu.yield
    }) : () -> ()
    %mul3A_150 = arith.constant 640 : i32
    %mul3A_151 = arith.muli %arg1, %mul3A_150 : i32
    %add3A_152 = arith.constant 560 : i32
    %add3A_153 = arith.addi %mul3A_151, %add3A_152 : i32
    "tpu.region"() ({
      %run_scoped3A = tpu.sem_alloc : memref<!tpu.dma_semaphore, #tpu.memory_space<semaphore_mem>>
      %dma_start3A_154 = arith.constant 0 : i32
      %dma_start3A_155 = tpu.memref_slice %arg5[%arg0, %add3A_153, %dma_start3A_154] : memref<2x10240x128xf32, #tpu.memory_space<hbm>> -> memref<1x80x128xf32, #tpu.memory_space<hbm>>
      %dma_start3A_156 = tpu.memref_squeeze %dma_start3A_155 : memref<1x80x128xf32, #tpu.memory_space<hbm>> -> memref<80x128xf32, #tpu.memory_space<hbm>>
      %dma_start3A_157 = arith.constant 0 : i32
      %dma_start3A_158 = tpu.memref_slice %arg26[%add3A_153, %dma_start3A_157] : memref<10240x128xf32, #tpu.memory_space<vmem_shared>> -> memref<80x128xf32, #tpu.memory_space<vmem_shared>>
      tpu.enqueue_dma source(%dma_start3A_158 : memref<80x128xf32, #tpu.memory_space<vmem_shared>>) target(%dma_start3A_156 : memref<80x128xf32, #tpu.memory_space<hbm>>) target_semaphore(%run_scoped3A : memref<!tpu.dma_semaphore, #tpu.memory_space<semaphore_mem>>)
      %dma_wait3A_159 = arith.constant 0 : i32
      %dma_wait3A_160 = tpu.memref_slice %arg5[%arg0, %add3A_153, %dma_wait3A_159] : memref<2x10240x128xf32, #tpu.memory_space<hbm>> -> memref<1x80x128xf32, #tpu.memory_space<hbm>>
      %dma_wait3A_161 = tpu.memref_squeeze %dma_wait3A_160 : memref<1x80x128xf32, #tpu.memory_space<hbm>> -> memref<80x128xf32, #tpu.memory_space<hbm>>
      %dma_wait3A_162 = arith.constant 0 : i32
      %dma_wait3A_163 = tpu.memref_slice %arg26[%add3A_153, %dma_wait3A_162] : memref<10240x128xf32, #tpu.memory_space<vmem_shared>> -> memref<80x128xf32, #tpu.memory_space<vmem_shared>>
      tpu.wait_dma2 semaphore(%run_scoped3A : memref<!tpu.dma_semaphore, #tpu.memory_space<semaphore_mem>>) src(%dma_wait3A_163 : memref<80x128xf32, #tpu.memory_space<vmem_shared>>) dst(%dma_wait3A_161 : memref<80x128xf32, #tpu.memory_space<hbm>>)
      tpu.yield
    }) : () -> ()
    return
  }
}

#map = affine_map<(d0, d1) -> (0)>
#map1 = affine_map<(d0, d1) -> (0, 0, 0)>
module attributes {stable_mosaic.version = 14 : i64} {
  func.func @_sc_deg(%arg0: i32, %arg1: i32, %arg2: memref<320000xi32, #tpu.memory_space<hbm>>, %arg3: memref<2x10240x128xf32, #tpu.memory_space<hbm>>, %arg4: memref<80x128xf32, #tpu.memory_space<vmem>>, %arg5: memref<10000xi32, #tpu.memory_space<vmem>>, %arg6: memref<80xi32, #tpu.memory_space<vmem>>, %arg7: memref<80xi32, #tpu.memory_space<vmem>>, %arg8: memref<80xi32, #tpu.memory_space<vmem>>, %arg9: memref<80xi32, #tpu.memory_space<vmem>>, %arg10: memref<10240x128xf32, #tpu.memory_space<vmem_shared>>, %arg11: memref<!tpu.dma_semaphore, #tpu.memory_space<semaphore_mem>>, %arg12: memref<!tpu.dma_semaphore, #tpu.memory_space<semaphore_mem>>, %arg13: memref<!tpu.dma_semaphore, #tpu.memory_space<semaphore_mem>>, %arg14: memref<!tpu.dma_semaphore, #tpu.memory_space<semaphore_mem>>, %arg15: memref<!tpu.dma_semaphore, #tpu.memory_space<semaphore_mem>>) attributes {dimension_semantics = [#tpu.dimension_semantics<core_parallel>, #tpu.dimension_semantics<subcore_parallel>], iteration_bounds = array<i64: 2, 16>, scalar_prefetch = 0 : i64, scratch_operands = 12 : i64, tpu.core_type = #tpu.core_type<sc_vector_subcore>, window_params = [{transform_indices = #map}, {transform_indices = #map1}]} {
    %mul3A = arith.constant 160000 : i32
    %mul3A_0 = arith.muli %arg0, %mul3A : i32
    %mul3A_1 = arith.constant 10000 : i32
    %mul3A_2 = arith.muli %arg1, %mul3A_1 : i32
    %add3A = arith.addi %mul3A_0, %mul3A_2 : i32
    %dma_start3A = tpu.memref_slice %arg2[%add3A] : memref<320000xi32, #tpu.memory_space<hbm>> -> memref<10000xi32, #tpu.memory_space<hbm>>
    %dma_start3A_3 = tpu.memref_slice %arg2[%add3A] : memref<320000xi32, #tpu.memory_space<hbm>> -> memref<10000xi32, #tpu.memory_space<hbm>>
    tpu.enqueue_dma source(%dma_start3A_3 : memref<10000xi32, #tpu.memory_space<hbm>>) target(%arg5 : memref<10000xi32, #tpu.memory_space<vmem>>) target_semaphore(%arg11 : memref<!tpu.dma_semaphore, #tpu.memory_space<semaphore_mem>>)
    %scan3A = arith.constant 0 : i32
    %scan3A_4 = arith.constant 0 : i32
    %scan3A_5 = arith.constant 80 : i32
    %scan3A_6 = arith.addi %scan3A_4, %scan3A_5 : i32
    %scan3A_7 = arith.constant 1 : i32
    %scan3A_8 = scf.for %scan3A_102 = %scan3A_4 to %scan3A_6 step %scan3A_7 iter_args(%scan3A_103 = %scan3A) -> (i32)  : i32 {
      %broadcast_in_dim3A = arith.constant 0.000000e+00 : f32
      %broadcast_in_dim3A_104 = vector.broadcast %broadcast_in_dim3A : f32 to vector<16xf32>
      %swap3A = arith.index_cast %scan3A_102 : i32 to index
      %swap3A_105 = arith.constant 0 : index
      %swap3A_106 = tpu.vector_load %arg4[%swap3A, %swap3A_105] {strides = array<i32>} : memref<80x128xf32, #tpu.memory_space<vmem>>, vector<1x16xf32>,
      %swap3A_107 = vector.shape_cast %swap3A_106 : vector<1x16xf32> to vector<16xf32>
      %swap3A_108 = vector.shape_cast %broadcast_in_dim3A_104 : vector<16xf32> to vector<1x16xf32>
      tpu.vector_store %arg4[%swap3A, %swap3A_105], %swap3A_108 {strides = array<i32>} : memref<80x128xf32, #tpu.memory_space<vmem>>, vector<1x16xf32>,
      %broadcast_in_dim3A_109 = arith.constant 0.000000e+00 : f32
      %broadcast_in_dim3A_110 = vector.broadcast %broadcast_in_dim3A_109 : f32 to vector<16xf32>
      %swap3A_111 = arith.index_cast %scan3A_102 : i32 to index
      %swap3A_112 = arith.constant 16 : index
      %swap3A_113 = tpu.vector_load %arg4[%swap3A_111, %swap3A_112] {strides = array<i32>} : memref<80x128xf32, #tpu.memory_space<vmem>>, vector<1x16xf32>,
      %swap3A_114 = vector.shape_cast %swap3A_113 : vector<1x16xf32> to vector<16xf32>
      %swap3A_115 = vector.shape_cast %broadcast_in_dim3A_110 : vector<16xf32> to vector<1x16xf32>
      tpu.vector_store %arg4[%swap3A_111, %swap3A_112], %swap3A_115 {strides = array<i32>} : memref<80x128xf32, #tpu.memory_space<vmem>>, vector<1x16xf32>,
      %broadcast_in_dim3A_116 = arith.constant 0.000000e+00 : f32
      %broadcast_in_dim3A_117 = vector.broadcast %broadcast_in_dim3A_116 : f32 to vector<16xf32>
      %swap3A_118 = arith.index_cast %scan3A_102 : i32 to index
      %swap3A_119 = arith.constant 32 : index
      %swap3A_120 = tpu.vector_load %arg4[%swap3A_118, %swap3A_119] {strides = array<i32>} : memref<80x128xf32, #tpu.memory_space<vmem>>, vector<1x16xf32>,
      %swap3A_121 = vector.shape_cast %swap3A_120 : vector<1x16xf32> to vector<16xf32>
      %swap3A_122 = vector.shape_cast %broadcast_in_dim3A_117 : vector<16xf32> to vector<1x16xf32>
      tpu.vector_store %arg4[%swap3A_118, %swap3A_119], %swap3A_122 {strides = array<i32>} : memref<80x128xf32, #tpu.memory_space<vmem>>, vector<1x16xf32>,
      %broadcast_in_dim3A_123 = arith.constant 0.000000e+00 : f32
      %broadcast_in_dim3A_124 = vector.broadcast %broadcast_in_dim3A_123 : f32 to vector<16xf32>
      %swap3A_125 = arith.index_cast %scan3A_102 : i32 to index
      %swap3A_126 = arith.constant 48 : index
      %swap3A_127 = tpu.vector_load %arg4[%swap3A_125, %swap3A_126] {strides = array<i32>} : memref<80x128xf32, #tpu.memory_space<vmem>>, vector<1x16xf32>,
      %swap3A_128 = vector.shape_cast %swap3A_127 : vector<1x16xf32> to vector<16xf32>
      %swap3A_129 = vector.shape_cast %broadcast_in_dim3A_124 : vector<16xf32> to vector<1x16xf32>
      tpu.vector_store %arg4[%swap3A_125, %swap3A_126], %swap3A_129 {strides = array<i32>} : memref<80x128xf32, #tpu.memory_space<vmem>>, vector<1x16xf32>,
      %broadcast_in_dim3A_130 = arith.constant 0.000000e+00 : f32
      %broadcast_in_dim3A_131 = vector.broadcast %broadcast_in_dim3A_130 : f32 to vector<16xf32>
      %swap3A_132 = arith.index_cast %scan3A_102 : i32 to index
      %swap3A_133 = arith.constant 64 : index
      %swap3A_134 = tpu.vector_load %arg4[%swap3A_132, %swap3A_133] {strides = array<i32>} : memref<80x128xf32, #tpu.memory_space<vmem>>, vector<1x16xf32>,
      %swap3A_135 = vector.shape_cast %swap3A_134 : vector<1x16xf32> to vector<16xf32>
      %swap3A_136 = vector.shape_cast %broadcast_in_dim3A_131 : vector<16xf32> to vector<1x16xf32>
      tpu.vector_store %arg4[%swap3A_132, %swap3A_133], %swap3A_136 {strides = array<i32>} : memref<80x128xf32, #tpu.memory_space<vmem>>, vector<1x16xf32>,
      %broadcast_in_dim3A_137 = arith.constant 0.000000e+00 : f32
      %broadcast_in_dim3A_138 = vector.broadcast %broadcast_in_dim3A_137 : f32 to vector<16xf32>
      %swap3A_139 = arith.index_cast %scan3A_102 : i32 to index
      %swap3A_140 = arith.constant 80 : index
      %swap3A_141 = tpu.vector_load %arg4[%swap3A_139, %swap3A_140] {strides = array<i32>} : memref<80x128xf32, #tpu.memory_space<vmem>>, vector<1x16xf32>,
      %swap3A_142 = vector.shape_cast %swap3A_141 : vector<1x16xf32> to vector<16xf32>
      %swap3A_143 = vector.shape_cast %broadcast_in_dim3A_138 : vector<16xf32> to vector<1x16xf32>
      tpu.vector_store %arg4[%swap3A_139, %swap3A_140], %swap3A_143 {strides = array<i32>} : memref<80x128xf32, #tpu.memory_space<vmem>>, vector<1x16xf32>,
      %broadcast_in_dim3A_144 = arith.constant 0.000000e+00 : f32
      %broadcast_in_dim3A_145 = vector.broadcast %broadcast_in_dim3A_144 : f32 to vector<16xf32>
      %swap3A_146 = arith.index_cast %scan3A_102 : i32 to index
      %swap3A_147 = arith.constant 96 : index
      %swap3A_148 = tpu.vector_load %arg4[%swap3A_146, %swap3A_147] {strides = array<i32>} : memref<80x128xf32, #tpu.memory_space<vmem>>, vector<1x16xf32>,
      %swap3A_149 = vector.shape_cast %swap3A_148 : vector<1x16xf32> to vector<16xf32>
      %swap3A_150 = vector.shape_cast %broadcast_in_dim3A_145 : vector<16xf32> to vector<1x16xf32>
      tpu.vector_store %arg4[%swap3A_146, %swap3A_147], %swap3A_150 {strides = array<i32>} : memref<80x128xf32, #tpu.memory_space<vmem>>, vector<1x16xf32>,
      %broadcast_in_dim3A_151 = arith.constant 0.000000e+00 : f32
      %broadcast_in_dim3A_152 = vector.broadcast %broadcast_in_dim3A_151 : f32 to vector<16xf32>
      %swap3A_153 = arith.index_cast %scan3A_102 : i32 to index
      %swap3A_154 = arith.constant 112 : index
      %swap3A_155 = tpu.vector_load %arg4[%swap3A_153, %swap3A_154] {strides = array<i32>} : memref<80x128xf32, #tpu.memory_space<vmem>>, vector<1x16xf32>,
      %swap3A_156 = vector.shape_cast %swap3A_155 : vector<1x16xf32> to vector<16xf32>
      %swap3A_157 = vector.shape_cast %broadcast_in_dim3A_152 : vector<16xf32> to vector<1x16xf32>
      tpu.vector_store %arg4[%swap3A_153, %swap3A_154], %swap3A_157 {strides = array<i32>} : memref<80x128xf32, #tpu.memory_space<vmem>>, vector<1x16xf32>,
      %scan3A_158 = arith.constant 0 : i32
      scf.yield %scan3A_158 : i32
    }
    %scan3A_9 = arith.constant 80 : i32
    %mul3A_10 = arith.constant 640 : i32
    %mul3A_11 = arith.muli %arg1, %mul3A_10 : i32
    %add3A_12 = arith.constant 0 : i32
    %add3A_13 = arith.addi %mul3A_11, %add3A_12 : i32
    "tpu.region"() ({
      %run_scoped3A = tpu.sem_alloc : memref<!tpu.dma_semaphore, #tpu.memory_space<semaphore_mem>>
      %dma_start3A_102 = arith.constant 0 : i32
      %dma_start3A_103 = tpu.memref_slice %arg10[%add3A_13, %dma_start3A_102] : memref<10240x128xf32, #tpu.memory_space<vmem_shared>> -> memref<80x128xf32, #tpu.memory_space<vmem_shared>>
      %dma_start3A_104 = arith.constant 0 : i32
      %dma_start3A_105 = tpu.memref_slice %arg10[%add3A_13, %dma_start3A_104] : memref<10240x128xf32, #tpu.memory_space<vmem_shared>> -> memref<80x128xf32, #tpu.memory_space<vmem_shared>>
      tpu.enqueue_dma source(%arg4 : memref<80x128xf32, #tpu.memory_space<vmem>>) target(%dma_start3A_105 : memref<80x128xf32, #tpu.memory_space<vmem_shared>>) target_semaphore(%run_scoped3A : memref<!tpu.dma_semaphore, #tpu.memory_space<semaphore_mem>>)
      %dma_wait3A_106 = arith.constant 0 : i32
      %dma_wait3A_107 = tpu.memref_slice %arg10[%add3A_13, %dma_wait3A_106] : memref<10240x128xf32, #tpu.memory_space<vmem_shared>> -> memref<80x128xf32, #tpu.memory_space<vmem_shared>>
      %dma_wait3A_108 = arith.constant 0 : i32
      %dma_wait3A_109 = tpu.memref_slice %arg10[%add3A_13, %dma_wait3A_108] : memref<10240x128xf32, #tpu.memory_space<vmem_shared>> -> memref<80x128xf32, #tpu.memory_space<vmem_shared>>
      tpu.wait_dma2 semaphore(%run_scoped3A : memref<!tpu.dma_semaphore, #tpu.memory_space<semaphore_mem>>) src(%arg4 : memref<80x128xf32, #tpu.memory_space<vmem>>) dst(%dma_wait3A_109 : memref<80x128xf32, #tpu.memory_space<vmem_shared>>)
      tpu.yield
    }) : () -> ()
    %mul3A_14 = arith.constant 640 : i32
    %mul3A_15 = arith.muli %arg1, %mul3A_14 : i32
    %add3A_16 = arith.constant 80 : i32
    %add3A_17 = arith.addi %mul3A_15, %add3A_16 : i32
    "tpu.region"() ({
      %run_scoped3A = tpu.sem_alloc : memref<!tpu.dma_semaphore, #tpu.memory_space<semaphore_mem>>
      %dma_start3A_102 = arith.constant 0 : i32
      %dma_start3A_103 = tpu.memref_slice %arg10[%add3A_17, %dma_start3A_102] : memref<10240x128xf32, #tpu.memory_space<vmem_shared>> -> memref<80x128xf32, #tpu.memory_space<vmem_shared>>
      %dma_start3A_104 = arith.constant 0 : i32
      %dma_start3A_105 = tpu.memref_slice %arg10[%add3A_17, %dma_start3A_104] : memref<10240x128xf32, #tpu.memory_space<vmem_shared>> -> memref<80x128xf32, #tpu.memory_space<vmem_shared>>
      tpu.enqueue_dma source(%arg4 : memref<80x128xf32, #tpu.memory_space<vmem>>) target(%dma_start3A_105 : memref<80x128xf32, #tpu.memory_space<vmem_shared>>) target_semaphore(%run_scoped3A : memref<!tpu.dma_semaphore, #tpu.memory_space<semaphore_mem>>)
      %dma_wait3A_106 = arith.constant 0 : i32
      %dma_wait3A_107 = tpu.memref_slice %arg10[%add3A_17, %dma_wait3A_106] : memref<10240x128xf32, #tpu.memory_space<vmem_shared>> -> memref<80x128xf32, #tpu.memory_space<vmem_shared>>
      %dma_wait3A_108 = arith.constant 0 : i32
      %dma_wait3A_109 = tpu.memref_slice %arg10[%add3A_17, %dma_wait3A_108] : memref<10240x128xf32, #tpu.memory_space<vmem_shared>> -> memref<80x128xf32, #tpu.memory_space<vmem_shared>>
      tpu.wait_dma2 semaphore(%run_scoped3A : memref<!tpu.dma_semaphore, #tpu.memory_space<semaphore_mem>>) src(%arg4 : memref<80x128xf32, #tpu.memory_space<vmem>>) dst(%dma_wait3A_109 : memref<80x128xf32, #tpu.memory_space<vmem_shared>>)
      tpu.yield
    }) : () -> ()
    %mul3A_18 = arith.constant 640 : i32
    %mul3A_19 = arith.muli %arg1, %mul3A_18 : i32
    %add3A_20 = arith.constant 160 : i32
    %add3A_21 = arith.addi %mul3A_19, %add3A_20 : i32
    "tpu.region"() ({
      %run_scoped3A = tpu.sem_alloc : memref<!tpu.dma_semaphore, #tpu.memory_space<semaphore_mem>>
      %dma_start3A_102 = arith.constant 0 : i32
      %dma_start3A_103 = tpu.memref_slice %arg10[%add3A_21, %dma_start3A_102] : memref<10240x128xf32, #tpu.memory_space<vmem_shared>> -> memref<80x128xf32, #tpu.memory_space<vmem_shared>>
      %dma_start3A_104 = arith.constant 0 : i32
      %dma_start3A_105 = tpu.memref_slice %arg10[%add3A_21, %dma_start3A_104] : memref<10240x128xf32, #tpu.memory_space<vmem_shared>> -> memref<80x128xf32, #tpu.memory_space<vmem_shared>>
      tpu.enqueue_dma source(%arg4 : memref<80x128xf32, #tpu.memory_space<vmem>>) target(%dma_start3A_105 : memref<80x128xf32, #tpu.memory_space<vmem_shared>>) target_semaphore(%run_scoped3A : memref<!tpu.dma_semaphore, #tpu.memory_space<semaphore_mem>>)
      %dma_wait3A_106 = arith.constant 0 : i32
      %dma_wait3A_107 = tpu.memref_slice %arg10[%add3A_21, %dma_wait3A_106] : memref<10240x128xf32, #tpu.memory_space<vmem_shared>> -> memref<80x128xf32, #tpu.memory_space<vmem_shared>>
      %dma_wait3A_108 = arith.constant 0 : i32
      %dma_wait3A_109 = tpu.memref_slice %arg10[%add3A_21, %dma_wait3A_108] : memref<10240x128xf32, #tpu.memory_space<vmem_shared>> -> memref<80x128xf32, #tpu.memory_space<vmem_shared>>
      tpu.wait_dma2 semaphore(%run_scoped3A : memref<!tpu.dma_semaphore, #tpu.memory_space<semaphore_mem>>) src(%arg4 : memref<80x128xf32, #tpu.memory_space<vmem>>) dst(%dma_wait3A_109 : memref<80x128xf32, #tpu.memory_space<vmem_shared>>)
      tpu.yield
    }) : () -> ()
    %mul3A_22 = arith.constant 640 : i32
    %mul3A_23 = arith.muli %arg1, %mul3A_22 : i32
    %add3A_24 = arith.constant 240 : i32
    %add3A_25 = arith.addi %mul3A_23, %add3A_24 : i32
    "tpu.region"() ({
      %run_scoped3A = tpu.sem_alloc : memref<!tpu.dma_semaphore, #tpu.memory_space<semaphore_mem>>
      %dma_start3A_102 = arith.constant 0 : i32
      %dma_start3A_103 = tpu.memref_slice %arg10[%add3A_25, %dma_start3A_102] : memref<10240x128xf32, #tpu.memory_space<vmem_shared>> -> memref<80x128xf32, #tpu.memory_space<vmem_shared>>
      %dma_start3A_104 = arith.constant 0 : i32
      %dma_start3A_105 = tpu.memref_slice %arg10[%add3A_25, %dma_start3A_104] : memref<10240x128xf32, #tpu.memory_space<vmem_shared>> -> memref<80x128xf32, #tpu.memory_space<vmem_shared>>
      tpu.enqueue_dma source(%arg4 : memref<80x128xf32, #tpu.memory_space<vmem>>) target(%dma_start3A_105 : memref<80x128xf32, #tpu.memory_space<vmem_shared>>) target_semaphore(%run_scoped3A : memref<!tpu.dma_semaphore, #tpu.memory_space<semaphore_mem>>)
      %dma_wait3A_106 = arith.constant 0 : i32
      %dma_wait3A_107 = tpu.memref_slice %arg10[%add3A_25, %dma_wait3A_106] : memref<10240x128xf32, #tpu.memory_space<vmem_shared>> -> memref<80x128xf32, #tpu.memory_space<vmem_shared>>
      %dma_wait3A_108 = arith.constant 0 : i32
      %dma_wait3A_109 = tpu.memref_slice %arg10[%add3A_25, %dma_wait3A_108] : memref<10240x128xf32, #tpu.memory_space<vmem_shared>> -> memref<80x128xf32, #tpu.memory_space<vmem_shared>>
      tpu.wait_dma2 semaphore(%run_scoped3A : memref<!tpu.dma_semaphore, #tpu.memory_space<semaphore_mem>>) src(%arg4 : memref<80x128xf32, #tpu.memory_space<vmem>>) dst(%dma_wait3A_109 : memref<80x128xf32, #tpu.memory_space<vmem_shared>>)
      tpu.yield
    }) : () -> ()
    %mul3A_26 = arith.constant 640 : i32
    %mul3A_27 = arith.muli %arg1, %mul3A_26 : i32
    %add3A_28 = arith.constant 320 : i32
    %add3A_29 = arith.addi %mul3A_27, %add3A_28 : i32
    "tpu.region"() ({
      %run_scoped3A = tpu.sem_alloc : memref<!tpu.dma_semaphore, #tpu.memory_space<semaphore_mem>>
      %dma_start3A_102 = arith.constant 0 : i32
      %dma_start3A_103 = tpu.memref_slice %arg10[%add3A_29, %dma_start3A_102] : memref<10240x128xf32, #tpu.memory_space<vmem_shared>> -> memref<80x128xf32, #tpu.memory_space<vmem_shared>>
      %dma_start3A_104 = arith.constant 0 : i32
      %dma_start3A_105 = tpu.memref_slice %arg10[%add3A_29, %dma_start3A_104] : memref<10240x128xf32, #tpu.memory_space<vmem_shared>> -> memref<80x128xf32, #tpu.memory_space<vmem_shared>>
      tpu.enqueue_dma source(%arg4 : memref<80x128xf32, #tpu.memory_space<vmem>>) target(%dma_start3A_105 : memref<80x128xf32, #tpu.memory_space<vmem_shared>>) target_semaphore(%run_scoped3A : memref<!tpu.dma_semaphore, #tpu.memory_space<semaphore_mem>>)
      %dma_wait3A_106 = arith.constant 0 : i32
      %dma_wait3A_107 = tpu.memref_slice %arg10[%add3A_29, %dma_wait3A_106] : memref<10240x128xf32, #tpu.memory_space<vmem_shared>> -> memref<80x128xf32, #tpu.memory_space<vmem_shared>>
      %dma_wait3A_108 = arith.constant 0 : i32
      %dma_wait3A_109 = tpu.memref_slice %arg10[%add3A_29, %dma_wait3A_108] : memref<10240x128xf32, #tpu.memory_space<vmem_shared>> -> memref<80x128xf32, #tpu.memory_space<vmem_shared>>
      tpu.wait_dma2 semaphore(%run_scoped3A : memref<!tpu.dma_semaphore, #tpu.memory_space<semaphore_mem>>) src(%arg4 : memref<80x128xf32, #tpu.memory_space<vmem>>) dst(%dma_wait3A_109 : memref<80x128xf32, #tpu.memory_space<vmem_shared>>)
      tpu.yield
    }) : () -> ()
    %mul3A_30 = arith.constant 640 : i32
    %mul3A_31 = arith.muli %arg1, %mul3A_30 : i32
    %add3A_32 = arith.constant 400 : i32
    %add3A_33 = arith.addi %mul3A_31, %add3A_32 : i32
    "tpu.region"() ({
      %run_scoped3A = tpu.sem_alloc : memref<!tpu.dma_semaphore, #tpu.memory_space<semaphore_mem>>
      %dma_start3A_102 = arith.constant 0 : i32
      %dma_start3A_103 = tpu.memref_slice %arg10[%add3A_33, %dma_start3A_102] : memref<10240x128xf32, #tpu.memory_space<vmem_shared>> -> memref<80x128xf32, #tpu.memory_space<vmem_shared>>
      %dma_start3A_104 = arith.constant 0 : i32
      %dma_start3A_105 = tpu.memref_slice %arg10[%add3A_33, %dma_start3A_104] : memref<10240x128xf32, #tpu.memory_space<vmem_shared>> -> memref<80x128xf32, #tpu.memory_space<vmem_shared>>
      tpu.enqueue_dma source(%arg4 : memref<80x128xf32, #tpu.memory_space<vmem>>) target(%dma_start3A_105 : memref<80x128xf32, #tpu.memory_space<vmem_shared>>) target_semaphore(%run_scoped3A : memref<!tpu.dma_semaphore, #tpu.memory_space<semaphore_mem>>)
      %dma_wait3A_106 = arith.constant 0 : i32
      %dma_wait3A_107 = tpu.memref_slice %arg10[%add3A_33, %dma_wait3A_106] : memref<10240x128xf32, #tpu.memory_space<vmem_shared>> -> memref<80x128xf32, #tpu.memory_space<vmem_shared>>
      %dma_wait3A_108 = arith.constant 0 : i32
      %dma_wait3A_109 = tpu.memref_slice %arg10[%add3A_33, %dma_wait3A_108] : memref<10240x128xf32, #tpu.memory_space<vmem_shared>> -> memref<80x128xf32, #tpu.memory_space<vmem_shared>>
      tpu.wait_dma2 semaphore(%run_scoped3A : memref<!tpu.dma_semaphore, #tpu.memory_space<semaphore_mem>>) src(%arg4 : memref<80x128xf32, #tpu.memory_space<vmem>>) dst(%dma_wait3A_109 : memref<80x128xf32, #tpu.memory_space<vmem_shared>>)
      tpu.yield
    }) : () -> ()
    %mul3A_34 = arith.constant 640 : i32
    %mul3A_35 = arith.muli %arg1, %mul3A_34 : i32
    %add3A_36 = arith.constant 480 : i32
    %add3A_37 = arith.addi %mul3A_35, %add3A_36 : i32
    "tpu.region"() ({
      %run_scoped3A = tpu.sem_alloc : memref<!tpu.dma_semaphore, #tpu.memory_space<semaphore_mem>>
      %dma_start3A_102 = arith.constant 0 : i32
      %dma_start3A_103 = tpu.memref_slice %arg10[%add3A_37, %dma_start3A_102] : memref<10240x128xf32, #tpu.memory_space<vmem_shared>> -> memref<80x128xf32, #tpu.memory_space<vmem_shared>>
      %dma_start3A_104 = arith.constant 0 : i32
      %dma_start3A_105 = tpu.memref_slice %arg10[%add3A_37, %dma_start3A_104] : memref<10240x128xf32, #tpu.memory_space<vmem_shared>> -> memref<80x128xf32, #tpu.memory_space<vmem_shared>>
      tpu.enqueue_dma source(%arg4 : memref<80x128xf32, #tpu.memory_space<vmem>>) target(%dma_start3A_105 : memref<80x128xf32, #tpu.memory_space<vmem_shared>>) target_semaphore(%run_scoped3A : memref<!tpu.dma_semaphore, #tpu.memory_space<semaphore_mem>>)
      %dma_wait3A_106 = arith.constant 0 : i32
      %dma_wait3A_107 = tpu.memref_slice %arg10[%add3A_37, %dma_wait3A_106] : memref<10240x128xf32, #tpu.memory_space<vmem_shared>> -> memref<80x128xf32, #tpu.memory_space<vmem_shared>>
      %dma_wait3A_108 = arith.constant 0 : i32
      %dma_wait3A_109 = tpu.memref_slice %arg10[%add3A_37, %dma_wait3A_108] : memref<10240x128xf32, #tpu.memory_space<vmem_shared>> -> memref<80x128xf32, #tpu.memory_space<vmem_shared>>
      tpu.wait_dma2 semaphore(%run_scoped3A : memref<!tpu.dma_semaphore, #tpu.memory_space<semaphore_mem>>) src(%arg4 : memref<80x128xf32, #tpu.memory_space<vmem>>) dst(%dma_wait3A_109 : memref<80x128xf32, #tpu.memory_space<vmem_shared>>)
      tpu.yield
    }) : () -> ()
    %mul3A_38 = arith.constant 640 : i32
    %mul3A_39 = arith.muli %arg1, %mul3A_38 : i32
    %add3A_40 = arith.constant 560 : i32
    %add3A_41 = arith.addi %mul3A_39, %add3A_40 : i32
    "tpu.region"() ({
      %run_scoped3A = tpu.sem_alloc : memref<!tpu.dma_semaphore, #tpu.memory_space<semaphore_mem>>
      %dma_start3A_102 = arith.constant 0 : i32
      %dma_start3A_103 = tpu.memref_slice %arg10[%add3A_41, %dma_start3A_102] : memref<10240x128xf32, #tpu.memory_space<vmem_shared>> -> memref<80x128xf32, #tpu.memory_space<vmem_shared>>
      %dma_start3A_104 = arith.constant 0 : i32
      %dma_start3A_105 = tpu.memref_slice %arg10[%add3A_41, %dma_start3A_104] : memref<10240x128xf32, #tpu.memory_space<vmem_shared>> -> memref<80x128xf32, #tpu.memory_space<vmem_shared>>
      tpu.enqueue_dma source(%arg4 : memref<80x128xf32, #tpu.memory_space<vmem>>) target(%dma_start3A_105 : memref<80x128xf32, #tpu.memory_space<vmem_shared>>) target_semaphore(%run_scoped3A : memref<!tpu.dma_semaphore, #tpu.memory_space<semaphore_mem>>)
      %dma_wait3A_106 = arith.constant 0 : i32
      %dma_wait3A_107 = tpu.memref_slice %arg10[%add3A_41, %dma_wait3A_106] : memref<10240x128xf32, #tpu.memory_space<vmem_shared>> -> memref<80x128xf32, #tpu.memory_space<vmem_shared>>
      %dma_wait3A_108 = arith.constant 0 : i32
      %dma_wait3A_109 = tpu.memref_slice %arg10[%add3A_41, %dma_wait3A_108] : memref<10240x128xf32, #tpu.memory_space<vmem_shared>> -> memref<80x128xf32, #tpu.memory_space<vmem_shared>>
      tpu.wait_dma2 semaphore(%run_scoped3A : memref<!tpu.dma_semaphore, #tpu.memory_space<semaphore_mem>>) src(%arg4 : memref<80x128xf32, #tpu.memory_space<vmem>>) dst(%dma_wait3A_109 : memref<80x128xf32, #tpu.memory_space<vmem_shared>>)
      tpu.yield
    }) : () -> ()
    %scan3A_42 = arith.constant 0 : i32
    %scan3A_43 = arith.constant 0 : i32
    %scan3A_44 = arith.constant 80 : i32
    %scan3A_45 = arith.addi %scan3A_43, %scan3A_44 : i32
    %scan3A_46 = arith.constant 1 : i32
    %scan3A_47 = scf.for %scan3A_102 = %scan3A_43 to %scan3A_45 step %scan3A_46 iter_args(%scan3A_103 = %scan3A_42) -> (i32)  : i32 {
      %broadcast_in_dim3A = arith.constant 1.000000e+00 : f32
      %broadcast_in_dim3A_104 = vector.broadcast %broadcast_in_dim3A : f32 to vector<16xf32>
      %swap3A = arith.index_cast %scan3A_102 : i32 to index
      %swap3A_105 = arith.constant 0 : index
      %swap3A_106 = tpu.vector_load %arg4[%swap3A, %swap3A_105] {strides = array<i32>} : memref<80x128xf32, #tpu.memory_space<vmem>>, vector<1x16xf32>,
      %swap3A_107 = vector.shape_cast %swap3A_106 : vector<1x16xf32> to vector<16xf32>
      %swap3A_108 = vector.shape_cast %broadcast_in_dim3A_104 : vector<16xf32> to vector<1x16xf32>
      tpu.vector_store %arg4[%swap3A, %swap3A_105], %swap3A_108 {strides = array<i32>} : memref<80x128xf32, #tpu.memory_space<vmem>>, vector<1x16xf32>,
      %broadcast_in_dim3A_109 = arith.constant 1.000000e+00 : f32
      %broadcast_in_dim3A_110 = vector.broadcast %broadcast_in_dim3A_109 : f32 to vector<16xf32>
      %swap3A_111 = arith.index_cast %scan3A_102 : i32 to index
      %swap3A_112 = arith.constant 16 : index
      %swap3A_113 = tpu.vector_load %arg4[%swap3A_111, %swap3A_112] {strides = array<i32>} : memref<80x128xf32, #tpu.memory_space<vmem>>, vector<1x16xf32>,
      %swap3A_114 = vector.shape_cast %swap3A_113 : vector<1x16xf32> to vector<16xf32>
      %swap3A_115 = vector.shape_cast %broadcast_in_dim3A_110 : vector<16xf32> to vector<1x16xf32>
      tpu.vector_store %arg4[%swap3A_111, %swap3A_112], %swap3A_115 {strides = array<i32>} : memref<80x128xf32, #tpu.memory_space<vmem>>, vector<1x16xf32>,
      %broadcast_in_dim3A_116 = arith.constant 1.000000e+00 : f32
      %broadcast_in_dim3A_117 = vector.broadcast %broadcast_in_dim3A_116 : f32 to vector<16xf32>
      %swap3A_118 = arith.index_cast %scan3A_102 : i32 to index
      %swap3A_119 = arith.constant 32 : index
      %swap3A_120 = tpu.vector_load %arg4[%swap3A_118, %swap3A_119] {strides = array<i32>} : memref<80x128xf32, #tpu.memory_space<vmem>>, vector<1x16xf32>,
      %swap3A_121 = vector.shape_cast %swap3A_120 : vector<1x16xf32> to vector<16xf32>
      %swap3A_122 = vector.shape_cast %broadcast_in_dim3A_117 : vector<16xf32> to vector<1x16xf32>
      tpu.vector_store %arg4[%swap3A_118, %swap3A_119], %swap3A_122 {strides = array<i32>} : memref<80x128xf32, #tpu.memory_space<vmem>>, vector<1x16xf32>,
      %broadcast_in_dim3A_123 = arith.constant 1.000000e+00 : f32
      %broadcast_in_dim3A_124 = vector.broadcast %broadcast_in_dim3A_123 : f32 to vector<16xf32>
      %swap3A_125 = arith.index_cast %scan3A_102 : i32 to index
      %swap3A_126 = arith.constant 48 : index
      %swap3A_127 = tpu.vector_load %arg4[%swap3A_125, %swap3A_126] {strides = array<i32>} : memref<80x128xf32, #tpu.memory_space<vmem>>, vector<1x16xf32>,
      %swap3A_128 = vector.shape_cast %swap3A_127 : vector<1x16xf32> to vector<16xf32>
      %swap3A_129 = vector.shape_cast %broadcast_in_dim3A_124 : vector<16xf32> to vector<1x16xf32>
      tpu.vector_store %arg4[%swap3A_125, %swap3A_126], %swap3A_129 {strides = array<i32>} : memref<80x128xf32, #tpu.memory_space<vmem>>, vector<1x16xf32>,
      %broadcast_in_dim3A_130 = arith.constant 1.000000e+00 : f32
      %broadcast_in_dim3A_131 = vector.broadcast %broadcast_in_dim3A_130 : f32 to vector<16xf32>
      %swap3A_132 = arith.index_cast %scan3A_102 : i32 to index
      %swap3A_133 = arith.constant 64 : index
      %swap3A_134 = tpu.vector_load %arg4[%swap3A_132, %swap3A_133] {strides = array<i32>} : memref<80x128xf32, #tpu.memory_space<vmem>>, vector<1x16xf32>,
      %swap3A_135 = vector.shape_cast %swap3A_134 : vector<1x16xf32> to vector<16xf32>
      %swap3A_136 = vector.shape_cast %broadcast_in_dim3A_131 : vector<16xf32> to vector<1x16xf32>
      tpu.vector_store %arg4[%swap3A_132, %swap3A_133], %swap3A_136 {strides = array<i32>} : memref<80x128xf32, #tpu.memory_space<vmem>>, vector<1x16xf32>,
      %broadcast_in_dim3A_137 = arith.constant 1.000000e+00 : f32
      %broadcast_in_dim3A_138 = vector.broadcast %broadcast_in_dim3A_137 : f32 to vector<16xf32>
      %swap3A_139 = arith.index_cast %scan3A_102 : i32 to index
      %swap3A_140 = arith.constant 80 : index
      %swap3A_141 = tpu.vector_load %arg4[%swap3A_139, %swap3A_140] {strides = array<i32>} : memref<80x128xf32, #tpu.memory_space<vmem>>, vector<1x16xf32>,
      %swap3A_142 = vector.shape_cast %swap3A_141 : vector<1x16xf32> to vector<16xf32>
      %swap3A_143 = vector.shape_cast %broadcast_in_dim3A_138 : vector<16xf32> to vector<1x16xf32>
      tpu.vector_store %arg4[%swap3A_139, %swap3A_140], %swap3A_143 {strides = array<i32>} : memref<80x128xf32, #tpu.memory_space<vmem>>, vector<1x16xf32>,
      %broadcast_in_dim3A_144 = arith.constant 1.000000e+00 : f32
      %broadcast_in_dim3A_145 = vector.broadcast %broadcast_in_dim3A_144 : f32 to vector<16xf32>
      %swap3A_146 = arith.index_cast %scan3A_102 : i32 to index
      %swap3A_147 = arith.constant 96 : index
      %swap3A_148 = tpu.vector_load %arg4[%swap3A_146, %swap3A_147] {strides = array<i32>} : memref<80x128xf32, #tpu.memory_space<vmem>>, vector<1x16xf32>,
      %swap3A_149 = vector.shape_cast %swap3A_148 : vector<1x16xf32> to vector<16xf32>
      %swap3A_150 = vector.shape_cast %broadcast_in_dim3A_145 : vector<16xf32> to vector<1x16xf32>
      tpu.vector_store %arg4[%swap3A_146, %swap3A_147], %swap3A_150 {strides = array<i32>} : memref<80x128xf32, #tpu.memory_space<vmem>>, vector<1x16xf32>,
      %broadcast_in_dim3A_151 = arith.constant 1.000000e+00 : f32
      %broadcast_in_dim3A_152 = vector.broadcast %broadcast_in_dim3A_151 : f32 to vector<16xf32>
      %swap3A_153 = arith.index_cast %scan3A_102 : i32 to index
      %swap3A_154 = arith.constant 112 : index
      %swap3A_155 = tpu.vector_load %arg4[%swap3A_153, %swap3A_154] {strides = array<i32>} : memref<80x128xf32, #tpu.memory_space<vmem>>, vector<1x16xf32>,
      %swap3A_156 = vector.shape_cast %swap3A_155 : vector<1x16xf32> to vector<16xf32>
      %swap3A_157 = vector.shape_cast %broadcast_in_dim3A_152 : vector<16xf32> to vector<1x16xf32>
      tpu.vector_store %arg4[%swap3A_153, %swap3A_154], %swap3A_157 {strides = array<i32>} : memref<80x128xf32, #tpu.memory_space<vmem>>, vector<1x16xf32>,
      %scan3A_158 = arith.constant 0 : i32
      scf.yield %scan3A_158 : i32
    }
    %scan3A_48 = arith.constant 80 : i32
    %dma_wait3A = tpu.memref_slice %arg2[%add3A] : memref<320000xi32, #tpu.memory_space<hbm>> -> memref<10000xi32, #tpu.memory_space<hbm>>
    %dma_wait3A_49 = tpu.memref_slice %arg2[%add3A] : memref<320000xi32, #tpu.memory_space<hbm>> -> memref<10000xi32, #tpu.memory_space<hbm>>
    tpu.wait_dma2 semaphore(%arg11 : memref<!tpu.dma_semaphore, #tpu.memory_space<semaphore_mem>>) src(%dma_wait3A_49 : memref<10000xi32, #tpu.memory_space<hbm>>) dst(%arg5 : memref<10000xi32, #tpu.memory_space<vmem>>)
    %barrier3A = arith.constant 0 : index
    tpu.barrier barrier_id(%barrier3A)
    %scan3A_50 = arith.constant 0 : i32
    %scan3A_51 = arith.constant 0 : i32
    %scan3A_52 = arith.constant 32 : i32
    %scan3A_53 = arith.addi %scan3A_51, %scan3A_52 : i32
    %scan3A_54 = arith.constant 1 : i32
    %scan3A_55 = scf.for %scan3A_102 = %scan3A_51 to %scan3A_53 step %scan3A_54 iter_args(%scan3A_103 = %scan3A_50) -> (i32)  : i32 {
      %mul3A_104 = arith.constant 4 : i32
      %mul3A_105 = arith.muli %mul3A_104, %scan3A_102 : i32
      %add3A_106 = arith.constant 0 : i32
      %add3A_107 = arith.addi %mul3A_105, %add3A_106 : i32
      %ge3A = arith.constant 4 : i32
      %ge3A_108 = arith.cmpi sge, %add3A_107, %ge3A : i32
      %lt3A = arith.constant 125 : i32
      %lt3A_109 = arith.cmpi slt, %add3A_107, %lt3A : i32
      %and3A = arith.andi %ge3A_108, %lt3A_109 : i1
      %convert_element_type3A = arith.extui %and3A : i1 to i32
      %cond3A = arith.constant 0 : i32
      %cond3A_110 = arith.cmpi ne, %convert_element_type3A, %cond3A : i32
      scf.if %cond3A_110 {
        %dma_wait3A_168 = arith.constant 0 : i32
        %dma_wait3A_169 = arith.constant 0 : i32
        %dma_wait3A_170 = tpu.memref_slice %arg10[%dma_wait3A_168, %dma_wait3A_169] : memref<10240x128xf32, #tpu.memory_space<vmem_shared>> -> memref<10240x128xf32, #tpu.memory_space<vmem_shared>>
        tpu.wait_indirect_dma semaphore(%arg12 : memref<!tpu.dma_semaphore, #tpu.memory_space<semaphore_mem>>) src(%arg4 : memref<80x128xf32, #tpu.memory_space<vmem>>) dst(%dma_wait3A_170 : memref<10240x128xf32, #tpu.memory_space<vmem_shared>>)
      } else {
      }
      %lt3A_111 = arith.constant 125 : i32
      %lt3A_112 = arith.cmpi slt, %add3A_107, %lt3A_111 : i32
      %convert_element_type3A_113 = arith.extui %lt3A_112 : i1 to i32
      %cond3A_114 = arith.constant 0 : i32
      %cond3A_115 = arith.cmpi ne, %convert_element_type3A_113, %cond3A_114 : i32
      scf.if %cond3A_115 {
        %mul3A_168 = arith.constant 80 : i32
        %mul3A_169 = arith.muli %add3A_107, %mul3A_168 : i32
        %add3A_170 = arith.constant 0 : i32
        %add3A_171 = arith.addi %mul3A_169, %add3A_170 : i32
        %get3A = arith.index_cast %add3A_171 : i32 to index
        %get3A_172 = tpu.vector_load %arg5[%get3A] {strides = array<i32>} : memref<10000xi32, #tpu.memory_space<vmem>>, vector<16xi32>,
        %get3A_173 = vector.shape_cast %get3A_172 : vector<16xi32> to vector<16xi32>
        %swap3A = arith.constant 0 : index
        %swap3A_174 = tpu.vector_load %arg6[%swap3A] {strides = array<i32>} : memref<80xi32, #tpu.memory_space<vmem>>, vector<16xi32>,
        %swap3A_175 = vector.shape_cast %swap3A_174 : vector<16xi32> to vector<16xi32>
        %swap3A_176 = vector.shape_cast %get3A_173 : vector<16xi32> to vector<16xi32>
        tpu.vector_store %arg6[%swap3A], %swap3A_176 {strides = array<i32>} : memref<80xi32, #tpu.memory_space<vmem>>, vector<16xi32>,
        %mul3A_177 = arith.constant 80 : i32
        %mul3A_178 = arith.muli %add3A_107, %mul3A_177 : i32
        %add3A_179 = arith.constant 16 : i32
        %add3A_180 = arith.addi %mul3A_178, %add3A_179 : i32
        %get3A_181 = arith.index_cast %add3A_180 : i32 to index
        %get3A_182 = tpu.vector_load %arg5[%get3A_181] {strides = array<i32>} : memref<10000xi32, #tpu.memory_space<vmem>>, vector<16xi32>,
        %get3A_183 = vector.shape_cast %get3A_182 : vector<16xi32> to vector<16xi32>
        %swap3A_184 = arith.constant 16 : index
        %swap3A_185 = tpu.vector_load %arg6[%swap3A_184] {strides = array<i32>} : memref<80xi32, #tpu.memory_space<vmem>>, vector<16xi32>,
        %swap3A_186 = vector.shape_cast %swap3A_185 : vector<16xi32> to vector<16xi32>
        %swap3A_187 = vector.shape_cast %get3A_183 : vector<16xi32> to vector<16xi32>
        tpu.vector_store %arg6[%swap3A_184], %swap3A_187 {strides = array<i32>} : memref<80xi32, #tpu.memory_space<vmem>>, vector<16xi32>,
        %mul3A_188 = arith.constant 80 : i32
        %mul3A_189 = arith.muli %add3A_107, %mul3A_188 : i32
        %add3A_190 = arith.constant 32 : i32
        %add3A_191 = arith.addi %mul3A_189, %add3A_190 : i32
        %get3A_192 = arith.index_cast %add3A_191 : i32 to index
        %get3A_193 = tpu.vector_load %arg5[%get3A_192] {strides = array<i32>} : memref<10000xi32, #tpu.memory_space<vmem>>, vector<16xi32>,
        %get3A_194 = vector.shape_cast %get3A_193 : vector<16xi32> to vector<16xi32>
        %swap3A_195 = arith.constant 32 : index
        %swap3A_196 = tpu.vector_load %arg6[%swap3A_195] {strides = array<i32>} : memref<80xi32, #tpu.memory_space<vmem>>, vector<16xi32>,
        %swap3A_197 = vector.shape_cast %swap3A_196 : vector<16xi32> to vector<16xi32>
        %swap3A_198 = vector.shape_cast %get3A_194 : vector<16xi32> to vector<16xi32>
        tpu.vector_store %arg6[%swap3A_195], %swap3A_198 {strides = array<i32>} : memref<80xi32, #tpu.memory_space<vmem>>, vector<16xi32>,
        %mul3A_199 = arith.constant 80 : i32
        %mul3A_200 = arith.muli %add3A_107, %mul3A_199 : i32
        %add3A_201 = arith.constant 48 : i32
        %add3A_202 = arith.addi %mul3A_200, %add3A_201 : i32
        %get3A_203 = arith.index_cast %add3A_202 : i32 to index
        %get3A_204 = tpu.vector_load %arg5[%get3A_203] {strides = array<i32>} : memref<10000xi32, #tpu.memory_space<vmem>>, vector<16xi32>,
        %get3A_205 = vector.shape_cast %get3A_204 : vector<16xi32> to vector<16xi32>
        %swap3A_206 = arith.constant 48 : index
        %swap3A_207 = tpu.vector_load %arg6[%swap3A_206] {strides = array<i32>} : memref<80xi32, #tpu.memory_space<vmem>>, vector<16xi32>,
        %swap3A_208 = vector.shape_cast %swap3A_207 : vector<16xi32> to vector<16xi32>
        %swap3A_209 = vector.shape_cast %get3A_205 : vector<16xi32> to vector<16xi32>
        tpu.vector_store %arg6[%swap3A_206], %swap3A_209 {strides = array<i32>} : memref<80xi32, #tpu.memory_space<vmem>>, vector<16xi32>,
        %mul3A_210 = arith.constant 80 : i32
        %mul3A_211 = arith.muli %add3A_107, %mul3A_210 : i32
        %add3A_212 = arith.constant 64 : i32
        %add3A_213 = arith.addi %mul3A_211, %add3A_212 : i32
        %get3A_214 = arith.index_cast %add3A_213 : i32 to index
        %get3A_215 = tpu.vector_load %arg5[%get3A_214] {strides = array<i32>} : memref<10000xi32, #tpu.memory_space<vmem>>, vector<16xi32>,
        %get3A_216 = vector.shape_cast %get3A_215 : vector<16xi32> to vector<16xi32>
        %swap3A_217 = arith.constant 64 : index
        %swap3A_218 = tpu.vector_load %arg6[%swap3A_217] {strides = array<i32>} : memref<80xi32, #tpu.memory_space<vmem>>, vector<16xi32>,
        %swap3A_219 = vector.shape_cast %swap3A_218 : vector<16xi32> to vector<16xi32>
        %swap3A_220 = vector.shape_cast %get3A_216 : vector<16xi32> to vector<16xi32>
        tpu.vector_store %arg6[%swap3A_217], %swap3A_220 {strides = array<i32>} : memref<80xi32, #tpu.memory_space<vmem>>, vector<16xi32>,
        %dma_start3A_221 = arith.constant 0 : i32
        %dma_start3A_222 = arith.constant 0 : i32
        %dma_start3A_223 = tpu.memref_slice %arg10[%dma_start3A_221, %dma_start3A_222] : memref<10240x128xf32, #tpu.memory_space<vmem_shared>> -> memref<10240x128xf32, #tpu.memory_space<vmem_shared>>
        tpu.enqueue_indirect_dma source(%arg4 : memref<80x128xf32, #tpu.memory_space<vmem>>) target(%dma_start3A_223 : memref<10240x128xf32, #tpu.memory_space<vmem_shared>>) offsets(%arg6 : memref<80xi32, #tpu.memory_space<vmem>>) semaphore(%arg12 : memref<!tpu.dma_semaphore, #tpu.memory_space<semaphore_mem>>) {add = true}
      } else {
      }
      %mul3A_116 = arith.constant 4 : i32
      %mul3A_117 = arith.muli %mul3A_116, %scan3A_102 : i32
      %add3A_118 = arith.constant 1 : i32
      %add3A_119 = arith.addi %mul3A_117, %add3A_118 : i32
      %ge3A_120 = arith.constant 4 : i32
      %ge3A_121 = arith.cmpi sge, %add3A_119, %ge3A_120 : i32
      %lt3A_122 = arith.constant 125 : i32
      %lt3A_123 = arith.cmpi slt, %add3A_119, %lt3A_122 : i32
      %and3A_124 = arith.andi %ge3A_121, %lt3A_123 : i1
      %convert_element_type3A_125 = arith.extui %and3A_124 : i1 to i32
      %cond3A_126 = arith.constant 0 : i32
      %cond3A_127 = arith.cmpi ne, %convert_element_type3A_125, %cond3A_126 : i32
      scf.if %cond3A_127 {
        %dma_wait3A_168 = arith.constant 0 : i32
        %dma_wait3A_169 = arith.constant 0 : i32
        %dma_wait3A_170 = tpu.memref_slice %arg10[%dma_wait3A_168, %dma_wait3A_169] : memref<10240x128xf32, #tpu.memory_space<vmem_shared>> -> memref<10240x128xf32, #tpu.memory_space<vmem_shared>>
        tpu.wait_indirect_dma semaphore(%arg13 : memref<!tpu.dma_semaphore, #tpu.memory_space<semaphore_mem>>) src(%arg4 : memref<80x128xf32, #tpu.memory_space<vmem>>) dst(%dma_wait3A_170 : memref<10240x128xf32, #tpu.memory_space<vmem_shared>>)
      } else {
      }
      %lt3A_128 = arith.constant 125 : i32
      %lt3A_129 = arith.cmpi slt, %add3A_119, %lt3A_128 : i32
      %convert_element_type3A_130 = arith.extui %lt3A_129 : i1 to i32
      %cond3A_131 = arith.constant 0 : i32
      %cond3A_132 = arith.cmpi ne, %convert_element_type3A_130, %cond3A_131 : i32
      scf.if %cond3A_132 {
        %mul3A_168 = arith.constant 80 : i32
        %mul3A_169 = arith.muli %add3A_119, %mul3A_168 : i32
        %add3A_170 = arith.constant 0 : i32
        %add3A_171 = arith.addi %mul3A_169, %add3A_170 : i32
        %get3A = arith.index_cast %add3A_171 : i32 to index
        %get3A_172 = tpu.vector_load %arg5[%get3A] {strides = array<i32>} : memref<10000xi32, #tpu.memory_space<vmem>>, vector<16xi32>,
        %get3A_173 = vector.shape_cast %get3A_172 : vector<16xi32> to vector<16xi32>
        %swap3A = arith.constant 0 : index
        %swap3A_174 = tpu.vector_load %arg7[%swap3A] {strides = array<i32>} : memref<80xi32, #tpu.memory_space<vmem>>, vector<16xi32>,
        %swap3A_175 = vector.shape_cast %swap3A_174 : vector<16xi32> to vector<16xi32>
        %swap3A_176 = vector.shape_cast %get3A_173 : vector<16xi32> to vector<16xi32>
        tpu.vector_store %arg7[%swap3A], %swap3A_176 {strides = array<i32>} : memref<80xi32, #tpu.memory_space<vmem>>, vector<16xi32>,
        %mul3A_177 = arith.constant 80 : i32
        %mul3A_178 = arith.muli %add3A_119, %mul3A_177 : i32
        %add3A_179 = arith.constant 16 : i32
        %add3A_180 = arith.addi %mul3A_178, %add3A_179 : i32
        %get3A_181 = arith.index_cast %add3A_180 : i32 to index
        %get3A_182 = tpu.vector_load %arg5[%get3A_181] {strides = array<i32>} : memref<10000xi32, #tpu.memory_space<vmem>>, vector<16xi32>,
        %get3A_183 = vector.shape_cast %get3A_182 : vector<16xi32> to vector<16xi32>
        %swap3A_184 = arith.constant 16 : index
        %swap3A_185 = tpu.vector_load %arg7[%swap3A_184] {strides = array<i32>} : memref<80xi32, #tpu.memory_space<vmem>>, vector<16xi32>,
        %swap3A_186 = vector.shape_cast %swap3A_185 : vector<16xi32> to vector<16xi32>
        %swap3A_187 = vector.shape_cast %get3A_183 : vector<16xi32> to vector<16xi32>
        tpu.vector_store %arg7[%swap3A_184], %swap3A_187 {strides = array<i32>} : memref<80xi32, #tpu.memory_space<vmem>>, vector<16xi32>,
        %mul3A_188 = arith.constant 80 : i32
        %mul3A_189 = arith.muli %add3A_119, %mul3A_188 : i32
        %add3A_190 = arith.constant 32 : i32
        %add3A_191 = arith.addi %mul3A_189, %add3A_190 : i32
        %get3A_192 = arith.index_cast %add3A_191 : i32 to index
        %get3A_193 = tpu.vector_load %arg5[%get3A_192] {strides = array<i32>} : memref<10000xi32, #tpu.memory_space<vmem>>, vector<16xi32>,
        %get3A_194 = vector.shape_cast %get3A_193 : vector<16xi32> to vector<16xi32>
        %swap3A_195 = arith.constant 32 : index
        %swap3A_196 = tpu.vector_load %arg7[%swap3A_195] {strides = array<i32>} : memref<80xi32, #tpu.memory_space<vmem>>, vector<16xi32>,
        %swap3A_197 = vector.shape_cast %swap3A_196 : vector<16xi32> to vector<16xi32>
        %swap3A_198 = vector.shape_cast %get3A_194 : vector<16xi32> to vector<16xi32>
        tpu.vector_store %arg7[%swap3A_195], %swap3A_198 {strides = array<i32>} : memref<80xi32, #tpu.memory_space<vmem>>, vector<16xi32>,
        %mul3A_199 = arith.constant 80 : i32
        %mul3A_200 = arith.muli %add3A_119, %mul3A_199 : i32
        %add3A_201 = arith.constant 48 : i32
        %add3A_202 = arith.addi %mul3A_200, %add3A_201 : i32
        %get3A_203 = arith.index_cast %add3A_202 : i32 to index
        %get3A_204 = tpu.vector_load %arg5[%get3A_203] {strides = array<i32>} : memref<10000xi32, #tpu.memory_space<vmem>>, vector<16xi32>,
        %get3A_205 = vector.shape_cast %get3A_204 : vector<16xi32> to vector<16xi32>
        %swap3A_206 = arith.constant 48 : index
        %swap3A_207 = tpu.vector_load %arg7[%swap3A_206] {strides = array<i32>} : memref<80xi32, #tpu.memory_space<vmem>>, vector<16xi32>,
        %swap3A_208 = vector.shape_cast %swap3A_207 : vector<16xi32> to vector<16xi32>
        %swap3A_209 = vector.shape_cast %get3A_205 : vector<16xi32> to vector<16xi32>
        tpu.vector_store %arg7[%swap3A_206], %swap3A_209 {strides = array<i32>} : memref<80xi32, #tpu.memory_space<vmem>>, vector<16xi32>,
        %mul3A_210 = arith.constant 80 : i32
        %mul3A_211 = arith.muli %add3A_119, %mul3A_210 : i32
        %add3A_212 = arith.constant 64 : i32
        %add3A_213 = arith.addi %mul3A_211, %add3A_212 : i32
        %get3A_214 = arith.index_cast %add3A_213 : i32 to index
        %get3A_215 = tpu.vector_load %arg5[%get3A_214] {strides = array<i32>} : memref<10000xi32, #tpu.memory_space<vmem>>, vector<16xi32>,
        %get3A_216 = vector.shape_cast %get3A_215 : vector<16xi32> to vector<16xi32>
        %swap3A_217 = arith.constant 64 : index
        %swap3A_218 = tpu.vector_load %arg7[%swap3A_217] {strides = array<i32>} : memref<80xi32, #tpu.memory_space<vmem>>, vector<16xi32>,
        %swap3A_219 = vector.shape_cast %swap3A_218 : vector<16xi32> to vector<16xi32>
        %swap3A_220 = vector.shape_cast %get3A_216 : vector<16xi32> to vector<16xi32>
        tpu.vector_store %arg7[%swap3A_217], %swap3A_220 {strides = array<i32>} : memref<80xi32, #tpu.memory_space<vmem>>, vector<16xi32>,
        %dma_start3A_221 = arith.constant 0 : i32
        %dma_start3A_222 = arith.constant 0 : i32
        %dma_start3A_223 = tpu.memref_slice %arg10[%dma_start3A_221, %dma_start3A_222] : memref<10240x128xf32, #tpu.memory_space<vmem_shared>> -> memref<10240x128xf32, #tpu.memory_space<vmem_shared>>
        tpu.enqueue_indirect_dma source(%arg4 : memref<80x128xf32, #tpu.memory_space<vmem>>) target(%dma_start3A_223 : memref<10240x128xf32, #tpu.memory_space<vmem_shared>>) offsets(%arg7 : memref<80xi32, #tpu.memory_space<vmem>>) semaphore(%arg13 : memref<!tpu.dma_semaphore, #tpu.memory_space<semaphore_mem>>) {add = true}
      } else {
      }
      %mul3A_133 = arith.constant 4 : i32
      %mul3A_134 = arith.muli %mul3A_133, %scan3A_102 : i32
      %add3A_135 = arith.constant 2 : i32
      %add3A_136 = arith.addi %mul3A_134, %add3A_135 : i32
      %ge3A_137 = arith.constant 4 : i32
      %ge3A_138 = arith.cmpi sge, %add3A_136, %ge3A_137 : i32
      %lt3A_139 = arith.constant 125 : i32
      %lt3A_140 = arith.cmpi slt, %add3A_136, %lt3A_139 : i32
      %and3A_141 = arith.andi %ge3A_138, %lt3A_140 : i1
      %convert_element_type3A_142 = arith.extui %and3A_141 : i1 to i32
      %cond3A_143 = arith.constant 0 : i32
      %cond3A_144 = arith.cmpi ne, %convert_element_type3A_142, %cond3A_143 : i32
      scf.if %cond3A_144 {
        %dma_wait3A_168 = arith.constant 0 : i32
        %dma_wait3A_169 = arith.constant 0 : i32
        %dma_wait3A_170 = tpu.memref_slice %arg10[%dma_wait3A_168, %dma_wait3A_169] : memref<10240x128xf32, #tpu.memory_space<vmem_shared>> -> memref<10240x128xf32, #tpu.memory_space<vmem_shared>>
        tpu.wait_indirect_dma semaphore(%arg14 : memref<!tpu.dma_semaphore, #tpu.memory_space<semaphore_mem>>) src(%arg4 : memref<80x128xf32, #tpu.memory_space<vmem>>) dst(%dma_wait3A_170 : memref<10240x128xf32, #tpu.memory_space<vmem_shared>>)
      } else {
      }
      %lt3A_145 = arith.constant 125 : i32
      %lt3A_146 = arith.cmpi slt, %add3A_136, %lt3A_145 : i32
      %convert_element_type3A_147 = arith.extui %lt3A_146 : i1 to i32
      %cond3A_148 = arith.constant 0 : i32
      %cond3A_149 = arith.cmpi ne, %convert_element_type3A_147, %cond3A_148 : i32
      scf.if %cond3A_149 {
        %mul3A_168 = arith.constant 80 : i32
        %mul3A_169 = arith.muli %add3A_136, %mul3A_168 : i32
        %add3A_170 = arith.constant 0 : i32
        %add3A_171 = arith.addi %mul3A_169, %add3A_170 : i32
        %get3A = arith.index_cast %add3A_171 : i32 to index
        %get3A_172 = tpu.vector_load %arg5[%get3A] {strides = array<i32>} : memref<10000xi32, #tpu.memory_space<vmem>>, vector<16xi32>,
        %get3A_173 = vector.shape_cast %get3A_172 : vector<16xi32> to vector<16xi32>
        %swap3A = arith.constant 0 : index
        %swap3A_174 = tpu.vector_load %arg8[%swap3A] {strides = array<i32>} : memref<80xi32, #tpu.memory_space<vmem>>, vector<16xi32>,
        %swap3A_175 = vector.shape_cast %swap3A_174 : vector<16xi32> to vector<16xi32>
        %swap3A_176 = vector.shape_cast %get3A_173 : vector<16xi32> to vector<16xi32>
        tpu.vector_store %arg8[%swap3A], %swap3A_176 {strides = array<i32>} : memref<80xi32, #tpu.memory_space<vmem>>, vector<16xi32>,
        %mul3A_177 = arith.constant 80 : i32
        %mul3A_178 = arith.muli %add3A_136, %mul3A_177 : i32
        %add3A_179 = arith.constant 16 : i32
        %add3A_180 = arith.addi %mul3A_178, %add3A_179 : i32
        %get3A_181 = arith.index_cast %add3A_180 : i32 to index
        %get3A_182 = tpu.vector_load %arg5[%get3A_181] {strides = array<i32>} : memref<10000xi32, #tpu.memory_space<vmem>>, vector<16xi32>,
        %get3A_183 = vector.shape_cast %get3A_182 : vector<16xi32> to vector<16xi32>
        %swap3A_184 = arith.constant 16 : index
        %swap3A_185 = tpu.vector_load %arg8[%swap3A_184] {strides = array<i32>} : memref<80xi32, #tpu.memory_space<vmem>>, vector<16xi32>,
        %swap3A_186 = vector.shape_cast %swap3A_185 : vector<16xi32> to vector<16xi32>
        %swap3A_187 = vector.shape_cast %get3A_183 : vector<16xi32> to vector<16xi32>
        tpu.vector_store %arg8[%swap3A_184], %swap3A_187 {strides = array<i32>} : memref<80xi32, #tpu.memory_space<vmem>>, vector<16xi32>,
        %mul3A_188 = arith.constant 80 : i32
        %mul3A_189 = arith.muli %add3A_136, %mul3A_188 : i32
        %add3A_190 = arith.constant 32 : i32
        %add3A_191 = arith.addi %mul3A_189, %add3A_190 : i32
        %get3A_192 = arith.index_cast %add3A_191 : i32 to index
        %get3A_193 = tpu.vector_load %arg5[%get3A_192] {strides = array<i32>} : memref<10000xi32, #tpu.memory_space<vmem>>, vector<16xi32>,
        %get3A_194 = vector.shape_cast %get3A_193 : vector<16xi32> to vector<16xi32>
        %swap3A_195 = arith.constant 32 : index
        %swap3A_196 = tpu.vector_load %arg8[%swap3A_195] {strides = array<i32>} : memref<80xi32, #tpu.memory_space<vmem>>, vector<16xi32>,
        %swap3A_197 = vector.shape_cast %swap3A_196 : vector<16xi32> to vector<16xi32>
        %swap3A_198 = vector.shape_cast %get3A_194 : vector<16xi32> to vector<16xi32>
        tpu.vector_store %arg8[%swap3A_195], %swap3A_198 {strides = array<i32>} : memref<80xi32, #tpu.memory_space<vmem>>, vector<16xi32>,
        %mul3A_199 = arith.constant 80 : i32
        %mul3A_200 = arith.muli %add3A_136, %mul3A_199 : i32
        %add3A_201 = arith.constant 48 : i32
        %add3A_202 = arith.addi %mul3A_200, %add3A_201 : i32
        %get3A_203 = arith.index_cast %add3A_202 : i32 to index
        %get3A_204 = tpu.vector_load %arg5[%get3A_203] {strides = array<i32>} : memref<10000xi32, #tpu.memory_space<vmem>>, vector<16xi32>,
        %get3A_205 = vector.shape_cast %get3A_204 : vector<16xi32> to vector<16xi32>
        %swap3A_206 = arith.constant 48 : index
        %swap3A_207 = tpu.vector_load %arg8[%swap3A_206] {strides = array<i32>} : memref<80xi32, #tpu.memory_space<vmem>>, vector<16xi32>,
        %swap3A_208 = vector.shape_cast %swap3A_207 : vector<16xi32> to vector<16xi32>
        %swap3A_209 = vector.shape_cast %get3A_205 : vector<16xi32> to vector<16xi32>
        tpu.vector_store %arg8[%swap3A_206], %swap3A_209 {strides = array<i32>} : memref<80xi32, #tpu.memory_space<vmem>>, vector<16xi32>,
        %mul3A_210 = arith.constant 80 : i32
        %mul3A_211 = arith.muli %add3A_136, %mul3A_210 : i32
        %add3A_212 = arith.constant 64 : i32
        %add3A_213 = arith.addi %mul3A_211, %add3A_212 : i32
        %get3A_214 = arith.index_cast %add3A_213 : i32 to index
        %get3A_215 = tpu.vector_load %arg5[%get3A_214] {strides = array<i32>} : memref<10000xi32, #tpu.memory_space<vmem>>, vector<16xi32>,
        %get3A_216 = vector.shape_cast %get3A_215 : vector<16xi32> to vector<16xi32>
        %swap3A_217 = arith.constant 64 : index
        %swap3A_218 = tpu.vector_load %arg8[%swap3A_217] {strides = array<i32>} : memref<80xi32, #tpu.memory_space<vmem>>, vector<16xi32>,
        %swap3A_219 = vector.shape_cast %swap3A_218 : vector<16xi32> to vector<16xi32>
        %swap3A_220 = vector.shape_cast %get3A_216 : vector<16xi32> to vector<16xi32>
        tpu.vector_store %arg8[%swap3A_217], %swap3A_220 {strides = array<i32>} : memref<80xi32, #tpu.memory_space<vmem>>, vector<16xi32>,
        %dma_start3A_221 = arith.constant 0 : i32
        %dma_start3A_222 = arith.constant 0 : i32
        %dma_start3A_223 = tpu.memref_slice %arg10[%dma_start3A_221, %dma_start3A_222] : memref<10240x128xf32, #tpu.memory_space<vmem_shared>> -> memref<10240x128xf32, #tpu.memory_space<vmem_shared>>
        tpu.enqueue_indirect_dma source(%arg4 : memref<80x128xf32, #tpu.memory_space<vmem>>) target(%dma_start3A_223 : memref<10240x128xf32, #tpu.memory_space<vmem_shared>>) offsets(%arg8 : memref<80xi32, #tpu.memory_space<vmem>>) semaphore(%arg14 : memref<!tpu.dma_semaphore, #tpu.memory_space<semaphore_mem>>) {add = true}
      } else {
      }
      %mul3A_150 = arith.constant 4 : i32
      %mul3A_151 = arith.muli %mul3A_150, %scan3A_102 : i32
      %add3A_152 = arith.constant 3 : i32
      %add3A_153 = arith.addi %mul3A_151, %add3A_152 : i32
      %ge3A_154 = arith.constant 4 : i32
      %ge3A_155 = arith.cmpi sge, %add3A_153, %ge3A_154 : i32
      %lt3A_156 = arith.constant 125 : i32
      %lt3A_157 = arith.cmpi slt, %add3A_153, %lt3A_156 : i32
      %and3A_158 = arith.andi %ge3A_155, %lt3A_157 : i1
      %convert_element_type3A_159 = arith.extui %and3A_158 : i1 to i32
      %cond3A_160 = arith.constant 0 : i32
      %cond3A_161 = arith.cmpi ne, %convert_element_type3A_159, %cond3A_160 : i32
      scf.if %cond3A_161 {
        %dma_wait3A_168 = arith.constant 0 : i32
        %dma_wait3A_169 = arith.constant 0 : i32
        %dma_wait3A_170 = tpu.memref_slice %arg10[%dma_wait3A_168, %dma_wait3A_169] : memref<10240x128xf32, #tpu.memory_space<vmem_shared>> -> memref<10240x128xf32, #tpu.memory_space<vmem_shared>>
        tpu.wait_indirect_dma semaphore(%arg15 : memref<!tpu.dma_semaphore, #tpu.memory_space<semaphore_mem>>) src(%arg4 : memref<80x128xf32, #tpu.memory_space<vmem>>) dst(%dma_wait3A_170 : memref<10240x128xf32, #tpu.memory_space<vmem_shared>>)
      } else {
      }
      %lt3A_162 = arith.constant 125 : i32
      %lt3A_163 = arith.cmpi slt, %add3A_153, %lt3A_162 : i32
      %convert_element_type3A_164 = arith.extui %lt3A_163 : i1 to i32
      %cond3A_165 = arith.constant 0 : i32
      %cond3A_166 = arith.cmpi ne, %convert_element_type3A_164, %cond3A_165 : i32
      scf.if %cond3A_166 {
        %mul3A_168 = arith.constant 80 : i32
        %mul3A_169 = arith.muli %add3A_153, %mul3A_168 : i32
        %add3A_170 = arith.constant 0 : i32
        %add3A_171 = arith.addi %mul3A_169, %add3A_170 : i32
        %get3A = arith.index_cast %add3A_171 : i32 to index
        %get3A_172 = tpu.vector_load %arg5[%get3A] {strides = array<i32>} : memref<10000xi32, #tpu.memory_space<vmem>>, vector<16xi32>,
        %get3A_173 = vector.shape_cast %get3A_172 : vector<16xi32> to vector<16xi32>
        %swap3A = arith.constant 0 : index
        %swap3A_174 = tpu.vector_load %arg9[%swap3A] {strides = array<i32>} : memref<80xi32, #tpu.memory_space<vmem>>, vector<16xi32>,
        %swap3A_175 = vector.shape_cast %swap3A_174 : vector<16xi32> to vector<16xi32>
        %swap3A_176 = vector.shape_cast %get3A_173 : vector<16xi32> to vector<16xi32>
        tpu.vector_store %arg9[%swap3A], %swap3A_176 {strides = array<i32>} : memref<80xi32, #tpu.memory_space<vmem>>, vector<16xi32>,
        %mul3A_177 = arith.constant 80 : i32
        %mul3A_178 = arith.muli %add3A_153, %mul3A_177 : i32
        %add3A_179 = arith.constant 16 : i32
        %add3A_180 = arith.addi %mul3A_178, %add3A_179 : i32
        %get3A_181 = arith.index_cast %add3A_180 : i32 to index
        %get3A_182 = tpu.vector_load %arg5[%get3A_181] {strides = array<i32>} : memref<10000xi32, #tpu.memory_space<vmem>>, vector<16xi32>,
        %get3A_183 = vector.shape_cast %get3A_182 : vector<16xi32> to vector<16xi32>
        %swap3A_184 = arith.constant 16 : index
        %swap3A_185 = tpu.vector_load %arg9[%swap3A_184] {strides = array<i32>} : memref<80xi32, #tpu.memory_space<vmem>>, vector<16xi32>,
        %swap3A_186 = vector.shape_cast %swap3A_185 : vector<16xi32> to vector<16xi32>
        %swap3A_187 = vector.shape_cast %get3A_183 : vector<16xi32> to vector<16xi32>
        tpu.vector_store %arg9[%swap3A_184], %swap3A_187 {strides = array<i32>} : memref<80xi32, #tpu.memory_space<vmem>>, vector<16xi32>,
        %mul3A_188 = arith.constant 80 : i32
        %mul3A_189 = arith.muli %add3A_153, %mul3A_188 : i32
        %add3A_190 = arith.constant 32 : i32
        %add3A_191 = arith.addi %mul3A_189, %add3A_190 : i32
        %get3A_192 = arith.index_cast %add3A_191 : i32 to index
        %get3A_193 = tpu.vector_load %arg5[%get3A_192] {strides = array<i32>} : memref<10000xi32, #tpu.memory_space<vmem>>, vector<16xi32>,
        %get3A_194 = vector.shape_cast %get3A_193 : vector<16xi32> to vector<16xi32>
        %swap3A_195 = arith.constant 32 : index
        %swap3A_196 = tpu.vector_load %arg9[%swap3A_195] {strides = array<i32>} : memref<80xi32, #tpu.memory_space<vmem>>, vector<16xi32>,
        %swap3A_197 = vector.shape_cast %swap3A_196 : vector<16xi32> to vector<16xi32>
        %swap3A_198 = vector.shape_cast %get3A_194 : vector<16xi32> to vector<16xi32>
        tpu.vector_store %arg9[%swap3A_195], %swap3A_198 {strides = array<i32>} : memref<80xi32, #tpu.memory_space<vmem>>, vector<16xi32>,
        %mul3A_199 = arith.constant 80 : i32
        %mul3A_200 = arith.muli %add3A_153, %mul3A_199 : i32
        %add3A_201 = arith.constant 48 : i32
        %add3A_202 = arith.addi %mul3A_200, %add3A_201 : i32
        %get3A_203 = arith.index_cast %add3A_202 : i32 to index
        %get3A_204 = tpu.vector_load %arg5[%get3A_203] {strides = array<i32>} : memref<10000xi32, #tpu.memory_space<vmem>>, vector<16xi32>,
        %get3A_205 = vector.shape_cast %get3A_204 : vector<16xi32> to vector<16xi32>
        %swap3A_206 = arith.constant 48 : index
        %swap3A_207 = tpu.vector_load %arg9[%swap3A_206] {strides = array<i32>} : memref<80xi32, #tpu.memory_space<vmem>>, vector<16xi32>,
        %swap3A_208 = vector.shape_cast %swap3A_207 : vector<16xi32> to vector<16xi32>
        %swap3A_209 = vector.shape_cast %get3A_205 : vector<16xi32> to vector<16xi32>
        tpu.vector_store %arg9[%swap3A_206], %swap3A_209 {strides = array<i32>} : memref<80xi32, #tpu.memory_space<vmem>>, vector<16xi32>,
        %mul3A_210 = arith.constant 80 : i32
        %mul3A_211 = arith.muli %add3A_153, %mul3A_210 : i32
        %add3A_212 = arith.constant 64 : i32
        %add3A_213 = arith.addi %mul3A_211, %add3A_212 : i32
        %get3A_214 = arith.index_cast %add3A_213 : i32 to index
        %get3A_215 = tpu.vector_load %arg5[%get3A_214] {strides = array<i32>} : memref<10000xi32, #tpu.memory_space<vmem>>, vector<16xi32>,
        %get3A_216 = vector.shape_cast %get3A_215 : vector<16xi32> to vector<16xi32>
        %swap3A_217 = arith.constant 64 : index
        %swap3A_218 = tpu.vector_load %arg9[%swap3A_217] {strides = array<i32>} : memref<80xi32, #tpu.memory_space<vmem>>, vector<16xi32>,
        %swap3A_219 = vector.shape_cast %swap3A_218 : vector<16xi32> to vector<16xi32>
        %swap3A_220 = vector.shape_cast %get3A_216 : vector<16xi32> to vector<16xi32>
        tpu.vector_store %arg9[%swap3A_217], %swap3A_220 {strides = array<i32>} : memref<80xi32, #tpu.memory_space<vmem>>, vector<16xi32>,
        %dma_start3A_221 = arith.constant 0 : i32
        %dma_start3A_222 = arith.constant 0 : i32
        %dma_start3A_223 = tpu.memref_slice %arg10[%dma_start3A_221, %dma_start3A_222] : memref<10240x128xf32, #tpu.memory_space<vmem_shared>> -> memref<10240x128xf32, #tpu.memory_space<vmem_shared>>
        tpu.enqueue_indirect_dma source(%arg4 : memref<80x128xf32, #tpu.memory_space<vmem>>) target(%dma_start3A_223 : memref<10240x128xf32, #tpu.memory_space<vmem_shared>>) offsets(%arg9 : memref<80xi32, #tpu.memory_space<vmem>>) semaphore(%arg15 : memref<!tpu.dma_semaphore, #tpu.memory_space<semaphore_mem>>) {add = true}
      } else {
      }
      %scan3A_167 = arith.constant 0 : i32
      scf.yield %scan3A_167 : i32
    }
    %scan3A_56 = arith.constant 32 : i32
    %dma_wait3A_57 = arith.constant 0 : i32
    %dma_wait3A_58 = arith.constant 0 : i32
    %dma_wait3A_59 = tpu.memref_slice %arg10[%dma_wait3A_57, %dma_wait3A_58] : memref<10240x128xf32, #tpu.memory_space<vmem_shared>> -> memref<10240x128xf32, #tpu.memory_space<vmem_shared>>
    tpu.wait_indirect_dma semaphore(%arg12 : memref<!tpu.dma_semaphore, #tpu.memory_space<semaphore_mem>>) src(%arg4 : memref<80x128xf32, #tpu.memory_space<vmem>>) dst(%dma_wait3A_59 : memref<10240x128xf32, #tpu.memory_space<vmem_shared>>)
    %dma_wait3A_60 = arith.constant 0 : i32
    %dma_wait3A_61 = arith.constant 0 : i32
    %dma_wait3A_62 = tpu.memref_slice %arg10[%dma_wait3A_60, %dma_wait3A_61] : memref<10240x128xf32, #tpu.memory_space<vmem_shared>> -> memref<10240x128xf32, #tpu.memory_space<vmem_shared>>
    tpu.wait_indirect_dma semaphore(%arg13 : memref<!tpu.dma_semaphore, #tpu.memory_space<semaphore_mem>>) src(%arg4 : memref<80x128xf32, #tpu.memory_space<vmem>>) dst(%dma_wait3A_62 : memref<10240x128xf32, #tpu.memory_space<vmem_shared>>)
    %dma_wait3A_63 = arith.constant 0 : i32
    %dma_wait3A_64 = arith.constant 0 : i32
    %dma_wait3A_65 = tpu.memref_slice %arg10[%dma_wait3A_63, %dma_wait3A_64] : memref<10240x128xf32, #tpu.memory_space<vmem_shared>> -> memref<10240x128xf32, #tpu.memory_space<vmem_shared>>
    tpu.wait_indirect_dma semaphore(%arg14 : memref<!tpu.dma_semaphore, #tpu.memory_space<semaphore_mem>>) src(%arg4 : memref<80x128xf32, #tpu.memory_space<vmem>>) dst(%dma_wait3A_65 : memref<10240x128xf32, #tpu.memory_space<vmem_shared>>)
    %dma_wait3A_66 = arith.constant 0 : i32
    %dma_wait3A_67 = arith.constant 0 : i32
    %dma_wait3A_68 = tpu.memref_slice %arg10[%dma_wait3A_66, %dma_wait3A_67] : memref<10240x128xf32, #tpu.memory_space<vmem_shared>> -> memref<10240x128xf32, #tpu.memory_space<vmem_shared>>
    tpu.wait_indirect_dma semaphore(%arg15 : memref<!tpu.dma_semaphore, #tpu.memory_space<semaphore_mem>>) src(%arg4 : memref<80x128xf32, #tpu.memory_space<vmem>>) dst(%dma_wait3A_68 : memref<10240x128xf32, #tpu.memory_space<vmem_shared>>)
    %barrier3A_69 = arith.constant 0 : index
    tpu.barrier barrier_id(%barrier3A_69)
    %mul3A_70 = arith.constant 640 : i32
    %mul3A_71 = arith.muli %arg1, %mul3A_70 : i32
    %add3A_72 = arith.constant 0 : i32
    %add3A_73 = arith.addi %mul3A_71, %add3A_72 : i32
    "tpu.region"() ({
      %run_scoped3A = tpu.sem_alloc : memref<!tpu.dma_semaphore, #tpu.memory_space<semaphore_mem>>
      %dma_start3A_102 = arith.constant 0 : i32
      %dma_start3A_103 = tpu.memref_slice %arg3[%arg0, %add3A_73, %dma_start3A_102] : memref<2x10240x128xf32, #tpu.memory_space<hbm>> -> memref<1x80x128xf32, #tpu.memory_space<hbm>>
      %dma_start3A_104 = tpu.memref_squeeze %dma_start3A_103 : memref<1x80x128xf32, #tpu.memory_space<hbm>> -> memref<80x128xf32, #tpu.memory_space<hbm>>
      %dma_start3A_105 = arith.constant 0 : i32
      %dma_start3A_106 = tpu.memref_slice %arg10[%add3A_73, %dma_start3A_105] : memref<10240x128xf32, #tpu.memory_space<vmem_shared>> -> memref<80x128xf32, #tpu.memory_space<vmem_shared>>
      tpu.enqueue_dma source(%dma_start3A_106 : memref<80x128xf32, #tpu.memory_space<vmem_shared>>) target(%dma_start3A_104 : memref<80x128xf32, #tpu.memory_space<hbm>>) target_semaphore(%run_scoped3A : memref<!tpu.dma_semaphore, #tpu.memory_space<semaphore_mem>>)
      %dma_wait3A_107 = arith.constant 0 : i32
      %dma_wait3A_108 = tpu.memref_slice %arg3[%arg0, %add3A_73, %dma_wait3A_107] : memref<2x10240x128xf32, #tpu.memory_space<hbm>> -> memref<1x80x128xf32, #tpu.memory_space<hbm>>
      %dma_wait3A_109 = tpu.memref_squeeze %dma_wait3A_108 : memref<1x80x128xf32, #tpu.memory_space<hbm>> -> memref<80x128xf32, #tpu.memory_space<hbm>>
      %dma_wait3A_110 = arith.constant 0 : i32
      %dma_wait3A_111 = tpu.memref_slice %arg10[%add3A_73, %dma_wait3A_110] : memref<10240x128xf32, #tpu.memory_space<vmem_shared>> -> memref<80x128xf32, #tpu.memory_space<vmem_shared>>
      tpu.wait_dma2 semaphore(%run_scoped3A : memref<!tpu.dma_semaphore, #tpu.memory_space<semaphore_mem>>) src(%dma_wait3A_111 : memref<80x128xf32, #tpu.memory_space<vmem_shared>>) dst(%dma_wait3A_109 : memref<80x128xf32, #tpu.memory_space<hbm>>)
      tpu.yield
    }) : () -> ()
    %mul3A_74 = arith.constant 640 : i32
    %mul3A_75 = arith.muli %arg1, %mul3A_74 : i32
    %add3A_76 = arith.constant 80 : i32
    %add3A_77 = arith.addi %mul3A_75, %add3A_76 : i32
    "tpu.region"() ({
      %run_scoped3A = tpu.sem_alloc : memref<!tpu.dma_semaphore, #tpu.memory_space<semaphore_mem>>
      %dma_start3A_102 = arith.constant 0 : i32
      %dma_start3A_103 = tpu.memref_slice %arg3[%arg0, %add3A_77, %dma_start3A_102] : memref<2x10240x128xf32, #tpu.memory_space<hbm>> -> memref<1x80x128xf32, #tpu.memory_space<hbm>>
      %dma_start3A_104 = tpu.memref_squeeze %dma_start3A_103 : memref<1x80x128xf32, #tpu.memory_space<hbm>> -> memref<80x128xf32, #tpu.memory_space<hbm>>
      %dma_start3A_105 = arith.constant 0 : i32
      %dma_start3A_106 = tpu.memref_slice %arg10[%add3A_77, %dma_start3A_105] : memref<10240x128xf32, #tpu.memory_space<vmem_shared>> -> memref<80x128xf32, #tpu.memory_space<vmem_shared>>
      tpu.enqueue_dma source(%dma_start3A_106 : memref<80x128xf32, #tpu.memory_space<vmem_shared>>) target(%dma_start3A_104 : memref<80x128xf32, #tpu.memory_space<hbm>>) target_semaphore(%run_scoped3A : memref<!tpu.dma_semaphore, #tpu.memory_space<semaphore_mem>>)
      %dma_wait3A_107 = arith.constant 0 : i32
      %dma_wait3A_108 = tpu.memref_slice %arg3[%arg0, %add3A_77, %dma_wait3A_107] : memref<2x10240x128xf32, #tpu.memory_space<hbm>> -> memref<1x80x128xf32, #tpu.memory_space<hbm>>
      %dma_wait3A_109 = tpu.memref_squeeze %dma_wait3A_108 : memref<1x80x128xf32, #tpu.memory_space<hbm>> -> memref<80x128xf32, #tpu.memory_space<hbm>>
      %dma_wait3A_110 = arith.constant 0 : i32
      %dma_wait3A_111 = tpu.memref_slice %arg10[%add3A_77, %dma_wait3A_110] : memref<10240x128xf32, #tpu.memory_space<vmem_shared>> -> memref<80x128xf32, #tpu.memory_space<vmem_shared>>
      tpu.wait_dma2 semaphore(%run_scoped3A : memref<!tpu.dma_semaphore, #tpu.memory_space<semaphore_mem>>) src(%dma_wait3A_111 : memref<80x128xf32, #tpu.memory_space<vmem_shared>>) dst(%dma_wait3A_109 : memref<80x128xf32, #tpu.memory_space<hbm>>)
      tpu.yield
    }) : () -> ()
    %mul3A_78 = arith.constant 640 : i32
    %mul3A_79 = arith.muli %arg1, %mul3A_78 : i32
    %add3A_80 = arith.constant 160 : i32
    %add3A_81 = arith.addi %mul3A_79, %add3A_80 : i32
    "tpu.region"() ({
      %run_scoped3A = tpu.sem_alloc : memref<!tpu.dma_semaphore, #tpu.memory_space<semaphore_mem>>
      %dma_start3A_102 = arith.constant 0 : i32
      %dma_start3A_103 = tpu.memref_slice %arg3[%arg0, %add3A_81, %dma_start3A_102] : memref<2x10240x128xf32, #tpu.memory_space<hbm>> -> memref<1x80x128xf32, #tpu.memory_space<hbm>>
      %dma_start3A_104 = tpu.memref_squeeze %dma_start3A_103 : memref<1x80x128xf32, #tpu.memory_space<hbm>> -> memref<80x128xf32, #tpu.memory_space<hbm>>
      %dma_start3A_105 = arith.constant 0 : i32
      %dma_start3A_106 = tpu.memref_slice %arg10[%add3A_81, %dma_start3A_105] : memref<10240x128xf32, #tpu.memory_space<vmem_shared>> -> memref<80x128xf32, #tpu.memory_space<vmem_shared>>
      tpu.enqueue_dma source(%dma_start3A_106 : memref<80x128xf32, #tpu.memory_space<vmem_shared>>) target(%dma_start3A_104 : memref<80x128xf32, #tpu.memory_space<hbm>>) target_semaphore(%run_scoped3A : memref<!tpu.dma_semaphore, #tpu.memory_space<semaphore_mem>>)
      %dma_wait3A_107 = arith.constant 0 : i32
      %dma_wait3A_108 = tpu.memref_slice %arg3[%arg0, %add3A_81, %dma_wait3A_107] : memref<2x10240x128xf32, #tpu.memory_space<hbm>> -> memref<1x80x128xf32, #tpu.memory_space<hbm>>
      %dma_wait3A_109 = tpu.memref_squeeze %dma_wait3A_108 : memref<1x80x128xf32, #tpu.memory_space<hbm>> -> memref<80x128xf32, #tpu.memory_space<hbm>>
      %dma_wait3A_110 = arith.constant 0 : i32
      %dma_wait3A_111 = tpu.memref_slice %arg10[%add3A_81, %dma_wait3A_110] : memref<10240x128xf32, #tpu.memory_space<vmem_shared>> -> memref<80x128xf32, #tpu.memory_space<vmem_shared>>
      tpu.wait_dma2 semaphore(%run_scoped3A : memref<!tpu.dma_semaphore, #tpu.memory_space<semaphore_mem>>) src(%dma_wait3A_111 : memref<80x128xf32, #tpu.memory_space<vmem_shared>>) dst(%dma_wait3A_109 : memref<80x128xf32, #tpu.memory_space<hbm>>)
      tpu.yield
    }) : () -> ()
    %mul3A_82 = arith.constant 640 : i32
    %mul3A_83 = arith.muli %arg1, %mul3A_82 : i32
    %add3A_84 = arith.constant 240 : i32
    %add3A_85 = arith.addi %mul3A_83, %add3A_84 : i32
    "tpu.region"() ({
      %run_scoped3A = tpu.sem_alloc : memref<!tpu.dma_semaphore, #tpu.memory_space<semaphore_mem>>
      %dma_start3A_102 = arith.constant 0 : i32
      %dma_start3A_103 = tpu.memref_slice %arg3[%arg0, %add3A_85, %dma_start3A_102] : memref<2x10240x128xf32, #tpu.memory_space<hbm>> -> memref<1x80x128xf32, #tpu.memory_space<hbm>>
      %dma_start3A_104 = tpu.memref_squeeze %dma_start3A_103 : memref<1x80x128xf32, #tpu.memory_space<hbm>> -> memref<80x128xf32, #tpu.memory_space<hbm>>
      %dma_start3A_105 = arith.constant 0 : i32
      %dma_start3A_106 = tpu.memref_slice %arg10[%add3A_85, %dma_start3A_105] : memref<10240x128xf32, #tpu.memory_space<vmem_shared>> -> memref<80x128xf32, #tpu.memory_space<vmem_shared>>
      tpu.enqueue_dma source(%dma_start3A_106 : memref<80x128xf32, #tpu.memory_space<vmem_shared>>) target(%dma_start3A_104 : memref<80x128xf32, #tpu.memory_space<hbm>>) target_semaphore(%run_scoped3A : memref<!tpu.dma_semaphore, #tpu.memory_space<semaphore_mem>>)
      %dma_wait3A_107 = arith.constant 0 : i32
      %dma_wait3A_108 = tpu.memref_slice %arg3[%arg0, %add3A_85, %dma_wait3A_107] : memref<2x10240x128xf32, #tpu.memory_space<hbm>> -> memref<1x80x128xf32, #tpu.memory_space<hbm>>
      %dma_wait3A_109 = tpu.memref_squeeze %dma_wait3A_108 : memref<1x80x128xf32, #tpu.memory_space<hbm>> -> memref<80x128xf32, #tpu.memory_space<hbm>>
      %dma_wait3A_110 = arith.constant 0 : i32
      %dma_wait3A_111 = tpu.memref_slice %arg10[%add3A_85, %dma_wait3A_110] : memref<10240x128xf32, #tpu.memory_space<vmem_shared>> -> memref<80x128xf32, #tpu.memory_space<vmem_shared>>
      tpu.wait_dma2 semaphore(%run_scoped3A : memref<!tpu.dma_semaphore, #tpu.memory_space<semaphore_mem>>) src(%dma_wait3A_111 : memref<80x128xf32, #tpu.memory_space<vmem_shared>>) dst(%dma_wait3A_109 : memref<80x128xf32, #tpu.memory_space<hbm>>)
      tpu.yield
    }) : () -> ()
    %mul3A_86 = arith.constant 640 : i32
    %mul3A_87 = arith.muli %arg1, %mul3A_86 : i32
    %add3A_88 = arith.constant 320 : i32
    %add3A_89 = arith.addi %mul3A_87, %add3A_88 : i32
    "tpu.region"() ({
      %run_scoped3A = tpu.sem_alloc : memref<!tpu.dma_semaphore, #tpu.memory_space<semaphore_mem>>
      %dma_start3A_102 = arith.constant 0 : i32
      %dma_start3A_103 = tpu.memref_slice %arg3[%arg0, %add3A_89, %dma_start3A_102] : memref<2x10240x128xf32, #tpu.memory_space<hbm>> -> memref<1x80x128xf32, #tpu.memory_space<hbm>>
      %dma_start3A_104 = tpu.memref_squeeze %dma_start3A_103 : memref<1x80x128xf32, #tpu.memory_space<hbm>> -> memref<80x128xf32, #tpu.memory_space<hbm>>
      %dma_start3A_105 = arith.constant 0 : i32
      %dma_start3A_106 = tpu.memref_slice %arg10[%add3A_89, %dma_start3A_105] : memref<10240x128xf32, #tpu.memory_space<vmem_shared>> -> memref<80x128xf32, #tpu.memory_space<vmem_shared>>
      tpu.enqueue_dma source(%dma_start3A_106 : memref<80x128xf32, #tpu.memory_space<vmem_shared>>) target(%dma_start3A_104 : memref<80x128xf32, #tpu.memory_space<hbm>>) target_semaphore(%run_scoped3A : memref<!tpu.dma_semaphore, #tpu.memory_space<semaphore_mem>>)
      %dma_wait3A_107 = arith.constant 0 : i32
      %dma_wait3A_108 = tpu.memref_slice %arg3[%arg0, %add3A_89, %dma_wait3A_107] : memref<2x10240x128xf32, #tpu.memory_space<hbm>> -> memref<1x80x128xf32, #tpu.memory_space<hbm>>
      %dma_wait3A_109 = tpu.memref_squeeze %dma_wait3A_108 : memref<1x80x128xf32, #tpu.memory_space<hbm>> -> memref<80x128xf32, #tpu.memory_space<hbm>>
      %dma_wait3A_110 = arith.constant 0 : i32
      %dma_wait3A_111 = tpu.memref_slice %arg10[%add3A_89, %dma_wait3A_110] : memref<10240x128xf32, #tpu.memory_space<vmem_shared>> -> memref<80x128xf32, #tpu.memory_space<vmem_shared>>
      tpu.wait_dma2 semaphore(%run_scoped3A : memref<!tpu.dma_semaphore, #tpu.memory_space<semaphore_mem>>) src(%dma_wait3A_111 : memref<80x128xf32, #tpu.memory_space<vmem_shared>>) dst(%dma_wait3A_109 : memref<80x128xf32, #tpu.memory_space<hbm>>)
      tpu.yield
    }) : () -> ()
    %mul3A_90 = arith.constant 640 : i32
    %mul3A_91 = arith.muli %arg1, %mul3A_90 : i32
    %add3A_92 = arith.constant 400 : i32
    %add3A_93 = arith.addi %mul3A_91, %add3A_92 : i32
    "tpu.region"() ({
      %run_scoped3A = tpu.sem_alloc : memref<!tpu.dma_semaphore, #tpu.memory_space<semaphore_mem>>
      %dma_start3A_102 = arith.constant 0 : i32
      %dma_start3A_103 = tpu.memref_slice %arg3[%arg0, %add3A_93, %dma_start3A_102] : memref<2x10240x128xf32, #tpu.memory_space<hbm>> -> memref<1x80x128xf32, #tpu.memory_space<hbm>>
      %dma_start3A_104 = tpu.memref_squeeze %dma_start3A_103 : memref<1x80x128xf32, #tpu.memory_space<hbm>> -> memref<80x128xf32, #tpu.memory_space<hbm>>
      %dma_start3A_105 = arith.constant 0 : i32
      %dma_start3A_106 = tpu.memref_slice %arg10[%add3A_93, %dma_start3A_105] : memref<10240x128xf32, #tpu.memory_space<vmem_shared>> -> memref<80x128xf32, #tpu.memory_space<vmem_shared>>
      tpu.enqueue_dma source(%dma_start3A_106 : memref<80x128xf32, #tpu.memory_space<vmem_shared>>) target(%dma_start3A_104 : memref<80x128xf32, #tpu.memory_space<hbm>>) target_semaphore(%run_scoped3A : memref<!tpu.dma_semaphore, #tpu.memory_space<semaphore_mem>>)
      %dma_wait3A_107 = arith.constant 0 : i32
      %dma_wait3A_108 = tpu.memref_slice %arg3[%arg0, %add3A_93, %dma_wait3A_107] : memref<2x10240x128xf32, #tpu.memory_space<hbm>> -> memref<1x80x128xf32, #tpu.memory_space<hbm>>
      %dma_wait3A_109 = tpu.memref_squeeze %dma_wait3A_108 : memref<1x80x128xf32, #tpu.memory_space<hbm>> -> memref<80x128xf32, #tpu.memory_space<hbm>>
      %dma_wait3A_110 = arith.constant 0 : i32
      %dma_wait3A_111 = tpu.memref_slice %arg10[%add3A_93, %dma_wait3A_110] : memref<10240x128xf32, #tpu.memory_space<vmem_shared>> -> memref<80x128xf32, #tpu.memory_space<vmem_shared>>
      tpu.wait_dma2 semaphore(%run_scoped3A : memref<!tpu.dma_semaphore, #tpu.memory_space<semaphore_mem>>) src(%dma_wait3A_111 : memref<80x128xf32, #tpu.memory_space<vmem_shared>>) dst(%dma_wait3A_109 : memref<80x128xf32, #tpu.memory_space<hbm>>)
      tpu.yield
    }) : () -> ()
    %mul3A_94 = arith.constant 640 : i32
    %mul3A_95 = arith.muli %arg1, %mul3A_94 : i32
    %add3A_96 = arith.constant 480 : i32
    %add3A_97 = arith.addi %mul3A_95, %add3A_96 : i32
    "tpu.region"() ({
      %run_scoped3A = tpu.sem_alloc : memref<!tpu.dma_semaphore, #tpu.memory_space<semaphore_mem>>
      %dma_start3A_102 = arith.constant 0 : i32
      %dma_start3A_103 = tpu.memref_slice %arg3[%arg0, %add3A_97, %dma_start3A_102] : memref<2x10240x128xf32, #tpu.memory_space<hbm>> -> memref<1x80x128xf32, #tpu.memory_space<hbm>>
      %dma_start3A_104 = tpu.memref_squeeze %dma_start3A_103 : memref<1x80x128xf32, #tpu.memory_space<hbm>> -> memref<80x128xf32, #tpu.memory_space<hbm>>
      %dma_start3A_105 = arith.constant 0 : i32
      %dma_start3A_106 = tpu.memref_slice %arg10[%add3A_97, %dma_start3A_105] : memref<10240x128xf32, #tpu.memory_space<vmem_shared>> -> memref<80x128xf32, #tpu.memory_space<vmem_shared>>
      tpu.enqueue_dma source(%dma_start3A_106 : memref<80x128xf32, #tpu.memory_space<vmem_shared>>) target(%dma_start3A_104 : memref<80x128xf32, #tpu.memory_space<hbm>>) target_semaphore(%run_scoped3A : memref<!tpu.dma_semaphore, #tpu.memory_space<semaphore_mem>>)
      %dma_wait3A_107 = arith.constant 0 : i32
      %dma_wait3A_108 = tpu.memref_slice %arg3[%arg0, %add3A_97, %dma_wait3A_107] : memref<2x10240x128xf32, #tpu.memory_space<hbm>> -> memref<1x80x128xf32, #tpu.memory_space<hbm>>
      %dma_wait3A_109 = tpu.memref_squeeze %dma_wait3A_108 : memref<1x80x128xf32, #tpu.memory_space<hbm>> -> memref<80x128xf32, #tpu.memory_space<hbm>>
      %dma_wait3A_110 = arith.constant 0 : i32
      %dma_wait3A_111 = tpu.memref_slice %arg10[%add3A_97, %dma_wait3A_110] : memref<10240x128xf32, #tpu.memory_space<vmem_shared>> -> memref<80x128xf32, #tpu.memory_space<vmem_shared>>
      tpu.wait_dma2 semaphore(%run_scoped3A : memref<!tpu.dma_semaphore, #tpu.memory_space<semaphore_mem>>) src(%dma_wait3A_111 : memref<80x128xf32, #tpu.memory_space<vmem_shared>>) dst(%dma_wait3A_109 : memref<80x128xf32, #tpu.memory_space<hbm>>)
      tpu.yield
    }) : () -> ()
    %mul3A_98 = arith.constant 640 : i32
    %mul3A_99 = arith.muli %arg1, %mul3A_98 : i32
    %add3A_100 = arith.constant 560 : i32
    %add3A_101 = arith.addi %mul3A_99, %add3A_100 : i32
    "tpu.region"() ({
      %run_scoped3A = tpu.sem_alloc : memref<!tpu.dma_semaphore, #tpu.memory_space<semaphore_mem>>
      %dma_start3A_102 = arith.constant 0 : i32
      %dma_start3A_103 = tpu.memref_slice %arg3[%arg0, %add3A_101, %dma_start3A_102] : memref<2x10240x128xf32, #tpu.memory_space<hbm>> -> memref<1x80x128xf32, #tpu.memory_space<hbm>>
      %dma_start3A_104 = tpu.memref_squeeze %dma_start3A_103 : memref<1x80x128xf32, #tpu.memory_space<hbm>> -> memref<80x128xf32, #tpu.memory_space<hbm>>
      %dma_start3A_105 = arith.constant 0 : i32
      %dma_start3A_106 = tpu.memref_slice %arg10[%add3A_101, %dma_start3A_105] : memref<10240x128xf32, #tpu.memory_space<vmem_shared>> -> memref<80x128xf32, #tpu.memory_space<vmem_shared>>
      tpu.enqueue_dma source(%dma_start3A_106 : memref<80x128xf32, #tpu.memory_space<vmem_shared>>) target(%dma_start3A_104 : memref<80x128xf32, #tpu.memory_space<hbm>>) target_semaphore(%run_scoped3A : memref<!tpu.dma_semaphore, #tpu.memory_space<semaphore_mem>>)
      %dma_wait3A_107 = arith.constant 0 : i32
      %dma_wait3A_108 = tpu.memref_slice %arg3[%arg0, %add3A_101, %dma_wait3A_107] : memref<2x10240x128xf32, #tpu.memory_space<hbm>> -> memref<1x80x128xf32, #tpu.memory_space<hbm>>
      %dma_wait3A_109 = tpu.memref_squeeze %dma_wait3A_108 : memref<1x80x128xf32, #tpu.memory_space<hbm>> -> memref<80x128xf32, #tpu.memory_space<hbm>>
      %dma_wait3A_110 = arith.constant 0 : i32
      %dma_wait3A_111 = tpu.memref_slice %arg10[%add3A_101, %dma_wait3A_110] : memref<10240x128xf32, #tpu.memory_space<vmem_shared>> -> memref<80x128xf32, #tpu.memory_space<vmem_shared>>
      tpu.wait_dma2 semaphore(%run_scoped3A : memref<!tpu.dma_semaphore, #tpu.memory_space<semaphore_mem>>) src(%dma_wait3A_111 : memref<80x128xf32, #tpu.memory_space<vmem_shared>>) dst(%dma_wait3A_109 : memref<80x128xf32, #tpu.memory_space<hbm>>)
      tpu.yield
    }) : () -> ()
    return
  }
}

#map = affine_map<(d0, d1) -> (0)>
#map1 = affine_map<(d0, d1) -> (0, 0)>
#map2 = affine_map<(d0, d1) -> (0, 0, 0)>
module attributes {stable_mosaic.version = 14 : i64} {
  func.func @_sc_agg(%arg0: i32, %arg1: i32, %arg2: memref<320000xi32, #tpu.memory_space<hbm>>, %arg3: memref<320000xi32, #tpu.memory_space<hbm>>, %arg4: memref<10240x128xf32, #tpu.memory_space<hbm>>, %arg5: memref<2x10240x128xf32, #tpu.memory_space<hbm>>, %arg6: memref<80x128xf32, #tpu.memory_space<vmem>>, %arg7: memref<80x128xf32, #tpu.memory_space<vmem>>, %arg8: memref<80x128xf32, #tpu.memory_space<vmem>>, %arg9: memref<80x128xf32, #tpu.memory_space<vmem>>, %arg10: memref<80xi32, #tpu.memory_space<vmem>>, %arg11: memref<80xi32, #tpu.memory_space<vmem>>, %arg12: memref<80xi32, #tpu.memory_space<vmem>>, %arg13: memref<80xi32, #tpu.memory_space<vmem>>, %arg14: memref<80xi32, #tpu.memory_space<vmem>>, %arg15: memref<80xi32, #tpu.memory_space<vmem>>, %arg16: memref<80xi32, #tpu.memory_space<vmem>>, %arg17: memref<80xi32, #tpu.memory_space<vmem>>, %arg18: memref<80xi32, #tpu.memory_space<vmem>>, %arg19: memref<80xi32, #tpu.memory_space<vmem>>, %arg20: memref<80xi32, #tpu.memory_space<vmem>>, %arg21: memref<80xi32, #tpu.memory_space<vmem>>, %arg22: memref<80xi32, #tpu.memory_space<vmem>>, %arg23: memref<80xi32, #tpu.memory_space<vmem>>, %arg24: memref<80xi32, #tpu.memory_space<vmem>>, %arg25: memref<80xi32, #tpu.memory_space<vmem>>, %arg26: memref<10240x128xf32, #tpu.memory_space<vmem_shared>>, %arg27: memref<!tpu.dma_semaphore, #tpu.memory_space<semaphore_mem>>, %arg28: memref<!tpu.dma_semaphore, #tpu.memory_space<semaphore_mem>>, %arg29: memref<!tpu.dma_semaphore, #tpu.memory_space<semaphore_mem>>, %arg30: memref<!tpu.dma_semaphore, #tpu.memory_space<semaphore_mem>>, %arg31: memref<!tpu.dma_semaphore, #tpu.memory_space<semaphore_mem>>, %arg32: memref<!tpu.dma_semaphore, #tpu.memory_space<semaphore_mem>>, %arg33: memref<!tpu.dma_semaphore, #tpu.memory_space<semaphore_mem>>, %arg34: memref<!tpu.dma_semaphore, #tpu.memory_space<semaphore_mem>>, %arg35: memref<!tpu.dma_semaphore, #tpu.memory_space<semaphore_mem>>, %arg36: memref<!tpu.dma_semaphore, #tpu.memory_space<semaphore_mem>>, %arg37: memref<!tpu.dma_semaphore, #tpu.memory_space<semaphore_mem>>, %arg38: memref<!tpu.dma_semaphore, #tpu.memory_space<semaphore_mem>>) attributes {dimension_semantics = [#tpu.dimension_semantics<core_parallel>, #tpu.dimension_semantics<subcore_parallel>], iteration_bounds = array<i64: 2, 16>, scalar_prefetch = 0 : i64, scratch_operands = 33 : i64, tpu.core_type = #tpu.core_type<sc_vector_subcore>, window_params = [{transform_indices = #map}, {transform_indices = #map}, {transform_indices = #map1}, {transform_indices = #map2}]} {
    %mul3A = arith.constant 160000 : i32
    %mul3A_0 = arith.muli %arg0, %mul3A : i32
    %mul3A_1 = arith.constant 10000 : i32
    %mul3A_2 = arith.muli %arg1, %mul3A_1 : i32
    %add3A = arith.addi %mul3A_0, %mul3A_2 : i32
    %add3A_3 = arith.constant 0 : i32
    %add3A_4 = arith.addi %add3A, %add3A_3 : i32
    %dma_start3A = tpu.memref_slice %arg2[%add3A_4] : memref<320000xi32, #tpu.memory_space<hbm>> -> memref<80xi32, #tpu.memory_space<hbm>>
    %dma_start3A_5 = tpu.memref_slice %arg2[%add3A_4] : memref<320000xi32, #tpu.memory_space<hbm>> -> memref<80xi32, #tpu.memory_space<hbm>>
    tpu.enqueue_dma source(%dma_start3A_5 : memref<80xi32, #tpu.memory_space<hbm>>) target(%arg10 : memref<80xi32, #tpu.memory_space<vmem>>) target_semaphore(%arg31 : memref<!tpu.dma_semaphore, #tpu.memory_space<semaphore_mem>>)
    %dma_start3A_6 = tpu.memref_slice %arg3[%add3A_4] : memref<320000xi32, #tpu.memory_space<hbm>> -> memref<80xi32, #tpu.memory_space<hbm>>
    %dma_start3A_7 = tpu.memref_slice %arg3[%add3A_4] : memref<320000xi32, #tpu.memory_space<hbm>> -> memref<80xi32, #tpu.memory_space<hbm>>
    tpu.enqueue_dma source(%dma_start3A_7 : memref<80xi32, #tpu.memory_space<hbm>>) target(%arg18 : memref<80xi32, #tpu.memory_space<vmem>>) target_semaphore(%arg31 : memref<!tpu.dma_semaphore, #tpu.memory_space<semaphore_mem>>)
    %add3A_8 = arith.constant 80 : i32
    %add3A_9 = arith.addi %add3A, %add3A_8 : i32
    %dma_start3A_10 = tpu.memref_slice %arg2[%add3A_9] : memref<320000xi32, #tpu.memory_space<hbm>> -> memref<80xi32, #tpu.memory_space<hbm>>
    %dma_start3A_11 = tpu.memref_slice %arg2[%add3A_9] : memref<320000xi32, #tpu.memory_space<hbm>> -> memref<80xi32, #tpu.memory_space<hbm>>
    tpu.enqueue_dma source(%dma_start3A_11 : memref<80xi32, #tpu.memory_space<hbm>>) target(%arg11 : memref<80xi32, #tpu.memory_space<vmem>>) target_semaphore(%arg32 : memref<!tpu.dma_semaphore, #tpu.memory_space<semaphore_mem>>)
    %dma_start3A_12 = tpu.memref_slice %arg3[%add3A_9] : memref<320000xi32, #tpu.memory_space<hbm>> -> memref<80xi32, #tpu.memory_space<hbm>>
    %dma_start3A_13 = tpu.memref_slice %arg3[%add3A_9] : memref<320000xi32, #tpu.memory_space<hbm>> -> memref<80xi32, #tpu.memory_space<hbm>>
    tpu.enqueue_dma source(%dma_start3A_13 : memref<80xi32, #tpu.memory_space<hbm>>) target(%arg19 : memref<80xi32, #tpu.memory_space<vmem>>) target_semaphore(%arg32 : memref<!tpu.dma_semaphore, #tpu.memory_space<semaphore_mem>>)
    %add3A_14 = arith.constant 160 : i32
    %add3A_15 = arith.addi %add3A, %add3A_14 : i32
    %dma_start3A_16 = tpu.memref_slice %arg2[%add3A_15] : memref<320000xi32, #tpu.memory_space<hbm>> -> memref<80xi32, #tpu.memory_space<hbm>>
    %dma_start3A_17 = tpu.memref_slice %arg2[%add3A_15] : memref<320000xi32, #tpu.memory_space<hbm>> -> memref<80xi32, #tpu.memory_space<hbm>>
    tpu.enqueue_dma source(%dma_start3A_17 : memref<80xi32, #tpu.memory_space<hbm>>) target(%arg12 : memref<80xi32, #tpu.memory_space<vmem>>) target_semaphore(%arg33 : memref<!tpu.dma_semaphore, #tpu.memory_space<semaphore_mem>>)
    %dma_start3A_18 = tpu.memref_slice %arg3[%add3A_15] : memref<320000xi32, #tpu.memory_space<hbm>> -> memref<80xi32, #tpu.memory_space<hbm>>
    %dma_start3A_19 = tpu.memref_slice %arg3[%add3A_15] : memref<320000xi32, #tpu.memory_space<hbm>> -> memref<80xi32, #tpu.memory_space<hbm>>
    tpu.enqueue_dma source(%dma_start3A_19 : memref<80xi32, #tpu.memory_space<hbm>>) target(%arg20 : memref<80xi32, #tpu.memory_space<vmem>>) target_semaphore(%arg33 : memref<!tpu.dma_semaphore, #tpu.memory_space<semaphore_mem>>)
    %add3A_20 = arith.constant 240 : i32
    %add3A_21 = arith.addi %add3A, %add3A_20 : i32
    %dma_start3A_22 = tpu.memref_slice %arg2[%add3A_21] : memref<320000xi32, #tpu.memory_space<hbm>> -> memref<80xi32, #tpu.memory_space<hbm>>
    %dma_start3A_23 = tpu.memref_slice %arg2[%add3A_21] : memref<320000xi32, #tpu.memory_space<hbm>> -> memref<80xi32, #tpu.memory_space<hbm>>
    tpu.enqueue_dma source(%dma_start3A_23 : memref<80xi32, #tpu.memory_space<hbm>>) target(%arg13 : memref<80xi32, #tpu.memory_space<vmem>>) target_semaphore(%arg34 : memref<!tpu.dma_semaphore, #tpu.memory_space<semaphore_mem>>)
    %dma_start3A_24 = tpu.memref_slice %arg3[%add3A_21] : memref<320000xi32, #tpu.memory_space<hbm>> -> memref<80xi32, #tpu.memory_space<hbm>>
    %dma_start3A_25 = tpu.memref_slice %arg3[%add3A_21] : memref<320000xi32, #tpu.memory_space<hbm>> -> memref<80xi32, #tpu.memory_space<hbm>>
    tpu.enqueue_dma source(%dma_start3A_25 : memref<80xi32, #tpu.memory_space<hbm>>) target(%arg21 : memref<80xi32, #tpu.memory_space<vmem>>) target_semaphore(%arg34 : memref<!tpu.dma_semaphore, #tpu.memory_space<semaphore_mem>>)
    %add3A_26 = arith.constant 320 : i32
    %add3A_27 = arith.addi %add3A, %add3A_26 : i32
    %dma_start3A_28 = tpu.memref_slice %arg2[%add3A_27] : memref<320000xi32, #tpu.memory_space<hbm>> -> memref<80xi32, #tpu.memory_space<hbm>>
    %dma_start3A_29 = tpu.memref_slice %arg2[%add3A_27] : memref<320000xi32, #tpu.memory_space<hbm>> -> memref<80xi32, #tpu.memory_space<hbm>>
    tpu.enqueue_dma source(%dma_start3A_29 : memref<80xi32, #tpu.memory_space<hbm>>) target(%arg14 : memref<80xi32, #tpu.memory_space<vmem>>) target_semaphore(%arg35 : memref<!tpu.dma_semaphore, #tpu.memory_space<semaphore_mem>>)
    %dma_start3A_30 = tpu.memref_slice %arg3[%add3A_27] : memref<320000xi32, #tpu.memory_space<hbm>> -> memref<80xi32, #tpu.memory_space<hbm>>
    %dma_start3A_31 = tpu.memref_slice %arg3[%add3A_27] : memref<320000xi32, #tpu.memory_space<hbm>> -> memref<80xi32, #tpu.memory_space<hbm>>
    tpu.enqueue_dma source(%dma_start3A_31 : memref<80xi32, #tpu.memory_space<hbm>>) target(%arg22 : memref<80xi32, #tpu.memory_space<vmem>>) target_semaphore(%arg35 : memref<!tpu.dma_semaphore, #tpu.memory_space<semaphore_mem>>)
    %add3A_32 = arith.constant 400 : i32
    %add3A_33 = arith.addi %add3A, %add3A_32 : i32
    %dma_start3A_34 = tpu.memref_slice %arg2[%add3A_33] : memref<320000xi32, #tpu.memory_space<hbm>> -> memref<80xi32, #tpu.memory_space<hbm>>
    %dma_start3A_35 = tpu.memref_slice %arg2[%add3A_33] : memref<320000xi32, #tpu.memory_space<hbm>> -> memref<80xi32, #tpu.memory_space<hbm>>
    tpu.enqueue_dma source(%dma_start3A_35 : memref<80xi32, #tpu.memory_space<hbm>>) target(%arg15 : memref<80xi32, #tpu.memory_space<vmem>>) target_semaphore(%arg36 : memref<!tpu.dma_semaphore, #tpu.memory_space<semaphore_mem>>)
    %dma_start3A_36 = tpu.memref_slice %arg3[%add3A_33] : memref<320000xi32, #tpu.memory_space<hbm>> -> memref<80xi32, #tpu.memory_space<hbm>>
    %dma_start3A_37 = tpu.memref_slice %arg3[%add3A_33] : memref<320000xi32, #tpu.memory_space<hbm>> -> memref<80xi32, #tpu.memory_space<hbm>>
    tpu.enqueue_dma source(%dma_start3A_37 : memref<80xi32, #tpu.memory_space<hbm>>) target(%arg23 : memref<80xi32, #tpu.memory_space<vmem>>) target_semaphore(%arg36 : memref<!tpu.dma_semaphore, #tpu.memory_space<semaphore_mem>>)
    %add3A_38 = arith.constant 480 : i32
    %add3A_39 = arith.addi %add3A, %add3A_38 : i32
    %dma_start3A_40 = tpu.memref_slice %arg2[%add3A_39] : memref<320000xi32, #tpu.memory_space<hbm>> -> memref<80xi32, #tpu.memory_space<hbm>>
    %dma_start3A_41 = tpu.memref_slice %arg2[%add3A_39] : memref<320000xi32, #tpu.memory_space<hbm>> -> memref<80xi32, #tpu.memory_space<hbm>>
    tpu.enqueue_dma source(%dma_start3A_41 : memref<80xi32, #tpu.memory_space<hbm>>) target(%arg16 : memref<80xi32, #tpu.memory_space<vmem>>) target_semaphore(%arg37 : memref<!tpu.dma_semaphore, #tpu.memory_space<semaphore_mem>>)
    %dma_start3A_42 = tpu.memref_slice %arg3[%add3A_39] : memref<320000xi32, #tpu.memory_space<hbm>> -> memref<80xi32, #tpu.memory_space<hbm>>
    %dma_start3A_43 = tpu.memref_slice %arg3[%add3A_39] : memref<320000xi32, #tpu.memory_space<hbm>> -> memref<80xi32, #tpu.memory_space<hbm>>
    tpu.enqueue_dma source(%dma_start3A_43 : memref<80xi32, #tpu.memory_space<hbm>>) target(%arg24 : memref<80xi32, #tpu.memory_space<vmem>>) target_semaphore(%arg37 : memref<!tpu.dma_semaphore, #tpu.memory_space<semaphore_mem>>)
    %scan3A = arith.constant 0 : i32
    %scan3A_44 = arith.constant 0 : i32
    %scan3A_45 = arith.constant 80 : i32
    %scan3A_46 = arith.addi %scan3A_44, %scan3A_45 : i32
    %scan3A_47 = arith.constant 1 : i32
    %scan3A_48 = scf.for %scan3A_154 = %scan3A_44 to %scan3A_46 step %scan3A_47 iter_args(%scan3A_155 = %scan3A) -> (i32)  : i32 {
      %broadcast_in_dim3A = arith.constant 0.000000e+00 : f32
      %broadcast_in_dim3A_156 = vector.broadcast %broadcast_in_dim3A : f32 to vector<16xf32>
      %swap3A = arith.index_cast %scan3A_154 : i32 to index
      %swap3A_157 = arith.constant 0 : index
      %swap3A_158 = tpu.vector_load %arg9[%swap3A, %swap3A_157] {strides = array<i32>} : memref<80x128xf32, #tpu.memory_space<vmem>>, vector<1x16xf32>,
      %swap3A_159 = vector.shape_cast %swap3A_158 : vector<1x16xf32> to vector<16xf32>
      %swap3A_160 = vector.shape_cast %broadcast_in_dim3A_156 : vector<16xf32> to vector<1x16xf32>
      tpu.vector_store %arg9[%swap3A, %swap3A_157], %swap3A_160 {strides = array<i32>} : memref<80x128xf32, #tpu.memory_space<vmem>>, vector<1x16xf32>,
      %broadcast_in_dim3A_161 = arith.constant 0.000000e+00 : f32
      %broadcast_in_dim3A_162 = vector.broadcast %broadcast_in_dim3A_161 : f32 to vector<16xf32>
      %swap3A_163 = arith.index_cast %scan3A_154 : i32 to index
      %swap3A_164 = arith.constant 16 : index
      %swap3A_165 = tpu.vector_load %arg9[%swap3A_163, %swap3A_164] {strides = array<i32>} : memref<80x128xf32, #tpu.memory_space<vmem>>, vector<1x16xf32>,
      %swap3A_166 = vector.shape_cast %swap3A_165 : vector<1x16xf32> to vector<16xf32>
      %swap3A_167 = vector.shape_cast %broadcast_in_dim3A_162 : vector<16xf32> to vector<1x16xf32>
      tpu.vector_store %arg9[%swap3A_163, %swap3A_164], %swap3A_167 {strides = array<i32>} : memref<80x128xf32, #tpu.memory_space<vmem>>, vector<1x16xf32>,
      %broadcast_in_dim3A_168 = arith.constant 0.000000e+00 : f32
      %broadcast_in_dim3A_169 = vector.broadcast %broadcast_in_dim3A_168 : f32 to vector<16xf32>
      %swap3A_170 = arith.index_cast %scan3A_154 : i32 to index
      %swap3A_171 = arith.constant 32 : index
      %swap3A_172 = tpu.vector_load %arg9[%swap3A_170, %swap3A_171] {strides = array<i32>} : memref<80x128xf32, #tpu.memory_space<vmem>>, vector<1x16xf32>,
      %swap3A_173 = vector.shape_cast %swap3A_172 : vector<1x16xf32> to vector<16xf32>
      %swap3A_174 = vector.shape_cast %broadcast_in_dim3A_169 : vector<16xf32> to vector<1x16xf32>
      tpu.vector_store %arg9[%swap3A_170, %swap3A_171], %swap3A_174 {strides = array<i32>} : memref<80x128xf32, #tpu.memory_space<vmem>>, vector<1x16xf32>,
      %broadcast_in_dim3A_175 = arith.constant 0.000000e+00 : f32
      %broadcast_in_dim3A_176 = vector.broadcast %broadcast_in_dim3A_175 : f32 to vector<16xf32>
      %swap3A_177 = arith.index_cast %scan3A_154 : i32 to index
      %swap3A_178 = arith.constant 48 : index
      %swap3A_179 = tpu.vector_load %arg9[%swap3A_177, %swap3A_178] {strides = array<i32>} : memref<80x128xf32, #tpu.memory_space<vmem>>, vector<1x16xf32>,
      %swap3A_180 = vector.shape_cast %swap3A_179 : vector<1x16xf32> to vector<16xf32>
      %swap3A_181 = vector.shape_cast %broadcast_in_dim3A_176 : vector<16xf32> to vector<1x16xf32>
      tpu.vector_store %arg9[%swap3A_177, %swap3A_178], %swap3A_181 {strides = array<i32>} : memref<80x128xf32, #tpu.memory_space<vmem>>, vector<1x16xf32>,
      %broadcast_in_dim3A_182 = arith.constant 0.000000e+00 : f32
      %broadcast_in_dim3A_183 = vector.broadcast %broadcast_in_dim3A_182 : f32 to vector<16xf32>
      %swap3A_184 = arith.index_cast %scan3A_154 : i32 to index
      %swap3A_185 = arith.constant 64 : index
      %swap3A_186 = tpu.vector_load %arg9[%swap3A_184, %swap3A_185] {strides = array<i32>} : memref<80x128xf32, #tpu.memory_space<vmem>>, vector<1x16xf32>,
      %swap3A_187 = vector.shape_cast %swap3A_186 : vector<1x16xf32> to vector<16xf32>
      %swap3A_188 = vector.shape_cast %broadcast_in_dim3A_183 : vector<16xf32> to vector<1x16xf32>
      tpu.vector_store %arg9[%swap3A_184, %swap3A_185], %swap3A_188 {strides = array<i32>} : memref<80x128xf32, #tpu.memory_space<vmem>>, vector<1x16xf32>,
      %broadcast_in_dim3A_189 = arith.constant 0.000000e+00 : f32
      %broadcast_in_dim3A_190 = vector.broadcast %broadcast_in_dim3A_189 : f32 to vector<16xf32>
      %swap3A_191 = arith.index_cast %scan3A_154 : i32 to index
      %swap3A_192 = arith.constant 80 : index
      %swap3A_193 = tpu.vector_load %arg9[%swap3A_191, %swap3A_192] {strides = array<i32>} : memref<80x128xf32, #tpu.memory_space<vmem>>, vector<1x16xf32>,
      %swap3A_194 = vector.shape_cast %swap3A_193 : vector<1x16xf32> to vector<16xf32>
      %swap3A_195 = vector.shape_cast %broadcast_in_dim3A_190 : vector<16xf32> to vector<1x16xf32>
      tpu.vector_store %arg9[%swap3A_191, %swap3A_192], %swap3A_195 {strides = array<i32>} : memref<80x128xf32, #tpu.memory_space<vmem>>, vector<1x16xf32>,
      %broadcast_in_dim3A_196 = arith.constant 0.000000e+00 : f32
      %broadcast_in_dim3A_197 = vector.broadcast %broadcast_in_dim3A_196 : f32 to vector<16xf32>
      %swap3A_198 = arith.index_cast %scan3A_154 : i32 to index
      %swap3A_199 = arith.constant 96 : index
      %swap3A_200 = tpu.vector_load %arg9[%swap3A_198, %swap3A_199] {strides = array<i32>} : memref<80x128xf32, #tpu.memory_space<vmem>>, vector<1x16xf32>,
      %swap3A_201 = vector.shape_cast %swap3A_200 : vector<1x16xf32> to vector<16xf32>
      %swap3A_202 = vector.shape_cast %broadcast_in_dim3A_197 : vector<16xf32> to vector<1x16xf32>
      tpu.vector_store %arg9[%swap3A_198, %swap3A_199], %swap3A_202 {strides = array<i32>} : memref<80x128xf32, #tpu.memory_space<vmem>>, vector<1x16xf32>,
      %broadcast_in_dim3A_203 = arith.constant 0.000000e+00 : f32
      %broadcast_in_dim3A_204 = vector.broadcast %broadcast_in_dim3A_203 : f32 to vector<16xf32>
      %swap3A_205 = arith.index_cast %scan3A_154 : i32 to index
      %swap3A_206 = arith.constant 112 : index
      %swap3A_207 = tpu.vector_load %arg9[%swap3A_205, %swap3A_206] {strides = array<i32>} : memref<80x128xf32, #tpu.memory_space<vmem>>, vector<1x16xf32>,
      %swap3A_208 = vector.shape_cast %swap3A_207 : vector<1x16xf32> to vector<16xf32>
      %swap3A_209 = vector.shape_cast %broadcast_in_dim3A_204 : vector<16xf32> to vector<1x16xf32>
      tpu.vector_store %arg9[%swap3A_205, %swap3A_206], %swap3A_209 {strides = array<i32>} : memref<80x128xf32, #tpu.memory_space<vmem>>, vector<1x16xf32>,
      %scan3A_210 = arith.constant 0 : i32
      scf.yield %scan3A_210 : i32
    }
    %scan3A_49 = arith.constant 80 : i32
    %mul3A_50 = arith.constant 640 : i32
    %mul3A_51 = arith.muli %arg1, %mul3A_50 : i32
    %add3A_52 = arith.constant 0 : i32
    %add3A_53 = arith.addi %mul3A_51, %add3A_52 : i32
    "tpu.region"() ({
      %run_scoped3A = tpu.sem_alloc : memref<!tpu.dma_semaphore, #tpu.memory_space<semaphore_mem>>
      %dma_start3A_154 = arith.constant 0 : i32
      %dma_start3A_155 = tpu.memref_slice %arg26[%add3A_53, %dma_start3A_154] : memref<10240x128xf32, #tpu.memory_space<vmem_shared>> -> memref<80x128xf32, #tpu.memory_space<vmem_shared>>
      %dma_start3A_156 = arith.constant 0 : i32
      %dma_start3A_157 = tpu.memref_slice %arg26[%add3A_53, %dma_start3A_156] : memref<10240x128xf32, #tpu.memory_space<vmem_shared>> -> memref<80x128xf32, #tpu.memory_space<vmem_shared>>
      tpu.enqueue_dma source(%arg9 : memref<80x128xf32, #tpu.memory_space<vmem>>) target(%dma_start3A_157 : memref<80x128xf32, #tpu.memory_space<vmem_shared>>) target_semaphore(%run_scoped3A : memref<!tpu.dma_semaphore, #tpu.memory_space<semaphore_mem>>)
      %dma_wait3A_158 = arith.constant 0 : i32
      %dma_wait3A_159 = tpu.memref_slice %arg26[%add3A_53, %dma_wait3A_158] : memref<10240x128xf32, #tpu.memory_space<vmem_shared>> -> memref<80x128xf32, #tpu.memory_space<vmem_shared>>
      %dma_wait3A_160 = arith.constant 0 : i32
      %dma_wait3A_161 = tpu.memref_slice %arg26[%add3A_53, %dma_wait3A_160] : memref<10240x128xf32, #tpu.memory_space<vmem_shared>> -> memref<80x128xf32, #tpu.memory_space<vmem_shared>>
      tpu.wait_dma2 semaphore(%run_scoped3A : memref<!tpu.dma_semaphore, #tpu.memory_space<semaphore_mem>>) src(%arg9 : memref<80x128xf32, #tpu.memory_space<vmem>>) dst(%dma_wait3A_161 : memref<80x128xf32, #tpu.memory_space<vmem_shared>>)
      tpu.yield
    }) : () -> ()
    %mul3A_54 = arith.constant 640 : i32
    %mul3A_55 = arith.muli %arg1, %mul3A_54 : i32
    %add3A_56 = arith.constant 80 : i32
    %add3A_57 = arith.addi %mul3A_55, %add3A_56 : i32
    "tpu.region"() ({
      %run_scoped3A = tpu.sem_alloc : memref<!tpu.dma_semaphore, #tpu.memory_space<semaphore_mem>>
      %dma_start3A_154 = arith.constant 0 : i32
      %dma_start3A_155 = tpu.memref_slice %arg26[%add3A_57, %dma_start3A_154] : memref<10240x128xf32, #tpu.memory_space<vmem_shared>> -> memref<80x128xf32, #tpu.memory_space<vmem_shared>>
      %dma_start3A_156 = arith.constant 0 : i32
      %dma_start3A_157 = tpu.memref_slice %arg26[%add3A_57, %dma_start3A_156] : memref<10240x128xf32, #tpu.memory_space<vmem_shared>> -> memref<80x128xf32, #tpu.memory_space<vmem_shared>>
      tpu.enqueue_dma source(%arg9 : memref<80x128xf32, #tpu.memory_space<vmem>>) target(%dma_start3A_157 : memref<80x128xf32, #tpu.memory_space<vmem_shared>>) target_semaphore(%run_scoped3A : memref<!tpu.dma_semaphore, #tpu.memory_space<semaphore_mem>>)
      %dma_wait3A_158 = arith.constant 0 : i32
      %dma_wait3A_159 = tpu.memref_slice %arg26[%add3A_57, %dma_wait3A_158] : memref<10240x128xf32, #tpu.memory_space<vmem_shared>> -> memref<80x128xf32, #tpu.memory_space<vmem_shared>>
      %dma_wait3A_160 = arith.constant 0 : i32
      %dma_wait3A_161 = tpu.memref_slice %arg26[%add3A_57, %dma_wait3A_160] : memref<10240x128xf32, #tpu.memory_space<vmem_shared>> -> memref<80x128xf32, #tpu.memory_space<vmem_shared>>
      tpu.wait_dma2 semaphore(%run_scoped3A : memref<!tpu.dma_semaphore, #tpu.memory_space<semaphore_mem>>) src(%arg9 : memref<80x128xf32, #tpu.memory_space<vmem>>) dst(%dma_wait3A_161 : memref<80x128xf32, #tpu.memory_space<vmem_shared>>)
      tpu.yield
    }) : () -> ()
    %mul3A_58 = arith.constant 640 : i32
    %mul3A_59 = arith.muli %arg1, %mul3A_58 : i32
    %add3A_60 = arith.constant 160 : i32
    %add3A_61 = arith.addi %mul3A_59, %add3A_60 : i32
    "tpu.region"() ({
      %run_scoped3A = tpu.sem_alloc : memref<!tpu.dma_semaphore, #tpu.memory_space<semaphore_mem>>
      %dma_start3A_154 = arith.constant 0 : i32
      %dma_start3A_155 = tpu.memref_slice %arg26[%add3A_61, %dma_start3A_154] : memref<10240x128xf32, #tpu.memory_space<vmem_shared>> -> memref<80x128xf32, #tpu.memory_space<vmem_shared>>
      %dma_start3A_156 = arith.constant 0 : i32
      %dma_start3A_157 = tpu.memref_slice %arg26[%add3A_61, %dma_start3A_156] : memref<10240x128xf32, #tpu.memory_space<vmem_shared>> -> memref<80x128xf32, #tpu.memory_space<vmem_shared>>
      tpu.enqueue_dma source(%arg9 : memref<80x128xf32, #tpu.memory_space<vmem>>) target(%dma_start3A_157 : memref<80x128xf32, #tpu.memory_space<vmem_shared>>) target_semaphore(%run_scoped3A : memref<!tpu.dma_semaphore, #tpu.memory_space<semaphore_mem>>)
      %dma_wait3A_158 = arith.constant 0 : i32
      %dma_wait3A_159 = tpu.memref_slice %arg26[%add3A_61, %dma_wait3A_158] : memref<10240x128xf32, #tpu.memory_space<vmem_shared>> -> memref<80x128xf32, #tpu.memory_space<vmem_shared>>
      %dma_wait3A_160 = arith.constant 0 : i32
      %dma_wait3A_161 = tpu.memref_slice %arg26[%add3A_61, %dma_wait3A_160] : memref<10240x128xf32, #tpu.memory_space<vmem_shared>> -> memref<80x128xf32, #tpu.memory_space<vmem_shared>>
      tpu.wait_dma2 semaphore(%run_scoped3A : memref<!tpu.dma_semaphore, #tpu.memory_space<semaphore_mem>>) src(%arg9 : memref<80x128xf32, #tpu.memory_space<vmem>>) dst(%dma_wait3A_161 : memref<80x128xf32, #tpu.memory_space<vmem_shared>>)
      tpu.yield
    }) : () -> ()
    %mul3A_62 = arith.constant 640 : i32
    %mul3A_63 = arith.muli %arg1, %mul3A_62 : i32
    %add3A_64 = arith.constant 240 : i32
    %add3A_65 = arith.addi %mul3A_63, %add3A_64 : i32
    "tpu.region"() ({
      %run_scoped3A = tpu.sem_alloc : memref<!tpu.dma_semaphore, #tpu.memory_space<semaphore_mem>>
      %dma_start3A_154 = arith.constant 0 : i32
      %dma_start3A_155 = tpu.memref_slice %arg26[%add3A_65, %dma_start3A_154] : memref<10240x128xf32, #tpu.memory_space<vmem_shared>> -> memref<80x128xf32, #tpu.memory_space<vmem_shared>>
      %dma_start3A_156 = arith.constant 0 : i32
      %dma_start3A_157 = tpu.memref_slice %arg26[%add3A_65, %dma_start3A_156] : memref<10240x128xf32, #tpu.memory_space<vmem_shared>> -> memref<80x128xf32, #tpu.memory_space<vmem_shared>>
      tpu.enqueue_dma source(%arg9 : memref<80x128xf32, #tpu.memory_space<vmem>>) target(%dma_start3A_157 : memref<80x128xf32, #tpu.memory_space<vmem_shared>>) target_semaphore(%run_scoped3A : memref<!tpu.dma_semaphore, #tpu.memory_space<semaphore_mem>>)
      %dma_wait3A_158 = arith.constant 0 : i32
      %dma_wait3A_159 = tpu.memref_slice %arg26[%add3A_65, %dma_wait3A_158] : memref<10240x128xf32, #tpu.memory_space<vmem_shared>> -> memref<80x128xf32, #tpu.memory_space<vmem_shared>>
      %dma_wait3A_160 = arith.constant 0 : i32
      %dma_wait3A_161 = tpu.memref_slice %arg26[%add3A_65, %dma_wait3A_160] : memref<10240x128xf32, #tpu.memory_space<vmem_shared>> -> memref<80x128xf32, #tpu.memory_space<vmem_shared>>
      tpu.wait_dma2 semaphore(%run_scoped3A : memref<!tpu.dma_semaphore, #tpu.memory_space<semaphore_mem>>) src(%arg9 : memref<80x128xf32, #tpu.memory_space<vmem>>) dst(%dma_wait3A_161 : memref<80x128xf32, #tpu.memory_space<vmem_shared>>)
      tpu.yield
    }) : () -> ()
    %mul3A_66 = arith.constant 640 : i32
    %mul3A_67 = arith.muli %arg1, %mul3A_66 : i32
    %add3A_68 = arith.constant 320 : i32
    %add3A_69 = arith.addi %mul3A_67, %add3A_68 : i32
    "tpu.region"() ({
      %run_scoped3A = tpu.sem_alloc : memref<!tpu.dma_semaphore, #tpu.memory_space<semaphore_mem>>
      %dma_start3A_154 = arith.constant 0 : i32
      %dma_start3A_155 = tpu.memref_slice %arg26[%add3A_69, %dma_start3A_154] : memref<10240x128xf32, #tpu.memory_space<vmem_shared>> -> memref<80x128xf32, #tpu.memory_space<vmem_shared>>
      %dma_start3A_156 = arith.constant 0 : i32
      %dma_start3A_157 = tpu.memref_slice %arg26[%add3A_69, %dma_start3A_156] : memref<10240x128xf32, #tpu.memory_space<vmem_shared>> -> memref<80x128xf32, #tpu.memory_space<vmem_shared>>
      tpu.enqueue_dma source(%arg9 : memref<80x128xf32, #tpu.memory_space<vmem>>) target(%dma_start3A_157 : memref<80x128xf32, #tpu.memory_space<vmem_shared>>) target_semaphore(%run_scoped3A : memref<!tpu.dma_semaphore, #tpu.memory_space<semaphore_mem>>)
      %dma_wait3A_158 = arith.constant 0 : i32
      %dma_wait3A_159 = tpu.memref_slice %arg26[%add3A_69, %dma_wait3A_158] : memref<10240x128xf32, #tpu.memory_space<vmem_shared>> -> memref<80x128xf32, #tpu.memory_space<vmem_shared>>
      %dma_wait3A_160 = arith.constant 0 : i32
      %dma_wait3A_161 = tpu.memref_slice %arg26[%add3A_69, %dma_wait3A_160] : memref<10240x128xf32, #tpu.memory_space<vmem_shared>> -> memref<80x128xf32, #tpu.memory_space<vmem_shared>>
      tpu.wait_dma2 semaphore(%run_scoped3A : memref<!tpu.dma_semaphore, #tpu.memory_space<semaphore_mem>>) src(%arg9 : memref<80x128xf32, #tpu.memory_space<vmem>>) dst(%dma_wait3A_161 : memref<80x128xf32, #tpu.memory_space<vmem_shared>>)
      tpu.yield
    }) : () -> ()
    %mul3A_70 = arith.constant 640 : i32
    %mul3A_71 = arith.muli %arg1, %mul3A_70 : i32
    %add3A_72 = arith.constant 400 : i32
    %add3A_73 = arith.addi %mul3A_71, %add3A_72 : i32
    "tpu.region"() ({
      %run_scoped3A = tpu.sem_alloc : memref<!tpu.dma_semaphore, #tpu.memory_space<semaphore_mem>>
      %dma_start3A_154 = arith.constant 0 : i32
      %dma_start3A_155 = tpu.memref_slice %arg26[%add3A_73, %dma_start3A_154] : memref<10240x128xf32, #tpu.memory_space<vmem_shared>> -> memref<80x128xf32, #tpu.memory_space<vmem_shared>>
      %dma_start3A_156 = arith.constant 0 : i32
      %dma_start3A_157 = tpu.memref_slice %arg26[%add3A_73, %dma_start3A_156] : memref<10240x128xf32, #tpu.memory_space<vmem_shared>> -> memref<80x128xf32, #tpu.memory_space<vmem_shared>>
      tpu.enqueue_dma source(%arg9 : memref<80x128xf32, #tpu.memory_space<vmem>>) target(%dma_start3A_157 : memref<80x128xf32, #tpu.memory_space<vmem_shared>>) target_semaphore(%run_scoped3A : memref<!tpu.dma_semaphore, #tpu.memory_space<semaphore_mem>>)
      %dma_wait3A_158 = arith.constant 0 : i32
      %dma_wait3A_159 = tpu.memref_slice %arg26[%add3A_73, %dma_wait3A_158] : memref<10240x128xf32, #tpu.memory_space<vmem_shared>> -> memref<80x128xf32, #tpu.memory_space<vmem_shared>>
      %dma_wait3A_160 = arith.constant 0 : i32
      %dma_wait3A_161 = tpu.memref_slice %arg26[%add3A_73, %dma_wait3A_160] : memref<10240x128xf32, #tpu.memory_space<vmem_shared>> -> memref<80x128xf32, #tpu.memory_space<vmem_shared>>
      tpu.wait_dma2 semaphore(%run_scoped3A : memref<!tpu.dma_semaphore, #tpu.memory_space<semaphore_mem>>) src(%arg9 : memref<80x128xf32, #tpu.memory_space<vmem>>) dst(%dma_wait3A_161 : memref<80x128xf32, #tpu.memory_space<vmem_shared>>)
      tpu.yield
    }) : () -> ()
    %mul3A_74 = arith.constant 640 : i32
    %mul3A_75 = arith.muli %arg1, %mul3A_74 : i32
    %add3A_76 = arith.constant 480 : i32
    %add3A_77 = arith.addi %mul3A_75, %add3A_76 : i32
    "tpu.region"() ({
      %run_scoped3A = tpu.sem_alloc : memref<!tpu.dma_semaphore, #tpu.memory_space<semaphore_mem>>
      %dma_start3A_154 = arith.constant 0 : i32
      %dma_start3A_155 = tpu.memref_slice %arg26[%add3A_77, %dma_start3A_154] : memref<10240x128xf32, #tpu.memory_space<vmem_shared>> -> memref<80x128xf32, #tpu.memory_space<vmem_shared>>
      %dma_start3A_156 = arith.constant 0 : i32
      %dma_start3A_157 = tpu.memref_slice %arg26[%add3A_77, %dma_start3A_156] : memref<10240x128xf32, #tpu.memory_space<vmem_shared>> -> memref<80x128xf32, #tpu.memory_space<vmem_shared>>
      tpu.enqueue_dma source(%arg9 : memref<80x128xf32, #tpu.memory_space<vmem>>) target(%dma_start3A_157 : memref<80x128xf32, #tpu.memory_space<vmem_shared>>) target_semaphore(%run_scoped3A : memref<!tpu.dma_semaphore, #tpu.memory_space<semaphore_mem>>)
      %dma_wait3A_158 = arith.constant 0 : i32
      %dma_wait3A_159 = tpu.memref_slice %arg26[%add3A_77, %dma_wait3A_158] : memref<10240x128xf32, #tpu.memory_space<vmem_shared>> -> memref<80x128xf32, #tpu.memory_space<vmem_shared>>
      %dma_wait3A_160 = arith.constant 0 : i32
      %dma_wait3A_161 = tpu.memref_slice %arg26[%add3A_77, %dma_wait3A_160] : memref<10240x128xf32, #tpu.memory_space<vmem_shared>> -> memref<80x128xf32, #tpu.memory_space<vmem_shared>>
      tpu.wait_dma2 semaphore(%run_scoped3A : memref<!tpu.dma_semaphore, #tpu.memory_space<semaphore_mem>>) src(%arg9 : memref<80x128xf32, #tpu.memory_space<vmem>>) dst(%dma_wait3A_161 : memref<80x128xf32, #tpu.memory_space<vmem_shared>>)
      tpu.yield
    }) : () -> ()
    %mul3A_78 = arith.constant 640 : i32
    %mul3A_79 = arith.muli %arg1, %mul3A_78 : i32
    %add3A_80 = arith.constant 560 : i32
    %add3A_81 = arith.addi %mul3A_79, %add3A_80 : i32
    "tpu.region"() ({
      %run_scoped3A = tpu.sem_alloc : memref<!tpu.dma_semaphore, #tpu.memory_space<semaphore_mem>>
      %dma_start3A_154 = arith.constant 0 : i32
      %dma_start3A_155 = tpu.memref_slice %arg26[%add3A_81, %dma_start3A_154] : memref<10240x128xf32, #tpu.memory_space<vmem_shared>> -> memref<80x128xf32, #tpu.memory_space<vmem_shared>>
      %dma_start3A_156 = arith.constant 0 : i32
      %dma_start3A_157 = tpu.memref_slice %arg26[%add3A_81, %dma_start3A_156] : memref<10240x128xf32, #tpu.memory_space<vmem_shared>> -> memref<80x128xf32, #tpu.memory_space<vmem_shared>>
      tpu.enqueue_dma source(%arg9 : memref<80x128xf32, #tpu.memory_space<vmem>>) target(%dma_start3A_157 : memref<80x128xf32, #tpu.memory_space<vmem_shared>>) target_semaphore(%run_scoped3A : memref<!tpu.dma_semaphore, #tpu.memory_space<semaphore_mem>>)
      %dma_wait3A_158 = arith.constant 0 : i32
      %dma_wait3A_159 = tpu.memref_slice %arg26[%add3A_81, %dma_wait3A_158] : memref<10240x128xf32, #tpu.memory_space<vmem_shared>> -> memref<80x128xf32, #tpu.memory_space<vmem_shared>>
      %dma_wait3A_160 = arith.constant 0 : i32
      %dma_wait3A_161 = tpu.memref_slice %arg26[%add3A_81, %dma_wait3A_160] : memref<10240x128xf32, #tpu.memory_space<vmem_shared>> -> memref<80x128xf32, #tpu.memory_space<vmem_shared>>
      tpu.wait_dma2 semaphore(%run_scoped3A : memref<!tpu.dma_semaphore, #tpu.memory_space<semaphore_mem>>) src(%arg9 : memref<80x128xf32, #tpu.memory_space<vmem>>) dst(%dma_wait3A_161 : memref<80x128xf32, #tpu.memory_space<vmem_shared>>)
      tpu.yield
    }) : () -> ()
    %barrier3A = arith.constant 0 : index
    tpu.barrier barrier_id(%barrier3A)
    %dma_wait3A = arith.constant 0 : i32
    %dma_wait3A_82 = tpu.memref_slice %arg2[%dma_wait3A] : memref<320000xi32, #tpu.memory_space<hbm>> -> memref<80xi32, #tpu.memory_space<hbm>>
    %dma_wait3A_83 = arith.constant 0 : i32
    %dma_wait3A_84 = tpu.memref_slice %arg2[%dma_wait3A_83] : memref<320000xi32, #tpu.memory_space<hbm>> -> memref<80xi32, #tpu.memory_space<hbm>>
    tpu.wait_dma2 semaphore(%arg31 : memref<!tpu.dma_semaphore, #tpu.memory_space<semaphore_mem>>) src(%dma_wait3A_84 : memref<80xi32, #tpu.memory_space<hbm>>) dst(%arg10 : memref<80xi32, #tpu.memory_space<vmem>>)
    %dma_wait3A_85 = arith.constant 0 : i32
    %dma_wait3A_86 = tpu.memref_slice %arg3[%dma_wait3A_85] : memref<320000xi32, #tpu.memory_space<hbm>> -> memref<80xi32, #tpu.memory_space<hbm>>
    %dma_wait3A_87 = arith.constant 0 : i32
    %dma_wait3A_88 = tpu.memref_slice %arg3[%dma_wait3A_87] : memref<320000xi32, #tpu.memory_space<hbm>> -> memref<80xi32, #tpu.memory_space<hbm>>
    tpu.wait_dma2 semaphore(%arg31 : memref<!tpu.dma_semaphore, #tpu.memory_space<semaphore_mem>>) src(%dma_wait3A_88 : memref<80xi32, #tpu.memory_space<hbm>>) dst(%arg18 : memref<80xi32, #tpu.memory_space<vmem>>)
    %dma_start3A_89 = arith.constant 0 : i32
    %dma_start3A_90 = arith.constant 0 : i32
    %dma_start3A_91 = tpu.memref_slice %arg4[%dma_start3A_89, %dma_start3A_90] : memref<10240x128xf32, #tpu.memory_space<hbm>> -> memref<10240x128xf32, #tpu.memory_space<hbm>>
    tpu.enqueue_indirect_dma source(%dma_start3A_91 : memref<10240x128xf32, #tpu.memory_space<hbm>>) target(%arg6 : memref<80x128xf32, #tpu.memory_space<vmem>>) offsets(%arg10 : memref<80xi32, #tpu.memory_space<vmem>>) semaphore(%arg27 : memref<!tpu.dma_semaphore, #tpu.memory_space<semaphore_mem>>)
    %dma_wait3A_92 = arith.constant 0 : i32
    %dma_wait3A_93 = tpu.memref_slice %arg2[%dma_wait3A_92] : memref<320000xi32, #tpu.memory_space<hbm>> -> memref<80xi32, #tpu.memory_space<hbm>>
    %dma_wait3A_94 = arith.constant 0 : i32
    %dma_wait3A_95 = tpu.memref_slice %arg2[%dma_wait3A_94] : memref<320000xi32, #tpu.memory_space<hbm>> -> memref<80xi32, #tpu.memory_space<hbm>>
    tpu.wait_dma2 semaphore(%arg32 : memref<!tpu.dma_semaphore, #tpu.memory_space<semaphore_mem>>) src(%dma_wait3A_95 : memref<80xi32, #tpu.memory_space<hbm>>) dst(%arg11 : memref<80xi32, #tpu.memory_space<vmem>>)
    %dma_wait3A_96 = arith.constant 0 : i32
    %dma_wait3A_97 = tpu.memref_slice %arg3[%dma_wait3A_96] : memref<320000xi32, #tpu.memory_space<hbm>> -> memref<80xi32, #tpu.memory_space<hbm>>
    %dma_wait3A_98 = arith.constant 0 : i32
    %dma_wait3A_99 = tpu.memref_slice %arg3[%dma_wait3A_98] : memref<320000xi32, #tpu.memory_space<hbm>> -> memref<80xi32, #tpu.memory_space<hbm>>
    tpu.wait_dma2 semaphore(%arg32 : memref<!tpu.dma_semaphore, #tpu.memory_space<semaphore_mem>>) src(%dma_wait3A_99 : memref<80xi32, #tpu.memory_space<hbm>>) dst(%arg19 : memref<80xi32, #tpu.memory_space<vmem>>)
    %dma_start3A_100 = arith.constant 0 : i32
    %dma_start3A_101 = arith.constant 0 : i32
    %dma_start3A_102 = tpu.memref_slice %arg4[%dma_start3A_100, %dma_start3A_101] : memref<10240x128xf32, #tpu.memory_space<hbm>> -> memref<10240x128xf32, #tpu.memory_space<hbm>>
    tpu.enqueue_indirect_dma source(%dma_start3A_102 : memref<10240x128xf32, #tpu.memory_space<hbm>>) target(%arg7 : memref<80x128xf32, #tpu.memory_space<vmem>>) offsets(%arg11 : memref<80xi32, #tpu.memory_space<vmem>>) semaphore(%arg28 : memref<!tpu.dma_semaphore, #tpu.memory_space<semaphore_mem>>)
    %dma_wait3A_103 = arith.constant 0 : i32
    %dma_wait3A_104 = tpu.memref_slice %arg2[%dma_wait3A_103] : memref<320000xi32, #tpu.memory_space<hbm>> -> memref<80xi32, #tpu.memory_space<hbm>>
    %dma_wait3A_105 = arith.constant 0 : i32
    %dma_wait3A_106 = tpu.memref_slice %arg2[%dma_wait3A_105] : memref<320000xi32, #tpu.memory_space<hbm>> -> memref<80xi32, #tpu.memory_space<hbm>>
    tpu.wait_dma2 semaphore(%arg33 : memref<!tpu.dma_semaphore, #tpu.memory_space<semaphore_mem>>) src(%dma_wait3A_106 : memref<80xi32, #tpu.memory_space<hbm>>) dst(%arg12 : memref<80xi32, #tpu.memory_space<vmem>>)
    %dma_wait3A_107 = arith.constant 0 : i32
    %dma_wait3A_108 = tpu.memref_slice %arg3[%dma_wait3A_107] : memref<320000xi32, #tpu.memory_space<hbm>> -> memref<80xi32, #tpu.memory_space<hbm>>
    %dma_wait3A_109 = arith.constant 0 : i32
    %dma_wait3A_110 = tpu.memref_slice %arg3[%dma_wait3A_109] : memref<320000xi32, #tpu.memory_space<hbm>> -> memref<80xi32, #tpu.memory_space<hbm>>
    tpu.wait_dma2 semaphore(%arg33 : memref<!tpu.dma_semaphore, #tpu.memory_space<semaphore_mem>>) src(%dma_wait3A_110 : memref<80xi32, #tpu.memory_space<hbm>>) dst(%arg20 : memref<80xi32, #tpu.memory_space<vmem>>)
    %dma_start3A_111 = arith.constant 0 : i32
    %dma_start3A_112 = arith.constant 0 : i32
    %dma_start3A_113 = tpu.memref_slice %arg4[%dma_start3A_111, %dma_start3A_112] : memref<10240x128xf32, #tpu.memory_space<hbm>> -> memref<10240x128xf32, #tpu.memory_space<hbm>>
    tpu.enqueue_indirect_dma source(%dma_start3A_113 : memref<10240x128xf32, #tpu.memory_space<hbm>>) target(%arg8 : memref<80x128xf32, #tpu.memory_space<vmem>>) offsets(%arg12 : memref<80xi32, #tpu.memory_space<vmem>>) semaphore(%arg29 : memref<!tpu.dma_semaphore, #tpu.memory_space<semaphore_mem>>)
    %scan3A_114 = arith.constant 0 : i32
    %scan3A_115 = arith.constant 0 : i32
    %scan3A_116 = arith.constant 16 : i32
    %scan3A_117 = arith.addi %scan3A_115, %scan3A_116 : i32
    %scan3A_118 = arith.constant 1 : i32
    %scan3A_119 = scf.for %scan3A_154 = %scan3A_115 to %scan3A_117 step %scan3A_118 iter_args(%scan3A_155 = %scan3A_114) -> (i32)  : i32 {
      %mul3A_156 = arith.constant 8 : i32
      %mul3A_157 = arith.muli %mul3A_156, %scan3A_154 : i32
      %add3A_158 = arith.constant 0 : i32
      %add3A_159 = arith.addi %mul3A_157, %add3A_158 : i32
      %add3A_160 = arith.constant 8 : i32
      %add3A_161 = arith.addi %add3A_159, %add3A_160 : i32
      %sub3A = arith.constant 1 : i32
      %sub3A_162 = arith.subi %add3A_161, %sub3A : i32
      %lt3A = arith.constant 125 : i32
      %lt3A_163 = arith.cmpi slt, %sub3A_162, %lt3A : i32
      %convert_element_type3A = arith.extui %lt3A_163 : i1 to i32
      %cond3A = arith.constant 0 : i32
      %cond3A_164 = arith.cmpi ne, %convert_element_type3A, %cond3A : i32
      scf.if %cond3A_164 {
        %add3A_353 = arith.constant 8 : i32
        %add3A_354 = arith.addi %add3A_159, %add3A_353 : i32
        %sub3A_355 = arith.constant 1 : i32
        %sub3A_356 = arith.subi %add3A_354, %sub3A_355 : i32
        %mul3A_357 = arith.constant 80 : i32
        %mul3A_358 = arith.muli %sub3A_356, %mul3A_357 : i32
        %add3A_359 = arith.addi %add3A, %mul3A_358 : i32
        %dma_start3A_360 = tpu.memref_slice %arg2[%add3A_359] : memref<320000xi32, #tpu.memory_space<hbm>> -> memref<80xi32, #tpu.memory_space<hbm>>
        %dma_start3A_361 = tpu.memref_slice %arg2[%add3A_359] : memref<320000xi32, #tpu.memory_space<hbm>> -> memref<80xi32, #tpu.memory_space<hbm>>
        tpu.enqueue_dma source(%dma_start3A_361 : memref<80xi32, #tpu.memory_space<hbm>>) target(%arg17 : memref<80xi32, #tpu.memory_space<vmem>>) target_semaphore(%arg38 : memref<!tpu.dma_semaphore, #tpu.memory_space<semaphore_mem>>)
        %dma_start3A_362 = tpu.memref_slice %arg3[%add3A_359] : memref<320000xi32, #tpu.memory_space<hbm>> -> memref<80xi32, #tpu.memory_space<hbm>>
        %dma_start3A_363 = tpu.memref_slice %arg3[%add3A_359] : memref<320000xi32, #tpu.memory_space<hbm>> -> memref<80xi32, #tpu.memory_space<hbm>>
        tpu.enqueue_dma source(%dma_start3A_363 : memref<80xi32, #tpu.memory_space<hbm>>) target(%arg25 : memref<80xi32, #tpu.memory_space<vmem>>) target_semaphore(%arg38 : memref<!tpu.dma_semaphore, #tpu.memory_space<semaphore_mem>>)
      } else {
      }
      %add3A_165 = arith.constant 3 : i32
      %add3A_166 = arith.addi %add3A_159, %add3A_165 : i32
      %lt3A_167 = arith.constant 125 : i32
      %lt3A_168 = arith.cmpi slt, %add3A_166, %lt3A_167 : i32
      %convert_element_type3A_169 = arith.extui %lt3A_168 : i1 to i32
      %cond3A_170 = arith.constant 0 : i32
      %cond3A_171 = arith.cmpi ne, %convert_element_type3A_169, %cond3A_170 : i32
      scf.if %cond3A_171 {
        %dma_wait3A_353 = arith.constant 0 : i32
        %dma_wait3A_354 = tpu.memref_slice %arg2[%dma_wait3A_353] : memref<320000xi32, #tpu.memory_space<hbm>> -> memref<80xi32, #tpu.memory_space<hbm>>
        %dma_wait3A_355 = arith.constant 0 : i32
        %dma_wait3A_356 = tpu.memref_slice %arg2[%dma_wait3A_355] : memref<320000xi32, #tpu.memory_space<hbm>> -> memref<80xi32, #tpu.memory_space<hbm>>
        tpu.wait_dma2 semaphore(%arg34 : memref<!tpu.dma_semaphore, #tpu.memory_space<semaphore_mem>>) src(%dma_wait3A_356 : memref<80xi32, #tpu.memory_space<hbm>>) dst(%arg13 : memref<80xi32, #tpu.memory_space<vmem>>)
        %dma_wait3A_357 = arith.constant 0 : i32
        %dma_wait3A_358 = tpu.memref_slice %arg3[%dma_wait3A_357] : memref<320000xi32, #tpu.memory_space<hbm>> -> memref<80xi32, #tpu.memory_space<hbm>>
        %dma_wait3A_359 = arith.constant 0 : i32
        %dma_wait3A_360 = tpu.memref_slice %arg3[%dma_wait3A_359] : memref<320000xi32, #tpu.memory_space<hbm>> -> memref<80xi32, #tpu.memory_space<hbm>>
        tpu.wait_dma2 semaphore(%arg34 : memref<!tpu.dma_semaphore, #tpu.memory_space<semaphore_mem>>) src(%dma_wait3A_360 : memref<80xi32, #tpu.memory_space<hbm>>) dst(%arg21 : memref<80xi32, #tpu.memory_space<vmem>>)
        %dma_start3A_361 = arith.constant 0 : i32
        %dma_start3A_362 = arith.constant 0 : i32
        %dma_start3A_363 = tpu.memref_slice %arg4[%dma_start3A_361, %dma_start3A_362] : memref<10240x128xf32, #tpu.memory_space<hbm>> -> memref<10240x128xf32, #tpu.memory_space<hbm>>
        tpu.enqueue_indirect_dma source(%dma_start3A_363 : memref<10240x128xf32, #tpu.memory_space<hbm>>) target(%arg9 : memref<80x128xf32, #tpu.memory_space<vmem>>) offsets(%arg13 : memref<80xi32, #tpu.memory_space<vmem>>) semaphore(%arg30 : memref<!tpu.dma_semaphore, #tpu.memory_space<semaphore_mem>>)
      } else {
      }
      %lt3A_172 = arith.constant 125 : i32
      %lt3A_173 = arith.cmpi slt, %add3A_159, %lt3A_172 : i32
      %convert_element_type3A_174 = arith.extui %lt3A_173 : i1 to i32
      %cond3A_175 = arith.constant 0 : i32
      %cond3A_176 = arith.cmpi ne, %convert_element_type3A_174, %cond3A_175 : i32
      scf.if %cond3A_176 {
        %dma_wait3A_353 = arith.constant 0 : i32
        %dma_wait3A_354 = arith.constant 0 : i32
        %dma_wait3A_355 = tpu.memref_slice %arg4[%dma_wait3A_353, %dma_wait3A_354] : memref<10240x128xf32, #tpu.memory_space<hbm>> -> memref<10240x128xf32, #tpu.memory_space<hbm>>
        tpu.wait_indirect_dma semaphore(%arg27 : memref<!tpu.dma_semaphore, #tpu.memory_space<semaphore_mem>>) src(%dma_wait3A_355 : memref<10240x128xf32, #tpu.memory_space<hbm>>) dst(%arg6 : memref<80x128xf32, #tpu.memory_space<vmem>>)
        "tpu.region"() ({
          %run_scoped3A = tpu.sem_alloc : memref<!tpu.dma_semaphore, #tpu.memory_space<semaphore_mem>>
          %dma_start3A_356 = arith.constant 0 : i32
          %dma_start3A_357 = arith.constant 0 : i32
          %dma_start3A_358 = tpu.memref_slice %arg26[%dma_start3A_356, %dma_start3A_357] : memref<10240x128xf32, #tpu.memory_space<vmem_shared>> -> memref<10240x128xf32, #tpu.memory_space<vmem_shared>>
          tpu.enqueue_indirect_dma source(%arg6 : memref<80x128xf32, #tpu.memory_space<vmem>>) target(%dma_start3A_358 : memref<10240x128xf32, #tpu.memory_space<vmem_shared>>) offsets(%arg18 : memref<80xi32, #tpu.memory_space<vmem>>) semaphore(%run_scoped3A : memref<!tpu.dma_semaphore, #tpu.memory_space<semaphore_mem>>) {add = true}
          %dma_wait3A_359 = arith.constant 0 : i32
          %dma_wait3A_360 = arith.constant 0 : i32
          %dma_wait3A_361 = tpu.memref_slice %arg26[%dma_wait3A_359, %dma_wait3A_360] : memref<10240x128xf32, #tpu.memory_space<vmem_shared>> -> memref<10240x128xf32, #tpu.memory_space<vmem_shared>>
          tpu.wait_indirect_dma semaphore(%run_scoped3A : memref<!tpu.dma_semaphore, #tpu.memory_space<semaphore_mem>>) src(%arg6 : memref<80x128xf32, #tpu.memory_space<vmem>>) dst(%dma_wait3A_361 : memref<10240x128xf32, #tpu.memory_space<vmem_shared>>)
          tpu.yield
        }) : () -> ()
      } else {
      }
      %mul3A_177 = arith.constant 8 : i32
      %mul3A_178 = arith.muli %mul3A_177, %scan3A_154 : i32
      %add3A_179 = arith.constant 1 : i32
      %add3A_180 = arith.addi %mul3A_178, %add3A_179 : i32
      %add3A_181 = arith.constant 8 : i32
      %add3A_182 = arith.addi %add3A_180, %add3A_181 : i32
      %sub3A_183 = arith.constant 1 : i32
      %sub3A_184 = arith.subi %add3A_182, %sub3A_183 : i32
      %lt3A_185 = arith.constant 125 : i32
      %lt3A_186 = arith.cmpi slt, %sub3A_184, %lt3A_185 : i32
      %convert_element_type3A_187 = arith.extui %lt3A_186 : i1 to i32
      %cond3A_188 = arith.constant 0 : i32
      %cond3A_189 = arith.cmpi ne, %convert_element_type3A_187, %cond3A_188 : i32
      scf.if %cond3A_189 {
        %add3A_353 = arith.constant 8 : i32
        %add3A_354 = arith.addi %add3A_180, %add3A_353 : i32
        %sub3A_355 = arith.constant 1 : i32
        %sub3A_356 = arith.subi %add3A_354, %sub3A_355 : i32
        %mul3A_357 = arith.constant 80 : i32
        %mul3A_358 = arith.muli %sub3A_356, %mul3A_357 : i32
        %add3A_359 = arith.addi %add3A, %mul3A_358 : i32
        %dma_start3A_360 = tpu.memref_slice %arg2[%add3A_359] : memref<320000xi32, #tpu.memory_space<hbm>> -> memref<80xi32, #tpu.memory_space<hbm>>
        %dma_start3A_361 = tpu.memref_slice %arg2[%add3A_359] : memref<320000xi32, #tpu.memory_space<hbm>> -> memref<80xi32, #tpu.memory_space<hbm>>
        tpu.enqueue_dma source(%dma_start3A_361 : memref<80xi32, #tpu.memory_space<hbm>>) target(%arg10 : memref<80xi32, #tpu.memory_space<vmem>>) target_semaphore(%arg31 : memref<!tpu.dma_semaphore, #tpu.memory_space<semaphore_mem>>)
        %dma_start3A_362 = tpu.memref_slice %arg3[%add3A_359] : memref<320000xi32, #tpu.memory_space<hbm>> -> memref<80xi32, #tpu.memory_space<hbm>>
        %dma_start3A_363 = tpu.memref_slice %arg3[%add3A_359] : memref<320000xi32, #tpu.memory_space<hbm>> -> memref<80xi32, #tpu.memory_space<hbm>>
        tpu.enqueue_dma source(%dma_start3A_363 : memref<80xi32, #tpu.memory_space<hbm>>) target(%arg18 : memref<80xi32, #tpu.memory_space<vmem>>) target_semaphore(%arg31 : memref<!tpu.dma_semaphore, #tpu.memory_space<semaphore_mem>>)
      } else {
      }
      %add3A_190 = arith.constant 3 : i32
      %add3A_191 = arith.addi %add3A_180, %add3A_190 : i32
      %lt3A_192 = arith.constant 125 : i32
      %lt3A_193 = arith.cmpi slt, %add3A_191, %lt3A_192 : i32
      %convert_element_type3A_194 = arith.extui %lt3A_193 : i1 to i32
      %cond3A_195 = arith.constant 0 : i32
      %cond3A_196 = arith.cmpi ne, %convert_element_type3A_194, %cond3A_195 : i32
      scf.if %cond3A_196 {
        %dma_wait3A_353 = arith.constant 0 : i32
        %dma_wait3A_354 = tpu.memref_slice %arg2[%dma_wait3A_353] : memref<320000xi32, #tpu.memory_space<hbm>> -> memref<80xi32, #tpu.memory_space<hbm>>
        %dma_wait3A_355 = arith.constant 0 : i32
        %dma_wait3A_356 = tpu.memref_slice %arg2[%dma_wait3A_355] : memref<320000xi32, #tpu.memory_space<hbm>> -> memref<80xi32, #tpu.memory_space<hbm>>
        tpu.wait_dma2 semaphore(%arg35 : memref<!tpu.dma_semaphore, #tpu.memory_space<semaphore_mem>>) src(%dma_wait3A_356 : memref<80xi32, #tpu.memory_space<hbm>>) dst(%arg14 : memref<80xi32, #tpu.memory_space<vmem>>)
        %dma_wait3A_357 = arith.constant 0 : i32
        %dma_wait3A_358 = tpu.memref_slice %arg3[%dma_wait3A_357] : memref<320000xi32, #tpu.memory_space<hbm>> -> memref<80xi32, #tpu.memory_space<hbm>>
        %dma_wait3A_359 = arith.constant 0 : i32
        %dma_wait3A_360 = tpu.memref_slice %arg3[%dma_wait3A_359] : memref<320000xi32, #tpu.memory_space<hbm>> -> memref<80xi32, #tpu.memory_space<hbm>>
        tpu.wait_dma2 semaphore(%arg35 : memref<!tpu.dma_semaphore, #tpu.memory_space<semaphore_mem>>) src(%dma_wait3A_360 : memref<80xi32, #tpu.memory_space<hbm>>) dst(%arg22 : memref<80xi32, #tpu.memory_space<vmem>>)
        %dma_start3A_361 = arith.constant 0 : i32
        %dma_start3A_362 = arith.constant 0 : i32
        %dma_start3A_363 = tpu.memref_slice %arg4[%dma_start3A_361, %dma_start3A_362] : memref<10240x128xf32, #tpu.memory_space<hbm>> -> memref<10240x128xf32, #tpu.memory_space<hbm>>
        tpu.enqueue_indirect_dma source(%dma_start3A_363 : memref<10240x128xf32, #tpu.memory_space<hbm>>) target(%arg6 : memref<80x128xf32, #tpu.memory_space<vmem>>) offsets(%arg14 : memref<80xi32, #tpu.memory_space<vmem>>) semaphore(%arg27 : memref<!tpu.dma_semaphore, #tpu.memory_space<semaphore_mem>>)
      } else {
      }
      %lt3A_197 = arith.constant 125 : i32
      %lt3A_198 = arith.cmpi slt, %add3A_180, %lt3A_197 : i32
      %convert_element_type3A_199 = arith.extui %lt3A_198 : i1 to i32
      %cond3A_200 = arith.constant 0 : i32
      %cond3A_201 = arith.cmpi ne, %convert_element_type3A_199, %cond3A_200 : i32
      scf.if %cond3A_201 {
        %dma_wait3A_353 = arith.constant 0 : i32
        %dma_wait3A_354 = arith.constant 0 : i32
        %dma_wait3A_355 = tpu.memref_slice %arg4[%dma_wait3A_353, %dma_wait3A_354] : memref<10240x128xf32, #tpu.memory_space<hbm>> -> memref<10240x128xf32, #tpu.memory_space<hbm>>
        tpu.wait_indirect_dma semaphore(%arg28 : memref<!tpu.dma_semaphore, #tpu.memory_space<semaphore_mem>>) src(%dma_wait3A_355 : memref<10240x128xf32, #tpu.memory_space<hbm>>) dst(%arg7 : memref<80x128xf32, #tpu.memory_space<vmem>>)
        "tpu.region"() ({
          %run_scoped3A = tpu.sem_alloc : memref<!tpu.dma_semaphore, #tpu.memory_space<semaphore_mem>>
          %dma_start3A_356 = arith.constant 0 : i32
          %dma_start3A_357 = arith.constant 0 : i32
          %dma_start3A_358 = tpu.memref_slice %arg26[%dma_start3A_356, %dma_start3A_357] : memref<10240x128xf32, #tpu.memory_space<vmem_shared>> -> memref<10240x128xf32, #tpu.memory_space<vmem_shared>>
          tpu.enqueue_indirect_dma source(%arg7 : memref<80x128xf32, #tpu.memory_space<vmem>>) target(%dma_start3A_358 : memref<10240x128xf32, #tpu.memory_space<vmem_shared>>) offsets(%arg19 : memref<80xi32, #tpu.memory_space<vmem>>) semaphore(%run_scoped3A : memref<!tpu.dma_semaphore, #tpu.memory_space<semaphore_mem>>) {add = true}
          %dma_wait3A_359 = arith.constant 0 : i32
          %dma_wait3A_360 = arith.constant 0 : i32
          %dma_wait3A_361 = tpu.memref_slice %arg26[%dma_wait3A_359, %dma_wait3A_360] : memref<10240x128xf32, #tpu.memory_space<vmem_shared>> -> memref<10240x128xf32, #tpu.memory_space<vmem_shared>>
          tpu.wait_indirect_dma semaphore(%run_scoped3A : memref<!tpu.dma_semaphore, #tpu.memory_space<semaphore_mem>>) src(%arg7 : memref<80x128xf32, #tpu.memory_space<vmem>>) dst(%dma_wait3A_361 : memref<10240x128xf32, #tpu.memory_space<vmem_shared>>)
          tpu.yield
        }) : () -> ()
      } else {
      }
      %mul3A_202 = arith.constant 8 : i32
      %mul3A_203 = arith.muli %mul3A_202, %scan3A_154 : i32
      %add3A_204 = arith.constant 2 : i32
      %add3A_205 = arith.addi %mul3A_203, %add3A_204 : i32
      %add3A_206 = arith.constant 8 : i32
      %add3A_207 = arith.addi %add3A_205, %add3A_206 : i32
      %sub3A_208 = arith.constant 1 : i32
      %sub3A_209 = arith.subi %add3A_207, %sub3A_208 : i32
      %lt3A_210 = arith.constant 125 : i32
      %lt3A_211 = arith.cmpi slt, %sub3A_209, %lt3A_210 : i32
      %convert_element_type3A_212 = arith.extui %lt3A_211 : i1 to i32
      %cond3A_213 = arith.constant 0 : i32
      %cond3A_214 = arith.cmpi ne, %convert_element_type3A_212, %cond3A_213 : i32
      scf.if %cond3A_214 {
        %add3A_353 = arith.constant 8 : i32
        %add3A_354 = arith.addi %add3A_205, %add3A_353 : i32
        %sub3A_355 = arith.constant 1 : i32
        %sub3A_356 = arith.subi %add3A_354, %sub3A_355 : i32
        %mul3A_357 = arith.constant 80 : i32
        %mul3A_358 = arith.muli %sub3A_356, %mul3A_357 : i32
        %add3A_359 = arith.addi %add3A, %mul3A_358 : i32
        %dma_start3A_360 = tpu.memref_slice %arg2[%add3A_359] : memref<320000xi32, #tpu.memory_space<hbm>> -> memref<80xi32, #tpu.memory_space<hbm>>
        %dma_start3A_361 = tpu.memref_slice %arg2[%add3A_359] : memref<320000xi32, #tpu.memory_space<hbm>> -> memref<80xi32, #tpu.memory_space<hbm>>
        tpu.enqueue_dma source(%dma_start3A_361 : memref<80xi32, #tpu.memory_space<hbm>>) target(%arg11 : memref<80xi32, #tpu.memory_space<vmem>>) target_semaphore(%arg32 : memref<!tpu.dma_semaphore, #tpu.memory_space<semaphore_mem>>)
        %dma_start3A_362 = tpu.memref_slice %arg3[%add3A_359] : memref<320000xi32, #tpu.memory_space<hbm>> -> memref<80xi32, #tpu.memory_space<hbm>>
        %dma_start3A_363 = tpu.memref_slice %arg3[%add3A_359] : memref<320000xi32, #tpu.memory_space<hbm>> -> memref<80xi32, #tpu.memory_space<hbm>>
        tpu.enqueue_dma source(%dma_start3A_363 : memref<80xi32, #tpu.memory_space<hbm>>) target(%arg19 : memref<80xi32, #tpu.memory_space<vmem>>) target_semaphore(%arg32 : memref<!tpu.dma_semaphore, #tpu.memory_space<semaphore_mem>>)
      } else {
      }
      %add3A_215 = arith.constant 3 : i32
      %add3A_216 = arith.addi %add3A_205, %add3A_215 : i32
      %lt3A_217 = arith.constant 125 : i32
      %lt3A_218 = arith.cmpi slt, %add3A_216, %lt3A_217 : i32
      %convert_element_type3A_219 = arith.extui %lt3A_218 : i1 to i32
      %cond3A_220 = arith.constant 0 : i32
      %cond3A_221 = arith.cmpi ne, %convert_element_type3A_219, %cond3A_220 : i32
      scf.if %cond3A_221 {
        %dma_wait3A_353 = arith.constant 0 : i32
        %dma_wait3A_354 = tpu.memref_slice %arg2[%dma_wait3A_353] : memref<320000xi32, #tpu.memory_space<hbm>> -> memref<80xi32, #tpu.memory_space<hbm>>
        %dma_wait3A_355 = arith.constant 0 : i32
        %dma_wait3A_356 = tpu.memref_slice %arg2[%dma_wait3A_355] : memref<320000xi32, #tpu.memory_space<hbm>> -> memref<80xi32, #tpu.memory_space<hbm>>
        tpu.wait_dma2 semaphore(%arg36 : memref<!tpu.dma_semaphore, #tpu.memory_space<semaphore_mem>>) src(%dma_wait3A_356 : memref<80xi32, #tpu.memory_space<hbm>>) dst(%arg15 : memref<80xi32, #tpu.memory_space<vmem>>)
        %dma_wait3A_357 = arith.constant 0 : i32
        %dma_wait3A_358 = tpu.memref_slice %arg3[%dma_wait3A_357] : memref<320000xi32, #tpu.memory_space<hbm>> -> memref<80xi32, #tpu.memory_space<hbm>>
        %dma_wait3A_359 = arith.constant 0 : i32
        %dma_wait3A_360 = tpu.memref_slice %arg3[%dma_wait3A_359] : memref<320000xi32, #tpu.memory_space<hbm>> -> memref<80xi32, #tpu.memory_space<hbm>>
        tpu.wait_dma2 semaphore(%arg36 : memref<!tpu.dma_semaphore, #tpu.memory_space<semaphore_mem>>) src(%dma_wait3A_360 : memref<80xi32, #tpu.memory_space<hbm>>) dst(%arg23 : memref<80xi32, #tpu.memory_space<vmem>>)
        %dma_start3A_361 = arith.constant 0 : i32
        %dma_start3A_362 = arith.constant 0 : i32
        %dma_start3A_363 = tpu.memref_slice %arg4[%dma_start3A_361, %dma_start3A_362] : memref<10240x128xf32, #tpu.memory_space<hbm>> -> memref<10240x128xf32, #tpu.memory_space<hbm>>
        tpu.enqueue_indirect_dma source(%dma_start3A_363 : memref<10240x128xf32, #tpu.memory_space<hbm>>) target(%arg7 : memref<80x128xf32, #tpu.memory_space<vmem>>) offsets(%arg15 : memref<80xi32, #tpu.memory_space<vmem>>) semaphore(%arg28 : memref<!tpu.dma_semaphore, #tpu.memory_space<semaphore_mem>>)
      } else {
      }
      %lt3A_222 = arith.constant 125 : i32
      %lt3A_223 = arith.cmpi slt, %add3A_205, %lt3A_222 : i32
      %convert_element_type3A_224 = arith.extui %lt3A_223 : i1 to i32
      %cond3A_225 = arith.constant 0 : i32
      %cond3A_226 = arith.cmpi ne, %convert_element_type3A_224, %cond3A_225 : i32
      scf.if %cond3A_226 {
        %dma_wait3A_353 = arith.constant 0 : i32
        %dma_wait3A_354 = arith.constant 0 : i32
        %dma_wait3A_355 = tpu.memref_slice %arg4[%dma_wait3A_353, %dma_wait3A_354] : memref<10240x128xf32, #tpu.memory_space<hbm>> -> memref<10240x128xf32, #tpu.memory_space<hbm>>
        tpu.wait_indirect_dma semaphore(%arg29 : memref<!tpu.dma_semaphore, #tpu.memory_space<semaphore_mem>>) src(%dma_wait3A_355 : memref<10240x128xf32, #tpu.memory_space<hbm>>) dst(%arg8 : memref<80x128xf32, #tpu.memory_space<vmem>>)
        "tpu.region"() ({
          %run_scoped3A = tpu.sem_alloc : memref<!tpu.dma_semaphore, #tpu.memory_space<semaphore_mem>>
          %dma_start3A_356 = arith.constant 0 : i32
          %dma_start3A_357 = arith.constant 0 : i32
          %dma_start3A_358 = tpu.memref_slice %arg26[%dma_start3A_356, %dma_start3A_357] : memref<10240x128xf32, #tpu.memory_space<vmem_shared>> -> memref<10240x128xf32, #tpu.memory_space<vmem_shared>>
          tpu.enqueue_indirect_dma source(%arg8 : memref<80x128xf32, #tpu.memory_space<vmem>>) target(%dma_start3A_358 : memref<10240x128xf32, #tpu.memory_space<vmem_shared>>) offsets(%arg20 : memref<80xi32, #tpu.memory_space<vmem>>) semaphore(%run_scoped3A : memref<!tpu.dma_semaphore, #tpu.memory_space<semaphore_mem>>) {add = true}
          %dma_wait3A_359 = arith.constant 0 : i32
          %dma_wait3A_360 = arith.constant 0 : i32
          %dma_wait3A_361 = tpu.memref_slice %arg26[%dma_wait3A_359, %dma_wait3A_360] : memref<10240x128xf32, #tpu.memory_space<vmem_shared>> -> memref<10240x128xf32, #tpu.memory_space<vmem_shared>>
          tpu.wait_indirect_dma semaphore(%run_scoped3A : memref<!tpu.dma_semaphore, #tpu.memory_space<semaphore_mem>>) src(%arg8 : memref<80x128xf32, #tpu.memory_space<vmem>>) dst(%dma_wait3A_361 : memref<10240x128xf32, #tpu.memory_space<vmem_shared>>)
          tpu.yield
        }) : () -> ()
      } else {
      }
      %mul3A_227 = arith.constant 8 : i32
      %mul3A_228 = arith.muli %mul3A_227, %scan3A_154 : i32
      %add3A_229 = arith.constant 3 : i32
      %add3A_230 = arith.addi %mul3A_228, %add3A_229 : i32
      %add3A_231 = arith.constant 8 : i32
      %add3A_232 = arith.addi %add3A_230, %add3A_231 : i32
      %sub3A_233 = arith.constant 1 : i32
      %sub3A_234 = arith.subi %add3A_232, %sub3A_233 : i32
      %lt3A_235 = arith.constant 125 : i32
      %lt3A_236 = arith.cmpi slt, %sub3A_234, %lt3A_235 : i32
      %convert_element_type3A_237 = arith.extui %lt3A_236 : i1 to i32
      %cond3A_238 = arith.constant 0 : i32
      %cond3A_239 = arith.cmpi ne, %convert_element_type3A_237, %cond3A_238 : i32
      scf.if %cond3A_239 {
        %add3A_353 = arith.constant 8 : i32
        %add3A_354 = arith.addi %add3A_230, %add3A_353 : i32
        %sub3A_355 = arith.constant 1 : i32
        %sub3A_356 = arith.subi %add3A_354, %sub3A_355 : i32
        %mul3A_357 = arith.constant 80 : i32
        %mul3A_358 = arith.muli %sub3A_356, %mul3A_357 : i32
        %add3A_359 = arith.addi %add3A, %mul3A_358 : i32
        %dma_start3A_360 = tpu.memref_slice %arg2[%add3A_359] : memref<320000xi32, #tpu.memory_space<hbm>> -> memref<80xi32, #tpu.memory_space<hbm>>
        %dma_start3A_361 = tpu.memref_slice %arg2[%add3A_359] : memref<320000xi32, #tpu.memory_space<hbm>> -> memref<80xi32, #tpu.memory_space<hbm>>
        tpu.enqueue_dma source(%dma_start3A_361 : memref<80xi32, #tpu.memory_space<hbm>>) target(%arg12 : memref<80xi32, #tpu.memory_space<vmem>>) target_semaphore(%arg33 : memref<!tpu.dma_semaphore, #tpu.memory_space<semaphore_mem>>)
        %dma_start3A_362 = tpu.memref_slice %arg3[%add3A_359] : memref<320000xi32, #tpu.memory_space<hbm>> -> memref<80xi32, #tpu.memory_space<hbm>>
        %dma_start3A_363 = tpu.memref_slice %arg3[%add3A_359] : memref<320000xi32, #tpu.memory_space<hbm>> -> memref<80xi32, #tpu.memory_space<hbm>>
        tpu.enqueue_dma source(%dma_start3A_363 : memref<80xi32, #tpu.memory_space<hbm>>) target(%arg20 : memref<80xi32, #tpu.memory_space<vmem>>) target_semaphore(%arg33 : memref<!tpu.dma_semaphore, #tpu.memory_space<semaphore_mem>>)
      } else {
      }
      %add3A_240 = arith.constant 3 : i32
      %add3A_241 = arith.addi %add3A_230, %add3A_240 : i32
      %lt3A_242 = arith.constant 125 : i32
      %lt3A_243 = arith.cmpi slt, %add3A_241, %lt3A_242 : i32
      %convert_element_type3A_244 = arith.extui %lt3A_243 : i1 to i32
      %cond3A_245 = arith.constant 0 : i32
      %cond3A_246 = arith.cmpi ne, %convert_element_type3A_244, %cond3A_245 : i32
      scf.if %cond3A_246 {
        %dma_wait3A_353 = arith.constant 0 : i32
        %dma_wait3A_354 = tpu.memref_slice %arg2[%dma_wait3A_353] : memref<320000xi32, #tpu.memory_space<hbm>> -> memref<80xi32, #tpu.memory_space<hbm>>
        %dma_wait3A_355 = arith.constant 0 : i32
        %dma_wait3A_356 = tpu.memref_slice %arg2[%dma_wait3A_355] : memref<320000xi32, #tpu.memory_space<hbm>> -> memref<80xi32, #tpu.memory_space<hbm>>
        tpu.wait_dma2 semaphore(%arg37 : memref<!tpu.dma_semaphore, #tpu.memory_space<semaphore_mem>>) src(%dma_wait3A_356 : memref<80xi32, #tpu.memory_space<hbm>>) dst(%arg16 : memref<80xi32, #tpu.memory_space<vmem>>)
        %dma_wait3A_357 = arith.constant 0 : i32
        %dma_wait3A_358 = tpu.memref_slice %arg3[%dma_wait3A_357] : memref<320000xi32, #tpu.memory_space<hbm>> -> memref<80xi32, #tpu.memory_space<hbm>>
        %dma_wait3A_359 = arith.constant 0 : i32
        %dma_wait3A_360 = tpu.memref_slice %arg3[%dma_wait3A_359] : memref<320000xi32, #tpu.memory_space<hbm>> -> memref<80xi32, #tpu.memory_space<hbm>>
        tpu.wait_dma2 semaphore(%arg37 : memref<!tpu.dma_semaphore, #tpu.memory_space<semaphore_mem>>) src(%dma_wait3A_360 : memref<80xi32, #tpu.memory_space<hbm>>) dst(%arg24 : memref<80xi32, #tpu.memory_space<vmem>>)
        %dma_start3A_361 = arith.constant 0 : i32
        %dma_start3A_362 = arith.constant 0 : i32
        %dma_start3A_363 = tpu.memref_slice %arg4[%dma_start3A_361, %dma_start3A_362] : memref<10240x128xf32, #tpu.memory_space<hbm>> -> memref<10240x128xf32, #tpu.memory_space<hbm>>
        tpu.enqueue_indirect_dma source(%dma_start3A_363 : memref<10240x128xf32, #tpu.memory_space<hbm>>) target(%arg8 : memref<80x128xf32, #tpu.memory_space<vmem>>) offsets(%arg16 : memref<80xi32, #tpu.memory_space<vmem>>) semaphore(%arg29 : memref<!tpu.dma_semaphore, #tpu.memory_space<semaphore_mem>>)
      } else {
      }
      %lt3A_247 = arith.constant 125 : i32
      %lt3A_248 = arith.cmpi slt, %add3A_230, %lt3A_247 : i32
      %convert_element_type3A_249 = arith.extui %lt3A_248 : i1 to i32
      %cond3A_250 = arith.constant 0 : i32
      %cond3A_251 = arith.cmpi ne, %convert_element_type3A_249, %cond3A_250 : i32
      scf.if %cond3A_251 {
        %dma_wait3A_353 = arith.constant 0 : i32
        %dma_wait3A_354 = arith.constant 0 : i32
        %dma_wait3A_355 = tpu.memref_slice %arg4[%dma_wait3A_353, %dma_wait3A_354] : memref<10240x128xf32, #tpu.memory_space<hbm>> -> memref<10240x128xf32, #tpu.memory_space<hbm>>
        tpu.wait_indirect_dma semaphore(%arg30 : memref<!tpu.dma_semaphore, #tpu.memory_space<semaphore_mem>>) src(%dma_wait3A_355 : memref<10240x128xf32, #tpu.memory_space<hbm>>) dst(%arg9 : memref<80x128xf32, #tpu.memory_space<vmem>>)
        "tpu.region"() ({
          %run_scoped3A = tpu.sem_alloc : memref<!tpu.dma_semaphore, #tpu.memory_space<semaphore_mem>>
          %dma_start3A_356 = arith.constant 0 : i32
          %dma_start3A_357 = arith.constant 0 : i32
          %dma_start3A_358 = tpu.memref_slice %arg26[%dma_start3A_356, %dma_start3A_357] : memref<10240x128xf32, #tpu.memory_space<vmem_shared>> -> memref<10240x128xf32, #tpu.memory_space<vmem_shared>>
          tpu.enqueue_indirect_dma source(%arg9 : memref<80x128xf32, #tpu.memory_space<vmem>>) target(%dma_start3A_358 : memref<10240x128xf32, #tpu.memory_space<vmem_shared>>) offsets(%arg21 : memref<80xi32, #tpu.memory_space<vmem>>) semaphore(%run_scoped3A : memref<!tpu.dma_semaphore, #tpu.memory_space<semaphore_mem>>) {add = true}
          %dma_wait3A_359 = arith.constant 0 : i32
          %dma_wait3A_360 = arith.constant 0 : i32
          %dma_wait3A_361 = tpu.memref_slice %arg26[%dma_wait3A_359, %dma_wait3A_360] : memref<10240x128xf32, #tpu.memory_space<vmem_shared>> -> memref<10240x128xf32, #tpu.memory_space<vmem_shared>>
          tpu.wait_indirect_dma semaphore(%run_scoped3A : memref<!tpu.dma_semaphore, #tpu.memory_space<semaphore_mem>>) src(%arg9 : memref<80x128xf32, #tpu.memory_space<vmem>>) dst(%dma_wait3A_361 : memref<10240x128xf32, #tpu.memory_space<vmem_shared>>)
          tpu.yield
        }) : () -> ()
      } else {
      }
      %mul3A_252 = arith.constant 8 : i32
      %mul3A_253 = arith.muli %mul3A_252, %scan3A_154 : i32
      %add3A_254 = arith.constant 4 : i32
      %add3A_255 = arith.addi %mul3A_253, %add3A_254 : i32
      %add3A_256 = arith.constant 8 : i32
      %add3A_257 = arith.addi %add3A_255, %add3A_256 : i32
      %sub3A_258 = arith.constant 1 : i32
      %sub3A_259 = arith.subi %add3A_257, %sub3A_258 : i32
      %lt3A_260 = arith.constant 125 : i32
      %lt3A_261 = arith.cmpi slt, %sub3A_259, %lt3A_260 : i32
      %convert_element_type3A_262 = arith.extui %lt3A_261 : i1 to i32
      %cond3A_263 = arith.constant 0 : i32
      %cond3A_264 = arith.cmpi ne, %convert_element_type3A_262, %cond3A_263 : i32
      scf.if %cond3A_264 {
        %add3A_353 = arith.constant 8 : i32
        %add3A_354 = arith.addi %add3A_255, %add3A_353 : i32
        %sub3A_355 = arith.constant 1 : i32
        %sub3A_356 = arith.subi %add3A_354, %sub3A_355 : i32
        %mul3A_357 = arith.constant 80 : i32
        %mul3A_358 = arith.muli %sub3A_356, %mul3A_357 : i32
        %add3A_359 = arith.addi %add3A, %mul3A_358 : i32
        %dma_start3A_360 = tpu.memref_slice %arg2[%add3A_359] : memref<320000xi32, #tpu.memory_space<hbm>> -> memref<80xi32, #tpu.memory_space<hbm>>
        %dma_start3A_361 = tpu.memref_slice %arg2[%add3A_359] : memref<320000xi32, #tpu.memory_space<hbm>> -> memref<80xi32, #tpu.memory_space<hbm>>
        tpu.enqueue_dma source(%dma_start3A_361 : memref<80xi32, #tpu.memory_space<hbm>>) target(%arg13 : memref<80xi32, #tpu.memory_space<vmem>>) target_semaphore(%arg34 : memref<!tpu.dma_semaphore, #tpu.memory_space<semaphore_mem>>)
        %dma_start3A_362 = tpu.memref_slice %arg3[%add3A_359] : memref<320000xi32, #tpu.memory_space<hbm>> -> memref<80xi32, #tpu.memory_space<hbm>>
        %dma_start3A_363 = tpu.memref_slice %arg3[%add3A_359] : memref<320000xi32, #tpu.memory_space<hbm>> -> memref<80xi32, #tpu.memory_space<hbm>>
        tpu.enqueue_dma source(%dma_start3A_363 : memref<80xi32, #tpu.memory_space<hbm>>) target(%arg21 : memref<80xi32, #tpu.memory_space<vmem>>) target_semaphore(%arg34 : memref<!tpu.dma_semaphore, #tpu.memory_space<semaphore_mem>>)
      } else {
      }
      %add3A_265 = arith.constant 3 : i32
      %add3A_266 = arith.addi %add3A_255, %add3A_265 : i32
      %lt3A_267 = arith.constant 125 : i32
      %lt3A_268 = arith.cmpi slt, %add3A_266, %lt3A_267 : i32
      %convert_element_type3A_269 = arith.extui %lt3A_268 : i1 to i32
      %cond3A_270 = arith.constant 0 : i32
      %cond3A_271 = arith.cmpi ne, %convert_element_type3A_269, %cond3A_270 : i32
      scf.if %cond3A_271 {
        %dma_wait3A_353 = arith.constant 0 : i32
        %dma_wait3A_354 = tpu.memref_slice %arg2[%dma_wait3A_353] : memref<320000xi32, #tpu.memory_space<hbm>> -> memref<80xi32, #tpu.memory_space<hbm>>
        %dma_wait3A_355 = arith.constant 0 : i32
        %dma_wait3A_356 = tpu.memref_slice %arg2[%dma_wait3A_355] : memref<320000xi32, #tpu.memory_space<hbm>> -> memref<80xi32, #tpu.memory_space<hbm>>
        tpu.wait_dma2 semaphore(%arg38 : memref<!tpu.dma_semaphore, #tpu.memory_space<semaphore_mem>>) src(%dma_wait3A_356 : memref<80xi32, #tpu.memory_space<hbm>>) dst(%arg17 : memref<80xi32, #tpu.memory_space<vmem>>)
        %dma_wait3A_357 = arith.constant 0 : i32
        %dma_wait3A_358 = tpu.memref_slice %arg3[%dma_wait3A_357] : memref<320000xi32, #tpu.memory_space<hbm>> -> memref<80xi32, #tpu.memory_space<hbm>>
        %dma_wait3A_359 = arith.constant 0 : i32
        %dma_wait3A_360 = tpu.memref_slice %arg3[%dma_wait3A_359] : memref<320000xi32, #tpu.memory_space<hbm>> -> memref<80xi32, #tpu.memory_space<hbm>>
        tpu.wait_dma2 semaphore(%arg38 : memref<!tpu.dma_semaphore, #tpu.memory_space<semaphore_mem>>) src(%dma_wait3A_360 : memref<80xi32, #tpu.memory_space<hbm>>) dst(%arg25 : memref<80xi32, #tpu.memory_space<vmem>>)
        %dma_start3A_361 = arith.constant 0 : i32
        %dma_start3A_362 = arith.constant 0 : i32
        %dma_start3A_363 = tpu.memref_slice %arg4[%dma_start3A_361, %dma_start3A_362] : memref<10240x128xf32, #tpu.memory_space<hbm>> -> memref<10240x128xf32, #tpu.memory_space<hbm>>
        tpu.enqueue_indirect_dma source(%dma_start3A_363 : memref<10240x128xf32, #tpu.memory_space<hbm>>) target(%arg9 : memref<80x128xf32, #tpu.memory_space<vmem>>) offsets(%arg17 : memref<80xi32, #tpu.memory_space<vmem>>) semaphore(%arg30 : memref<!tpu.dma_semaphore, #tpu.memory_space<semaphore_mem>>)
      } else {
      }
      %lt3A_272 = arith.constant 125 : i32
      %lt3A_273 = arith.cmpi slt, %add3A_255, %lt3A_272 : i32
      %convert_element_type3A_274 = arith.extui %lt3A_273 : i1 to i32
      %cond3A_275 = arith.constant 0 : i32
      %cond3A_276 = arith.cmpi ne, %convert_element_type3A_274, %cond3A_275 : i32
      scf.if %cond3A_276 {
        %dma_wait3A_353 = arith.constant 0 : i32
        %dma_wait3A_354 = arith.constant 0 : i32
        %dma_wait3A_355 = tpu.memref_slice %arg4[%dma_wait3A_353, %dma_wait3A_354] : memref<10240x128xf32, #tpu.memory_space<hbm>> -> memref<10240x128xf32, #tpu.memory_space<hbm>>
        tpu.wait_indirect_dma semaphore(%arg27 : memref<!tpu.dma_semaphore, #tpu.memory_space<semaphore_mem>>) src(%dma_wait3A_355 : memref<10240x128xf32, #tpu.memory_space<hbm>>) dst(%arg6 : memref<80x128xf32, #tpu.memory_space<vmem>>)
        "tpu.region"() ({
          %run_scoped3A = tpu.sem_alloc : memref<!tpu.dma_semaphore, #tpu.memory_space<semaphore_mem>>
          %dma_start3A_356 = arith.constant 0 : i32
          %dma_start3A_357 = arith.constant 0 : i32
          %dma_start3A_358 = tpu.memref_slice %arg26[%dma_start3A_356, %dma_start3A_357] : memref<10240x128xf32, #tpu.memory_space<vmem_shared>> -> memref<10240x128xf32, #tpu.memory_space<vmem_shared>>
          tpu.enqueue_indirect_dma source(%arg6 : memref<80x128xf32, #tpu.memory_space<vmem>>) target(%dma_start3A_358 : memref<10240x128xf32, #tpu.memory_space<vmem_shared>>) offsets(%arg22 : memref<80xi32, #tpu.memory_space<vmem>>) semaphore(%run_scoped3A : memref<!tpu.dma_semaphore, #tpu.memory_space<semaphore_mem>>) {add = true}
          %dma_wait3A_359 = arith.constant 0 : i32
          %dma_wait3A_360 = arith.constant 0 : i32
          %dma_wait3A_361 = tpu.memref_slice %arg26[%dma_wait3A_359, %dma_wait3A_360] : memref<10240x128xf32, #tpu.memory_space<vmem_shared>> -> memref<10240x128xf32, #tpu.memory_space<vmem_shared>>
          tpu.wait_indirect_dma semaphore(%run_scoped3A : memref<!tpu.dma_semaphore, #tpu.memory_space<semaphore_mem>>) src(%arg6 : memref<80x128xf32, #tpu.memory_space<vmem>>) dst(%dma_wait3A_361 : memref<10240x128xf32, #tpu.memory_space<vmem_shared>>)
          tpu.yield
        }) : () -> ()
      } else {
      }
      %mul3A_277 = arith.constant 8 : i32
      %mul3A_278 = arith.muli %mul3A_277, %scan3A_154 : i32
      %add3A_279 = arith.constant 5 : i32
      %add3A_280 = arith.addi %mul3A_278, %add3A_279 : i32
      %add3A_281 = arith.constant 8 : i32
      %add3A_282 = arith.addi %add3A_280, %add3A_281 : i32
      %sub3A_283 = arith.constant 1 : i32
      %sub3A_284 = arith.subi %add3A_282, %sub3A_283 : i32
      %lt3A_285 = arith.constant 125 : i32
      %lt3A_286 = arith.cmpi slt, %sub3A_284, %lt3A_285 : i32
      %convert_element_type3A_287 = arith.extui %lt3A_286 : i1 to i32
      %cond3A_288 = arith.constant 0 : i32
      %cond3A_289 = arith.cmpi ne, %convert_element_type3A_287, %cond3A_288 : i32
      scf.if %cond3A_289 {
        %add3A_353 = arith.constant 8 : i32
        %add3A_354 = arith.addi %add3A_280, %add3A_353 : i32
        %sub3A_355 = arith.constant 1 : i32
        %sub3A_356 = arith.subi %add3A_354, %sub3A_355 : i32
        %mul3A_357 = arith.constant 80 : i32
        %mul3A_358 = arith.muli %sub3A_356, %mul3A_357 : i32
        %add3A_359 = arith.addi %add3A, %mul3A_358 : i32
        %dma_start3A_360 = tpu.memref_slice %arg2[%add3A_359] : memref<320000xi32, #tpu.memory_space<hbm>> -> memref<80xi32, #tpu.memory_space<hbm>>
        %dma_start3A_361 = tpu.memref_slice %arg2[%add3A_359] : memref<320000xi32, #tpu.memory_space<hbm>> -> memref<80xi32, #tpu.memory_space<hbm>>
        tpu.enqueue_dma source(%dma_start3A_361 : memref<80xi32, #tpu.memory_space<hbm>>) target(%arg14 : memref<80xi32, #tpu.memory_space<vmem>>) target_semaphore(%arg35 : memref<!tpu.dma_semaphore, #tpu.memory_space<semaphore_mem>>)
        %dma_start3A_362 = tpu.memref_slice %arg3[%add3A_359] : memref<320000xi32, #tpu.memory_space<hbm>> -> memref<80xi32, #tpu.memory_space<hbm>>
        %dma_start3A_363 = tpu.memref_slice %arg3[%add3A_359] : memref<320000xi32, #tpu.memory_space<hbm>> -> memref<80xi32, #tpu.memory_space<hbm>>
        tpu.enqueue_dma source(%dma_start3A_363 : memref<80xi32, #tpu.memory_space<hbm>>) target(%arg22 : memref<80xi32, #tpu.memory_space<vmem>>) target_semaphore(%arg35 : memref<!tpu.dma_semaphore, #tpu.memory_space<semaphore_mem>>)
      } else {
      }
      %add3A_290 = arith.constant 3 : i32
      %add3A_291 = arith.addi %add3A_280, %add3A_290 : i32
      %lt3A_292 = arith.constant 125 : i32
      %lt3A_293 = arith.cmpi slt, %add3A_291, %lt3A_292 : i32
      %convert_element_type3A_294 = arith.extui %lt3A_293 : i1 to i32
      %cond3A_295 = arith.constant 0 : i32
      %cond3A_296 = arith.cmpi ne, %convert_element_type3A_294, %cond3A_295 : i32
      scf.if %cond3A_296 {
        %dma_wait3A_353 = arith.constant 0 : i32
        %dma_wait3A_354 = tpu.memref_slice %arg2[%dma_wait3A_353] : memref<320000xi32, #tpu.memory_space<hbm>> -> memref<80xi32, #tpu.memory_space<hbm>>
        %dma_wait3A_355 = arith.constant 0 : i32
        %dma_wait3A_356 = tpu.memref_slice %arg2[%dma_wait3A_355] : memref<320000xi32, #tpu.memory_space<hbm>> -> memref<80xi32, #tpu.memory_space<hbm>>
        tpu.wait_dma2 semaphore(%arg31 : memref<!tpu.dma_semaphore, #tpu.memory_space<semaphore_mem>>) src(%dma_wait3A_356 : memref<80xi32, #tpu.memory_space<hbm>>) dst(%arg10 : memref<80xi32, #tpu.memory_space<vmem>>)
        %dma_wait3A_357 = arith.constant 0 : i32
        %dma_wait3A_358 = tpu.memref_slice %arg3[%dma_wait3A_357] : memref<320000xi32, #tpu.memory_space<hbm>> -> memref<80xi32, #tpu.memory_space<hbm>>
        %dma_wait3A_359 = arith.constant 0 : i32
        %dma_wait3A_360 = tpu.memref_slice %arg3[%dma_wait3A_359] : memref<320000xi32, #tpu.memory_space<hbm>> -> memref<80xi32, #tpu.memory_space<hbm>>
        tpu.wait_dma2 semaphore(%arg31 : memref<!tpu.dma_semaphore, #tpu.memory_space<semaphore_mem>>) src(%dma_wait3A_360 : memref<80xi32, #tpu.memory_space<hbm>>) dst(%arg18 : memref<80xi32, #tpu.memory_space<vmem>>)
        %dma_start3A_361 = arith.constant 0 : i32
        %dma_start3A_362 = arith.constant 0 : i32
        %dma_start3A_363 = tpu.memref_slice %arg4[%dma_start3A_361, %dma_start3A_362] : memref<10240x128xf32, #tpu.memory_space<hbm>> -> memref<10240x128xf32, #tpu.memory_space<hbm>>
        tpu.enqueue_indirect_dma source(%dma_start3A_363 : memref<10240x128xf32, #tpu.memory_space<hbm>>) target(%arg6 : memref<80x128xf32, #tpu.memory_space<vmem>>) offsets(%arg10 : memref<80xi32, #tpu.memory_space<vmem>>) semaphore(%arg27 : memref<!tpu.dma_semaphore, #tpu.memory_space<semaphore_mem>>)
      } else {
      }
      %lt3A_297 = arith.constant 125 : i32
      %lt3A_298 = arith.cmpi slt, %add3A_280, %lt3A_297 : i32
      %convert_element_type3A_299 = arith.extui %lt3A_298 : i1 to i32
      %cond3A_300 = arith.constant 0 : i32
      %cond3A_301 = arith.cmpi ne, %convert_element_type3A_299, %cond3A_300 : i32
      scf.if %cond3A_301 {
        %dma_wait3A_353 = arith.constant 0 : i32
        %dma_wait3A_354 = arith.constant 0 : i32
        %dma_wait3A_355 = tpu.memref_slice %arg4[%dma_wait3A_353, %dma_wait3A_354] : memref<10240x128xf32, #tpu.memory_space<hbm>> -> memref<10240x128xf32, #tpu.memory_space<hbm>>
        tpu.wait_indirect_dma semaphore(%arg28 : memref<!tpu.dma_semaphore, #tpu.memory_space<semaphore_mem>>) src(%dma_wait3A_355 : memref<10240x128xf32, #tpu.memory_space<hbm>>) dst(%arg7 : memref<80x128xf32, #tpu.memory_space<vmem>>)
        "tpu.region"() ({
          %run_scoped3A = tpu.sem_alloc : memref<!tpu.dma_semaphore, #tpu.memory_space<semaphore_mem>>
          %dma_start3A_356 = arith.constant 0 : i32
          %dma_start3A_357 = arith.constant 0 : i32
          %dma_start3A_358 = tpu.memref_slice %arg26[%dma_start3A_356, %dma_start3A_357] : memref<10240x128xf32, #tpu.memory_space<vmem_shared>> -> memref<10240x128xf32, #tpu.memory_space<vmem_shared>>
          tpu.enqueue_indirect_dma source(%arg7 : memref<80x128xf32, #tpu.memory_space<vmem>>) target(%dma_start3A_358 : memref<10240x128xf32, #tpu.memory_space<vmem_shared>>) offsets(%arg23 : memref<80xi32, #tpu.memory_space<vmem>>) semaphore(%run_scoped3A : memref<!tpu.dma_semaphore, #tpu.memory_space<semaphore_mem>>) {add = true}
          %dma_wait3A_359 = arith.constant 0 : i32
          %dma_wait3A_360 = arith.constant 0 : i32
          %dma_wait3A_361 = tpu.memref_slice %arg26[%dma_wait3A_359, %dma_wait3A_360] : memref<10240x128xf32, #tpu.memory_space<vmem_shared>> -> memref<10240x128xf32, #tpu.memory_space<vmem_shared>>
          tpu.wait_indirect_dma semaphore(%run_scoped3A : memref<!tpu.dma_semaphore, #tpu.memory_space<semaphore_mem>>) src(%arg7 : memref<80x128xf32, #tpu.memory_space<vmem>>) dst(%dma_wait3A_361 : memref<10240x128xf32, #tpu.memory_space<vmem_shared>>)
          tpu.yield
        }) : () -> ()
      } else {
      }
      %mul3A_302 = arith.constant 8 : i32
      %mul3A_303 = arith.muli %mul3A_302, %scan3A_154 : i32
      %add3A_304 = arith.constant 6 : i32
      %add3A_305 = arith.addi %mul3A_303, %add3A_304 : i32
      %add3A_306 = arith.constant 8 : i32
      %add3A_307 = arith.addi %add3A_305, %add3A_306 : i32
      %sub3A_308 = arith.constant 1 : i32
      %sub3A_309 = arith.subi %add3A_307, %sub3A_308 : i32
      %lt3A_310 = arith.constant 125 : i32
      %lt3A_311 = arith.cmpi slt, %sub3A_309, %lt3A_310 : i32
      %convert_element_type3A_312 = arith.extui %lt3A_311 : i1 to i32
      %cond3A_313 = arith.constant 0 : i32
      %cond3A_314 = arith.cmpi ne, %convert_element_type3A_312, %cond3A_313 : i32
      scf.if %cond3A_314 {
        %add3A_353 = arith.constant 8 : i32
        %add3A_354 = arith.addi %add3A_305, %add3A_353 : i32
        %sub3A_355 = arith.constant 1 : i32
        %sub3A_356 = arith.subi %add3A_354, %sub3A_355 : i32
        %mul3A_357 = arith.constant 80 : i32
        %mul3A_358 = arith.muli %sub3A_356, %mul3A_357 : i32
        %add3A_359 = arith.addi %add3A, %mul3A_358 : i32
        %dma_start3A_360 = tpu.memref_slice %arg2[%add3A_359] : memref<320000xi32, #tpu.memory_space<hbm>> -> memref<80xi32, #tpu.memory_space<hbm>>
        %dma_start3A_361 = tpu.memref_slice %arg2[%add3A_359] : memref<320000xi32, #tpu.memory_space<hbm>> -> memref<80xi32, #tpu.memory_space<hbm>>
        tpu.enqueue_dma source(%dma_start3A_361 : memref<80xi32, #tpu.memory_space<hbm>>) target(%arg15 : memref<80xi32, #tpu.memory_space<vmem>>) target_semaphore(%arg36 : memref<!tpu.dma_semaphore, #tpu.memory_space<semaphore_mem>>)
        %dma_start3A_362 = tpu.memref_slice %arg3[%add3A_359] : memref<320000xi32, #tpu.memory_space<hbm>> -> memref<80xi32, #tpu.memory_space<hbm>>
        %dma_start3A_363 = tpu.memref_slice %arg3[%add3A_359] : memref<320000xi32, #tpu.memory_space<hbm>> -> memref<80xi32, #tpu.memory_space<hbm>>
        tpu.enqueue_dma source(%dma_start3A_363 : memref<80xi32, #tpu.memory_space<hbm>>) target(%arg23 : memref<80xi32, #tpu.memory_space<vmem>>) target_semaphore(%arg36 : memref<!tpu.dma_semaphore, #tpu.memory_space<semaphore_mem>>)
      } else {
      }
      %add3A_315 = arith.constant 3 : i32
      %add3A_316 = arith.addi %add3A_305, %add3A_315 : i32
      %lt3A_317 = arith.constant 125 : i32
      %lt3A_318 = arith.cmpi slt, %add3A_316, %lt3A_317 : i32
      %convert_element_type3A_319 = arith.extui %lt3A_318 : i1 to i32
      %cond3A_320 = arith.constant 0 : i32
      %cond3A_321 = arith.cmpi ne, %convert_element_type3A_319, %cond3A_320 : i32
      scf.if %cond3A_321 {
        %dma_wait3A_353 = arith.constant 0 : i32
        %dma_wait3A_354 = tpu.memref_slice %arg2[%dma_wait3A_353] : memref<320000xi32, #tpu.memory_space<hbm>> -> memref<80xi32, #tpu.memory_space<hbm>>
        %dma_wait3A_355 = arith.constant 0 : i32
        %dma_wait3A_356 = tpu.memref_slice %arg2[%dma_wait3A_355] : memref<320000xi32, #tpu.memory_space<hbm>> -> memref<80xi32, #tpu.memory_space<hbm>>
        tpu.wait_dma2 semaphore(%arg32 : memref<!tpu.dma_semaphore, #tpu.memory_space<semaphore_mem>>) src(%dma_wait3A_356 : memref<80xi32, #tpu.memory_space<hbm>>) dst(%arg11 : memref<80xi32, #tpu.memory_space<vmem>>)
        %dma_wait3A_357 = arith.constant 0 : i32
        %dma_wait3A_358 = tpu.memref_slice %arg3[%dma_wait3A_357] : memref<320000xi32, #tpu.memory_space<hbm>> -> memref<80xi32, #tpu.memory_space<hbm>>
        %dma_wait3A_359 = arith.constant 0 : i32
        %dma_wait3A_360 = tpu.memref_slice %arg3[%dma_wait3A_359] : memref<320000xi32, #tpu.memory_space<hbm>> -> memref<80xi32, #tpu.memory_space<hbm>>
        tpu.wait_dma2 semaphore(%arg32 : memref<!tpu.dma_semaphore, #tpu.memory_space<semaphore_mem>>) src(%dma_wait3A_360 : memref<80xi32, #tpu.memory_space<hbm>>) dst(%arg19 : memref<80xi32, #tpu.memory_space<vmem>>)
        %dma_start3A_361 = arith.constant 0 : i32
        %dma_start3A_362 = arith.constant 0 : i32
        %dma_start3A_363 = tpu.memref_slice %arg4[%dma_start3A_361, %dma_start3A_362] : memref<10240x128xf32, #tpu.memory_space<hbm>> -> memref<10240x128xf32, #tpu.memory_space<hbm>>
        tpu.enqueue_indirect_dma source(%dma_start3A_363 : memref<10240x128xf32, #tpu.memory_space<hbm>>) target(%arg7 : memref<80x128xf32, #tpu.memory_space<vmem>>) offsets(%arg11 : memref<80xi32, #tpu.memory_space<vmem>>) semaphore(%arg28 : memref<!tpu.dma_semaphore, #tpu.memory_space<semaphore_mem>>)
      } else {
      }
      %lt3A_322 = arith.constant 125 : i32
      %lt3A_323 = arith.cmpi slt, %add3A_305, %lt3A_322 : i32
      %convert_element_type3A_324 = arith.extui %lt3A_323 : i1 to i32
      %cond3A_325 = arith.constant 0 : i32
      %cond3A_326 = arith.cmpi ne, %convert_element_type3A_324, %cond3A_325 : i32
      scf.if %cond3A_326 {
        %dma_wait3A_353 = arith.constant 0 : i32
        %dma_wait3A_354 = arith.constant 0 : i32
        %dma_wait3A_355 = tpu.memref_slice %arg4[%dma_wait3A_353, %dma_wait3A_354] : memref<10240x128xf32, #tpu.memory_space<hbm>> -> memref<10240x128xf32, #tpu.memory_space<hbm>>
        tpu.wait_indirect_dma semaphore(%arg29 : memref<!tpu.dma_semaphore, #tpu.memory_space<semaphore_mem>>) src(%dma_wait3A_355 : memref<10240x128xf32, #tpu.memory_space<hbm>>) dst(%arg8 : memref<80x128xf32, #tpu.memory_space<vmem>>)
        "tpu.region"() ({
          %run_scoped3A = tpu.sem_alloc : memref<!tpu.dma_semaphore, #tpu.memory_space<semaphore_mem>>
          %dma_start3A_356 = arith.constant 0 : i32
          %dma_start3A_357 = arith.constant 0 : i32
          %dma_start3A_358 = tpu.memref_slice %arg26[%dma_start3A_356, %dma_start3A_357] : memref<10240x128xf32, #tpu.memory_space<vmem_shared>> -> memref<10240x128xf32, #tpu.memory_space<vmem_shared>>
          tpu.enqueue_indirect_dma source(%arg8 : memref<80x128xf32, #tpu.memory_space<vmem>>) target(%dma_start3A_358 : memref<10240x128xf32, #tpu.memory_space<vmem_shared>>) offsets(%arg24 : memref<80xi32, #tpu.memory_space<vmem>>) semaphore(%run_scoped3A : memref<!tpu.dma_semaphore, #tpu.memory_space<semaphore_mem>>) {add = true}
          %dma_wait3A_359 = arith.constant 0 : i32
          %dma_wait3A_360 = arith.constant 0 : i32
          %dma_wait3A_361 = tpu.memref_slice %arg26[%dma_wait3A_359, %dma_wait3A_360] : memref<10240x128xf32, #tpu.memory_space<vmem_shared>> -> memref<10240x128xf32, #tpu.memory_space<vmem_shared>>
          tpu.wait_indirect_dma semaphore(%run_scoped3A : memref<!tpu.dma_semaphore, #tpu.memory_space<semaphore_mem>>) src(%arg8 : memref<80x128xf32, #tpu.memory_space<vmem>>) dst(%dma_wait3A_361 : memref<10240x128xf32, #tpu.memory_space<vmem_shared>>)
          tpu.yield
        }) : () -> ()
      } else {
      }
      %mul3A_327 = arith.constant 8 : i32
      %mul3A_328 = arith.muli %mul3A_327, %scan3A_154 : i32
      %add3A_329 = arith.constant 7 : i32
      %add3A_330 = arith.addi %mul3A_328, %add3A_329 : i32
      %add3A_331 = arith.constant 8 : i32
      %add3A_332 = arith.addi %add3A_330, %add3A_331 : i32
      %sub3A_333 = arith.constant 1 : i32
      %sub3A_334 = arith.subi %add3A_332, %sub3A_333 : i32
      %lt3A_335 = arith.constant 125 : i32
      %lt3A_336 = arith.cmpi slt, %sub3A_334, %lt3A_335 : i32
      %convert_element_type3A_337 = arith.extui %lt3A_336 : i1 to i32
      %cond3A_338 = arith.constant 0 : i32
      %cond3A_339 = arith.cmpi ne, %convert_element_type3A_337, %cond3A_338 : i32
      scf.if %cond3A_339 {
        %add3A_353 = arith.constant 8 : i32
        %add3A_354 = arith.addi %add3A_330, %add3A_353 : i32
        %sub3A_355 = arith.constant 1 : i32
        %sub3A_356 = arith.subi %add3A_354, %sub3A_355 : i32
        %mul3A_357 = arith.constant 80 : i32
        %mul3A_358 = arith.muli %sub3A_356, %mul3A_357 : i32
        %add3A_359 = arith.addi %add3A, %mul3A_358 : i32
        %dma_start3A_360 = tpu.memref_slice %arg2[%add3A_359] : memref<320000xi32, #tpu.memory_space<hbm>> -> memref<80xi32, #tpu.memory_space<hbm>>
        %dma_start3A_361 = tpu.memref_slice %arg2[%add3A_359] : memref<320000xi32, #tpu.memory_space<hbm>> -> memref<80xi32, #tpu.memory_space<hbm>>
        tpu.enqueue_dma source(%dma_start3A_361 : memref<80xi32, #tpu.memory_space<hbm>>) target(%arg16 : memref<80xi32, #tpu.memory_space<vmem>>) target_semaphore(%arg37 : memref<!tpu.dma_semaphore, #tpu.memory_space<semaphore_mem>>)
        %dma_start3A_362 = tpu.memref_slice %arg3[%add3A_359] : memref<320000xi32, #tpu.memory_space<hbm>> -> memref<80xi32, #tpu.memory_space<hbm>>
        %dma_start3A_363 = tpu.memref_slice %arg3[%add3A_359] : memref<320000xi32, #tpu.memory_space<hbm>> -> memref<80xi32, #tpu.memory_space<hbm>>
        tpu.enqueue_dma source(%dma_start3A_363 : memref<80xi32, #tpu.memory_space<hbm>>) target(%arg24 : memref<80xi32, #tpu.memory_space<vmem>>) target_semaphore(%arg37 : memref<!tpu.dma_semaphore, #tpu.memory_space<semaphore_mem>>)
      } else {
      }
      %add3A_340 = arith.constant 3 : i32
      %add3A_341 = arith.addi %add3A_330, %add3A_340 : i32
      %lt3A_342 = arith.constant 125 : i32
      %lt3A_343 = arith.cmpi slt, %add3A_341, %lt3A_342 : i32
      %convert_element_type3A_344 = arith.extui %lt3A_343 : i1 to i32
      %cond3A_345 = arith.constant 0 : i32
      %cond3A_346 = arith.cmpi ne, %convert_element_type3A_344, %cond3A_345 : i32
      scf.if %cond3A_346 {
        %dma_wait3A_353 = arith.constant 0 : i32
        %dma_wait3A_354 = tpu.memref_slice %arg2[%dma_wait3A_353] : memref<320000xi32, #tpu.memory_space<hbm>> -> memref<80xi32, #tpu.memory_space<hbm>>
        %dma_wait3A_355 = arith.constant 0 : i32
        %dma_wait3A_356 = tpu.memref_slice %arg2[%dma_wait3A_355] : memref<320000xi32, #tpu.memory_space<hbm>> -> memref<80xi32, #tpu.memory_space<hbm>>
        tpu.wait_dma2 semaphore(%arg33 : memref<!tpu.dma_semaphore, #tpu.memory_space<semaphore_mem>>) src(%dma_wait3A_356 : memref<80xi32, #tpu.memory_space<hbm>>) dst(%arg12 : memref<80xi32, #tpu.memory_space<vmem>>)
        %dma_wait3A_357 = arith.constant 0 : i32
        %dma_wait3A_358 = tpu.memref_slice %arg3[%dma_wait3A_357] : memref<320000xi32, #tpu.memory_space<hbm>> -> memref<80xi32, #tpu.memory_space<hbm>>
        %dma_wait3A_359 = arith.constant 0 : i32
        %dma_wait3A_360 = tpu.memref_slice %arg3[%dma_wait3A_359] : memref<320000xi32, #tpu.memory_space<hbm>> -> memref<80xi32, #tpu.memory_space<hbm>>
        tpu.wait_dma2 semaphore(%arg33 : memref<!tpu.dma_semaphore, #tpu.memory_space<semaphore_mem>>) src(%dma_wait3A_360 : memref<80xi32, #tpu.memory_space<hbm>>) dst(%arg20 : memref<80xi32, #tpu.memory_space<vmem>>)
        %dma_start3A_361 = arith.constant 0 : i32
        %dma_start3A_362 = arith.constant 0 : i32
        %dma_start3A_363 = tpu.memref_slice %arg4[%dma_start3A_361, %dma_start3A_362] : memref<10240x128xf32, #tpu.memory_space<hbm>> -> memref<10240x128xf32, #tpu.memory_space<hbm>>
        tpu.enqueue_indirect_dma source(%dma_start3A_363 : memref<10240x128xf32, #tpu.memory_space<hbm>>) target(%arg8 : memref<80x128xf32, #tpu.memory_space<vmem>>) offsets(%arg12 : memref<80xi32, #tpu.memory_space<vmem>>) semaphore(%arg29 : memref<!tpu.dma_semaphore, #tpu.memory_space<semaphore_mem>>)
      } else {
      }
      %lt3A_347 = arith.constant 125 : i32
      %lt3A_348 = arith.cmpi slt, %add3A_330, %lt3A_347 : i32
      %convert_element_type3A_349 = arith.extui %lt3A_348 : i1 to i32
      %cond3A_350 = arith.constant 0 : i32
      %cond3A_351 = arith.cmpi ne, %convert_element_type3A_349, %cond3A_350 : i32
      scf.if %cond3A_351 {
        %dma_wait3A_353 = arith.constant 0 : i32
        %dma_wait3A_354 = arith.constant 0 : i32
        %dma_wait3A_355 = tpu.memref_slice %arg4[%dma_wait3A_353, %dma_wait3A_354] : memref<10240x128xf32, #tpu.memory_space<hbm>> -> memref<10240x128xf32, #tpu.memory_space<hbm>>
        tpu.wait_indirect_dma semaphore(%arg30 : memref<!tpu.dma_semaphore, #tpu.memory_space<semaphore_mem>>) src(%dma_wait3A_355 : memref<10240x128xf32, #tpu.memory_space<hbm>>) dst(%arg9 : memref<80x128xf32, #tpu.memory_space<vmem>>)
        "tpu.region"() ({
          %run_scoped3A = tpu.sem_alloc : memref<!tpu.dma_semaphore, #tpu.memory_space<semaphore_mem>>
          %dma_start3A_356 = arith.constant 0 : i32
          %dma_start3A_357 = arith.constant 0 : i32
          %dma_start3A_358 = tpu.memref_slice %arg26[%dma_start3A_356, %dma_start3A_357] : memref<10240x128xf32, #tpu.memory_space<vmem_shared>> -> memref<10240x128xf32, #tpu.memory_space<vmem_shared>>
          tpu.enqueue_indirect_dma source(%arg9 : memref<80x128xf32, #tpu.memory_space<vmem>>) target(%dma_start3A_358 : memref<10240x128xf32, #tpu.memory_space<vmem_shared>>) offsets(%arg25 : memref<80xi32, #tpu.memory_space<vmem>>) semaphore(%run_scoped3A : memref<!tpu.dma_semaphore, #tpu.memory_space<semaphore_mem>>) {add = true}
          %dma_wait3A_359 = arith.constant 0 : i32
          %dma_wait3A_360 = arith.constant 0 : i32
          %dma_wait3A_361 = tpu.memref_slice %arg26[%dma_wait3A_359, %dma_wait3A_360] : memref<10240x128xf32, #tpu.memory_space<vmem_shared>> -> memref<10240x128xf32, #tpu.memory_space<vmem_shared>>
          tpu.wait_indirect_dma semaphore(%run_scoped3A : memref<!tpu.dma_semaphore, #tpu.memory_space<semaphore_mem>>) src(%arg9 : memref<80x128xf32, #tpu.memory_space<vmem>>) dst(%dma_wait3A_361 : memref<10240x128xf32, #tpu.memory_space<vmem_shared>>)
          tpu.yield
        }) : () -> ()
      } else {
      }
      %scan3A_352 = arith.constant 0 : i32
      scf.yield %scan3A_352 : i32
    }
    %scan3A_120 = arith.constant 16 : i32
    %barrier3A_121 = arith.constant 0 : index
    tpu.barrier barrier_id(%barrier3A_121)
    %mul3A_122 = arith.constant 640 : i32
    %mul3A_123 = arith.muli %arg1, %mul3A_122 : i32
    %add3A_124 = arith.constant 0 : i32
    %add3A_125 = arith.addi %mul3A_123, %add3A_124 : i32
    "tpu.region"() ({
      %run_scoped3A = tpu.sem_alloc : memref<!tpu.dma_semaphore, #tpu.memory_space<semaphore_mem>>
      %dma_start3A_154 = arith.constant 0 : i32
      %dma_start3A_155 = tpu.memref_slice %arg5[%arg0, %add3A_125, %dma_start3A_154] : memref<2x10240x128xf32, #tpu.memory_space<hbm>> -> memref<1x80x128xf32, #tpu.memory_space<hbm>>
      %dma_start3A_156 = tpu.memref_squeeze %dma_start3A_155 : memref<1x80x128xf32, #tpu.memory_space<hbm>> -> memref<80x128xf32, #tpu.memory_space<hbm>>
      %dma_start3A_157 = arith.constant 0 : i32
      %dma_start3A_158 = tpu.memref_slice %arg26[%add3A_125, %dma_start3A_157] : memref<10240x128xf32, #tpu.memory_space<vmem_shared>> -> memref<80x128xf32, #tpu.memory_space<vmem_shared>>
      tpu.enqueue_dma source(%dma_start3A_158 : memref<80x128xf32, #tpu.memory_space<vmem_shared>>) target(%dma_start3A_156 : memref<80x128xf32, #tpu.memory_space<hbm>>) target_semaphore(%run_scoped3A : memref<!tpu.dma_semaphore, #tpu.memory_space<semaphore_mem>>)
      %dma_wait3A_159 = arith.constant 0 : i32
      %dma_wait3A_160 = tpu.memref_slice %arg5[%arg0, %add3A_125, %dma_wait3A_159] : memref<2x10240x128xf32, #tpu.memory_space<hbm>> -> memref<1x80x128xf32, #tpu.memory_space<hbm>>
      %dma_wait3A_161 = tpu.memref_squeeze %dma_wait3A_160 : memref<1x80x128xf32, #tpu.memory_space<hbm>> -> memref<80x128xf32, #tpu.memory_space<hbm>>
      %dma_wait3A_162 = arith.constant 0 : i32
      %dma_wait3A_163 = tpu.memref_slice %arg26[%add3A_125, %dma_wait3A_162] : memref<10240x128xf32, #tpu.memory_space<vmem_shared>> -> memref<80x128xf32, #tpu.memory_space<vmem_shared>>
      tpu.wait_dma2 semaphore(%run_scoped3A : memref<!tpu.dma_semaphore, #tpu.memory_space<semaphore_mem>>) src(%dma_wait3A_163 : memref<80x128xf32, #tpu.memory_space<vmem_shared>>) dst(%dma_wait3A_161 : memref<80x128xf32, #tpu.memory_space<hbm>>)
      tpu.yield
    }) : () -> ()
    %mul3A_126 = arith.constant 640 : i32
    %mul3A_127 = arith.muli %arg1, %mul3A_126 : i32
    %add3A_128 = arith.constant 80 : i32
    %add3A_129 = arith.addi %mul3A_127, %add3A_128 : i32
    "tpu.region"() ({
      %run_scoped3A = tpu.sem_alloc : memref<!tpu.dma_semaphore, #tpu.memory_space<semaphore_mem>>
      %dma_start3A_154 = arith.constant 0 : i32
      %dma_start3A_155 = tpu.memref_slice %arg5[%arg0, %add3A_129, %dma_start3A_154] : memref<2x10240x128xf32, #tpu.memory_space<hbm>> -> memref<1x80x128xf32, #tpu.memory_space<hbm>>
      %dma_start3A_156 = tpu.memref_squeeze %dma_start3A_155 : memref<1x80x128xf32, #tpu.memory_space<hbm>> -> memref<80x128xf32, #tpu.memory_space<hbm>>
      %dma_start3A_157 = arith.constant 0 : i32
      %dma_start3A_158 = tpu.memref_slice %arg26[%add3A_129, %dma_start3A_157] : memref<10240x128xf32, #tpu.memory_space<vmem_shared>> -> memref<80x128xf32, #tpu.memory_space<vmem_shared>>
      tpu.enqueue_dma source(%dma_start3A_158 : memref<80x128xf32, #tpu.memory_space<vmem_shared>>) target(%dma_start3A_156 : memref<80x128xf32, #tpu.memory_space<hbm>>) target_semaphore(%run_scoped3A : memref<!tpu.dma_semaphore, #tpu.memory_space<semaphore_mem>>)
      %dma_wait3A_159 = arith.constant 0 : i32
      %dma_wait3A_160 = tpu.memref_slice %arg5[%arg0, %add3A_129, %dma_wait3A_159] : memref<2x10240x128xf32, #tpu.memory_space<hbm>> -> memref<1x80x128xf32, #tpu.memory_space<hbm>>
      %dma_wait3A_161 = tpu.memref_squeeze %dma_wait3A_160 : memref<1x80x128xf32, #tpu.memory_space<hbm>> -> memref<80x128xf32, #tpu.memory_space<hbm>>
      %dma_wait3A_162 = arith.constant 0 : i32
      %dma_wait3A_163 = tpu.memref_slice %arg26[%add3A_129, %dma_wait3A_162] : memref<10240x128xf32, #tpu.memory_space<vmem_shared>> -> memref<80x128xf32, #tpu.memory_space<vmem_shared>>
      tpu.wait_dma2 semaphore(%run_scoped3A : memref<!tpu.dma_semaphore, #tpu.memory_space<semaphore_mem>>) src(%dma_wait3A_163 : memref<80x128xf32, #tpu.memory_space<vmem_shared>>) dst(%dma_wait3A_161 : memref<80x128xf32, #tpu.memory_space<hbm>>)
      tpu.yield
    }) : () -> ()
    %mul3A_130 = arith.constant 640 : i32
    %mul3A_131 = arith.muli %arg1, %mul3A_130 : i32
    %add3A_132 = arith.constant 160 : i32
    %add3A_133 = arith.addi %mul3A_131, %add3A_132 : i32
    "tpu.region"() ({
      %run_scoped3A = tpu.sem_alloc : memref<!tpu.dma_semaphore, #tpu.memory_space<semaphore_mem>>
      %dma_start3A_154 = arith.constant 0 : i32
      %dma_start3A_155 = tpu.memref_slice %arg5[%arg0, %add3A_133, %dma_start3A_154] : memref<2x10240x128xf32, #tpu.memory_space<hbm>> -> memref<1x80x128xf32, #tpu.memory_space<hbm>>
      %dma_start3A_156 = tpu.memref_squeeze %dma_start3A_155 : memref<1x80x128xf32, #tpu.memory_space<hbm>> -> memref<80x128xf32, #tpu.memory_space<hbm>>
      %dma_start3A_157 = arith.constant 0 : i32
      %dma_start3A_158 = tpu.memref_slice %arg26[%add3A_133, %dma_start3A_157] : memref<10240x128xf32, #tpu.memory_space<vmem_shared>> -> memref<80x128xf32, #tpu.memory_space<vmem_shared>>
      tpu.enqueue_dma source(%dma_start3A_158 : memref<80x128xf32, #tpu.memory_space<vmem_shared>>) target(%dma_start3A_156 : memref<80x128xf32, #tpu.memory_space<hbm>>) target_semaphore(%run_scoped3A : memref<!tpu.dma_semaphore, #tpu.memory_space<semaphore_mem>>)
      %dma_wait3A_159 = arith.constant 0 : i32
      %dma_wait3A_160 = tpu.memref_slice %arg5[%arg0, %add3A_133, %dma_wait3A_159] : memref<2x10240x128xf32, #tpu.memory_space<hbm>> -> memref<1x80x128xf32, #tpu.memory_space<hbm>>
      %dma_wait3A_161 = tpu.memref_squeeze %dma_wait3A_160 : memref<1x80x128xf32, #tpu.memory_space<hbm>> -> memref<80x128xf32, #tpu.memory_space<hbm>>
      %dma_wait3A_162 = arith.constant 0 : i32
      %dma_wait3A_163 = tpu.memref_slice %arg26[%add3A_133, %dma_wait3A_162] : memref<10240x128xf32, #tpu.memory_space<vmem_shared>> -> memref<80x128xf32, #tpu.memory_space<vmem_shared>>
      tpu.wait_dma2 semaphore(%run_scoped3A : memref<!tpu.dma_semaphore, #tpu.memory_space<semaphore_mem>>) src(%dma_wait3A_163 : memref<80x128xf32, #tpu.memory_space<vmem_shared>>) dst(%dma_wait3A_161 : memref<80x128xf32, #tpu.memory_space<hbm>>)
      tpu.yield
    }) : () -> ()
    %mul3A_134 = arith.constant 640 : i32
    %mul3A_135 = arith.muli %arg1, %mul3A_134 : i32
    %add3A_136 = arith.constant 240 : i32
    %add3A_137 = arith.addi %mul3A_135, %add3A_136 : i32
    "tpu.region"() ({
      %run_scoped3A = tpu.sem_alloc : memref<!tpu.dma_semaphore, #tpu.memory_space<semaphore_mem>>
      %dma_start3A_154 = arith.constant 0 : i32
      %dma_start3A_155 = tpu.memref_slice %arg5[%arg0, %add3A_137, %dma_start3A_154] : memref<2x10240x128xf32, #tpu.memory_space<hbm>> -> memref<1x80x128xf32, #tpu.memory_space<hbm>>
      %dma_start3A_156 = tpu.memref_squeeze %dma_start3A_155 : memref<1x80x128xf32, #tpu.memory_space<hbm>> -> memref<80x128xf32, #tpu.memory_space<hbm>>
      %dma_start3A_157 = arith.constant 0 : i32
      %dma_start3A_158 = tpu.memref_slice %arg26[%add3A_137, %dma_start3A_157] : memref<10240x128xf32, #tpu.memory_space<vmem_shared>> -> memref<80x128xf32, #tpu.memory_space<vmem_shared>>
      tpu.enqueue_dma source(%dma_start3A_158 : memref<80x128xf32, #tpu.memory_space<vmem_shared>>) target(%dma_start3A_156 : memref<80x128xf32, #tpu.memory_space<hbm>>) target_semaphore(%run_scoped3A : memref<!tpu.dma_semaphore, #tpu.memory_space<semaphore_mem>>)
      %dma_wait3A_159 = arith.constant 0 : i32
      %dma_wait3A_160 = tpu.memref_slice %arg5[%arg0, %add3A_137, %dma_wait3A_159] : memref<2x10240x128xf32, #tpu.memory_space<hbm>> -> memref<1x80x128xf32, #tpu.memory_space<hbm>>
      %dma_wait3A_161 = tpu.memref_squeeze %dma_wait3A_160 : memref<1x80x128xf32, #tpu.memory_space<hbm>> -> memref<80x128xf32, #tpu.memory_space<hbm>>
      %dma_wait3A_162 = arith.constant 0 : i32
      %dma_wait3A_163 = tpu.memref_slice %arg26[%add3A_137, %dma_wait3A_162] : memref<10240x128xf32, #tpu.memory_space<vmem_shared>> -> memref<80x128xf32, #tpu.memory_space<vmem_shared>>
      tpu.wait_dma2 semaphore(%run_scoped3A : memref<!tpu.dma_semaphore, #tpu.memory_space<semaphore_mem>>) src(%dma_wait3A_163 : memref<80x128xf32, #tpu.memory_space<vmem_shared>>) dst(%dma_wait3A_161 : memref<80x128xf32, #tpu.memory_space<hbm>>)
      tpu.yield
    }) : () -> ()
    %mul3A_138 = arith.constant 640 : i32
    %mul3A_139 = arith.muli %arg1, %mul3A_138 : i32
    %add3A_140 = arith.constant 320 : i32
    %add3A_141 = arith.addi %mul3A_139, %add3A_140 : i32
    "tpu.region"() ({
      %run_scoped3A = tpu.sem_alloc : memref<!tpu.dma_semaphore, #tpu.memory_space<semaphore_mem>>
      %dma_start3A_154 = arith.constant 0 : i32
      %dma_start3A_155 = tpu.memref_slice %arg5[%arg0, %add3A_141, %dma_start3A_154] : memref<2x10240x128xf32, #tpu.memory_space<hbm>> -> memref<1x80x128xf32, #tpu.memory_space<hbm>>
      %dma_start3A_156 = tpu.memref_squeeze %dma_start3A_155 : memref<1x80x128xf32, #tpu.memory_space<hbm>> -> memref<80x128xf32, #tpu.memory_space<hbm>>
      %dma_start3A_157 = arith.constant 0 : i32
      %dma_start3A_158 = tpu.memref_slice %arg26[%add3A_141, %dma_start3A_157] : memref<10240x128xf32, #tpu.memory_space<vmem_shared>> -> memref<80x128xf32, #tpu.memory_space<vmem_shared>>
      tpu.enqueue_dma source(%dma_start3A_158 : memref<80x128xf32, #tpu.memory_space<vmem_shared>>) target(%dma_start3A_156 : memref<80x128xf32, #tpu.memory_space<hbm>>) target_semaphore(%run_scoped3A : memref<!tpu.dma_semaphore, #tpu.memory_space<semaphore_mem>>)
      %dma_wait3A_159 = arith.constant 0 : i32
      %dma_wait3A_160 = tpu.memref_slice %arg5[%arg0, %add3A_141, %dma_wait3A_159] : memref<2x10240x128xf32, #tpu.memory_space<hbm>> -> memref<1x80x128xf32, #tpu.memory_space<hbm>>
      %dma_wait3A_161 = tpu.memref_squeeze %dma_wait3A_160 : memref<1x80x128xf32, #tpu.memory_space<hbm>> -> memref<80x128xf32, #tpu.memory_space<hbm>>
      %dma_wait3A_162 = arith.constant 0 : i32
      %dma_wait3A_163 = tpu.memref_slice %arg26[%add3A_141, %dma_wait3A_162] : memref<10240x128xf32, #tpu.memory_space<vmem_shared>> -> memref<80x128xf32, #tpu.memory_space<vmem_shared>>
      tpu.wait_dma2 semaphore(%run_scoped3A : memref<!tpu.dma_semaphore, #tpu.memory_space<semaphore_mem>>) src(%dma_wait3A_163 : memref<80x128xf32, #tpu.memory_space<vmem_shared>>) dst(%dma_wait3A_161 : memref<80x128xf32, #tpu.memory_space<hbm>>)
      tpu.yield
    }) : () -> ()
    %mul3A_142 = arith.constant 640 : i32
    %mul3A_143 = arith.muli %arg1, %mul3A_142 : i32
    %add3A_144 = arith.constant 400 : i32
    %add3A_145 = arith.addi %mul3A_143, %add3A_144 : i32
    "tpu.region"() ({
      %run_scoped3A = tpu.sem_alloc : memref<!tpu.dma_semaphore, #tpu.memory_space<semaphore_mem>>
      %dma_start3A_154 = arith.constant 0 : i32
      %dma_start3A_155 = tpu.memref_slice %arg5[%arg0, %add3A_145, %dma_start3A_154] : memref<2x10240x128xf32, #tpu.memory_space<hbm>> -> memref<1x80x128xf32, #tpu.memory_space<hbm>>
      %dma_start3A_156 = tpu.memref_squeeze %dma_start3A_155 : memref<1x80x128xf32, #tpu.memory_space<hbm>> -> memref<80x128xf32, #tpu.memory_space<hbm>>
      %dma_start3A_157 = arith.constant 0 : i32
      %dma_start3A_158 = tpu.memref_slice %arg26[%add3A_145, %dma_start3A_157] : memref<10240x128xf32, #tpu.memory_space<vmem_shared>> -> memref<80x128xf32, #tpu.memory_space<vmem_shared>>
      tpu.enqueue_dma source(%dma_start3A_158 : memref<80x128xf32, #tpu.memory_space<vmem_shared>>) target(%dma_start3A_156 : memref<80x128xf32, #tpu.memory_space<hbm>>) target_semaphore(%run_scoped3A : memref<!tpu.dma_semaphore, #tpu.memory_space<semaphore_mem>>)
      %dma_wait3A_159 = arith.constant 0 : i32
      %dma_wait3A_160 = tpu.memref_slice %arg5[%arg0, %add3A_145, %dma_wait3A_159] : memref<2x10240x128xf32, #tpu.memory_space<hbm>> -> memref<1x80x128xf32, #tpu.memory_space<hbm>>
      %dma_wait3A_161 = tpu.memref_squeeze %dma_wait3A_160 : memref<1x80x128xf32, #tpu.memory_space<hbm>> -> memref<80x128xf32, #tpu.memory_space<hbm>>
      %dma_wait3A_162 = arith.constant 0 : i32
      %dma_wait3A_163 = tpu.memref_slice %arg26[%add3A_145, %dma_wait3A_162] : memref<10240x128xf32, #tpu.memory_space<vmem_shared>> -> memref<80x128xf32, #tpu.memory_space<vmem_shared>>
      tpu.wait_dma2 semaphore(%run_scoped3A : memref<!tpu.dma_semaphore, #tpu.memory_space<semaphore_mem>>) src(%dma_wait3A_163 : memref<80x128xf32, #tpu.memory_space<vmem_shared>>) dst(%dma_wait3A_161 : memref<80x128xf32, #tpu.memory_space<hbm>>)
      tpu.yield
    }) : () -> ()
    %mul3A_146 = arith.constant 640 : i32
    %mul3A_147 = arith.muli %arg1, %mul3A_146 : i32
    %add3A_148 = arith.constant 480 : i32
    %add3A_149 = arith.addi %mul3A_147, %add3A_148 : i32
    "tpu.region"() ({
      %run_scoped3A = tpu.sem_alloc : memref<!tpu.dma_semaphore, #tpu.memory_space<semaphore_mem>>
      %dma_start3A_154 = arith.constant 0 : i32
      %dma_start3A_155 = tpu.memref_slice %arg5[%arg0, %add3A_149, %dma_start3A_154] : memref<2x10240x128xf32, #tpu.memory_space<hbm>> -> memref<1x80x128xf32, #tpu.memory_space<hbm>>
      %dma_start3A_156 = tpu.memref_squeeze %dma_start3A_155 : memref<1x80x128xf32, #tpu.memory_space<hbm>> -> memref<80x128xf32, #tpu.memory_space<hbm>>
      %dma_start3A_157 = arith.constant 0 : i32
      %dma_start3A_158 = tpu.memref_slice %arg26[%add3A_149, %dma_start3A_157] : memref<10240x128xf32, #tpu.memory_space<vmem_shared>> -> memref<80x128xf32, #tpu.memory_space<vmem_shared>>
      tpu.enqueue_dma source(%dma_start3A_158 : memref<80x128xf32, #tpu.memory_space<vmem_shared>>) target(%dma_start3A_156 : memref<80x128xf32, #tpu.memory_space<hbm>>) target_semaphore(%run_scoped3A : memref<!tpu.dma_semaphore, #tpu.memory_space<semaphore_mem>>)
      %dma_wait3A_159 = arith.constant 0 : i32
      %dma_wait3A_160 = tpu.memref_slice %arg5[%arg0, %add3A_149, %dma_wait3A_159] : memref<2x10240x128xf32, #tpu.memory_space<hbm>> -> memref<1x80x128xf32, #tpu.memory_space<hbm>>
      %dma_wait3A_161 = tpu.memref_squeeze %dma_wait3A_160 : memref<1x80x128xf32, #tpu.memory_space<hbm>> -> memref<80x128xf32, #tpu.memory_space<hbm>>
      %dma_wait3A_162 = arith.constant 0 : i32
      %dma_wait3A_163 = tpu.memref_slice %arg26[%add3A_149, %dma_wait3A_162] : memref<10240x128xf32, #tpu.memory_space<vmem_shared>> -> memref<80x128xf32, #tpu.memory_space<vmem_shared>>
      tpu.wait_dma2 semaphore(%run_scoped3A : memref<!tpu.dma_semaphore, #tpu.memory_space<semaphore_mem>>) src(%dma_wait3A_163 : memref<80x128xf32, #tpu.memory_space<vmem_shared>>) dst(%dma_wait3A_161 : memref<80x128xf32, #tpu.memory_space<hbm>>)
      tpu.yield
    }) : () -> ()
    %mul3A_150 = arith.constant 640 : i32
    %mul3A_151 = arith.muli %arg1, %mul3A_150 : i32
    %add3A_152 = arith.constant 560 : i32
    %add3A_153 = arith.addi %mul3A_151, %add3A_152 : i32
    "tpu.region"() ({
      %run_scoped3A = tpu.sem_alloc : memref<!tpu.dma_semaphore, #tpu.memory_space<semaphore_mem>>
      %dma_start3A_154 = arith.constant 0 : i32
      %dma_start3A_155 = tpu.memref_slice %arg5[%arg0, %add3A_153, %dma_start3A_154] : memref<2x10240x128xf32, #tpu.memory_space<hbm>> -> memref<1x80x128xf32, #tpu.memory_space<hbm>>
      %dma_start3A_156 = tpu.memref_squeeze %dma_start3A_155 : memref<1x80x128xf32, #tpu.memory_space<hbm>> -> memref<80x128xf32, #tpu.memory_space<hbm>>
      %dma_start3A_157 = arith.constant 0 : i32
      %dma_start3A_158 = tpu.memref_slice %arg26[%add3A_153, %dma_start3A_157] : memref<10240x128xf32, #tpu.memory_space<vmem_shared>> -> memref<80x128xf32, #tpu.memory_space<vmem_shared>>
      tpu.enqueue_dma source(%dma_start3A_158 : memref<80x128xf32, #tpu.memory_space<vmem_shared>>) target(%dma_start3A_156 : memref<80x128xf32, #tpu.memory_space<hbm>>) target_semaphore(%run_scoped3A : memref<!tpu.dma_semaphore, #tpu.memory_space<semaphore_mem>>)
      %dma_wait3A_159 = arith.constant 0 : i32
      %dma_wait3A_160 = tpu.memref_slice %arg5[%arg0, %add3A_153, %dma_wait3A_159] : memref<2x10240x128xf32, #tpu.memory_space<hbm>> -> memref<1x80x128xf32, #tpu.memory_space<hbm>>
      %dma_wait3A_161 = tpu.memref_squeeze %dma_wait3A_160 : memref<1x80x128xf32, #tpu.memory_space<hbm>> -> memref<80x128xf32, #tpu.memory_space<hbm>>
      %dma_wait3A_162 = arith.constant 0 : i32
      %dma_wait3A_163 = tpu.memref_slice %arg26[%add3A_153, %dma_wait3A_162] : memref<10240x128xf32, #tpu.memory_space<vmem_shared>> -> memref<80x128xf32, #tpu.memory_space<vmem_shared>>
      tpu.wait_dma2 semaphore(%run_scoped3A : memref<!tpu.dma_semaphore, #tpu.memory_space<semaphore_mem>>) src(%dma_wait3A_163 : memref<80x128xf32, #tpu.memory_space<vmem_shared>>) dst(%dma_wait3A_161 : memref<80x128xf32, #tpu.memory_space<hbm>>)
      tpu.yield
    }) : () -> ()
    return
  }
}

module attributes {stable_mosaic.version = 14 : i64} {
  func.func @_hs1_body(%arg0: i32, %arg1: memref<400x128xf32, #tpu.memory_space<vmem>>, %arg2: memref<2x400x128xf32, #tpu.memory_space<vmem>>, %arg3: memref<128x128xf32, #tpu.memory_space<vmem>>, %arg4: memref<400x128xf32, #tpu.memory_space<vmem>>) attributes {dimension_semantics = [#tpu.dimension_semantics<arbitrary>], iteration_bounds = array<i64: 25>, scalar_prefetch = 0 : i64, scratch_operands = 0 : i64, tpu.core_type = #tpu.core_type<tc>, window_params = [{transform_indices = @transform_0, window_bounds = array<i64: 400, 128>}, {transform_indices = @transform_1, window_bounds = array<i64: 2, 400, 128>}, {pipeline_mode = #tpu.pipeline_mode<synchronous>, transform_indices = @transform_2, window_bounds = array<i64: 128, 128>}, {transform_indices = @transform_3, window_bounds = array<i64: 400, 128>}]} {
    %get3A = arith.constant 0 : index
    %get3A_0 = arith.constant 0 : index
    %get3A_1 = arith.constant 0 : index
    %get3A_2 = vector.load %arg2[%get3A, %get3A_0, %get3A_1] : memref<2x400x128xf32, #tpu.memory_space<vmem>>, vector<1x400x128xf32>
    %get3A_3 = vector.shape_cast %get3A_2 : vector<1x400x128xf32> to vector<400x128xf32>
    %get3A_4 = arith.constant 1 : index
    %get3A_5 = arith.constant 0 : index
    %get3A_6 = arith.constant 0 : index
    %get3A_7 = vector.load %arg2[%get3A_4, %get3A_5, %get3A_6] : memref<2x400x128xf32, #tpu.memory_space<vmem>>, vector<1x400x128xf32>
    %get3A_8 = vector.shape_cast %get3A_7 : vector<1x400x128xf32> to vector<400x128xf32>
    %add3A = arith.addf %get3A_3, %get3A_8 : vector<400x128xf32>
    %add3A_9 = arith.constant 1.000000e+00 : f32
    %add3A_10 = vector.broadcast %add3A_9 : f32 to vector<400x128xf32>
    %add3A_11 = arith.addf %add3A, %add3A_10 : vector<400x128xf32>
    %rsqrt3A = math.rsqrt %add3A_11 : vector<400x128xf32>
    %get3A_12 = arith.constant 0 : index
    %get3A_13 = arith.constant 0 : index
    %get3A_14 = vector.load %arg1[%get3A_12, %get3A_13] : memref<400x128xf32, #tpu.memory_space<vmem>>, vector<400x128xf32>
    %get3A_15 = arith.constant 0 : index
    %get3A_16 = arith.constant 0 : index
    %get3A_17 = vector.load %arg3[%get3A_15, %get3A_16] : memref<128x128xf32, #tpu.memory_space<vmem>>, vector<128x128xf32>
    %dot_general3A = arith.constant dense<0.000000e+00> : vector<400x128xf32>
    %dot_general3A_18 = tpu.matmul %get3A_14, %get3A_17, %dot_general3A {dimension_numbers = #tpu.dot_dimension_numbers<[1], [0], [0], [1], [0, 0, 1, 1], [], []>, transpose_lhs_hint = false} : vector<400x128xf32>, vector<128x128xf32>, vector<400x128xf32> -> vector<400x128xf32>
    %mul3A = arith.mulf %dot_general3A_18, %rsqrt3A : vector<400x128xf32>
    %swap3A = arith.constant 0 : index
    %swap3A_19 = arith.constant 0 : index
    %swap3A_20 = vector.load %arg4[%swap3A, %swap3A_19] : memref<400x128xf32, #tpu.memory_space<vmem>>, vector<400x128xf32>
    tpu.vector_store %arg4[%swap3A, %swap3A_19], %mul3A {strides = array<i32>} : memref<400x128xf32, #tpu.memory_space<vmem>>, vector<400x128xf32>,
    return
  }
  func.func @transform_0(%arg0: i32) -> (i32, i32) {
    %c0_i32 = arith.constant 0 : i32
    %c0_i32_0 = arith.constant 0 : i32
    return %arg0, %c0_i32 : i32, i32
  }
  func.func @transform_1(%arg0: i32) -> (i32, i32, i32) {
    %c0_i32 = arith.constant 0 : i32
    %c0_i32_0 = arith.constant 0 : i32
    %c0_i32_1 = arith.constant 0 : i32
    return %c0_i32, %arg0, %c0_i32_0 : i32, i32, i32
  }
  func.func @transform_2(%arg0: i32) -> (i32, i32) {
    %c0_i32 = arith.constant 0 : i32
    %c0_i32_0 = arith.constant 0 : i32
    %c0_i32_1 = arith.constant 0 : i32
    return %c0_i32, %c0_i32_0 : i32, i32
  }
  func.func @transform_3(%arg0: i32) -> (i32, i32) {
    %c0_i32 = arith.constant 0 : i32
    %c0_i32_0 = arith.constant 0 : i32
    return %arg0, %c0_i32 : i32, i32
  }
}

module attributes {stable_mosaic.version = 14 : i64} {
  func.func @_mid_body(%arg0: i32, %arg1: memref<2x400x128xf32, #tpu.memory_space<vmem>>, %arg2: memref<400x128xf32, #tpu.memory_space<vmem>>, %arg3: memref<2x400x128xf32, #tpu.memory_space<vmem>>, %arg4: memref<128x64xf32, #tpu.memory_space<vmem>>, %arg5: memref<1x128xf32, #tpu.memory_space<vmem>>, %arg6: memref<400x128xf32, #tpu.memory_space<vmem>>) attributes {dimension_semantics = [#tpu.dimension_semantics<arbitrary>], iteration_bounds = array<i64: 25>, scalar_prefetch = 0 : i64, scratch_operands = 0 : i64, tpu.core_type = #tpu.core_type<tc>, window_params = [{transform_indices = @transform_0, window_bounds = array<i64: 2, 400, 128>}, {transform_indices = @transform_1, window_bounds = array<i64: 400, 128>}, {transform_indices = @transform_2, window_bounds = array<i64: 2, 400, 128>}, {pipeline_mode = #tpu.pipeline_mode<synchronous>, transform_indices = @transform_3, window_bounds = array<i64: 128, 64>}, {pipeline_mode = #tpu.pipeline_mode<synchronous>, transform_indices = @transform_4, window_bounds = array<i64: 1, 128>}, {transform_indices = @transform_5, window_bounds = array<i64: 400, 128>}]} {
    %get3A = arith.constant 0 : index
    %get3A_0 = arith.constant 0 : index
    %get3A_1 = arith.constant 0 : index
    %get3A_2 = vector.load %arg3[%get3A, %get3A_0, %get3A_1] : memref<2x400x128xf32, #tpu.memory_space<vmem>>, vector<1x400x128xf32>
    %get3A_3 = vector.shape_cast %get3A_2 : vector<1x400x128xf32> to vector<400x128xf32>
    %get3A_4 = arith.constant 1 : index
    %get3A_5 = arith.constant 0 : index
    %get3A_6 = arith.constant 0 : index
    %get3A_7 = vector.load %arg3[%get3A_4, %get3A_5, %get3A_6] : memref<2x400x128xf32, #tpu.memory_space<vmem>>, vector<1x400x128xf32>
    %get3A_8 = vector.shape_cast %get3A_7 : vector<1x400x128xf32> to vector<400x128xf32>
    %add3A = arith.addf %get3A_3, %get3A_8 : vector<400x128xf32>
    %add3A_9 = arith.constant 1.000000e+00 : f32
    %add3A_10 = vector.broadcast %add3A_9 : f32 to vector<400x128xf32>
    %add3A_11 = arith.addf %add3A, %add3A_10 : vector<400x128xf32>
    %rsqrt3A = math.rsqrt %add3A_11 : vector<400x128xf32>
    %get3A_12 = arith.constant 0 : index
    %get3A_13 = arith.constant 0 : index
    %get3A_14 = arith.constant 0 : index
    %get3A_15 = vector.load %arg1[%get3A_12, %get3A_13, %get3A_14] : memref<2x400x128xf32, #tpu.memory_space<vmem>>, vector<1x400x128xf32>
    %get3A_16 = vector.shape_cast %get3A_15 : vector<1x400x128xf32> to vector<400x128xf32>
    %get3A_17 = arith.constant 1 : index
    %get3A_18 = arith.constant 0 : index
    %get3A_19 = arith.constant 0 : index
    %get3A_20 = vector.load %arg1[%get3A_17, %get3A_18, %get3A_19] : memref<2x400x128xf32, #tpu.memory_space<vmem>>, vector<1x400x128xf32>
    %get3A_21 = vector.shape_cast %get3A_20 : vector<1x400x128xf32> to vector<400x128xf32>
    %add3A_22 = arith.addf %get3A_16, %get3A_21 : vector<400x128xf32>
    %get3A_23 = arith.constant 0 : index
    %get3A_24 = arith.constant 0 : index
    %get3A_25 = vector.load %arg2[%get3A_23, %get3A_24] : memref<400x128xf32, #tpu.memory_space<vmem>>, vector<400x128xf32>
    %add3A_26 = arith.addf %add3A_22, %get3A_25 : vector<400x128xf32>
    %mul3A = arith.mulf %rsqrt3A, %add3A_26 : vector<400x128xf32>
    %get3A_27 = arith.constant 0 : index
    %get3A_28 = arith.constant 0 : index
    %get3A_29 = vector.load %arg5[%get3A_27, %get3A_28] : memref<1x128xf32, #tpu.memory_space<vmem>>, vector<1x128xf32>
    %add3A_30 = vector.broadcast %get3A_29 : vector<1x128xf32> to vector<400x128xf32>
    %add3A_31 = arith.addf %mul3A, %add3A_30 : vector<400x128xf32>
    %max3A = arith.constant 0.000000e+00 : f32
    %max3A_32 = vector.broadcast %max3A : f32 to vector<400x128xf32>
    %max3A_33 = arith.maximumf %add3A_31, %max3A_32 : vector<400x128xf32>
    %get3A_34 = arith.constant 0 : index
    %get3A_35 = arith.constant 0 : index
    %get3A_36 = vector.load %arg4[%get3A_34, %get3A_35] : memref<128x64xf32, #tpu.memory_space<vmem>>, vector<128x64xf32>
    %dot_general3A = arith.constant dense<0.000000e+00> : vector<400x64xf32>
    %dot_general3A_37 = tpu.matmul %max3A_33, %get3A_36, %dot_general3A {dimension_numbers = #tpu.dot_dimension_numbers<[1], [0], [0], [1], [0, 0, 1, 1], [], []>, transpose_lhs_hint = false} : vector<400x128xf32>, vector<128x64xf32>, vector<400x64xf32> -> vector<400x64xf32>
    %slice3A = vector.extract_strided_slice %rsqrt3A {offsets = [0, 0], sizes = [400, 64], strides = [1, 1]} : vector<400x128xf32> to vector<400x64xf32>
    %mul3A_38 = arith.mulf %dot_general3A_37, %slice3A : vector<400x64xf32>
    %broadcast_in_dim3A = arith.constant 0.000000e+00 : f32
    %broadcast_in_dim3A_39 = vector.broadcast %broadcast_in_dim3A : f32 to vector<400x64xf32>
    %concatenate3A = tpu.concatenate %mul3A_38, %broadcast_in_dim3A_39 in 1 : vector<400x64xf32>, vector<400x64xf32> -> vector<400x128xf32>
    %swap3A = arith.constant 0 : index
    %swap3A_40 = arith.constant 0 : index
    %swap3A_41 = vector.load %arg6[%swap3A, %swap3A_40] : memref<400x128xf32, #tpu.memory_space<vmem>>, vector<400x128xf32>
    tpu.vector_store %arg6[%swap3A, %swap3A_40], %concatenate3A {strides = array<i32>} : memref<400x128xf32, #tpu.memory_space<vmem>>, vector<400x128xf32>,
    return
  }
  func.func @transform_0(%arg0: i32) -> (i32, i32, i32) {
    %c0_i32 = arith.constant 0 : i32
    %c0_i32_0 = arith.constant 0 : i32
    %c0_i32_1 = arith.constant 0 : i32
    return %c0_i32, %arg0, %c0_i32_0 : i32, i32, i32
  }
  func.func @transform_1(%arg0: i32) -> (i32, i32) {
    %c0_i32 = arith.constant 0 : i32
    %c0_i32_0 = arith.constant 0 : i32
    return %arg0, %c0_i32 : i32, i32
  }
  func.func @transform_2(%arg0: i32) -> (i32, i32, i32) {
    %c0_i32 = arith.constant 0 : i32
    %c0_i32_0 = arith.constant 0 : i32
    %c0_i32_1 = arith.constant 0 : i32
    return %c0_i32, %arg0, %c0_i32_0 : i32, i32, i32
  }
  func.func @transform_3(%arg0: i32) -> (i32, i32) {
    %c0_i32 = arith.constant 0 : i32
    %c0_i32_0 = arith.constant 0 : i32
    %c0_i32_1 = arith.constant 0 : i32
    return %c0_i32, %c0_i32_0 : i32, i32
  }
  func.func @transform_4(%arg0: i32) -> (i32, i32) {
    %c0_i32 = arith.constant 0 : i32
    %c0_i32_0 = arith.constant 0 : i32
    %c0_i32_1 = arith.constant 0 : i32
    return %c0_i32, %c0_i32_0 : i32, i32
  }
  func.func @transform_5(%arg0: i32) -> (i32, i32) {
    %c0_i32 = arith.constant 0 : i32
    %c0_i32_0 = arith.constant 0 : i32
    return %arg0, %c0_i32 : i32, i32
  }
}

module attributes {stable_mosaic.version = 14 : i64} {
  func.func @_out_body(%arg0: i32, %arg1: memref<2x400x128xf32, #tpu.memory_space<vmem>>, %arg2: memref<400x128xf32, #tpu.memory_space<vmem>>, %arg3: memref<2x400x128xf32, #tpu.memory_space<vmem>>, %arg4: memref<1x64xf32, #tpu.memory_space<vmem>>, %arg5: memref<400x64xf32, #tpu.memory_space<vmem>>) attributes {dimension_semantics = [#tpu.dimension_semantics<arbitrary>], iteration_bounds = array<i64: 25>, scalar_prefetch = 0 : i64, scratch_operands = 0 : i64, tpu.core_type = #tpu.core_type<tc>, window_params = [{transform_indices = @transform_0, window_bounds = array<i64: 2, 400, 128>}, {transform_indices = @transform_1, window_bounds = array<i64: 400, 128>}, {transform_indices = @transform_2, window_bounds = array<i64: 2, 400, 128>}, {pipeline_mode = #tpu.pipeline_mode<synchronous>, transform_indices = @transform_3, window_bounds = array<i64: 1, 64>}, {transform_indices = @transform_4, window_bounds = array<i64: 400, 64>}]} {
    %get3A = arith.constant 0 : index
    %get3A_0 = arith.constant 0 : index
    %get3A_1 = arith.constant 0 : index
    %get3A_2 = vector.load %arg3[%get3A, %get3A_0, %get3A_1] : memref<2x400x128xf32, #tpu.memory_space<vmem>>, vector<1x400x128xf32>
    %get3A_3 = vector.shape_cast %get3A_2 : vector<1x400x128xf32> to vector<400x128xf32>
    %get3A_4 = arith.constant 1 : index
    %get3A_5 = arith.constant 0 : index
    %get3A_6 = arith.constant 0 : index
    %get3A_7 = vector.load %arg3[%get3A_4, %get3A_5, %get3A_6] : memref<2x400x128xf32, #tpu.memory_space<vmem>>, vector<1x400x128xf32>
    %get3A_8 = vector.shape_cast %get3A_7 : vector<1x400x128xf32> to vector<400x128xf32>
    %add3A = arith.addf %get3A_3, %get3A_8 : vector<400x128xf32>
    %add3A_9 = arith.constant 1.000000e+00 : f32
    %add3A_10 = vector.broadcast %add3A_9 : f32 to vector<400x128xf32>
    %add3A_11 = arith.addf %add3A, %add3A_10 : vector<400x128xf32>
    %rsqrt3A = math.rsqrt %add3A_11 : vector<400x128xf32>
    %get3A_12 = arith.constant 0 : index
    %get3A_13 = arith.constant 0 : index
    %get3A_14 = arith.constant 0 : index
    %get3A_15 = vector.load %arg1[%get3A_12, %get3A_13, %get3A_14] : memref<2x400x128xf32, #tpu.memory_space<vmem>>, vector<1x400x128xf32>
    %get3A_16 = vector.shape_cast %get3A_15 : vector<1x400x128xf32> to vector<400x128xf32>
    %get3A_17 = arith.constant 1 : index
    %get3A_18 = arith.constant 0 : index
    %get3A_19 = arith.constant 0 : index
    %get3A_20 = vector.load %arg1[%get3A_17, %get3A_18, %get3A_19] : memref<2x400x128xf32, #tpu.memory_space<vmem>>, vector<1x400x128xf32>
    %get3A_21 = vector.shape_cast %get3A_20 : vector<1x400x128xf32> to vector<400x128xf32>
    %add3A_22 = arith.addf %get3A_16, %get3A_21 : vector<400x128xf32>
    %get3A_23 = arith.constant 0 : index
    %get3A_24 = arith.constant 0 : index
    %get3A_25 = vector.load %arg2[%get3A_23, %get3A_24] : memref<400x128xf32, #tpu.memory_space<vmem>>, vector<400x128xf32>
    %add3A_26 = arith.addf %add3A_22, %get3A_25 : vector<400x128xf32>
    %slice3A = vector.extract_strided_slice %rsqrt3A {offsets = [0, 0], sizes = [400, 64], strides = [1, 1]} : vector<400x128xf32> to vector<400x64xf32>
    %slice3A_27 = vector.extract_strided_slice %add3A_26 {offsets = [0, 0], sizes = [400, 64], strides = [1, 1]} : vector<400x128xf32> to vector<400x64xf32>
    %mul3A = arith.mulf %slice3A, %slice3A_27 : vector<400x64xf32>
    %get3A_28 = arith.constant 0 : index
    %get3A_29 = arith.constant 0 : index
    %get3A_30 = vector.load %arg4[%get3A_28, %get3A_29] : memref<1x64xf32, #tpu.memory_space<vmem>>, vector<1x64xf32>
    %add3A_31 = vector.broadcast %get3A_30 : vector<1x64xf32> to vector<400x64xf32>
    %add3A_32 = arith.addf %mul3A, %add3A_31 : vector<400x64xf32>
    %swap3A = arith.constant 0 : index
    %swap3A_33 = arith.constant 0 : index
    %swap3A_34 = vector.load %arg5[%swap3A, %swap3A_33] : memref<400x64xf32, #tpu.memory_space<vmem>>, vector<400x64xf32>
    tpu.vector_store %arg5[%swap3A, %swap3A_33], %add3A_32 {strides = array<i32>} : memref<400x64xf32, #tpu.memory_space<vmem>>, vector<400x64xf32>,
    return
  }
  func.func @transform_0(%arg0: i32) -> (i32, i32, i32) {
    %c0_i32 = arith.constant 0 : i32
    %c0_i32_0 = arith.constant 0 : i32
    %c0_i32_1 = arith.constant 0 : i32
    return %c0_i32, %arg0, %c0_i32_0 : i32, i32, i32
  }
  func.func @transform_1(%arg0: i32) -> (i32, i32) {
    %c0_i32 = arith.constant 0 : i32
    %c0_i32_0 = arith.constant 0 : i32
    return %arg0, %c0_i32 : i32, i32
  }
  func.func @transform_2(%arg0: i32) -> (i32, i32, i32) {
    %c0_i32 = arith.constant 0 : i32
    %c0_i32_0 = arith.constant 0 : i32
    %c0_i32_1 = arith.constant 0 : i32
    return %c0_i32, %arg0, %c0_i32_0 : i32, i32, i32
  }
  func.func @transform_3(%arg0: i32) -> (i32, i32) {
    %c0_i32 = arith.constant 0 : i32
    %c0_i32_0 = arith.constant 0 : i32
    %c0_i32_1 = arith.constant 0 : i32
    return %c0_i32, %c0_i32_0 : i32, i32
  }
  func.func @transform_4(%arg0: i32) -> (i32, i32) {
    %c0_i32 = arith.constant 0 : i32
    %c0_i32_0 = arith.constant 0 : i32
    return %arg0, %c0_i32 : i32, i32
  }
}

</mosaic_0001>

<sc_bundles>
// kernel: kernel.11.cloned.1.call-start
scs
__scs_entry_jumppad:
0x0: {  	(pc) =	sbr.rel $0x88, $3  }
0x1: {  	(tag) =	ssettag $0x0;
	lr =	simm.s32 $0x1  }
0x2: {  	[smem:$0x3F9B] =	sst lr;
	_ =	strace $0xD0000000  }
0x3: {  	_ = 	snop  }
0x4: {  	_ = 	snop  }
0x5: {  	_ = 	snop  }
0x6: {  	_ = 	snop  }
0x7: {  	_ = 	snop  }
__scs_overlays_trampoline_lowered:
0x8: {  	[smem:$0x3FAA] =	sst s0  }
0x9: {  	[smem:$0x3FAB] =	sst s1  }
0xa: {  	[smem:$0x3FAC] =	sst s2  }
0xb: {  	[smem:$0x3FAD] =	sst s3  }
0xc: {  	[smem:$0x3FAE] =	sst s4  }
0xd: {  	[smem:$0x3FAF] =	sst s5  }
0xe: {  	[smem:$0x3FB0] =	sst s6  }
0xf: {  	[smem:$0x3FB1] =	sst s7  }
0x10: {  	[smem:$0x3FB2] =	sst s8  }
0x11: {  	[smem:$0x3FB3] =	sst s9;
	s0 =	simm.s32 @!p0 $0x0  }
0x12: {  	s1 =	sld [smem:$0x3F99];
	s0 =	simm.s32 @p0 $0x1  }
0x13: {  	[smem:$0x3FB4] =	sst s0;
	s0 =	simm.s32 @!p1 $0x0  }
0x14: {  	s2 =	sld [smem:$0x3F98];
	s0 =	simm.s32 @p1 $0x1  }
0x15: {  	[smem:$0x3FB5] =	sst s0;
	s0 =	simm.s32 @!p2 $0x0  }
0x16: {  	s3 =	sld [smem:$0x3FDB];
	s0 =	simm.s32 @p2 $0x1  }
0x17: {  	s4 =	simm.s32 $0x1BF5;
	[smem:$0x3FB7] =	sst s0  }
0x18: {  	s0 =	sld [smem:$0x3F9A];
	_ =	swait.ge [sflag:s4], $0x0  }
0x19: {  	s7 =	sld [smem:$0x3F9B]  }
0x1a: {  	s8 =	sadd.s32 $0xFFFFE003, lr  }
0x1b: {  	s9 =	sadd.s32 $0xFFFFFEF7, lr;
	s5 =	simm.s32 $0xFFFFFFFF;
	p2 =	slt.u32 s8, $0xFFFFF086  }
0x1c: {  	p1 =	slt.u32 s9, $0xF7A;
	s5 =	simm.s32 @!p2 $0x0  }
0x1d: {  	s5 =	simm.s32 @p1 $0x1;
	p0 =	seq.s32 s7, s2  }
0x1e: {  	s7 =	smul.u32 @!p0 $0xF7A, s2;
	p2 =	seq.s32 @!p0 s5, $0x0  }
0x1f: {  	s9 =	smul.u32 $0xF7A, s1;
	s8 =	simm.s32 @!p0 $0x1BF5;
	p2 =	por !p2, p0  }
0x20: {  	[sflag:s8] =	ssyncset.s32 @!p0 $0xFFFFF086;
	s6 =	sadd.s32 @!p0 s3, s7;
	s7 =	simm.s32 @!p0 $0x108  }
0x21: {  	s3 =	sadd.s32 s3, s9;
	s6 =	sadd.s32 @!p0 $0x88, s6;
	s7 =	simm.s32 @p2 $0x1082  }
0x22: {  	[simem:s7], [sflag:s8] =	dma.local @!p0 [hbm:s6], $0xF7A  }
0x23: {  	s9 =	sor.u32 $0xD0000000, s2;
	s6 =	simm.s32 $0x108;
	_ =	swait.ge @!p0 [sflag:s8], $0x0  }
0x24: {  	s3 =	sadd.s32 $0x88, s3;
	s6 =	simm.s32 @!p1 $0x1082;
	[sflag:s4] =	ssyncset.s32 $0xFFFFF086  }
0x25: {  	[simem:s6], [sflag:s4] =	dma.local [hbm:s3], $0xF7A  }
0x26: {  	[smem:$0x3F9B] =	sst s1;
	(tag) =	ssettag s2;
	_ =	strace s9  }
0x27: {  	s1 =	sld [smem:$0x3FAB]  }
0x28: {  	s2 =	sld [smem:$0x3FAC]  }
0x29: {  	s4 =	sld [smem:$0x3FAE]  }
0x2a: {  	p0 =	seq.s32 s5, $0x0;
	s5 =	sld [smem:$0x3FAF]  }
0x2b: {  	s6 =	sld [smem:$0x3FB0]  }
0x2c: {  	s7 =	sld [smem:$0x3FB1]  }
0x2d: {  	s3 =	simm.s32 $0x108;
	s8 =	sld [smem:$0x3FB2]  }
0x2e: {  	s3 =	simm.s32 @!p0 $0x1082;
	s9 =	sld [smem:$0x3FB3]  }
0x2f: {  	lr =	sadd.s32 s0, s3;
	s0 =	sld [smem:$0x3FAA]  }
0x30: {  	s3 =	sld [smem:$0x3FAD]  }
0x31: {  	[smem:$0x3FB6] =	sst s10  }
0x32: {  	s10 =	sld [smem:$0x3FB4];
	_ =	sdelay $0x3  }
0x33: {  	p0 =	seq.s32 s10, $0x1;
	s10 =	sld [smem:$0x3FB6];
	_ =	sdelay $0x3  }
0x34: {  	[smem:$0x3FB6] =	sst s10  }
0x35: {  	s10 =	sld [smem:$0x3FB5];
	_ =	sdelay $0x3  }
0x36: {  	p1 =	seq.s32 s10, $0x1;
	s10 =	sld [smem:$0x3FB6];
	_ =	sdelay $0x3  }
0x37: {  	[smem:$0x3FB6] =	sst s10  }
0x38: {  	s10 =	sld [smem:$0x3FB7]  }
0x39: {  	_ = 	snop;
	(pc) =	sbr.ind lr, $3  }
0x3a: {  	_ = 	snop  }
0x3b: {  	_ = 	snop  }
0x3c: {  	p2 =	seq.s32 s10, $0x1;
	s10 =	sld [smem:$0x3FB6]  }
0x3d: {  	_ =	shalt  }
0x3e: {  	_ =	shalt  }
0x3f: {  	_ =	shalt  }
0x40: {  	_ =	shalt  }
0x41: {  	_ =	shalt  }
0x42: {  	_ =	shalt  }
0x43: {  	_ =	shalt  }
0x44: {  	_ =	shalt  }
0x45: {  	_ =	shalt  }
0x46: {  	_ =	shalt  }
0x47: {  	_ =	shalt  }
0x48: {  	_ =	shalt  }
0x49: {  	_ =	shalt  }
0x4a: {  	_ =	shalt  }
0x4b: {  	_ =	shalt  }
0x4c: {  	_ =	shalt  }
0x4d: {  	_ =	shalt  }
0x4e: {  	_ =	shalt  }
0x4f: {  	_ =	shalt  }
0x50: {  	_ =	shalt  }
0x51: {  	_ =	shalt  }
0x52: {  	_ =	shalt  }
0x53: {  	_ =	shalt  }
0x54: {  	_ =	shalt  }
0x55: {  	_ =	shalt  }
0x56: {  	_ =	shalt  }
0x57: {  	_ =	shalt  }
0x58: {  	_ =	shalt  }
0x59: {  	_ =	shalt  }
0x5a: {  	_ =	shalt  }
0x5b: {  	_ =	shalt  }
0x5c: {  	_ =	shalt  }
0x5d: {  	_ =	shalt  }
0x5e: {  	_ =	shalt  }
0x5f: {  	_ =	shalt  }
0x60: {  	_ =	shalt  }
0x61: {  	_ =	shalt  }
0x62: {  	_ =	shalt  }
0x63: {  	_ =	shalt  }
0x64: {  	_ =	shalt  }
0x65: {  	_ =	shalt  }
0x66: {  	_ =	shalt  }
0x67: {  	_ =	shalt  }
0x68: {  	_ =	shalt  }
0x69: {  	_ =	shalt  }
0x6a: {  	_ =	shalt  }
0x6b: {  	_ =	shalt  }
0x6c: {  	_ =	shalt  }
0x6d: {  	_ =	shalt  }
0x6e: {  	_ =	shalt  }
0x6f: {  	_ =	shalt  }
0x70: {  	_ =	shalt  }
0x71: {  	_ =	shalt  }
0x72: {  	_ =	shalt  }
0x73: {  	_ =	shalt  }
0x74: {  	_ =	shalt  }
0x75: {  	_ =	shalt  }
0x76: {  	_ =	shalt  }
0x77: {  	_ =	shalt  }
0x78: {  	_ =	shalt  }
0x79: {  	_ =	shalt  }
0x7a: {  	_ =	shalt  }
0x7b: {  	_ =	shalt  }
0x7c: {  	_ =	shalt  }
0x7d: {  	_ =	shalt  }
0x7e: {  	_ =	shalt  }
0x7f: {  	_ =	shalt  }
0x80: {  	_ =	shalt  }
0x81: {  	_ =	shalt  }
0x82: {  	_ =	shalt  }
0x83: {  	_ =	shalt  }
0x84: {  	_ =	shalt  }
0x85: {  	_ =	shalt  }
0x86: {  	_ =	shalt  }
0x87: {  	_ =	shalt  }
.Lfunc_end0:
.L_simem_size_0:
called_computation.1_lowered:
.L_overlay_start_0:
0x88: {  	s2 =	sld [smem:$0x3FD9]  }
0x89: {  	s3 =	sld [smem:$0x3FFE];
	_ =	sdelay $0x1  }
0x8a: {  	s1 =	srdreg.scid  }
0x8b: {  	s0 =	sand.u32 $0x1, s1  }
0x8c: {  	s17 =	sshll.u32 s0, $0xA;
	s2 =	sadd.s32 s3, s2  }
0x8d: {  	s2 =	sadd.s32 s2, s17  }
0x8e: {  	[smem:$0x3FC2] =	sst s2  }
0x8f: {  	_ = 	snop  }
0x90: {  	s2 =	sld [smem:$0x3FD0];
	(tm) =	ssettm $0x1  }
0x91: {  	s18 =	sld [smem:$0x3FFB];
	_ =	sdelay $0x3  }
0x92: {  	_ =	strace s18  }
0x93: {  	s3 =	sld [smem:$0x3FFC];
	_ =	sdelay $0x3  }
0x94: {  	_ =	strace s3  }
0x95: {  	s3 =	sld [smem:$0x3FFD];
	_ =	sdelay $0x3  }
0x96: {  	_ =	strace s3  }
0x97: {  	_ =	strace $0x8FFFFFFF  }
0x98: {  	s19 =	sld [smem:$0x3FDB];
	_ =	sdelay $0x1  }
0x99: {  	s4 =	simm.s32 $_scs_section_size  }
0x9a: {  	s5 =	simm.s32 $_size__tile_overlayer_lowered;
	s6 =	simm.s32 $_tile_overlayer_lowered  }
0x9b: {  	s22 =	simm.s32 $0x1BFF;
	s21 =	sshll.u32 s6, $0x1;
	s3 =	sadd.s32 s4, s19  }
0x9c: {  	s7 =	simm.s32 $0x0;
	s20 =	sshll.u32 s5, $0x1;
	s5 =	sadd.s32 s21, s3  }
0x9d: {  	[timem:s7], [sflag:s22] =	dma.local [hbm:s5], s20  }
0x9e: {  	_ =	swait.ge [sflag:s22], s20  }
0x9f: {  	s4 =	ssub.s32 $0x0, s20;
	[sflag:s22] =	ssyncset.done $0x0  }
0xa0: {  	[sflag:s22] =	ssyncadd.s32 s4;
	_ =	sdelay $0x1  }
0xa1: {  	s23 =	simm.s32 $0x1B8B  }
0xa2: {  	_ =	swait.ge [sflag:s23], $0x1  }
0xa3: {  	[sflag:s23] =	ssyncset.done $0x0  }
0xa4: {  	s25 =	simm.s32 $0x1B8E;
	s24 =	sld [smem:$0x3FFE];
	[sflag:s23] =	ssyncadd.s32 $0xFFFFFFFF  }
0xa5: {  	s26 =	simm.s32 $execute0_lowered;
	[smem:$0x3FD2] =	sst s25  }
0xa6: {  	s5 =	sshll.u32 s26, $0x1;
	_ =	strace $0x80000049;
	[dreg:$0x1] =	wrdreg $0xFFFFFFFF  }
0xa7: {  	s28 =	simm.s32 $_size_execute0_lowered;
	s3 =	sadd.s32 s3, s5;
	[dreg:$0x0] =	wrdreg $0x0  }
0xa8: {  	s5 =	sshll.u32 s28, $0x1;
	[dreg:$0x2] =	wrdreg s3  }
0xa9: {  	[dreg:$0x3] =	wrdreg s5  }
0xaa: {  	[dreg:$0x4] =	wrdreg $0xC0  }
0xab: {  	_ =	task [dreg:s7], $0x5FFFF  }
0xac: {  	[dreg:$0x1] =	wrdreg $0xFFFFFFFF  }
0xad: {  	[dreg:$0x0] =	wrdreg $0x60  }
0xae: {  	[dreg:$0x2] =	wrdreg s24  }
0xaf: {  	[dreg:$0x3] =	wrdreg s2  }
0xb0: {  	[dreg:$0x4] =	wrdreg $0xA8000  }
0xb1: {  	[dreg:$0x5] =	wrdreg $0x9  }
0xb2: {  	_ =	task.clear_ibuf [dreg:s7], $0x6FFFF;
	_ =	strace $0x90000049  }
0xb3: {  	s29 =	simm.s32 $0x9;
	_ =	strace $0x8000004B  }
0xb4: {  	_ =	swait.ge [sflag:s29], $0x1  }
0xb5: {  	[sflag:s29] =	ssyncadd.s32 $0xFFFFFFFF  }
0xb6: {  	_ =	strace $0x9000004B  }
0xb7: {  	_ =	sfence  }
0xb8: {  	s30 =	sld [smem:$0x0];
	_ =	sdelay $0x2  }
0xb9: {  	s31 =	sshll.u32 s1, $0xD;
	s1 =	sshrl.u32 s1, $0x2  }
0xba: {  	s3 =	sand.u32 $0x4000, s31;
	s1 =	sadd.s32 s1, s30  }
0xbb: {  	s0 =	sor.u32 s3, s0;
	s1 =	sshll.u32 s1, $0x11  }
0xbc: {  	s0 =	sor.u32 s1, s0  }
0xbd: {  	s0 =	sadd.s32 $0x8F2B, s0  }
0xbe: {  	[sflag:s0] =	ssyncadd.remote.s32 $0x1  }
0xbf: {  	_ =	sfence.sel $0xFFFF  }
0xc0: {  	[dreg:$0x0] =	wrdreg $0xFFFFFFFF;
	(pc) =	sbr.abs _section_cstart, $3  }
0xc1: {  	[dreg:$0x1] =	wrdreg $0xFFFFFFFF  }
0xc2: {  	_ =	task.clear_ibuf [dreg:s7], $0x2FFFF;
	_ =	strace $0x9FFFFFFF  }
0xc3: {  	(tm) =	ssettm $0x7FFFFFFF  }
tec
execute0_lowered:
.L_overlay_start_1:
0x0: {  	(tag) =	ssettag $0x1  }
0x1: {  	s3 =	rddreg [dreg:$0x0]  }
0x2: {  	s18 =	rddreg [dreg:$0x1]  }
0x3: {  	s2 =	rddreg [dreg:$0x2];
	s19 =	stileid.u32  }
0x4: {  	s0 =	srdreg.scid;
	s4 =	simm.s32 $0x0;
	s1 =	smul.u32 $0x2710, s19  }
0x5: {  	s5 =	sand.u32 $0x1, s0;
	[smem:$0x7FF] =	sst s4;
	s8 =	smul.u32 $0x14000, s19  }
0x6: {  	s20 =	sadd.s32 $0x2800, s3;
	s9 =	sadd.s32 $0x84600, s3;
	s0 =	smul.u32 $0x27100, s5  }
0x7: {  	_ =	strace $0x8000004A;
	s6 =	ssub.s32 $0x2, s5;
	s5 =	smul.u32 $0x140000, s5  }
0x8: {  	s7 =	sshrl.u32 s6, $0x1;
	s10 =	sadd.s32 $0x5000, s8;
	s11 =	sadd.s32 $0x7800, s8  }
0x9: {  	s12 =	sadd.s32 $0xA000, s8;
	s13 =	sadd.s32 $0xC800, s8;
	s15 =	sadd.s32 $0xF000, s8  }
0xa: {  	s0 =	sadd.s32 s1, s0;
	s1 =	ssub.s32 s6, s7;
	s7 =	sor.u32 $0x2800, s8  }
0xb: {  	s14 =	sadd.s32 s8, s5;
	s8 =	sadd.s32 $0x11800, s8;
	s22 =	sadd.s32 s5, s10  }
0xc: {  	s23 =	sadd.s32 s5, s11;
	s17 =	sadd.s32 s5, s12;
	s29 =	sadd.s32 s12, s2  }
0xd: {  	s31 =	sadd.s32 s13, s2;
	s6 =	sshrl.u32 s0, $0x3;
	s16 =	sadd.s32 s5, s7  }
0xe: {  	s14 =	sshrl.u32 s14, $0x3;
	s24 =	sshrl.u32 s23, $0x3;
	[dreg:$0x1e] =	wrdreg s29  }
0xf: {  	s25 =	sshrl.u32 s17, $0x3;
	s1 =	smax.u32 s1, $0x1;
	[dreg:$0x1f] =	wrdreg s31  }
0x10: {  	s17 =	sadd.s32 s5, s15;
	s7 =	sadd.s32 s7, s2;
	[smem:$0x7F1] =	sst s1  }
0x11: {  	s16 =	sshrl.u32 s16, $0x3;
	s14 =	sadd.s32 s9, s14;
	[dreg:$0x1b] =	wrdreg s7  }
0x12: {  	s26 =	sadd.s32 s9, s25;
	[dreg:$0x4] =	wrdreg s14;
	s21 =	sadd.s32 s9, s16  }
0x13: {  	s14 =	sshrl.u32 s22, $0x3;
	[dreg:$0x8] =	wrdreg s26;
	s16 =	sadd.s32 s5, s13  }
0x14: {  	s22 =	sadd.s32 $0xA, s6;
	[dreg:$0x5] =	wrdreg s21;
	s14 =	sadd.s32 s9, s14  }
0x15: {  	s5 =	sadd.s32 s5, s8;
	s23 =	sadd.s32 s20, s22;
	[dreg:$0x6] =	wrdreg s14  }
0x16: {  	s5 =	sshrl.u32 s5, $0x3;
	s14 =	sadd.s32 s9, s24;
	[dreg:$0xc] =	wrdreg s23  }
0x17: {  	s26 =	sadd.s32 $0x1E, s6;
	s5 =	sadd.s32 s9, s5;
	[dreg:$0x7] =	wrdreg s14  }
0x18: {  	s23 =	smul.u32 $0x50000, s19;
	s19 =	sadd.s32 s10, s2;
	[dreg:$0xb] =	wrdreg s5  }
0x19: {  	s24 =	sadd.s32 $0x14, s6;
	s5 =	sadd.s32 s18, s22;
	[dreg:$0x1c] =	wrdreg s19  }
0x1a: {  	s14 =	sshrl.u32 s16, $0x3;
	s25 =	sadd.s32 s20, s24;
	[dreg:$0xd] =	wrdreg s5  }
0x1b: {  	s21 =	sshrl.u32 s17, $0x3;
	s14 =	sadd.s32 s9, s14;
	[dreg:$0xe] =	wrdreg s25  }
0x1c: {  	s16 =	sadd.s32 $0x28, s6;
	s5 =	sadd.s32 s18, s26;
	[dreg:$0x9] =	wrdreg s14  }
0x1d: {  	s22 =	sadd.s32 $0x32, s6;
	s17 =	sadd.s32 s20, s16;
	[dreg:$0x11] =	wrdreg s5  }
0x1e: {  	s25 =	sadd.s32 s20, s22;
	[dreg:$0x12] =	wrdreg s17  }
0x1f: {  	s28 =	simm.s32 $0x50;
	s14 =	sadd.s32 s9, s21;
	[dreg:$0x16] =	wrdreg s25  }
0x20: {  	s30 =	simm.s32 $0x2800;
	s9 =	sadd.s32 s20, s26;
	[dreg:$0xa] =	wrdreg s14  }
0x21: {  	s13 =	sadd.s32 $0x320, s0;
	s21 =	sadd.s32 s20, s6;
	[dreg:$0x10] =	wrdreg s9  }
0x22: {  	s26 =	sshrl.u32 s23, $0x2;
	s17 =	sadd.s32 s15, s2;
	[dreg:$0x14] =	wrdreg s21  }
0x23: {  	s23 =	sadd.s32 s8, s2;
	s15 =	sshrl.u32 s13, $0x3;
	[smem:$0x7EF] =	sst s17  }
0x24: {  	s14 =	sadd.s32 $0x5C600, s3;
	s3 =	sadd.s32 s18, s24;
	[smem:$0x7F0] =	sst s23  }
0x25: {  	s5 =	simm.s32 $0xD;
	s24 =	sadd.s32 s18, s6;
	[dreg:$0xf] =	wrdreg s3  }
0x26: {  	s13 =	simm.s32 $0xE;
	s17 =	sadd.s32 s15, s18;
	[dreg:$0x15] =	wrdreg s24  }
0x27: {  	s6 =	sadd.s32 $0x3C, s6;
	s21 =	sadd.s32 s11, s2;
	[smem:$0x7FA] =	sst s17  }
0x28: {  	s11 =	sadd.s32 $0x370, s0;
	s3 =	sadd.s32 s18, s16;
	[dreg:$0x1d] =	wrdreg s21  }
0x29: {  	s9 =	sadd.s32 s20, s6;
	s16 =	sadd.s32 s18, s6;
	[dreg:$0x13] =	wrdreg s3  }
0x2a: {  	s6 =	sadd.s32 s26, s2;
	s24 =	sadd.s32 $0x410, s0;
	[dreg:$0x18] =	wrdreg s9  }
0x2b: {  	s17 =	simm.s32 $0x4;
	s3 =	sadd.s32 s18, s22;
	[dreg:$0x19] =	wrdreg s16  }
0x2c: {  	s22 =	sadd.s32 $0x460, s0;
	s25 =	sshrl.u32 s24, $0x3;
	[dreg:$0x1a] =	wrdreg s6  }
0x2d: {  	s9 =	sadd.s32 $0x3C0, s0;
	s24 =	sadd.s32 $0x230, s0;
	[dreg:$0x17] =	wrdreg s3  }
0x2e: {  	s3 =	sshrl.u32 s22, $0x3;
	s8 =	sadd.s32 s25, s18;
	s1 =	sadd.s32 s25, s20  }
0x2f: {  	s10 =	sshrl.u32 s9, $0x3;
	s22 =	sadd.s32 $0x2D0, s0;
	[smem:$0x7F4] =	sst s8  }
0x30: {  	s0 =	sadd.s32 $0x280, s0;
	s9 =	simm.s32 $0x7800;
	[smem:$0x7F5] =	sst s1  }
0x31: {  	s26 =	sadd.s32 s3, s18;
	s3 =	sadd.s32 s3, s20;
	[smem:$0x7FD] =	sst s0  }
0x32: {  	s12 =	sadd.s32 s10, s18;
	s1 =	sadd.s32 s10, s20;
	[smem:$0x7F2] =	sst s26  }
0x33: {  	s23 =	sshrl.u32 s22, $0x3;
	s22 =	smov.u32 s20;
	[smem:$0x7F3] =	sst s3  }
0x34: {  	s8 =	simm.s32 $0x5;
	s10 =	simm.s32 $0x6;
	[smem:$0x7F6] =	sst s12  }
0x35: {  	s3 =	sshrl.u32 s11, $0x3;
	[smem:$0x7F7] =	sst s1;
	s1 =	sadd.s32 s15, s20  }
0x36: {  	s25 =	sadd.s32 s23, s18;
	s23 =	sadd.s32 s23, s20;
	s26 =	sshrl.u32 s24, $0x3  }
.Ltmp0:
0x37: {  	s11 =	simm.s32 $0x8;
	s12 =	simm.s32 $0x1;
	(pc) =	sbr.rel .LBB2_1-.Ltmp0, $4  }
0x38: {  	s15 =	simm.s32 $0x9;
	s24 =	simm.s32 $0x7;
	[smem:$0x7FB] =	sst s1  }
0x39: {  	s16 =	sadd.s32 s3, s18;
	s3 =	sadd.s32 s3, s20;
	[smem:$0x7FC] =	sst s25  }
0x3a: {  	s25 =	sadd.s32 s26, s18;
	s26 =	sadd.s32 s26, s20;
	[smem:$0x7F8] =	sst s16  }
0x3b: {  	v0 =	vimm.f32 $0.0e+00;
	s1 =	simm.s32 $0x0;
	[smem:$0x7F9] =	sst s3;
	s16 =	simm.s32 $0x2  }
.LBB2_7:
0x3c: {  	s0 =	stileid.u32;
	[bflag:$0x0] =	sbarrier.arrive $0xFFFF  }
0x3d: {  	s5 =	simm.s32 $0xD;
	s0 =	sshll.u32 s0, $0x6;
	s6 =	rddreg [dreg:$0x1a]  }
0x3e: {  	s3 =	rddreg [dreg:$0x4];
	s0 =	sor.u32 $0x1C0D, s0;
	s1 =	sshrl.u32 s6, $0x3  }
0x3f: {  	[hbm:s3], [sflag:s0] =	dma.local [spmem:s1], $0x500  }
0x40: {  	_ =	swait.ge [sflag:s5], $0x500  }
0x41: {  	[sflag:s5] =	ssyncset.done $0x0;
	s7 =	rddreg [dreg:$0x1b]  }
0x42: {  	s19 =	rddreg [dreg:$0x5];
	[sflag:s5] =	ssyncadd.s32 $0xFFFFFB00;
	s18 =	sshrl.u32 s7, $0x3  }
0x43: {  	[hbm:s19], [sflag:s0] =	dma.local [spmem:s18], $0x500  }
0x44: {  	_ =	swait.ge [sflag:s5], $0x500  }
0x45: {  	[sflag:s5] =	ssyncset.done $0x0;
	s19 =	rddreg [dreg:$0x1c]  }
0x46: {  	s21 =	rddreg [dreg:$0x6];
	[sflag:s5] =	ssyncadd.s32 $0xFFFFFB00;
	s20 =	sshrl.u32 s19, $0x3  }
0x47: {  	[hbm:s21], [sflag:s0] =	dma.local [spmem:s20], $0x500  }
0x48: {  	_ =	swait.ge [sflag:s5], $0x500  }
0x49: {  	[sflag:s5] =	ssyncset.done $0x0;
	s21 =	rddreg [dreg:$0x1d]  }
0x4a: {  	s20 =	rddreg [dreg:$0x7];
	[sflag:s5] =	ssyncadd.s32 $0xFFFFFB00;
	s18 =	sshrl.u32 s21, $0x3  }
0x4b: {  	[hbm:s20], [sflag:s0] =	dma.local [spmem:s18], $0x500  }
0x4c: {  	_ =	swait.ge [sflag:s5], $0x500  }
0x4d: {  	[sflag:s5] =	ssyncset.done $0x0;
	s29 =	rddreg [dreg:$0x1e]  }
0x4e: {  	s20 =	rddreg [dreg:$0x8];
	[sflag:s5] =	ssyncadd.s32 $0xFFFFFB00;
	s18 =	sshrl.u32 s29, $0x3  }
0x4f: {  	[hbm:s20], [sflag:s0] =	dma.local [spmem:s18], $0x500  }
0x50: {  	_ =	swait.ge [sflag:s5], $0x500  }
0x51: {  	[sflag:s5] =	ssyncset.done $0x0;
	s31 =	rddreg [dreg:$0x1f]  }
0x52: {  	s20 =	rddreg [dreg:$0x9];
	[sflag:s5] =	ssyncadd.s32 $0xFFFFFB00;
	s18 =	sshrl.u32 s31, $0x3  }
0x53: {  	[hbm:s20], [sflag:s0] =	dma.local [spmem:s18], $0x500  }
0x54: {  	_ =	swait.ge [sflag:s5], $0x500  }
0x55: {  	s18 =	sld [smem:$0x7EF];
	_ =	sdelay $0x1  }
0x56: {  	[sflag:s5] =	ssyncset.done $0x0  }
0x57: {  	s20 =	rddreg [dreg:$0xa];
	[sflag:s5] =	ssyncadd.s32 $0xFFFFFB00;
	s1 =	sshrl.u32 s18, $0x3  }
0x58: {  	[hbm:s20], [sflag:s0] =	dma.local [spmem:s1], $0x500  }
0x59: {  	_ =	swait.ge [sflag:s5], $0x500  }
0x5a: {  	s18 =	sld [smem:$0x7F0];
	_ =	sdelay $0x1  }
0x5b: {  	[sflag:s5] =	ssyncset.done $0x0  }
0x5c: {  	s20 =	rddreg [dreg:$0xb];
	[sflag:s5] =	ssyncadd.s32 $0xFFFFFB00;
	s1 =	sshrl.u32 s18, $0x3  }
0x5d: {  	[hbm:s20], [sflag:s0] =	dma.local [spmem:s1], $0x500  }
0x5e: {  	_ =	swait.ge [sflag:s5], $0x500  }
0x5f: {  	s18 =	sld [smem:$0x7EE]  }
0x60: {  	s20 =	sld [smem:$0x7F1];
	_ =	sdelay $0x1  }
0x61: {  	s1 =	sadd.s32 $0x1, s18  }
0x62: {  	p0 =	sne.s32 s1, s20  }
.Ltmp1:
0x63: {  	_ = 	snop;
	(pc) =	sbr.rel @!p0 .LBB2_8-.Ltmp1, $3  }
0x64: {  	_ =	sdelay $0x1  }
0x65: {  	[sflag:s5] =	ssyncset.done $0x0  }
0x66: {  	[sflag:s5] =	ssyncadd.s32 $0xFFFFFB00  }
.LBB2_1:
0x67: {  	[smem:$0x7EE] =	sst s1  }
0x68: {  	s0 =	rddreg [dreg:$0x14];
	s3 =	simm.s32 $0xA000  }
0x69: {  	[tilespmem:s3], [sflag:$0x5] =	stream.linear.gather [hbm4b:s0+s4], $0x50, $0x38;
	[tilespmem:$0x1E800] =	vst v63  }
0x6a: {  	s18 =	rddreg [dreg:$0x15];
	s20 =	simm.s32 $0xA400  }
0x6b: {  	[tilespmem:s20], [sflag:$0x5] =	stream.linear.gather [hbm4b:s18+s4], $0x50, $0x38;
	[tilespmem:$0x1E800] =	vst v63  }
0x6c: {  	s1 =	rddreg [dreg:$0xc];
	s3 =	simm.s32 $0xA080  }
0x6d: {  	[tilespmem:s3], [sflag:$0x6] =	stream.linear.gather [hbm4b:s1+s4], $0x50, $0x38;
	[tilespmem:$0x1E800] =	vst v63  }
0x6e: {  	s18 =	rddreg [dreg:$0xd];
	s20 =	simm.s32 $0xA480  }
0x6f: {  	[tilespmem:s20], [sflag:$0x6] =	stream.linear.gather [hbm4b:s18+s4], $0x50, $0x38;
	[tilespmem:$0x1E800] =	vst v63  }
0x70: {  	s1 =	rddreg [dreg:$0xe];
	s3 =	simm.s32 $0xA100  }
0x71: {  	[tilespmem:s3], [sflag:$0x7] =	stream.linear.gather [hbm4b:s1+s4], $0x50, $0x38;
	[tilespmem:$0x1E800] =	vst v63  }
0x72: {  	s18 =	rddreg [dreg:$0xf];
	s20 =	simm.s32 $0xA500  }
0x73: {  	[tilespmem:s20], [sflag:$0x7] =	stream.linear.gather [hbm4b:s18+s4], $0x50, $0x38;
	[tilespmem:$0x1E800] =	vst v63  }
0x74: {  	s1 =	rddreg [dreg:$0x10];
	s3 =	simm.s32 $0xA180  }
0x75: {  	[tilespmem:s3], [sflag:$0x8] =	stream.linear.gather [hbm4b:s1+s4], $0x50, $0x38;
	[tilespmem:$0x1E800] =	vst v63  }
0x76: {  	s18 =	rddreg [dreg:$0x11];
	s20 =	simm.s32 $0xA580  }
0x77: {  	[tilespmem:s20], [sflag:$0x8] =	stream.linear.gather [hbm4b:s18+s4], $0x50, $0x38;
	[tilespmem:$0x1E800] =	vst v63  }
0x78: {  	s1 =	rddreg [dreg:$0x12];
	s3 =	simm.s32 $0xA200  }
0x79: {  	[tilespmem:s3], [sflag:$0x9] =	stream.linear.gather [hbm4b:s1+s4], $0x50, $0x38;
	[tilespmem:$0x1E800] =	vst v63  }
0x7a: {  	s18 =	rddreg [dreg:$0x13];
	s20 =	simm.s32 $0xA600  }
0x7b: {  	[tilespmem:s20], [sflag:$0x9] =	stream.linear.gather [hbm4b:s18+s4], $0x50, $0x38;
	[tilespmem:$0x1E800] =	vst v63  }
0x7c: {  	s1 =	rddreg [dreg:$0x16];
	s3 =	simm.s32 $0xA280  }
0x7d: {  	[tilespmem:s3], [sflag:$0xA] =	stream.linear.gather [hbm4b:s1+s4], $0x50, $0x38;
	[tilespmem:$0x1E800] =	vst v63  }
0x7e: {  	s18 =	rddreg [dreg:$0x17];
	s20 =	simm.s32 $0xA680  }
0x7f: {  	[tilespmem:s20], [sflag:$0xA] =	stream.linear.gather [hbm4b:s18+s4], $0x50, $0x38;
	[tilespmem:$0x1E800] =	vst v63  }
0x80: {  	s0 =	simm.s32 $0x0;
	s1 =	rddreg [dreg:$0x18];
	s3 =	simm.s32 $0xA300  }
0x81: {  	[tilespmem:s3], [sflag:$0xB] =	stream.linear.gather [hbm4b:s1+s4], $0x50, $0x38;
	[tilespmem:$0x1E800] =	vst v63  }
0x82: {  	s18 =	rddreg [dreg:$0x19];
	s20 =	simm.s32 $0xA700;
	s1 =	simm.s32 $0x200  }
0x83: {  	[tilespmem:s20], [sflag:$0xB] =	stream.linear.gather [hbm4b:s18+s4], $0x50, $0x38;
	[tilespmem:$0x1E800] =	vst v63  }
.LBB2_2:
0x84: {  	p0 =	sne.s32 s1, $0x9E00;
	[tilespmem:s0+$0x7870] =	vst v0  }
0x85: {  	[tilespmem:s0+$0x7800] =	vst v0  }
0x86: {  	[tilespmem:s0+$0x7810] =	vst v0  }
.Ltmp2:
0x87: {  	[tilespmem:s0+$0x7820] =	vst v0;
	(pc) =	sbr.rel @p0 .LBB2_2-.Ltmp2, $4  }
0x88: {  	[tilespmem:s0+$0x7830] =	vst v0  }
0x89: {  	[tilespmem:s0+$0x7840] =	vst v0  }
0x8a: {  	[tilespmem:s0+$0x7850] =	vst v0  }
0x8b: {  	[tilespmem:s0+$0x7860] =	vst v0;
	s0 =	sshra.s32 s1, $0x2;
	s1 =	sadd.s32 $0x200, s1  }
0x8c: {  	[tilespmem:s0+$0x7870] =	vst v0  }
0x8d: {  	[tilespmem:s0+$0x7800] =	vst v0  }
0x8e: {  	[tilespmem:s0+$0x7810] =	vst v0  }
0x8f: {  	[tilespmem:s0+$0x7820] =	vst v0  }
0x90: {  	[tilespmem:s0+$0x7830] =	vst v0  }
0x91: {  	[tilespmem:s0+$0x7840] =	vst v0  }
0x92: {  	[tilespmem:s0+$0x7850] =	vst v0  }
0x93: {  	[tilespmem:s0+$0x7860] =	vst v0  }
0x94: {  	[spmem:s6] =	stream.linear.scatter [tilespmem:s9], [sflag:$0xD], $0x2800, $0x38;
	[tilespmem:$0x1E800] =	vst v63  }
0x95: {  	_ =	swait.ge [sflag:s5], $0x2800  }
0x96: {  	[sflag:s5] =	ssyncset.done $0x0  }
0x97: {  	[sflag:s5] =	ssyncadd.s32 $0xFFFFD800  }
0x98: {  	[spmem:s7] =	stream.linear.scatter [tilespmem:s9], [sflag:$0xD], $0x2800, $0x38;
	[tilespmem:$0x1E800] =	vst v63  }
0x99: {  	_ =	swait.ge [sflag:s5], $0x2800  }
0x9a: {  	[sflag:s5] =	ssyncset.done $0x0  }
0x9b: {  	[sflag:s5] =	ssyncadd.s32 $0xFFFFD800  }
0x9c: {  	[spmem:s19] =	stream.linear.scatter [tilespmem:s9], [sflag:$0xD], $0x2800, $0x38;
	[tilespmem:$0x1E800] =	vst v63  }
0x9d: {  	_ =	swait.ge [sflag:s5], $0x2800  }
0x9e: {  	[sflag:s5] =	ssyncset.done $0x0  }
0x9f: {  	[sflag:s5] =	ssyncadd.s32 $0xFFFFD800  }
0xa0: {  	[spmem:s21] =	stream.linear.scatter [tilespmem:s9], [sflag:$0xD], $0x2800, $0x38;
	[tilespmem:$0x1E800] =	vst v63  }
0xa1: {  	_ =	swait.ge [sflag:s5], $0x2800  }
0xa2: {  	[sflag:s5] =	ssyncset.done $0x0  }
0xa3: {  	[sflag:s5] =	ssyncadd.s32 $0xFFFFD800  }
0xa4: {  	[spmem:s29] =	stream.linear.scatter [tilespmem:s9], [sflag:$0xD], $0x2800, $0x38;
	[tilespmem:$0x1E800] =	vst v63  }
0xa5: {  	_ =	swait.ge [sflag:s5], $0x2800  }
0xa6: {  	[sflag:s5] =	ssyncset.done $0x0  }
0xa7: {  	[sflag:s5] =	ssyncadd.s32 $0xFFFFD800  }
0xa8: {  	[spmem:s31] =	stream.linear.scatter [tilespmem:s9], [sflag:$0xD], $0x2800, $0x38;
	[tilespmem:$0x1E800] =	vst v63  }
0xa9: {  	_ =	swait.ge [sflag:s5], $0x2800  }
0xaa: {  	s19 =	sld [smem:$0x7EF]  }
0xab: {  	[sflag:s5] =	ssyncset.done $0x0  }
0xac: {  	[sflag:s5] =	ssyncadd.s32 $0xFFFFD800  }
0xad: {  	[spmem:s19] =	stream.linear.scatter [tilespmem:s9], [sflag:$0xD], $0x2800, $0x38;
	[tilespmem:$0x1E800] =	vst v63  }
0xae: {  	_ =	swait.ge [sflag:s5], $0x2800  }
0xaf: {  	s20 =	sld [smem:$0x7F0]  }
0xb0: {  	[sflag:s5] =	ssyncset.done $0x0  }
0xb1: {  	[sflag:s5] =	ssyncadd.s32 $0xFFFFD800  }
0xb2: {  	[spmem:s20] =	stream.linear.scatter [tilespmem:s9], [sflag:$0xD], $0x2800, $0x38;
	[tilespmem:$0x1E800] =	vst v63  }
0xb3: {  	_ =	swait.ge [sflag:s5], $0x2800  }
0xb4: {  	[sflag:s5] =	ssyncset.done $0x0  }
0xb5: {  	[sflag:s5] =	ssyncadd.s32 $0xFFFFD800  }
0xb6: {  	[bflag:$0x0] =	sbarrier.arrive $0xFFFF  }
0xb7: {  	_ =	swait.ge [sflag:s8], $0x50  }
0xb8: {  	[sflag:s8] =	ssyncset.done $0x0  }
0xb9: {  	[sflag:s8] =	ssyncadd.s32 $0xFFFFFFB0  }
0xba: {  	_ =	swait.ge [sflag:s8], $0x50  }
0xbb: {  	[sflag:s8] =	ssyncset.done $0x0  }
0xbc: {  	s21 =	simm.s32 $0xA000;
	s31 =	simm.s32 $0x0;
	[sflag:s8] =	ssyncadd.s32 $0xFFFFFFB0  }
0xbd: {  	[tilespmem:s31], [sflag:$0x1] =	stream.indirect.gather [hbm4b:s14+s28], $0x80, s21, s28, $0xb8;
	[tilespmem:$0x1E800] =	vst v63  }
0xbe: {  	_ =	swait.ge [sflag:s10], $0x50  }
0xbf: {  	[sflag:s10] =	ssyncset.done $0x0  }
0xc0: {  	[sflag:s10] =	ssyncadd.s32 $0xFFFFFFB0  }
0xc1: {  	_ =	swait.ge [sflag:s10], $0x50  }
0xc2: {  	[sflag:s10] =	ssyncset.done $0x0  }
0xc3: {  	s0 =	simm.s32 $0x7;
	s29 =	simm.s32 $0xA080;
	[sflag:s10] =	ssyncadd.s32 $0xFFFFFFB0  }
0xc4: {  	[tilespmem:s30], [sflag:$0x2] =	stream.indirect.gather [hbm4b:s14+s28], $0x80, s29, s28, $0xb8;
	[tilespmem:$0x1E800] =	vst v63  }
0xc5: {  	_ =	swait.ge [sflag:s0], $0x50  }
0xc6: {  	[sflag:s0] =	ssyncset.done $0x0  }
0xc7: {  	[sflag:s0] =	ssyncadd.s32 $0xFFFFFFB0  }
.Ltmp3:
0xc8: {  	_ =	swait.ge [sflag:s0], $0x50;
	(pc) =	sbr.rel .LBB2_4-.Ltmp3, $4  }
0xc9: {  	[sflag:s0] =	ssyncset.done $0x0  }
0xca: {  	s1 =	simm.s32 $0xA100;
	s3 =	simm.s32 $0x5000;
	[sflag:s0] =	ssyncadd.s32 $0xFFFFFFB0  }
0xcb: {  	[tilespmem:s3], [sflag:$0x3] =	stream.indirect.gather [hbm4b:s14+s28], $0x80, s1, s28, $0xb8;
	[tilespmem:$0x1E800] =	vst v63  }
0xcc: {  	s7 =	simm.s32 $0x0;
	s1 =	sld [smem:$0x7FD]  }
.LBB2_6:
0xcd: {  	s6 =	simm.s32 @!p0 $0x4  }
0xce: {  	_ =	swait.ge @!p0 [sflag:s6], $0x2800  }
0xcf: {  	[sflag:s6] =	ssyncset.done @!p0 $0x0  }
0xd0: {  	[sflag:s6] =	ssyncadd.s32 @!p0 $0xFFFFD800  }
0xd1: {  	[spmem:s2] =	stream.indirect.scatter.add.f32 @!p0 [tilespmem:s5], [sflag:$0xD], $0x80, s3, s29, $0xb8;
	[tilespmem:$0x1E800] =	vst v63  }
0xd2: {  	s3 =	simm.s32 @!p0 $0xD  }
0xd3: {  	_ =	swait.ge @!p0 [sflag:s3], $0x2800  }
0xd4: {  	s31 =	sadd.s32 $0x50, s31;
	[sflag:s3] =	ssyncset.done @!p0 $0x0  }
0xd5: {  	[sflag:s3] =	ssyncadd.s32 @!p0 $0xFFFFD800;
	p0 =	sne.s32 s31, $0x500  }
.Ltmp4:
0xd6: {  	_ = 	snop;
	(pc) =	sbr.rel @!p0 .LBB2_7-.Ltmp4, $2  }
0xd7: {  	_ =	sdelay $0x2  }
0xd8: {  	s7 =	sadd.s32 $0x1, s7;
	s0 =	sadd.s32 $0x8, s0;
	s1 =	sadd.s32 $0x280, s1  }
.LBB2_4:
0xd9: {  	p0 =	sgt.u32 s0, $0x7C  }
0xda: {  	s3 =	sadd.s32 @!p0 s31, s26;
	s5 =	simm.s32 @!p0 $0x0;
	s6 =	simm.s32 @!p0 $0xA380  }
0xdb: {  	[tilespmem:s6], [sflag:$0xC] =	stream.linear.gather @!p0 [hbm4b:s3+s5], $0x50, $0x38;
	[tilespmem:$0x1E800] =	vst v63  }
0xdc: {  	s29 =	sadd.s32 @!p0 s31, s25;
	s3 =	simm.s32 @!p0 $0xA780  }
0xdd: {  	[tilespmem:s3], [sflag:$0xC] =	stream.linear.gather @!p0 [hbm4b:s29+s5], $0x50, $0x38;
	[tilespmem:$0x1E800] =	vst v63  }
0xde: {  	_ =	swait.ge [sflag:s11], $0x50  }
0xdf: {  	[sflag:s11] =	ssyncset.done $0x0  }
0xe0: {  	[sflag:s11] =	ssyncadd.s32 $0xFFFFFFB0  }
0xe1: {  	_ =	swait.ge [sflag:s11], $0x50  }
0xe2: {  	[sflag:s11] =	ssyncset.done $0x0  }
0xe3: {  	s20 =	simm.s32 $0xA180;
	[sflag:s11] =	ssyncadd.s32 $0xFFFFFFB0  }
0xe4: {  	[tilespmem:s9], [sflag:$0x4] =	stream.indirect.gather [hbm4b:s14+s28], $0x80, s20, s28, $0xb8;
	[tilespmem:$0x1E800] =	vst v63  }
0xe5: {  	_ =	swait.ge [sflag:s12], $0x2800  }
0xe6: {  	[sflag:s12] =	ssyncset.done $0x0  }
0xe7: {  	s21 =	simm.s32 $0xA400;
	[sflag:s12] =	ssyncadd.s32 $0xFFFFD800  }
0xe8: {  	[spmem:s2] =	stream.indirect.scatter.add.f32 [tilespmem:s4], [sflag:$0xE], $0x80, s21, s28, $0xb8;
	[tilespmem:$0x1E800] =	vst v63  }
0xe9: {  	p1 =	seq.s32 s31, $0x4B0;
	_ =	swait.ge [sflag:s13], $0x2800  }
0xea: {  	s19 =	simm.s32 @!p1 $0xA000;
	s5 =	sshrl.u32 @!p1 s1, $0x3;
	[sflag:s13] =	ssyncset.done $0x0  }
0xeb: {  	s29 =	simm.s32 @!p1 $0x0;
	s18 =	sadd.s32 @!p1 s22, s5;
	[sflag:s13] =	ssyncadd.s32 $0xFFFFD800  }
0xec: {  	[tilespmem:s19], [sflag:$0x5] =	stream.linear.gather @!p1 [hbm4b:s18+s29], $0x50, $0x38;
	[tilespmem:$0x1E800] =	vst v63  }
0xed: {  	s18 =	rddreg [dreg:$0x1]  }
0xee: {  	s5 =	sadd.s32 @!p1 s18, s5;
	s18 =	simm.s32 @!p1 $0xA400  }
0xef: {  	[tilespmem:s18], [sflag:$0x5] =	stream.linear.gather @!p1 [hbm4b:s5+s29], $0x50, $0x38;
	[tilespmem:$0x1E800] =	vst v63  }
0xf0: {  	_ =	swait.ge [sflag:s15], $0x50  }
0xf1: {  	[sflag:s15] =	ssyncset.done $0x0  }
0xf2: {  	[sflag:s15] =	ssyncadd.s32 $0xFFFFFFB0  }
0xf3: {  	_ =	swait.ge [sflag:s15], $0x50  }
0xf4: {  	[sflag:s15] =	ssyncset.done $0x0  }
0xf5: {  	s18 =	simm.s32 $0xA200;
	[sflag:s15] =	ssyncadd.s32 $0xFFFFFFB0  }
0xf6: {  	[tilespmem:s4], [sflag:$0x1] =	stream.indirect.gather [hbm4b:s14+s28], $0x80, s18, s28, $0xb8;
	[tilespmem:$0x1E800] =	vst v63  }
0xf7: {  	_ =	swait.ge [sflag:s16], $0x2800  }
0xf8: {  	[sflag:s16] =	ssyncset.done $0x0  }
0xf9: {  	s19 =	simm.s32 $0xA480;
	[sflag:s16] =	ssyncadd.s32 $0xFFFFD800  }
0xfa: {  	[spmem:s2] =	stream.indirect.scatter.add.f32 [tilespmem:s30], [sflag:$0xE], $0x80, s19, s28, $0xb8;
	[tilespmem:$0x1E800] =	vst v63  }
0xfb: {  	_ =	swait.ge [sflag:s13], $0x2800  }
0xfc: {  	[sflag:s13] =	ssyncset.done $0x0  }
0xfd: {  	s5 =	simm.s32 @p1 $0x3;
	[sflag:s13] =	ssyncadd.s32 $0xFFFFD800  }
0xfe: {  	_ =	swait.ge @p1 [sflag:s5], $0x2800  }
0xff: {  	s18 =	simm.s32 @p1 $0xA500;
	[sflag:s5] =	ssyncset.done @p1 $0x0  }
0x100: {  	s19 =	simm.s32 @p1 $0x5000;
	[sflag:s5] =	ssyncadd.s32 @p1 $0xFFFFD800;
	s5 =	simm.s32 @p1 $0x50  }
0x101: {  	[spmem:s2] =	stream.indirect.scatter.add.f32 @p1 [tilespmem:s19], [sflag:$0xE], $0x80, s18, s5, $0xb8;
	[tilespmem:$0x1E800] =	vst v63  }
0x102: {  	s5 =	simm.s32 @p1 $0xE  }
0x103: {  	_ =	swait.ge @p1 [sflag:s5], $0x2800  }
0x104: {  	[sflag:s5] =	ssyncset.done @p1 $0x0  }
0x105: {  	s18 =	simm.s32 @!p1 $0xA080;
	[sflag:s5] =	ssyncadd.s32 @p1 $0xFFFFD800;
	s5 =	sadd.s32 @!p1 s31, s23  }
0x106: {  	[tilespmem:s18], [sflag:$0x6] =	stream.linear.gather @!p1 [hbm4b:s5+s29], $0x50, $0x38;
	[tilespmem:$0x1E800] =	vst v63  }
0x107: {  	s5 =	sld [smem:$0x7FC];
	_ =	sdelay $0x2  }
0x108: {  	s18 =	simm.s32 @!p1 $0xA480;
	s5 =	sadd.s32 @!p1 s31, s5  }
0x109: {  	[tilespmem:s18], [sflag:$0x6] =	stream.linear.gather @!p1 [hbm4b:s5+s29], $0x50, $0x38;
	[tilespmem:$0x1E800] =	vst v63  }
0x10a: {  	s5 =	simm.s32 @!p1 $0xA  }
0x10b: {  	_ =	swait.ge @!p1 [sflag:s5], $0x50  }
0x10c: {  	[sflag:s5] =	ssyncset.done @!p1 $0x0  }
0x10d: {  	[sflag:s5] =	ssyncadd.s32 @!p1 $0xFFFFFFB0  }
0x10e: {  	_ =	swait.ge @!p1 [sflag:s5], $0x50  }
0x10f: {  	s19 =	simm.s32 @!p1 $0x2800;
	[sflag:s5] =	ssyncset.done @!p1 $0x0  }
0x110: {  	s18 =	simm.s32 @!p1 $0xA280;
	[sflag:s5] =	ssyncadd.s32 @!p1 $0xFFFFFFB0;
	s5 =	simm.s32 @!p1 $0x50  }
0x111: {  	[tilespmem:s19], [sflag:$0x2] =	stream.indirect.gather @!p1 [hbm4b:s14+s5], $0x80, s18, s5, $0xb8;
	[tilespmem:$0x1E800] =	vst v63  }
0x112: {  	s18 =	simm.s32 @!p1 $0x3  }
0x113: {  	_ =	swait.ge @!p1 [sflag:s18], $0x2800  }
0x114: {  	s20 =	simm.s32 @!p1 $0xE;
	[sflag:s18] =	ssyncset.done @!p1 $0x0  }
0x115: {  	s19 =	simm.s32 @!p1 $0x5000;
	[sflag:s18] =	ssyncadd.s32 @!p1 $0xFFFFD800;
	s18 =	simm.s32 @!p1 $0xA500  }
0x116: {  	[spmem:s2] =	stream.indirect.scatter.add.f32 @!p1 [tilespmem:s19], [sflag:$0xE], $0x80, s18, s5, $0xb8;
	[tilespmem:$0x1E800] =	vst v63  }
0x117: {  	_ =	swait.ge @!p1 [sflag:s20], $0x2800  }
0x118: {  	[sflag:s20] =	ssyncset.done @!p1 $0x0  }
0x119: {  	[sflag:s20] =	ssyncadd.s32 @!p1 $0xFFFFD800;
	s20 =	sld [smem:$0x7FB];
	_ =	sdelay $0x2  }
0x11a: {  	s21 =	simm.s32 @!p1 $0xA100;
	s20 =	sadd.s32 @!p1 s31, s20  }
0x11b: {  	[tilespmem:s21], [sflag:$0x7] =	stream.linear.gather @!p1 [hbm4b:s20+s29], $0x50, $0x38;
	[tilespmem:$0x1E800] =	vst v63  }
0x11c: {  	s20 =	sld [smem:$0x7FA];
	_ =	sdelay $0x2  }
0x11d: {  	s20 =	sadd.s32 @!p1 s31, s20  }
0x11e: {  	[tilespmem:s18], [sflag:$0x7] =	stream.linear.gather @!p1 [hbm4b:s20+s29], $0x50, $0x38;
	[tilespmem:$0x1E800] =	vst v63  }
0x11f: {  	s18 =	simm.s32 @!p1 $0xB  }
0x120: {  	_ =	swait.ge @!p1 [sflag:s18], $0x50  }
0x121: {  	[sflag:s18] =	ssyncset.done @!p1 $0x0  }
0x122: {  	[sflag:s18] =	ssyncadd.s32 @!p1 $0xFFFFFFB0  }
0x123: {  	_ =	swait.ge @!p1 [sflag:s18], $0x50  }
0x124: {  	[sflag:s18] =	ssyncset.done @!p1 $0x0  }
0x125: {  	[sflag:s18] =	ssyncadd.s32 @!p1 $0xFFFFFFB0;
	s18 =	simm.s32 @!p1 $0xA300  }
0x126: {  	[tilespmem:s19], [sflag:$0x3] =	stream.indirect.gather @!p1 [hbm4b:s14+s5], $0x80, s18, s5, $0xb8;
	[tilespmem:$0x1E800] =	vst v63  }
0x127: {  	_ =	swait.ge [sflag:s17], $0x2800  }
0x128: {  	[sflag:s17] =	ssyncset.done $0x0  }
0x129: {  	s20 =	simm.s32 $0xA580;
	[sflag:s17] =	ssyncadd.s32 $0xFFFFD800  }
0x12a: {  	[spmem:s2] =	stream.indirect.scatter.add.f32 [tilespmem:s9], [sflag:$0xE], $0x80, s20, s28, $0xb8;
	[tilespmem:$0x1E800] =	vst v63  }
0x12b: {  	_ =	swait.ge [sflag:s13], $0x2800  }
0x12c: {  	s5 =	sld [smem:$0x7F9];
	_ =	sdelay $0x1  }
0x12d: {  	[sflag:s13] =	ssyncset.done $0x0  }
0x12e: {  	s18 =	simm.s32 @!p1 $0xA180;
	[sflag:s13] =	ssyncadd.s32 $0xFFFFD800;
	s5 =	sadd.s32 @!p1 s31, s5  }
0x12f: {  	[tilespmem:s18], [sflag:$0x8] =	stream.linear.gather @!p1 [hbm4b:s5+s29], $0x50, $0x38;
	[tilespmem:$0x1E800] =	vst v63  }
0x130: {  	s5 =	sld [smem:$0x7F8];
	_ =	sdelay $0x2  }
0x131: {  	s18 =	simm.s32 @!p1 $0xA580;
	s5 =	sadd.s32 @!p1 s31, s5  }
0x132: {  	[tilespmem:s18], [sflag:$0x8] =	stream.linear.gather @!p1 [hbm4b:s5+s29], $0x50, $0x38;
	[tilespmem:$0x1E800] =	vst v63  }
0x133: {  	s5 =	simm.s32 @!p0 $0xC  }
0x134: {  	_ =	swait.ge @!p0 [sflag:s5], $0x50  }
0x135: {  	[sflag:s5] =	ssyncset.done @!p0 $0x0  }
0x136: {  	[sflag:s5] =	ssyncadd.s32 @!p0 $0xFFFFFFB0  }
0x137: {  	_ =	swait.ge @!p0 [sflag:s5], $0x50  }
0x138: {  	[sflag:s5] =	ssyncset.done @!p0 $0x0  }
0x139: {  	s29 =	simm.s32 @!p0 $0x50;
	[sflag:s5] =	ssyncadd.s32 @!p0 $0xFFFFFFB0;
	s5 =	simm.s32 @!p0 $0x7800  }
0x13a: {  	[tilespmem:s5], [sflag:$0x4] =	stream.indirect.gather @!p0 [hbm4b:s14+s29], $0x80, s6, s29, $0xb8;
	[tilespmem:$0x1E800] =	vst v63  }
0x13b: {  	_ =	swait.ge [sflag:s12], $0x2800  }
0x13c: {  	[sflag:s12] =	ssyncset.done $0x0  }
.Ltmp5:
0x13d: {  	s21 =	simm.s32 $0xA600;
	[sflag:s12] =	ssyncadd.s32 $0xFFFFD800;
	(pc) =	sbr.rel @p1 .LBB2_6-.Ltmp5, $4  }
0x13e: {  	[spmem:s2] =	stream.indirect.scatter.add.f32 [tilespmem:s4], [sflag:$0xE], $0x80, s21, s28, $0xb8;
	[tilespmem:$0x1E800] =	vst v63  }
0x13f: {  	_ =	swait.ge [sflag:s13], $0x2800  }
0x140: {  	[sflag:s13] =	ssyncset.done $0x0  }
0x141: {  	[sflag:s13] =	ssyncadd.s32 $0xFFFFD800  }
0x142: {  	s6 =	sld [smem:$0x7F7];
	_ =	sdelay $0x1  }
0x143: {  	s20 =	sld [smem:$0x7F6]  }
0x144: {  	s18 =	simm.s32 $0xA200;
	s6 =	sadd.s32 s31, s6  }
0x145: {  	[tilespmem:s18], [sflag:$0x9] =	stream.linear.gather [hbm4b:s6+s4], $0x50, $0x38;
	[tilespmem:$0x1E800] =	vst v63  }
0x146: {  	s21 =	simm.s32 $0xA600;
	s6 =	sadd.s32 s31, s20  }
0x147: {  	[tilespmem:s21], [sflag:$0x9] =	stream.linear.gather [hbm4b:s6+s4], $0x50, $0x38;
	[tilespmem:$0x1E800] =	vst v63  }
0x148: {  	_ =	swait.ge [sflag:s8], $0x50  }
0x149: {  	[sflag:s8] =	ssyncset.done $0x0  }
0x14a: {  	[sflag:s8] =	ssyncadd.s32 $0xFFFFFFB0  }
0x14b: {  	_ =	swait.ge [sflag:s8], $0x50  }
0x14c: {  	[sflag:s8] =	ssyncset.done $0x0  }
0x14d: {  	s18 =	simm.s32 $0xA000;
	[sflag:s8] =	ssyncadd.s32 $0xFFFFFFB0  }
0x14e: {  	[tilespmem:s4], [sflag:$0x1] =	stream.indirect.gather [hbm4b:s14+s28], $0x80, s18, s28, $0xb8;
	[tilespmem:$0x1E800] =	vst v63  }
0x14f: {  	_ =	swait.ge [sflag:s16], $0x2800  }
0x150: {  	[sflag:s16] =	ssyncset.done $0x0  }
0x151: {  	s19 =	simm.s32 $0xA680;
	[sflag:s16] =	ssyncadd.s32 $0xFFFFD800  }
0x152: {  	[spmem:s2] =	stream.indirect.scatter.add.f32 [tilespmem:s30], [sflag:$0xE], $0x80, s19, s28, $0xb8;
	[tilespmem:$0x1E800] =	vst v63  }
0x153: {  	_ =	swait.ge [sflag:s13], $0x2800  }
0x154: {  	s6 =	sld [smem:$0x7F5]  }
0x155: {  	p1 =	sgt.u32 s7, $0xD  }
0x156: {  	s18 =	simm.s32 @!p1 $0x0;
	[sflag:s13] =	ssyncset.done $0x0  }
0x157: {  	s19 =	simm.s32 @!p1 $0xA280;
	[sflag:s13] =	ssyncadd.s32 $0xFFFFD800;
	s6 =	sadd.s32 @!p1 s31, s6  }
0x158: {  	[tilespmem:s19], [sflag:$0xA] =	stream.linear.gather @!p1 [hbm4b:s6+s18], $0x50, $0x38;
	[tilespmem:$0x1E800] =	vst v63  }
0x159: {  	s6 =	sld [smem:$0x7F4];
	_ =	sdelay $0x2  }
0x15a: {  	s19 =	simm.s32 @!p1 $0xA680;
	s6 =	sadd.s32 @!p1 s31, s6  }
0x15b: {  	[tilespmem:s19], [sflag:$0xA] =	stream.linear.gather @!p1 [hbm4b:s6+s18], $0x50, $0x38;
	[tilespmem:$0x1E800] =	vst v63  }
0x15c: {  	_ =	swait.ge [sflag:s10], $0x50  }
0x15d: {  	[sflag:s10] =	ssyncset.done $0x0  }
0x15e: {  	[sflag:s10] =	ssyncadd.s32 $0xFFFFFFB0  }
0x15f: {  	_ =	swait.ge [sflag:s10], $0x50  }
0x160: {  	[sflag:s10] =	ssyncset.done $0x0  }
0x161: {  	s20 =	simm.s32 $0xA080;
	s21 =	simm.s32 $0x3;
	[sflag:s10] =	ssyncadd.s32 $0xFFFFFFB0  }
0x162: {  	[tilespmem:s30], [sflag:$0x2] =	stream.indirect.gather [hbm4b:s14+s28], $0x80, s20, s28, $0xb8;
	[tilespmem:$0x1E800] =	vst v63  }
0x163: {  	_ =	swait.ge [sflag:s21], $0x2800  }
0x164: {  	[sflag:s21] =	ssyncset.done $0x0  }
0x165: {  	s19 =	simm.s32 $0xA700;
	s20 =	simm.s32 $0x5000;
	[sflag:s21] =	ssyncadd.s32 $0xFFFFD800  }
0x166: {  	[spmem:s2] =	stream.indirect.scatter.add.f32 [tilespmem:s20], [sflag:$0xE], $0x80, s19, s28, $0xb8;
	[tilespmem:$0x1E800] =	vst v63  }
0x167: {  	_ =	swait.ge [sflag:s13], $0x2800  }
0x168: {  	s6 =	sld [smem:$0x7F3];
	_ =	sdelay $0x1  }
0x169: {  	[sflag:s13] =	ssyncset.done $0x0  }
0x16a: {  	s19 =	simm.s32 @!p1 $0xA300;
	[sflag:s13] =	ssyncadd.s32 $0xFFFFD800;
	s6 =	sadd.s32 @!p1 s31, s6  }
0x16b: {  	[tilespmem:s19], [sflag:$0xB] =	stream.linear.gather @!p1 [hbm4b:s6+s18], $0x50, $0x38;
	[tilespmem:$0x1E800] =	vst v63  }
0x16c: {  	s6 =	sld [smem:$0x7F2];
	_ =	sdelay $0x2  }
0x16d: {  	s19 =	simm.s32 @!p1 $0xA700;
	s6 =	sadd.s32 @!p1 s31, s6  }
0x16e: {  	[tilespmem:s19], [sflag:$0xB] =	stream.linear.gather @!p1 [hbm4b:s6+s18], $0x50, $0x38;
	[tilespmem:$0x1E800] =	vst v63  }
0x16f: {  	_ =	swait.ge [sflag:s24], $0x50  }
0x170: {  	[sflag:s24] =	ssyncset.done $0x0  }
.Ltmp6:
0x171: {  	[sflag:s24] =	ssyncadd.s32 $0xFFFFFFB0;
	(pc) =	sbr.rel .LBB2_6-.Ltmp6, $4  }
0x172: {  	_ =	swait.ge [sflag:s24], $0x50  }
0x173: {  	[sflag:s24] =	ssyncset.done $0x0  }
0x174: {  	s21 =	simm.s32 $0xA100;
	[sflag:s24] =	ssyncadd.s32 $0xFFFFFFB0  }
0x175: {  	[tilespmem:s20], [sflag:$0x3] =	stream.indirect.gather [hbm4b:s14+s28], $0x80, s21, s28, $0xb8;
	[tilespmem:$0x1E800] =	vst v63  }
.LBB2_8:
0x176: {  	_ =	sfence.sel $0x180000  }
0x177: {  	[bflag:$0x0] =	sbarrier.arrive $0xFFFF  }
0x178: {  	_ =	strace $0x9000004A  }
0x179: {  	s0 =	stileid.u32;
	[bflag:$0x2] =	sbarrier.arrive $0xFFFF  }
0x17a: {  	p0 =	sne.s32 s0, $0x0;
	s0 =	rddreg [dreg:$0x3]  }
0x17b: {  	s0 =	sadd.s32 @!p0 $0x100000, s0  }
0x17c: {  	[sflag:s0] =	ssyncadd.tile.s32 @!p0 $0x1;
	_ =	shalt  }
.Lfunc_end2:
_tile_overlayer_lowered:
.L_overlay_start_2:
0x17d: {  	(tag) =	ssettag $0x2  }
0x17e: {  	s0 =	rddreg [dreg:$0x0];
	s2 =	stileid.u32  }
0x17f: {  	s1 =	rddreg [dreg:$0x1];
	p0 =	sne.s32 s2, $0x0  }
0x180: {  	s3 =	rddreg [dreg:$0x2];
	[bflag:$0x3] =	sbarrier.arrive $0xFFFF;
	s2 =	simm.s32 @!p0 $0x1C0D  }
0x181: {  	[timem:s3], [sflag:s2] =	dma.local @!p0 [hbm:s0], s1  }
0x182: {  	s0 =	simm.s32 @!p0 $0xD  }
0x183: {  	_ =	swait.ge @!p0 [sflag:s0], s1  }
0x184: {  	s1 =	ssub.s32 @!p0 $0x0, s1;
	[sflag:s0] =	ssyncset.done @!p0 $0x0  }
0x185: {  	[sflag:s0] =	ssyncadd.s32 @!p0 s1  }
0x186: {  	[bflag:$0x3] =	sbarrier.arrive $0xFFFF  }
0x187: {  	_ =	shalt  }

// kernel: kernel.14.cloned.1.call-start
scs
__scs_entry_jumppad:
0x0: {  	(pc) =	sbr.rel $0x88, $3  }
0x1: {  	(tag) =	ssettag $0x0;
	lr =	simm.s32 $0x1  }
0x2: {  	[smem:$0x3F9B] =	sst lr;
	_ =	strace $0xD0000000  }
0x3: {  	_ = 	snop  }
0x4: {  	_ = 	snop  }
0x5: {  	_ = 	snop  }
0x6: {  	_ = 	snop  }
0x7: {  	_ = 	snop  }
__scs_overlays_trampoline_lowered:
0x8: {  	[smem:$0x3FAA] =	sst s0  }
0x9: {  	[smem:$0x3FAB] =	sst s1  }
0xa: {  	[smem:$0x3FAC] =	sst s2  }
0xb: {  	[smem:$0x3FAD] =	sst s3  }
0xc: {  	[smem:$0x3FAE] =	sst s4  }
0xd: {  	[smem:$0x3FAF] =	sst s5  }
0xe: {  	[smem:$0x3FB0] =	sst s6  }
0xf: {  	[smem:$0x3FB1] =	sst s7  }
0x10: {  	[smem:$0x3FB2] =	sst s8  }
0x11: {  	[smem:$0x3FB3] =	sst s9;
	s0 =	simm.s32 @!p0 $0x0  }
0x12: {  	s1 =	sld [smem:$0x3F99];
	s0 =	simm.s32 @p0 $0x1  }
0x13: {  	[smem:$0x3FB4] =	sst s0;
	s0 =	simm.s32 @!p1 $0x0  }
0x14: {  	s2 =	sld [smem:$0x3F98];
	s0 =	simm.s32 @p1 $0x1  }
0x15: {  	[smem:$0x3FB5] =	sst s0;
	s0 =	simm.s32 @!p2 $0x0  }
0x16: {  	s3 =	sld [smem:$0x3FDB];
	s0 =	simm.s32 @p2 $0x1  }
0x17: {  	s4 =	simm.s32 $0x1BF5;
	[smem:$0x3FB7] =	sst s0  }
0x18: {  	s0 =	sld [smem:$0x3F9A];
	_ =	swait.ge [sflag:s4], $0x0  }
0x19: {  	s7 =	sld [smem:$0x3F9B]  }
0x1a: {  	s8 =	sadd.s32 $0xFFFFE003, lr  }
0x1b: {  	s9 =	sadd.s32 $0xFFFFFEF7, lr;
	s5 =	simm.s32 $0xFFFFFFFF;
	p2 =	slt.u32 s8, $0xFFFFF086  }
0x1c: {  	p1 =	slt.u32 s9, $0xF7A;
	s5 =	simm.s32 @!p2 $0x0  }
0x1d: {  	s5 =	simm.s32 @p1 $0x1;
	p0 =	seq.s32 s7, s2  }
0x1e: {  	s7 =	smul.u32 @!p0 $0xF7A, s2;
	p2 =	seq.s32 @!p0 s5, $0x0  }
0x1f: {  	s9 =	smul.u32 $0xF7A, s1;
	s8 =	simm.s32 @!p0 $0x1BF5;
	p2 =	por !p2, p0  }
0x20: {  	[sflag:s8] =	ssyncset.s32 @!p0 $0xFFFFF086;
	s6 =	sadd.s32 @!p0 s3, s7;
	s7 =	simm.s32 @!p0 $0x108  }
0x21: {  	s3 =	sadd.s32 s3, s9;
	s6 =	sadd.s32 @!p0 $0x88, s6;
	s7 =	simm.s32 @p2 $0x1082  }
0x22: {  	[simem:s7], [sflag:s8] =	dma.local @!p0 [hbm:s6], $0xF7A  }
0x23: {  	s9 =	sor.u32 $0xD0000000, s2;
	s6 =	simm.s32 $0x108;
	_ =	swait.ge @!p0 [sflag:s8], $0x0  }
0x24: {  	s3 =	sadd.s32 $0x88, s3;
	s6 =	simm.s32 @!p1 $0x1082;
	[sflag:s4] =	ssyncset.s32 $0xFFFFF086  }
0x25: {  	[simem:s6], [sflag:s4] =	dma.local [hbm:s3], $0xF7A  }
0x26: {  	[smem:$0x3F9B] =	sst s1;
	(tag) =	ssettag s2;
	_ =	strace s9  }
0x27: {  	s1 =	sld [smem:$0x3FAB]  }
0x28: {  	s2 =	sld [smem:$0x3FAC]  }
0x29: {  	s4 =	sld [smem:$0x3FAE]  }
0x2a: {  	p0 =	seq.s32 s5, $0x0;
	s5 =	sld [smem:$0x3FAF]  }
0x2b: {  	s6 =	sld [smem:$0x3FB0]  }
0x2c: {  	s7 =	sld [smem:$0x3FB1]  }
0x2d: {  	s3 =	simm.s32 $0x108;
	s8 =	sld [smem:$0x3FB2]  }
0x2e: {  	s3 =	simm.s32 @!p0 $0x1082;
	s9 =	sld [smem:$0x3FB3]  }
0x2f: {  	lr =	sadd.s32 s0, s3;
	s0 =	sld [smem:$0x3FAA]  }
0x30: {  	s3 =	sld [smem:$0x3FAD]  }
0x31: {  	[smem:$0x3FB6] =	sst s10  }
0x32: {  	s10 =	sld [smem:$0x3FB4];
	_ =	sdelay $0x3  }
0x33: {  	p0 =	seq.s32 s10, $0x1;
	s10 =	sld [smem:$0x3FB6];
	_ =	sdelay $0x3  }
0x34: {  	[smem:$0x3FB6] =	sst s10  }
0x35: {  	s10 =	sld [smem:$0x3FB5];
	_ =	sdelay $0x3  }
0x36: {  	p1 =	seq.s32 s10, $0x1;
	s10 =	sld [smem:$0x3FB6];
	_ =	sdelay $0x3  }
0x37: {  	[smem:$0x3FB6] =	sst s10  }
0x38: {  	s10 =	sld [smem:$0x3FB7]  }
0x39: {  	_ = 	snop;
	(pc) =	sbr.ind lr, $3  }
0x3a: {  	_ = 	snop  }
0x3b: {  	_ = 	snop  }
0x3c: {  	p2 =	seq.s32 s10, $0x1;
	s10 =	sld [smem:$0x3FB6]  }
0x3d: {  	_ =	shalt  }
0x3e: {  	_ =	shalt  }
0x3f: {  	_ =	shalt  }
0x40: {  	_ =	shalt  }
0x41: {  	_ =	shalt  }
0x42: {  	_ =	shalt  }
0x43: {  	_ =	shalt  }
0x44: {  	_ =	shalt  }
0x45: {  	_ =	shalt  }
0x46: {  	_ =	shalt  }
0x47: {  	_ =	shalt  }
0x48: {  	_ =	shalt  }
0x49: {  	_ =	shalt  }
0x4a: {  	_ =	shalt  }
0x4b: {  	_ =	shalt  }
0x4c: {  	_ =	shalt  }
0x4d: {  	_ =	shalt  }
0x4e: {  	_ =	shalt  }
0x4f: {  	_ =	shalt  }
0x50: {  	_ =	shalt  }
0x51: {  	_ =	shalt  }
0x52: {  	_ =	shalt  }
0x53: {  	_ =	shalt  }
0x54: {  	_ =	shalt  }
0x55: {  	_ =	shalt  }
0x56: {  	_ =	shalt  }
0x57: {  	_ =	shalt  }
0x58: {  	_ =	shalt  }
0x59: {  	_ =	shalt  }
0x5a: {  	_ =	shalt  }
0x5b: {  	_ =	shalt  }
0x5c: {  	_ =	shalt  }
0x5d: {  	_ =	shalt  }
0x5e: {  	_ =	shalt  }
0x5f: {  	_ =	shalt  }
0x60: {  	_ =	shalt  }
0x61: {  	_ =	shalt  }
0x62: {  	_ =	shalt  }
0x63: {  	_ =	shalt  }
0x64: {  	_ =	shalt  }
0x65: {  	_ =	shalt  }
0x66: {  	_ =	shalt  }
0x67: {  	_ =	shalt  }
0x68: {  	_ =	shalt  }
0x69: {  	_ =	shalt  }
0x6a: {  	_ =	shalt  }
0x6b: {  	_ =	shalt  }
0x6c: {  	_ =	shalt  }
0x6d: {  	_ =	shalt  }
0x6e: {  	_ =	shalt  }
0x6f: {  	_ =	shalt  }
0x70: {  	_ =	shalt  }
0x71: {  	_ =	shalt  }
0x72: {  	_ =	shalt  }
0x73: {  	_ =	shalt  }
0x74: {  	_ =	shalt  }
0x75: {  	_ =	shalt  }
0x76: {  	_ =	shalt  }
0x77: {  	_ =	shalt  }
0x78: {  	_ =	shalt  }
0x79: {  	_ =	shalt  }
0x7a: {  	_ =	shalt  }
0x7b: {  	_ =	shalt  }
0x7c: {  	_ =	shalt  }
0x7d: {  	_ =	shalt  }
0x7e: {  	_ =	shalt  }
0x7f: {  	_ =	shalt  }
0x80: {  	_ =	shalt  }
0x81: {  	_ =	shalt  }
0x82: {  	_ =	shalt  }
0x83: {  	_ =	shalt  }
0x84: {  	_ =	shalt  }
0x85: {  	_ =	shalt  }
0x86: {  	_ =	shalt  }
0x87: {  	_ =	shalt  }
.Lfunc_end0:
.L_simem_size_0:
called_computation.2_lowered:
.L_overlay_start_0:
0x88: {  	s2 =	sld [smem:$0x3FD9]  }
0x89: {  	s3 =	sld [smem:$0x3FFE];
	_ =	sdelay $0x1  }
0x8a: {  	s1 =	srdreg.scid  }
0x8b: {  	s0 =	sand.u32 $0x1, s1  }
0x8c: {  	s17 =	sshll.u32 s0, $0xA;
	s2 =	sadd.s32 s3, s2  }
0x8d: {  	s2 =	sadd.s32 s2, s17  }
0x8e: {  	[smem:$0x3FC2] =	sst s2  }
0x8f: {  	_ = 	snop  }
0x90: {  	s2 =	sld [smem:$0x3FD0];
	(tm) =	ssettm $0x1  }
0x91: {  	s18 =	sld [smem:$0x3FFB];
	_ =	sdelay $0x3  }
0x92: {  	_ =	strace s18  }
0x93: {  	s3 =	sld [smem:$0x3FFC];
	_ =	sdelay $0x3  }
0x94: {  	_ =	strace s3  }
0x95: {  	s3 =	sld [smem:$0x3FFD];
	_ =	sdelay $0x3  }
0x96: {  	_ =	strace s3  }
0x97: {  	_ =	strace $0x8FFFFFFF  }
0x98: {  	s19 =	sld [smem:$0x3FDB];
	_ =	sdelay $0x1  }
0x99: {  	s4 =	simm.s32 $_scs_section_size  }
0x9a: {  	s5 =	simm.s32 $_size__tile_overlayer_lowered;
	s6 =	simm.s32 $_tile_overlayer_lowered  }
0x9b: {  	s22 =	simm.s32 $0x1BFF;
	s21 =	sshll.u32 s6, $0x1;
	s3 =	sadd.s32 s4, s19  }
0x9c: {  	s7 =	simm.s32 $0x0;
	s20 =	sshll.u32 s5, $0x1;
	s5 =	sadd.s32 s21, s3  }
0x9d: {  	[timem:s7], [sflag:s22] =	dma.local [hbm:s5], s20  }
0x9e: {  	_ =	swait.ge [sflag:s22], s20  }
0x9f: {  	s4 =	ssub.s32 $0x0, s20;
	[sflag:s22] =	ssyncset.done $0x0  }
0xa0: {  	[sflag:s22] =	ssyncadd.s32 s4;
	_ =	sdelay $0x1  }
0xa1: {  	s23 =	simm.s32 $0x1B8B  }
0xa2: {  	_ =	swait.ge [sflag:s23], $0x1  }
0xa3: {  	[sflag:s23] =	ssyncset.done $0x0  }
0xa4: {  	s25 =	simm.s32 $0x1B8E;
	s24 =	sld [smem:$0x3FFE];
	[sflag:s23] =	ssyncadd.s32 $0xFFFFFFFF  }
0xa5: {  	s26 =	simm.s32 $execute0_lowered;
	[smem:$0x3FD2] =	sst s25  }
0xa6: {  	s5 =	sshll.u32 s26, $0x1;
	_ =	strace $0x8000004C;
	[dreg:$0x1] =	wrdreg $0xFFFFFFFF  }
0xa7: {  	s28 =	simm.s32 $_size_execute0_lowered;
	s3 =	sadd.s32 s3, s5;
	[dreg:$0x0] =	wrdreg $0x0  }
0xa8: {  	s5 =	sshll.u32 s28, $0x1;
	[dreg:$0x2] =	wrdreg s3  }
0xa9: {  	[dreg:$0x3] =	wrdreg s5  }
0xaa: {  	[dreg:$0x4] =	wrdreg $0xC0  }
0xab: {  	_ =	task [dreg:s7], $0x5FFFF  }
0xac: {  	[dreg:$0x1] =	wrdreg $0xFFFFFFFF  }
0xad: {  	[dreg:$0x0] =	wrdreg $0x60  }
0xae: {  	[dreg:$0x2] =	wrdreg s24  }
0xaf: {  	[dreg:$0x3] =	wrdreg s2  }
0xb0: {  	[dreg:$0x4] =	wrdreg $0xA8000  }
0xb1: {  	[dreg:$0x5] =	wrdreg $0x9  }
0xb2: {  	_ =	task.clear_ibuf [dreg:s7], $0x6FFFF;
	_ =	strace $0x9000004C  }
0xb3: {  	s29 =	simm.s32 $0x9;
	_ =	strace $0x8000004E  }
0xb4: {  	_ =	swait.ge [sflag:s29], $0x1  }
0xb5: {  	[sflag:s29] =	ssyncadd.s32 $0xFFFFFFFF  }
0xb6: {  	_ =	strace $0x9000004E  }
0xb7: {  	_ =	sfence  }
0xb8: {  	s30 =	sld [smem:$0x0];
	_ =	sdelay $0x2  }
0xb9: {  	s31 =	sshll.u32 s1, $0xD;
	s1 =	sshrl.u32 s1, $0x2  }
0xba: {  	s3 =	sand.u32 $0x4000, s31;
	s1 =	sadd.s32 s1, s30  }
0xbb: {  	s0 =	sor.u32 s3, s0;
	s1 =	sshll.u32 s1, $0x11  }
0xbc: {  	s0 =	sor.u32 s1, s0  }
0xbd: {  	s0 =	sadd.s32 $0x8F2B, s0  }
0xbe: {  	[sflag:s0] =	ssyncadd.remote.s32 $0x1  }
0xbf: {  	_ =	sfence.sel $0xFFFF  }
0xc0: {  	[dreg:$0x0] =	wrdreg $0xFFFFFFFF;
	(pc) =	sbr.abs _section_cstart, $3  }
0xc1: {  	[dreg:$0x1] =	wrdreg $0xFFFFFFFF  }
0xc2: {  	_ =	task.clear_ibuf [dreg:s7], $0x2FFFF;
	_ =	strace $0x9FFFFFFF  }
0xc3: {  	(tm) =	ssettm $0x7FFFFFFF  }
tec
execute0_lowered:
.L_overlay_start_1:
0x0: {  	(tag) =	ssettag $0x1  }
0x1: {  	s3 =	rddreg [dreg:$0x0]  }
0x2: {  	s18 =	rddreg [dreg:$0x1]  }
0x3: {  	s2 =	rddreg [dreg:$0x2];
	s19 =	stileid.u32  }
0x4: {  	s0 =	srdreg.scid;
	s4 =	simm.s32 $0x0;
	s1 =	smul.u32 $0x2710, s19  }
0x5: {  	s5 =	sand.u32 $0x1, s0;
	[smem:$0x7FF] =	sst s4;
	s8 =	smul.u32 $0x14000, s19  }
0x6: {  	s20 =	sadd.s32 $0x2800, s3;
	s9 =	sadd.s32 $0x84600, s3;
	s0 =	smul.u32 $0x27100, s5  }
0x7: {  	_ =	strace $0x8000004D;
	s6 =	ssub.s32 $0x2, s5;
	s5 =	smul.u32 $0x140000, s5  }
0x8: {  	s7 =	sshrl.u32 s6, $0x1;
	s10 =	sadd.s32 $0x5000, s8;
	s11 =	sadd.s32 $0x7800, s8  }
0x9: {  	s12 =	sadd.s32 $0xA000, s8;
	s13 =	sadd.s32 $0xC800, s8;
	s15 =	sadd.s32 $0xF000, s8  }
0xa: {  	s0 =	sadd.s32 s1, s0;
	s1 =	ssub.s32 s6, s7;
	s7 =	sor.u32 $0x2800, s8  }
0xb: {  	s14 =	sadd.s32 s8, s5;
	s8 =	sadd.s32 $0x11800, s8;
	s22 =	sadd.s32 s5, s10  }
0xc: {  	s23 =	sadd.s32 s5, s11;
	s17 =	sadd.s32 s5, s12;
	s29 =	sadd.s32 s12, s2  }
0xd: {  	s31 =	sadd.s32 s13, s2;
	s6 =	sshrl.u32 s0, $0x3;
	s16 =	sadd.s32 s5, s7  }
0xe: {  	s14 =	sshrl.u32 s14, $0x3;
	s24 =	sshrl.u32 s23, $0x3;
	[dreg:$0x1e] =	wrdreg s29  }
0xf: {  	s25 =	sshrl.u32 s17, $0x3;
	s1 =	smax.u32 s1, $0x1;
	[dreg:$0x1f] =	wrdreg s31  }
0x10: {  	s17 =	sadd.s32 s5, s15;
	s7 =	sadd.s32 s7, s2;
	[smem:$0x7F1] =	sst s1  }
0x11: {  	s16 =	sshrl.u32 s16, $0x3;
	s14 =	sadd.s32 s9, s14;
	[dreg:$0x1b] =	wrdreg s7  }
0x12: {  	s26 =	sadd.s32 s9, s25;
	[dreg:$0x4] =	wrdreg s14;
	s21 =	sadd.s32 s9, s16  }
0x13: {  	s14 =	sshrl.u32 s22, $0x3;
	[dreg:$0x8] =	wrdreg s26;
	s16 =	sadd.s32 s5, s13  }
0x14: {  	s22 =	sadd.s32 $0xA, s6;
	[dreg:$0x5] =	wrdreg s21;
	s14 =	sadd.s32 s9, s14  }
0x15: {  	s5 =	sadd.s32 s5, s8;
	s23 =	sadd.s32 s20, s22;
	[dreg:$0x6] =	wrdreg s14  }
0x16: {  	s5 =	sshrl.u32 s5, $0x3;
	s14 =	sadd.s32 s9, s24;
	[dreg:$0xc] =	wrdreg s23  }
0x17: {  	s26 =	sadd.s32 $0x1E, s6;
	s5 =	sadd.s32 s9, s5;
	[dreg:$0x7] =	wrdreg s14  }
0x18: {  	s23 =	smul.u32 $0x50000, s19;
	s19 =	sadd.s32 s10, s2;
	[dreg:$0xb] =	wrdreg s5  }
0x19: {  	s24 =	sadd.s32 $0x14, s6;
	s5 =	sadd.s32 s18, s22;
	[dreg:$0x1c] =	wrdreg s19  }
0x1a: {  	s14 =	sshrl.u32 s16, $0x3;
	s25 =	sadd.s32 s20, s24;
	[dreg:$0xd] =	wrdreg s5  }
0x1b: {  	s21 =	sshrl.u32 s17, $0x3;
	s14 =	sadd.s32 s9, s14;
	[dreg:$0xe] =	wrdreg s25  }
0x1c: {  	s16 =	sadd.s32 $0x28, s6;
	s5 =	sadd.s32 s18, s26;
	[dreg:$0x9] =	wrdreg s14  }
0x1d: {  	s22 =	sadd.s32 $0x32, s6;
	s17 =	sadd.s32 s20, s16;
	[dreg:$0x11] =	wrdreg s5  }
0x1e: {  	s25 =	sadd.s32 s20, s22;
	[dreg:$0x12] =	wrdreg s17  }
0x1f: {  	s28 =	simm.s32 $0x50;
	s14 =	sadd.s32 s9, s21;
	[dreg:$0x16] =	wrdreg s25  }
0x20: {  	s30 =	simm.s32 $0x2800;
	s9 =	sadd.s32 s20, s26;
	[dreg:$0xa] =	wrdreg s14  }
0x21: {  	s13 =	sadd.s32 $0x320, s0;
	s21 =	sadd.s32 s20, s6;
	[dreg:$0x10] =	wrdreg s9  }
0x22: {  	s26 =	sshrl.u32 s23, $0x2;
	s17 =	sadd.s32 s15, s2;
	[dreg:$0x14] =	wrdreg s21  }
0x23: {  	s23 =	sadd.s32 s8, s2;
	s15 =	sshrl.u32 s13, $0x3;
	[smem:$0x7EF] =	sst s17  }
0x24: {  	s14 =	sadd.s32 $0x5C600, s3;
	s3 =	sadd.s32 s18, s24;
	[smem:$0x7F0] =	sst s23  }
0x25: {  	s5 =	simm.s32 $0xD;
	s24 =	sadd.s32 s18, s6;
	[dreg:$0xf] =	wrdreg s3  }
0x26: {  	s13 =	simm.s32 $0xE;
	s17 =	sadd.s32 s15, s18;
	[dreg:$0x15] =	wrdreg s24  }
0x27: {  	s6 =	sadd.s32 $0x3C, s6;
	s21 =	sadd.s32 s11, s2;
	[smem:$0x7FA] =	sst s17  }
0x28: {  	s11 =	sadd.s32 $0x370, s0;
	s3 =	sadd.s32 s18, s16;
	[dreg:$0x1d] =	wrdreg s21  }
0x29: {  	s9 =	sadd.s32 s20, s6;
	s16 =	sadd.s32 s18, s6;
	[dreg:$0x13] =	wrdreg s3  }
0x2a: {  	s6 =	sadd.s32 s26, s2;
	s24 =	sadd.s32 $0x410, s0;
	[dreg:$0x18] =	wrdreg s9  }
0x2b: {  	s17 =	simm.s32 $0x4;
	s3 =	sadd.s32 s18, s22;
	[dreg:$0x19] =	wrdreg s16  }
0x2c: {  	s22 =	sadd.s32 $0x460, s0;
	s25 =	sshrl.u32 s24, $0x3;
	[dreg:$0x1a] =	wrdreg s6  }
0x2d: {  	s9 =	sadd.s32 $0x3C0, s0;
	s24 =	sadd.s32 $0x230, s0;
	[dreg:$0x17] =	wrdreg s3  }
0x2e: {  	s3 =	sshrl.u32 s22, $0x3;
	s8 =	sadd.s32 s25, s18;
	s1 =	sadd.s32 s25, s20  }
0x2f: {  	s10 =	sshrl.u32 s9, $0x3;
	s22 =	sadd.s32 $0x2D0, s0;
	[smem:$0x7F4] =	sst s8  }
0x30: {  	s0 =	sadd.s32 $0x280, s0;
	s9 =	simm.s32 $0x7800;
	[smem:$0x7F5] =	sst s1  }
0x31: {  	s26 =	sadd.s32 s3, s18;
	s3 =	sadd.s32 s3, s20;
	[smem:$0x7FD] =	sst s0  }
0x32: {  	s12 =	sadd.s32 s10, s18;
	s1 =	sadd.s32 s10, s20;
	[smem:$0x7F2] =	sst s26  }
0x33: {  	s23 =	sshrl.u32 s22, $0x3;
	s22 =	smov.u32 s20;
	[smem:$0x7F3] =	sst s3  }
0x34: {  	s8 =	simm.s32 $0x5;
	s10 =	simm.s32 $0x6;
	[smem:$0x7F6] =	sst s12  }
0x35: {  	s3 =	sshrl.u32 s11, $0x3;
	[smem:$0x7F7] =	sst s1;
	s1 =	sadd.s32 s15, s20  }
0x36: {  	s25 =	sadd.s32 s23, s18;
	s23 =	sadd.s32 s23, s20;
	s26 =	sshrl.u32 s24, $0x3  }
.Ltmp0:
0x37: {  	s11 =	simm.s32 $0x8;
	s12 =	simm.s32 $0x1;
	(pc) =	sbr.rel .LBB2_1-.Ltmp0, $4  }
0x38: {  	s15 =	simm.s32 $0x9;
	s24 =	simm.s32 $0x7;
	[smem:$0x7FB] =	sst s1  }
0x39: {  	s16 =	sadd.s32 s3, s18;
	s3 =	sadd.s32 s3, s20;
	[smem:$0x7FC] =	sst s25  }
0x3a: {  	s25 =	sadd.s32 s26, s18;
	s26 =	sadd.s32 s26, s20;
	[smem:$0x7F8] =	sst s16  }
0x3b: {  	v0 =	vimm.f32 $0.0e+00;
	s1 =	simm.s32 $0x0;
	[smem:$0x7F9] =	sst s3;
	s16 =	simm.s32 $0x2  }
.LBB2_7:
0x3c: {  	s0 =	stileid.u32;
	[bflag:$0x0] =	sbarrier.arrive $0xFFFF  }
0x3d: {  	s5 =	simm.s32 $0xD;
	s0 =	sshll.u32 s0, $0x6;
	s6 =	rddreg [dreg:$0x1a]  }
0x3e: {  	s3 =	rddreg [dreg:$0x4];
	s0 =	sor.u32 $0x1C0D, s0;
	s1 =	sshrl.u32 s6, $0x3  }
0x3f: {  	[hbm:s3], [sflag:s0] =	dma.local [spmem:s1], $0x500  }
0x40: {  	_ =	swait.ge [sflag:s5], $0x500  }
0x41: {  	[sflag:s5] =	ssyncset.done $0x0;
	s7 =	rddreg [dreg:$0x1b]  }
0x42: {  	s19 =	rddreg [dreg:$0x5];
	[sflag:s5] =	ssyncadd.s32 $0xFFFFFB00;
	s18 =	sshrl.u32 s7, $0x3  }
0x43: {  	[hbm:s19], [sflag:s0] =	dma.local [spmem:s18], $0x500  }
0x44: {  	_ =	swait.ge [sflag:s5], $0x500  }
0x45: {  	[sflag:s5] =	ssyncset.done $0x0;
	s19 =	rddreg [dreg:$0x1c]  }
0x46: {  	s21 =	rddreg [dreg:$0x6];
	[sflag:s5] =	ssyncadd.s32 $0xFFFFFB00;
	s20 =	sshrl.u32 s19, $0x3  }
0x47: {  	[hbm:s21], [sflag:s0] =	dma.local [spmem:s20], $0x500  }
0x48: {  	_ =	swait.ge [sflag:s5], $0x500  }
0x49: {  	[sflag:s5] =	ssyncset.done $0x0;
	s21 =	rddreg [dreg:$0x1d]  }
0x4a: {  	s20 =	rddreg [dreg:$0x7];
	[sflag:s5] =	ssyncadd.s32 $0xFFFFFB00;
	s18 =	sshrl.u32 s21, $0x3  }
0x4b: {  	[hbm:s20], [sflag:s0] =	dma.local [spmem:s18], $0x500  }
0x4c: {  	_ =	swait.ge [sflag:s5], $0x500  }
0x4d: {  	[sflag:s5] =	ssyncset.done $0x0;
	s29 =	rddreg [dreg:$0x1e]  }
0x4e: {  	s20 =	rddreg [dreg:$0x8];
	[sflag:s5] =	ssyncadd.s32 $0xFFFFFB00;
	s18 =	sshrl.u32 s29, $0x3  }
0x4f: {  	[hbm:s20], [sflag:s0] =	dma.local [spmem:s18], $0x500  }
0x50: {  	_ =	swait.ge [sflag:s5], $0x500  }
0x51: {  	[sflag:s5] =	ssyncset.done $0x0;
	s31 =	rddreg [dreg:$0x1f]  }
0x52: {  	s20 =	rddreg [dreg:$0x9];
	[sflag:s5] =	ssyncadd.s32 $0xFFFFFB00;
	s18 =	sshrl.u32 s31, $0x3  }
0x53: {  	[hbm:s20], [sflag:s0] =	dma.local [spmem:s18], $0x500  }
0x54: {  	_ =	swait.ge [sflag:s5], $0x500  }
0x55: {  	s18 =	sld [smem:$0x7EF];
	_ =	sdelay $0x1  }
0x56: {  	[sflag:s5] =	ssyncset.done $0x0  }
0x57: {  	s20 =	rddreg [dreg:$0xa];
	[sflag:s5] =	ssyncadd.s32 $0xFFFFFB00;
	s1 =	sshrl.u32 s18, $0x3  }
0x58: {  	[hbm:s20], [sflag:s0] =	dma.local [spmem:s1], $0x500  }
0x59: {  	_ =	swait.ge [sflag:s5], $0x500  }
0x5a: {  	s18 =	sld [smem:$0x7F0];
	_ =	sdelay $0x1  }
0x5b: {  	[sflag:s5] =	ssyncset.done $0x0  }
0x5c: {  	s20 =	rddreg [dreg:$0xb];
	[sflag:s5] =	ssyncadd.s32 $0xFFFFFB00;
	s1 =	sshrl.u32 s18, $0x3  }
0x5d: {  	[hbm:s20], [sflag:s0] =	dma.local [spmem:s1], $0x500  }
0x5e: {  	_ =	swait.ge [sflag:s5], $0x500  }
0x5f: {  	s18 =	sld [smem:$0x7EE]  }
0x60: {  	s20 =	sld [smem:$0x7F1];
	_ =	sdelay $0x1  }
0x61: {  	s1 =	sadd.s32 $0x1, s18  }
0x62: {  	p0 =	sne.s32 s1, s20  }
.Ltmp1:
0x63: {  	_ = 	snop;
	(pc) =	sbr.rel @!p0 .LBB2_8-.Ltmp1, $3  }
0x64: {  	_ =	sdelay $0x1  }
0x65: {  	[sflag:s5] =	ssyncset.done $0x0  }
0x66: {  	[sflag:s5] =	ssyncadd.s32 $0xFFFFFB00  }
.LBB2_1:
0x67: {  	[smem:$0x7EE] =	sst s1  }
0x68: {  	s0 =	rddreg [dreg:$0x14];
	s3 =	simm.s32 $0xA000  }
0x69: {  	[tilespmem:s3], [sflag:$0x5] =	stream.linear.gather [hbm4b:s0+s4], $0x50, $0x38;
	[tilespmem:$0x1E800] =	vst v63  }
0x6a: {  	s18 =	rddreg [dreg:$0x15];
	s20 =	simm.s32 $0xA400  }
0x6b: {  	[tilespmem:s20], [sflag:$0x5] =	stream.linear.gather [hbm4b:s18+s4], $0x50, $0x38;
	[tilespmem:$0x1E800] =	vst v63  }
0x6c: {  	s1 =	rddreg [dreg:$0xc];
	s3 =	simm.s32 $0xA080  }
0x6d: {  	[tilespmem:s3], [sflag:$0x6] =	stream.linear.gather [hbm4b:s1+s4], $0x50, $0x38;
	[tilespmem:$0x1E800] =	vst v63  }
0x6e: {  	s18 =	rddreg [dreg:$0xd];
	s20 =	simm.s32 $0xA480  }
0x6f: {  	[tilespmem:s20], [sflag:$0x6] =	stream.linear.gather [hbm4b:s18+s4], $0x50, $0x38;
	[tilespmem:$0x1E800] =	vst v63  }
0x70: {  	s1 =	rddreg [dreg:$0xe];
	s3 =	simm.s32 $0xA100  }
0x71: {  	[tilespmem:s3], [sflag:$0x7] =	stream.linear.gather [hbm4b:s1+s4], $0x50, $0x38;
	[tilespmem:$0x1E800] =	vst v63  }
0x72: {  	s18 =	rddreg [dreg:$0xf];
	s20 =	simm.s32 $0xA500  }
0x73: {  	[tilespmem:s20], [sflag:$0x7] =	stream.linear.gather [hbm4b:s18+s4], $0x50, $0x38;
	[tilespmem:$0x1E800] =	vst v63  }
0x74: {  	s1 =	rddreg [dreg:$0x10];
	s3 =	simm.s32 $0xA180  }
0x75: {  	[tilespmem:s3], [sflag:$0x8] =	stream.linear.gather [hbm4b:s1+s4], $0x50, $0x38;
	[tilespmem:$0x1E800] =	vst v63  }
0x76: {  	s18 =	rddreg [dreg:$0x11];
	s20 =	simm.s32 $0xA580  }
0x77: {  	[tilespmem:s20], [sflag:$0x8] =	stream.linear.gather [hbm4b:s18+s4], $0x50, $0x38;
	[tilespmem:$0x1E800] =	vst v63  }
0x78: {  	s1 =	rddreg [dreg:$0x12];
	s3 =	simm.s32 $0xA200  }
0x79: {  	[tilespmem:s3], [sflag:$0x9] =	stream.linear.gather [hbm4b:s1+s4], $0x50, $0x38;
	[tilespmem:$0x1E800] =	vst v63  }
0x7a: {  	s18 =	rddreg [dreg:$0x13];
	s20 =	simm.s32 $0xA600  }
0x7b: {  	[tilespmem:s20], [sflag:$0x9] =	stream.linear.gather [hbm4b:s18+s4], $0x50, $0x38;
	[tilespmem:$0x1E800] =	vst v63  }
0x7c: {  	s1 =	rddreg [dreg:$0x16];
	s3 =	simm.s32 $0xA280  }
0x7d: {  	[tilespmem:s3], [sflag:$0xA] =	stream.linear.gather [hbm4b:s1+s4], $0x50, $0x38;
	[tilespmem:$0x1E800] =	vst v63  }
0x7e: {  	s18 =	rddreg [dreg:$0x17];
	s20 =	simm.s32 $0xA680  }
0x7f: {  	[tilespmem:s20], [sflag:$0xA] =	stream.linear.gather [hbm4b:s18+s4], $0x50, $0x38;
	[tilespmem:$0x1E800] =	vst v63  }
0x80: {  	s0 =	simm.s32 $0x0;
	s1 =	rddreg [dreg:$0x18];
	s3 =	simm.s32 $0xA300  }
0x81: {  	[tilespmem:s3], [sflag:$0xB] =	stream.linear.gather [hbm4b:s1+s4], $0x50, $0x38;
	[tilespmem:$0x1E800] =	vst v63  }
0x82: {  	s18 =	rddreg [dreg:$0x19];
	s20 =	simm.s32 $0xA700;
	s1 =	simm.s32 $0x200  }
0x83: {  	[tilespmem:s20], [sflag:$0xB] =	stream.linear.gather [hbm4b:s18+s4], $0x50, $0x38;
	[tilespmem:$0x1E800] =	vst v63  }
.LBB2_2:
0x84: {  	p0 =	sne.s32 s1, $0x9E00;
	[tilespmem:s0+$0x7870] =	vst v0  }
0x85: {  	[tilespmem:s0+$0x7800] =	vst v0  }
0x86: {  	[tilespmem:s0+$0x7810] =	vst v0  }
.Ltmp2:
0x87: {  	[tilespmem:s0+$0x7820] =	vst v0;
	(pc) =	sbr.rel @p0 .LBB2_2-.Ltmp2, $4  }
0x88: {  	[tilespmem:s0+$0x7830] =	vst v0  }
0x89: {  	[tilespmem:s0+$0x7840] =	vst v0  }
0x8a: {  	[tilespmem:s0+$0x7850] =	vst v0  }
0x8b: {  	[tilespmem:s0+$0x7860] =	vst v0;
	s0 =	sshra.s32 s1, $0x2;
	s1 =	sadd.s32 $0x200, s1  }
0x8c: {  	[tilespmem:s0+$0x7870] =	vst v0  }
0x8d: {  	[tilespmem:s0+$0x7800] =	vst v0  }
0x8e: {  	[tilespmem:s0+$0x7810] =	vst v0  }
0x8f: {  	[tilespmem:s0+$0x7820] =	vst v0  }
0x90: {  	[tilespmem:s0+$0x7830] =	vst v0  }
0x91: {  	[tilespmem:s0+$0x7840] =	vst v0  }
0x92: {  	[tilespmem:s0+$0x7850] =	vst v0  }
0x93: {  	[tilespmem:s0+$0x7860] =	vst v0  }
0x94: {  	[spmem:s6] =	stream.linear.scatter [tilespmem:s9], [sflag:$0xD], $0x2800, $0x38;
	[tilespmem:$0x1E800] =	vst v63  }
0x95: {  	_ =	swait.ge [sflag:s5], $0x2800  }
0x96: {  	[sflag:s5] =	ssyncset.done $0x0  }
0x97: {  	[sflag:s5] =	ssyncadd.s32 $0xFFFFD800  }
0x98: {  	[spmem:s7] =	stream.linear.scatter [tilespmem:s9], [sflag:$0xD], $0x2800, $0x38;
	[tilespmem:$0x1E800] =	vst v63  }
0x99: {  	_ =	swait.ge [sflag:s5], $0x2800  }
0x9a: {  	[sflag:s5] =	ssyncset.done $0x0  }
0x9b: {  	[sflag:s5] =	ssyncadd.s32 $0xFFFFD800  }
0x9c: {  	[spmem:s19] =	stream.linear.scatter [tilespmem:s9], [sflag:$0xD], $0x2800, $0x38;
	[tilespmem:$0x1E800] =	vst v63  }
0x9d: {  	_ =	swait.ge [sflag:s5], $0x2800  }
0x9e: {  	[sflag:s5] =	ssyncset.done $0x0  }
0x9f: {  	[sflag:s5] =	ssyncadd.s32 $0xFFFFD800  }
0xa0: {  	[spmem:s21] =	stream.linear.scatter [tilespmem:s9], [sflag:$0xD], $0x2800, $0x38;
	[tilespmem:$0x1E800] =	vst v63  }
0xa1: {  	_ =	swait.ge [sflag:s5], $0x2800  }
0xa2: {  	[sflag:s5] =	ssyncset.done $0x0  }
0xa3: {  	[sflag:s5] =	ssyncadd.s32 $0xFFFFD800  }
0xa4: {  	[spmem:s29] =	stream.linear.scatter [tilespmem:s9], [sflag:$0xD], $0x2800, $0x38;
	[tilespmem:$0x1E800] =	vst v63  }
0xa5: {  	_ =	swait.ge [sflag:s5], $0x2800  }
0xa6: {  	[sflag:s5] =	ssyncset.done $0x0  }
0xa7: {  	[sflag:s5] =	ssyncadd.s32 $0xFFFFD800  }
0xa8: {  	[spmem:s31] =	stream.linear.scatter [tilespmem:s9], [sflag:$0xD], $0x2800, $0x38;
	[tilespmem:$0x1E800] =	vst v63  }
0xa9: {  	_ =	swait.ge [sflag:s5], $0x2800  }
0xaa: {  	s19 =	sld [smem:$0x7EF]  }
0xab: {  	[sflag:s5] =	ssyncset.done $0x0  }
0xac: {  	[sflag:s5] =	ssyncadd.s32 $0xFFFFD800  }
0xad: {  	[spmem:s19] =	stream.linear.scatter [tilespmem:s9], [sflag:$0xD], $0x2800, $0x38;
	[tilespmem:$0x1E800] =	vst v63  }
0xae: {  	_ =	swait.ge [sflag:s5], $0x2800  }
0xaf: {  	s20 =	sld [smem:$0x7F0]  }
0xb0: {  	[sflag:s5] =	ssyncset.done $0x0  }
0xb1: {  	[sflag:s5] =	ssyncadd.s32 $0xFFFFD800  }
0xb2: {  	[spmem:s20] =	stream.linear.scatter [tilespmem:s9], [sflag:$0xD], $0x2800, $0x38;
	[tilespmem:$0x1E800] =	vst v63  }
0xb3: {  	_ =	swait.ge [sflag:s5], $0x2800  }
0xb4: {  	[sflag:s5] =	ssyncset.done $0x0  }
0xb5: {  	[sflag:s5] =	ssyncadd.s32 $0xFFFFD800  }
0xb6: {  	[bflag:$0x0] =	sbarrier.arrive $0xFFFF  }
0xb7: {  	_ =	swait.ge [sflag:s8], $0x50  }
0xb8: {  	[sflag:s8] =	ssyncset.done $0x0  }
0xb9: {  	[sflag:s8] =	ssyncadd.s32 $0xFFFFFFB0  }
0xba: {  	_ =	swait.ge [sflag:s8], $0x50  }
0xbb: {  	[sflag:s8] =	ssyncset.done $0x0  }
0xbc: {  	s21 =	simm.s32 $0xA000;
	s31 =	simm.s32 $0x0;
	[sflag:s8] =	ssyncadd.s32 $0xFFFFFFB0  }
0xbd: {  	[tilespmem:s31], [sflag:$0x1] =	stream.indirect.gather [hbm4b:s14+s28], $0x80, s21, s28, $0xb8;
	[tilespmem:$0x1E800] =	vst v63  }
0xbe: {  	_ =	swait.ge [sflag:s10], $0x50  }
0xbf: {  	[sflag:s10] =	ssyncset.done $0x0  }
0xc0: {  	[sflag:s10] =	ssyncadd.s32 $0xFFFFFFB0  }
0xc1: {  	_ =	swait.ge [sflag:s10], $0x50  }
0xc2: {  	[sflag:s10] =	ssyncset.done $0x0  }
0xc3: {  	s0 =	simm.s32 $0x7;
	s29 =	simm.s32 $0xA080;
	[sflag:s10] =	ssyncadd.s32 $0xFFFFFFB0  }
0xc4: {  	[tilespmem:s30], [sflag:$0x2] =	stream.indirect.gather [hbm4b:s14+s28], $0x80, s29, s28, $0xb8;
	[tilespmem:$0x1E800] =	vst v63  }
0xc5: {  	_ =	swait.ge [sflag:s0], $0x50  }
0xc6: {  	[sflag:s0] =	ssyncset.done $0x0  }
0xc7: {  	[sflag:s0] =	ssyncadd.s32 $0xFFFFFFB0  }
.Ltmp3:
0xc8: {  	_ =	swait.ge [sflag:s0], $0x50;
	(pc) =	sbr.rel .LBB2_4-.Ltmp3, $4  }
0xc9: {  	[sflag:s0] =	ssyncset.done $0x0  }
0xca: {  	s1 =	simm.s32 $0xA100;
	s3 =	simm.s32 $0x5000;
	[sflag:s0] =	ssyncadd.s32 $0xFFFFFFB0  }
0xcb: {  	[tilespmem:s3], [sflag:$0x3] =	stream.indirect.gather [hbm4b:s14+s28], $0x80, s1, s28, $0xb8;
	[tilespmem:$0x1E800] =	vst v63  }
0xcc: {  	s7 =	simm.s32 $0x0;
	s1 =	sld [smem:$0x7FD]  }
.LBB2_6:
0xcd: {  	s6 =	simm.s32 @!p0 $0x4  }
0xce: {  	_ =	swait.ge @!p0 [sflag:s6], $0x2800  }
0xcf: {  	[sflag:s6] =	ssyncset.done @!p0 $0x0  }
0xd0: {  	[sflag:s6] =	ssyncadd.s32 @!p0 $0xFFFFD800  }
0xd1: {  	[spmem:s2] =	stream.indirect.scatter.add.f32 @!p0 [tilespmem:s5], [sflag:$0xD], $0x80, s3, s29, $0xb8;
	[tilespmem:$0x1E800] =	vst v63  }
0xd2: {  	s3 =	simm.s32 @!p0 $0xD  }
0xd3: {  	_ =	swait.ge @!p0 [sflag:s3], $0x2800  }
0xd4: {  	s31 =	sadd.s32 $0x50, s31;
	[sflag:s3] =	ssyncset.done @!p0 $0x0  }
0xd5: {  	[sflag:s3] =	ssyncadd.s32 @!p0 $0xFFFFD800;
	p0 =	sne.s32 s31, $0x500  }
.Ltmp4:
0xd6: {  	_ = 	snop;
	(pc) =	sbr.rel @!p0 .LBB2_7-.Ltmp4, $2  }
0xd7: {  	_ =	sdelay $0x2  }
0xd8: {  	s7 =	sadd.s32 $0x1, s7;
	s0 =	sadd.s32 $0x8, s0;
	s1 =	sadd.s32 $0x280, s1  }
.LBB2_4:
0xd9: {  	p0 =	sgt.u32 s0, $0x7C  }
0xda: {  	s3 =	sadd.s32 @!p0 s31, s26;
	s5 =	simm.s32 @!p0 $0x0;
	s6 =	simm.s32 @!p0 $0xA380  }
0xdb: {  	[tilespmem:s6], [sflag:$0xC] =	stream.linear.gather @!p0 [hbm4b:s3+s5], $0x50, $0x38;
	[tilespmem:$0x1E800] =	vst v63  }
0xdc: {  	s29 =	sadd.s32 @!p0 s31, s25;
	s3 =	simm.s32 @!p0 $0xA780  }
0xdd: {  	[tilespmem:s3], [sflag:$0xC] =	stream.linear.gather @!p0 [hbm4b:s29+s5], $0x50, $0x38;
	[tilespmem:$0x1E800] =	vst v63  }
0xde: {  	_ =	swait.ge [sflag:s11], $0x50  }
0xdf: {  	[sflag:s11] =	ssyncset.done $0x0  }
0xe0: {  	[sflag:s11] =	ssyncadd.s32 $0xFFFFFFB0  }
0xe1: {  	_ =	swait.ge [sflag:s11], $0x50  }
0xe2: {  	[sflag:s11] =	ssyncset.done $0x0  }
0xe3: {  	s20 =	simm.s32 $0xA180;
	[sflag:s11] =	ssyncadd.s32 $0xFFFFFFB0  }
0xe4: {  	[tilespmem:s9], [sflag:$0x4] =	stream.indirect.gather [hbm4b:s14+s28], $0x80, s20, s28, $0xb8;
	[tilespmem:$0x1E800] =	vst v63  }
0xe5: {  	_ =	swait.ge [sflag:s12], $0x2800  }
0xe6: {  	[sflag:s12] =	ssyncset.done $0x0  }
0xe7: {  	s21 =	simm.s32 $0xA400;
	[sflag:s12] =	ssyncadd.s32 $0xFFFFD800  }
0xe8: {  	[spmem:s2] =	stream.indirect.scatter.add.f32 [tilespmem:s4], [sflag:$0xE], $0x80, s21, s28, $0xb8;
	[tilespmem:$0x1E800] =	vst v63  }
0xe9: {  	p1 =	seq.s32 s31, $0x4B0;
	_ =	swait.ge [sflag:s13], $0x2800  }
0xea: {  	s19 =	simm.s32 @!p1 $0xA000;
	s5 =	sshrl.u32 @!p1 s1, $0x3;
	[sflag:s13] =	ssyncset.done $0x0  }
0xeb: {  	s29 =	simm.s32 @!p1 $0x0;
	s18 =	sadd.s32 @!p1 s22, s5;
	[sflag:s13] =	ssyncadd.s32 $0xFFFFD800  }
0xec: {  	[tilespmem:s19], [sflag:$0x5] =	stream.linear.gather @!p1 [hbm4b:s18+s29], $0x50, $0x38;
	[tilespmem:$0x1E800] =	vst v63  }
0xed: {  	s18 =	rddreg [dreg:$0x1]  }
0xee: {  	s5 =	sadd.s32 @!p1 s18, s5;
	s18 =	simm.s32 @!p1 $0xA400  }
0xef: {  	[tilespmem:s18], [sflag:$0x5] =	stream.linear.gather @!p1 [hbm4b:s5+s29], $0x50, $0x38;
	[tilespmem:$0x1E800] =	vst v63  }
0xf0: {  	_ =	swait.ge [sflag:s15], $0x50  }
0xf1: {  	[sflag:s15] =	ssyncset.done $0x0  }
0xf2: {  	[sflag:s15] =	ssyncadd.s32 $0xFFFFFFB0  }
0xf3: {  	_ =	swait.ge [sflag:s15], $0x50  }
0xf4: {  	[sflag:s15] =	ssyncset.done $0x0  }
0xf5: {  	s18 =	simm.s32 $0xA200;
	[sflag:s15] =	ssyncadd.s32 $0xFFFFFFB0  }
0xf6: {  	[tilespmem:s4], [sflag:$0x1] =	stream.indirect.gather [hbm4b:s14+s28], $0x80, s18, s28, $0xb8;
	[tilespmem:$0x1E800] =	vst v63  }
0xf7: {  	_ =	swait.ge [sflag:s16], $0x2800  }
0xf8: {  	[sflag:s16] =	ssyncset.done $0x0  }
0xf9: {  	s19 =	simm.s32 $0xA480;
	[sflag:s16] =	ssyncadd.s32 $0xFFFFD800  }
0xfa: {  	[spmem:s2] =	stream.indirect.scatter.add.f32 [tilespmem:s30], [sflag:$0xE], $0x80, s19, s28, $0xb8;
	[tilespmem:$0x1E800] =	vst v63  }
0xfb: {  	_ =	swait.ge [sflag:s13], $0x2800  }
0xfc: {  	[sflag:s13] =	ssyncset.done $0x0  }
0xfd: {  	s5 =	simm.s32 @p1 $0x3;
	[sflag:s13] =	ssyncadd.s32 $0xFFFFD800  }
0xfe: {  	_ =	swait.ge @p1 [sflag:s5], $0x2800  }
0xff: {  	s18 =	simm.s32 @p1 $0xA500;
	[sflag:s5] =	ssyncset.done @p1 $0x0  }
0x100: {  	s19 =	simm.s32 @p1 $0x5000;
	[sflag:s5] =	ssyncadd.s32 @p1 $0xFFFFD800;
	s5 =	simm.s32 @p1 $0x50  }
0x101: {  	[spmem:s2] =	stream.indirect.scatter.add.f32 @p1 [tilespmem:s19], [sflag:$0xE], $0x80, s18, s5, $0xb8;
	[tilespmem:$0x1E800] =	vst v63  }
0x102: {  	s5 =	simm.s32 @p1 $0xE  }
0x103: {  	_ =	swait.ge @p1 [sflag:s5], $0x2800  }
0x104: {  	[sflag:s5] =	ssyncset.done @p1 $0x0  }
0x105: {  	s18 =	simm.s32 @!p1 $0xA080;
	[sflag:s5] =	ssyncadd.s32 @p1 $0xFFFFD800;
	s5 =	sadd.s32 @!p1 s31, s23  }
0x106: {  	[tilespmem:s18], [sflag:$0x6] =	stream.linear.gather @!p1 [hbm4b:s5+s29], $0x50, $0x38;
	[tilespmem:$0x1E800] =	vst v63  }
0x107: {  	s5 =	sld [smem:$0x7FC];
	_ =	sdelay $0x2  }
0x108: {  	s18 =	simm.s32 @!p1 $0xA480;
	s5 =	sadd.s32 @!p1 s31, s5  }
0x109: {  	[tilespmem:s18], [sflag:$0x6] =	stream.linear.gather @!p1 [hbm4b:s5+s29], $0x50, $0x38;
	[tilespmem:$0x1E800] =	vst v63  }
0x10a: {  	s5 =	simm.s32 @!p1 $0xA  }
0x10b: {  	_ =	swait.ge @!p1 [sflag:s5], $0x50  }
0x10c: {  	[sflag:s5] =	ssyncset.done @!p1 $0x0  }
0x10d: {  	[sflag:s5] =	ssyncadd.s32 @!p1 $0xFFFFFFB0  }
0x10e: {  	_ =	swait.ge @!p1 [sflag:s5], $0x50  }
0x10f: {  	s19 =	simm.s32 @!p1 $0x2800;
	[sflag:s5] =	ssyncset.done @!p1 $0x0  }
0x110: {  	s18 =	simm.s32 @!p1 $0xA280;
	[sflag:s5] =	ssyncadd.s32 @!p1 $0xFFFFFFB0;
	s5 =	simm.s32 @!p1 $0x50  }
0x111: {  	[tilespmem:s19], [sflag:$0x2] =	stream.indirect.gather @!p1 [hbm4b:s14+s5], $0x80, s18, s5, $0xb8;
	[tilespmem:$0x1E800] =	vst v63  }
0x112: {  	s18 =	simm.s32 @!p1 $0x3  }
0x113: {  	_ =	swait.ge @!p1 [sflag:s18], $0x2800  }
0x114: {  	s20 =	simm.s32 @!p1 $0xE;
	[sflag:s18] =	ssyncset.done @!p1 $0x0  }
0x115: {  	s19 =	simm.s32 @!p1 $0x5000;
	[sflag:s18] =	ssyncadd.s32 @!p1 $0xFFFFD800;
	s18 =	simm.s32 @!p1 $0xA500  }
0x116: {  	[spmem:s2] =	stream.indirect.scatter.add.f32 @!p1 [tilespmem:s19], [sflag:$0xE], $0x80, s18, s5, $0xb8;
	[tilespmem:$0x1E800] =	vst v63  }
0x117: {  	_ =	swait.ge @!p1 [sflag:s20], $0x2800  }
0x118: {  	[sflag:s20] =	ssyncset.done @!p1 $0x0  }
0x119: {  	[sflag:s20] =	ssyncadd.s32 @!p1 $0xFFFFD800;
	s20 =	sld [smem:$0x7FB];
	_ =	sdelay $0x2  }
0x11a: {  	s21 =	simm.s32 @!p1 $0xA100;
	s20 =	sadd.s32 @!p1 s31, s20  }
0x11b: {  	[tilespmem:s21], [sflag:$0x7] =	stream.linear.gather @!p1 [hbm4b:s20+s29], $0x50, $0x38;
	[tilespmem:$0x1E800] =	vst v63  }
0x11c: {  	s20 =	sld [smem:$0x7FA];
	_ =	sdelay $0x2  }
0x11d: {  	s20 =	sadd.s32 @!p1 s31, s20  }
0x11e: {  	[tilespmem:s18], [sflag:$0x7] =	stream.linear.gather @!p1 [hbm4b:s20+s29], $0x50, $0x38;
	[tilespmem:$0x1E800] =	vst v63  }
0x11f: {  	s18 =	simm.s32 @!p1 $0xB  }
0x120: {  	_ =	swait.ge @!p1 [sflag:s18], $0x50  }
0x121: {  	[sflag:s18] =	ssyncset.done @!p1 $0x0  }
0x122: {  	[sflag:s18] =	ssyncadd.s32 @!p1 $0xFFFFFFB0  }
0x123: {  	_ =	swait.ge @!p1 [sflag:s18], $0x50  }
0x124: {  	[sflag:s18] =	ssyncset.done @!p1 $0x0  }
0x125: {  	[sflag:s18] =	ssyncadd.s32 @!p1 $0xFFFFFFB0;
	s18 =	simm.s32 @!p1 $0xA300  }
0x126: {  	[tilespmem:s19], [sflag:$0x3] =	stream.indirect.gather @!p1 [hbm4b:s14+s5], $0x80, s18, s5, $0xb8;
	[tilespmem:$0x1E800] =	vst v63  }
0x127: {  	_ =	swait.ge [sflag:s17], $0x2800  }
0x128: {  	[sflag:s17] =	ssyncset.done $0x0  }
0x129: {  	s20 =	simm.s32 $0xA580;
	[sflag:s17] =	ssyncadd.s32 $0xFFFFD800  }
0x12a: {  	[spmem:s2] =	stream.indirect.scatter.add.f32 [tilespmem:s9], [sflag:$0xE], $0x80, s20, s28, $0xb8;
	[tilespmem:$0x1E800] =	vst v63  }
0x12b: {  	_ =	swait.ge [sflag:s13], $0x2800  }
0x12c: {  	s5 =	sld [smem:$0x7F9];
	_ =	sdelay $0x1  }
0x12d: {  	[sflag:s13] =	ssyncset.done $0x0  }
0x12e: {  	s18 =	simm.s32 @!p1 $0xA180;
	[sflag:s13] =	ssyncadd.s32 $0xFFFFD800;
	s5 =	sadd.s32 @!p1 s31, s5  }
0x12f: {  	[tilespmem:s18], [sflag:$0x8] =	stream.linear.gather @!p1 [hbm4b:s5+s29], $0x50, $0x38;
	[tilespmem:$0x1E800] =	vst v63  }
0x130: {  	s5 =	sld [smem:$0x7F8];
	_ =	sdelay $0x2  }
0x131: {  	s18 =	simm.s32 @!p1 $0xA580;
	s5 =	sadd.s32 @!p1 s31, s5  }
0x132: {  	[tilespmem:s18], [sflag:$0x8] =	stream.linear.gather @!p1 [hbm4b:s5+s29], $0x50, $0x38;
	[tilespmem:$0x1E800] =	vst v63  }
0x133: {  	s5 =	simm.s32 @!p0 $0xC  }
0x134: {  	_ =	swait.ge @!p0 [sflag:s5], $0x50  }
0x135: {  	[sflag:s5] =	ssyncset.done @!p0 $0x0  }
0x136: {  	[sflag:s5] =	ssyncadd.s32 @!p0 $0xFFFFFFB0  }
0x137: {  	_ =	swait.ge @!p0 [sflag:s5], $0x50  }
0x138: {  	[sflag:s5] =	ssyncset.done @!p0 $0x0  }
0x139: {  	s29 =	simm.s32 @!p0 $0x50;
	[sflag:s5] =	ssyncadd.s32 @!p0 $0xFFFFFFB0;
	s5 =	simm.s32 @!p0 $0x7800  }
0x13a: {  	[tilespmem:s5], [sflag:$0x4] =	stream.indirect.gather @!p0 [hbm4b:s14+s29], $0x80, s6, s29, $0xb8;
	[tilespmem:$0x1E800] =	vst v63  }
0x13b: {  	_ =	swait.ge [sflag:s12], $0x2800  }
0x13c: {  	[sflag:s12] =	ssyncset.done $0x0  }
.Ltmp5:
0x13d: {  	s21 =	simm.s32 $0xA600;
	[sflag:s12] =	ssyncadd.s32 $0xFFFFD800;
	(pc) =	sbr.rel @p1 .LBB2_6-.Ltmp5, $4  }
0x13e: {  	[spmem:s2] =	stream.indirect.scatter.add.f32 [tilespmem:s4], [sflag:$0xE], $0x80, s21, s28, $0xb8;
	[tilespmem:$0x1E800] =	vst v63  }
0x13f: {  	_ =	swait.ge [sflag:s13], $0x2800  }
0x140: {  	[sflag:s13] =	ssyncset.done $0x0  }
0x141: {  	[sflag:s13] =	ssyncadd.s32 $0xFFFFD800  }
0x142: {  	s6 =	sld [smem:$0x7F7];
	_ =	sdelay $0x1  }
0x143: {  	s20 =	sld [smem:$0x7F6]  }
0x144: {  	s18 =	simm.s32 $0xA200;
	s6 =	sadd.s32 s31, s6  }
0x145: {  	[tilespmem:s18], [sflag:$0x9] =	stream.linear.gather [hbm4b:s6+s4], $0x50, $0x38;
	[tilespmem:$0x1E800] =	vst v63  }
0x146: {  	s21 =	simm.s32 $0xA600;
	s6 =	sadd.s32 s31, s20  }
0x147: {  	[tilespmem:s21], [sflag:$0x9] =	stream.linear.gather [hbm4b:s6+s4], $0x50, $0x38;
	[tilespmem:$0x1E800] =	vst v63  }
0x148: {  	_ =	swait.ge [sflag:s8], $0x50  }
0x149: {  	[sflag:s8] =	ssyncset.done $0x0  }
0x14a: {  	[sflag:s8] =	ssyncadd.s32 $0xFFFFFFB0  }
0x14b: {  	_ =	swait.ge [sflag:s8], $0x50  }
0x14c: {  	[sflag:s8] =	ssyncset.done $0x0  }
0x14d: {  	s18 =	simm.s32 $0xA000;
	[sflag:s8] =	ssyncadd.s32 $0xFFFFFFB0  }
0x14e: {  	[tilespmem:s4], [sflag:$0x1] =	stream.indirect.gather [hbm4b:s14+s28], $0x80, s18, s28, $0xb8;
	[tilespmem:$0x1E800] =	vst v63  }
0x14f: {  	_ =	swait.ge [sflag:s16], $0x2800  }
0x150: {  	[sflag:s16] =	ssyncset.done $0x0  }
0x151: {  	s19 =	simm.s32 $0xA680;
	[sflag:s16] =	ssyncadd.s32 $0xFFFFD800  }
0x152: {  	[spmem:s2] =	stream.indirect.scatter.add.f32 [tilespmem:s30], [sflag:$0xE], $0x80, s19, s28, $0xb8;
	[tilespmem:$0x1E800] =	vst v63  }
0x153: {  	_ =	swait.ge [sflag:s13], $0x2800  }
0x154: {  	s6 =	sld [smem:$0x7F5]  }
0x155: {  	p1 =	sgt.u32 s7, $0xD  }
0x156: {  	s18 =	simm.s32 @!p1 $0x0;
	[sflag:s13] =	ssyncset.done $0x0  }
0x157: {  	s19 =	simm.s32 @!p1 $0xA280;
	[sflag:s13] =	ssyncadd.s32 $0xFFFFD800;
	s6 =	sadd.s32 @!p1 s31, s6  }
0x158: {  	[tilespmem:s19], [sflag:$0xA] =	stream.linear.gather @!p1 [hbm4b:s6+s18], $0x50, $0x38;
	[tilespmem:$0x1E800] =	vst v63  }
0x159: {  	s6 =	sld [smem:$0x7F4];
	_ =	sdelay $0x2  }
0x15a: {  	s19 =	simm.s32 @!p1 $0xA680;
	s6 =	sadd.s32 @!p1 s31, s6  }
0x15b: {  	[tilespmem:s19], [sflag:$0xA] =	stream.linear.gather @!p1 [hbm4b:s6+s18], $0x50, $0x38;
	[tilespmem:$0x1E800] =	vst v63  }
0x15c: {  	_ =	swait.ge [sflag:s10], $0x50  }
0x15d: {  	[sflag:s10] =	ssyncset.done $0x0  }
0x15e: {  	[sflag:s10] =	ssyncadd.s32 $0xFFFFFFB0  }
0x15f: {  	_ =	swait.ge [sflag:s10], $0x50  }
0x160: {  	[sflag:s10] =	ssyncset.done $0x0  }
0x161: {  	s20 =	simm.s32 $0xA080;
	s21 =	simm.s32 $0x3;
	[sflag:s10] =	ssyncadd.s32 $0xFFFFFFB0  }
0x162: {  	[tilespmem:s30], [sflag:$0x2] =	stream.indirect.gather [hbm4b:s14+s28], $0x80, s20, s28, $0xb8;
	[tilespmem:$0x1E800] =	vst v63  }
0x163: {  	_ =	swait.ge [sflag:s21], $0x2800  }
0x164: {  	[sflag:s21] =	ssyncset.done $0x0  }
0x165: {  	s19 =	simm.s32 $0xA700;
	s20 =	simm.s32 $0x5000;
	[sflag:s21] =	ssyncadd.s32 $0xFFFFD800  }
0x166: {  	[spmem:s2] =	stream.indirect.scatter.add.f32 [tilespmem:s20], [sflag:$0xE], $0x80, s19, s28, $0xb8;
	[tilespmem:$0x1E800] =	vst v63  }
0x167: {  	_ =	swait.ge [sflag:s13], $0x2800  }
0x168: {  	s6 =	sld [smem:$0x7F3];
	_ =	sdelay $0x1  }
0x169: {  	[sflag:s13] =	ssyncset.done $0x0  }
0x16a: {  	s19 =	simm.s32 @!p1 $0xA300;
	[sflag:s13] =	ssyncadd.s32 $0xFFFFD800;
	s6 =	sadd.s32 @!p1 s31, s6  }
0x16b: {  	[tilespmem:s19], [sflag:$0xB] =	stream.linear.gather @!p1 [hbm4b:s6+s18], $0x50, $0x38;
	[tilespmem:$0x1E800] =	vst v63  }
0x16c: {  	s6 =	sld [smem:$0x7F2];
	_ =	sdelay $0x2  }
0x16d: {  	s19 =	simm.s32 @!p1 $0xA700;
	s6 =	sadd.s32 @!p1 s31, s6  }
0x16e: {  	[tilespmem:s19], [sflag:$0xB] =	stream.linear.gather @!p1 [hbm4b:s6+s18], $0x50, $0x38;
	[tilespmem:$0x1E800] =	vst v63  }
0x16f: {  	_ =	swait.ge [sflag:s24], $0x50  }
0x170: {  	[sflag:s24] =	ssyncset.done $0x0  }
.Ltmp6:
0x171: {  	[sflag:s24] =	ssyncadd.s32 $0xFFFFFFB0;
	(pc) =	sbr.rel .LBB2_6-.Ltmp6, $4  }
0x172: {  	_ =	swait.ge [sflag:s24], $0x50  }
0x173: {  	[sflag:s24] =	ssyncset.done $0x0  }
0x174: {  	s21 =	simm.s32 $0xA100;
	[sflag:s24] =	ssyncadd.s32 $0xFFFFFFB0  }
0x175: {  	[tilespmem:s20], [sflag:$0x3] =	stream.indirect.gather [hbm4b:s14+s28], $0x80, s21, s28, $0xb8;
	[tilespmem:$0x1E800] =	vst v63  }
.LBB2_8:
0x176: {  	_ =	sfence.sel $0x180000  }
0x177: {  	[bflag:$0x0] =	sbarrier.arrive $0xFFFF  }
0x178: {  	_ =	strace $0x9000004D  }
0x179: {  	s0 =	stileid.u32;
	[bflag:$0x2] =	sbarrier.arrive $0xFFFF  }
0x17a: {  	p0 =	sne.s32 s0, $0x0;
	s0 =	rddreg [dreg:$0x3]  }
0x17b: {  	s0 =	sadd.s32 @!p0 $0x100000, s0  }
0x17c: {  	[sflag:s0] =	ssyncadd.tile.s32 @!p0 $0x1;
	_ =	shalt  }
.Lfunc_end2:
_tile_overlayer_lowered:
.L_overlay_start_2:
0x17d: {  	(tag) =	ssettag $0x2  }
0x17e: {  	s0 =	rddreg [dreg:$0x0];
	s2 =	stileid.u32  }
0x17f: {  	s1 =	rddreg [dreg:$0x1];
	p0 =	sne.s32 s2, $0x0  }
0x180: {  	s3 =	rddreg [dreg:$0x2];
	[bflag:$0x3] =	sbarrier.arrive $0xFFFF;
	s2 =	simm.s32 @!p0 $0x1C0D  }
0x181: {  	[timem:s3], [sflag:s2] =	dma.local @!p0 [hbm:s0], s1  }
0x182: {  	s0 =	simm.s32 @!p0 $0xD  }
0x183: {  	_ =	swait.ge @!p0 [sflag:s0], s1  }
0x184: {  	s1 =	ssub.s32 @!p0 $0x0, s1;
	[sflag:s0] =	ssyncset.done @!p0 $0x0  }
0x185: {  	[sflag:s0] =	ssyncadd.s32 @!p0 s1  }
0x186: {  	[bflag:$0x3] =	sbarrier.arrive $0xFFFF  }
0x187: {  	_ =	shalt  }

// kernel: kernel.8.cloned.1.call-start
scs
__scs_entry_jumppad:
0x0: {  	(pc) =	sbr.rel $0x88, $3  }
0x1: {  	(tag) =	ssettag $0x0;
	lr =	simm.s32 $0x1  }
0x2: {  	[smem:$0x3F9B] =	sst lr;
	_ =	strace $0xD0000000  }
0x3: {  	_ = 	snop  }
0x4: {  	_ = 	snop  }
0x5: {  	_ = 	snop  }
0x6: {  	_ = 	snop  }
0x7: {  	_ = 	snop  }
__scs_overlays_trampoline_lowered:
0x8: {  	[smem:$0x3FAA] =	sst s0  }
0x9: {  	[smem:$0x3FAB] =	sst s1  }
0xa: {  	[smem:$0x3FAC] =	sst s2  }
0xb: {  	[smem:$0x3FAD] =	sst s3  }
0xc: {  	[smem:$0x3FAE] =	sst s4  }
0xd: {  	[smem:$0x3FAF] =	sst s5  }
0xe: {  	[smem:$0x3FB0] =	sst s6  }
0xf: {  	[smem:$0x3FB1] =	sst s7  }
0x10: {  	[smem:$0x3FB2] =	sst s8  }
0x11: {  	[smem:$0x3FB3] =	sst s9;
	s0 =	simm.s32 @!p0 $0x0  }
0x12: {  	s1 =	sld [smem:$0x3F99];
	s0 =	simm.s32 @p0 $0x1  }
0x13: {  	[smem:$0x3FB4] =	sst s0;
	s0 =	simm.s32 @!p1 $0x0  }
0x14: {  	s2 =	sld [smem:$0x3F98];
	s0 =	simm.s32 @p1 $0x1  }
0x15: {  	[smem:$0x3FB5] =	sst s0;
	s0 =	simm.s32 @!p2 $0x0  }
0x16: {  	s3 =	sld [smem:$0x3FDB];
	s0 =	simm.s32 @p2 $0x1  }
0x17: {  	s4 =	simm.s32 $0x1BF5;
	[smem:$0x3FB7] =	sst s0  }
0x18: {  	s0 =	sld [smem:$0x3F9A];
	_ =	swait.ge [sflag:s4], $0x0  }
0x19: {  	s7 =	sld [smem:$0x3F9B]  }
0x1a: {  	s8 =	sadd.s32 $0xFFFFE003, lr  }
0x1b: {  	s9 =	sadd.s32 $0xFFFFFEF7, lr;
	s5 =	simm.s32 $0xFFFFFFFF;
	p2 =	slt.u32 s8, $0xFFFFF086  }
0x1c: {  	p1 =	slt.u32 s9, $0xF7A;
	s5 =	simm.s32 @!p2 $0x0  }
0x1d: {  	s5 =	simm.s32 @p1 $0x1;
	p0 =	seq.s32 s7, s2  }
0x1e: {  	s7 =	smul.u32 @!p0 $0xF7A, s2;
	p2 =	seq.s32 @!p0 s5, $0x0  }
0x1f: {  	s9 =	smul.u32 $0xF7A, s1;
	s8 =	simm.s32 @!p0 $0x1BF5;
	p2 =	por !p2, p0  }
0x20: {  	[sflag:s8] =	ssyncset.s32 @!p0 $0xFFFFF086;
	s6 =	sadd.s32 @!p0 s3, s7;
	s7 =	simm.s32 @!p0 $0x108  }
0x21: {  	s3 =	sadd.s32 s3, s9;
	s6 =	sadd.s32 @!p0 $0x88, s6;
	s7 =	simm.s32 @p2 $0x1082  }
0x22: {  	[simem:s7], [sflag:s8] =	dma.local @!p0 [hbm:s6], $0xF7A  }
0x23: {  	s9 =	sor.u32 $0xD0000000, s2;
	s6 =	simm.s32 $0x108;
	_ =	swait.ge @!p0 [sflag:s8], $0x0  }
0x24: {  	s3 =	sadd.s32 $0x88, s3;
	s6 =	simm.s32 @!p1 $0x1082;
	[sflag:s4] =	ssyncset.s32 $0xFFFFF086  }
0x25: {  	[simem:s6], [sflag:s4] =	dma.local [hbm:s3], $0xF7A  }
0x26: {  	[smem:$0x3F9B] =	sst s1;
	(tag) =	ssettag s2;
	_ =	strace s9  }
0x27: {  	s1 =	sld [smem:$0x3FAB]  }
0x28: {  	s2 =	sld [smem:$0x3FAC]  }
0x29: {  	s4 =	sld [smem:$0x3FAE]  }
0x2a: {  	p0 =	seq.s32 s5, $0x0;
	s5 =	sld [smem:$0x3FAF]  }
0x2b: {  	s6 =	sld [smem:$0x3FB0]  }
0x2c: {  	s7 =	sld [smem:$0x3FB1]  }
0x2d: {  	s3 =	simm.s32 $0x108;
	s8 =	sld [smem:$0x3FB2]  }
0x2e: {  	s3 =	simm.s32 @!p0 $0x1082;
	s9 =	sld [smem:$0x3FB3]  }
0x2f: {  	lr =	sadd.s32 s0, s3;
	s0 =	sld [smem:$0x3FAA]  }
0x30: {  	s3 =	sld [smem:$0x3FAD]  }
0x31: {  	[smem:$0x3FB6] =	sst s10  }
0x32: {  	s10 =	sld [smem:$0x3FB4];
	_ =	sdelay $0x3  }
0x33: {  	p0 =	seq.s32 s10, $0x1;
	s10 =	sld [smem:$0x3FB6];
	_ =	sdelay $0x3  }
0x34: {  	[smem:$0x3FB6] =	sst s10  }
0x35: {  	s10 =	sld [smem:$0x3FB5];
	_ =	sdelay $0x3  }
0x36: {  	p1 =	seq.s32 s10, $0x1;
	s10 =	sld [smem:$0x3FB6];
	_ =	sdelay $0x3  }
0x37: {  	[smem:$0x3FB6] =	sst s10  }
0x38: {  	s10 =	sld [smem:$0x3FB7]  }
0x39: {  	_ = 	snop;
	(pc) =	sbr.ind lr, $3  }
0x3a: {  	_ = 	snop  }
0x3b: {  	_ = 	snop  }
0x3c: {  	p2 =	seq.s32 s10, $0x1;
	s10 =	sld [smem:$0x3FB6]  }
0x3d: {  	_ =	shalt  }
0x3e: {  	_ =	shalt  }
0x3f: {  	_ =	shalt  }
0x40: {  	_ =	shalt  }
0x41: {  	_ =	shalt  }
0x42: {  	_ =	shalt  }
0x43: {  	_ =	shalt  }
0x44: {  	_ =	shalt  }
0x45: {  	_ =	shalt  }
0x46: {  	_ =	shalt  }
0x47: {  	_ =	shalt  }
0x48: {  	_ =	shalt  }
0x49: {  	_ =	shalt  }
0x4a: {  	_ =	shalt  }
0x4b: {  	_ =	shalt  }
0x4c: {  	_ =	shalt  }
0x4d: {  	_ =	shalt  }
0x4e: {  	_ =	shalt  }
0x4f: {  	_ =	shalt  }
0x50: {  	_ =	shalt  }
0x51: {  	_ =	shalt  }
0x52: {  	_ =	shalt  }
0x53: {  	_ =	shalt  }
0x54: {  	_ =	shalt  }
0x55: {  	_ =	shalt  }
0x56: {  	_ =	shalt  }
0x57: {  	_ =	shalt  }
0x58: {  	_ =	shalt  }
0x59: {  	_ =	shalt  }
0x5a: {  	_ =	shalt  }
0x5b: {  	_ =	shalt  }
0x5c: {  	_ =	shalt  }
0x5d: {  	_ =	shalt  }
0x5e: {  	_ =	shalt  }
0x5f: {  	_ =	shalt  }
0x60: {  	_ =	shalt  }
0x61: {  	_ =	shalt  }
0x62: {  	_ =	shalt  }
0x63: {  	_ =	shalt  }
0x64: {  	_ =	shalt  }
0x65: {  	_ =	shalt  }
0x66: {  	_ =	shalt  }
0x67: {  	_ =	shalt  }
0x68: {  	_ =	shalt  }
0x69: {  	_ =	shalt  }
0x6a: {  	_ =	shalt  }
0x6b: {  	_ =	shalt  }
0x6c: {  	_ =	shalt  }
0x6d: {  	_ =	shalt  }
0x6e: {  	_ =	shalt  }
0x6f: {  	_ =	shalt  }
0x70: {  	_ =	shalt  }
0x71: {  	_ =	shalt  }
0x72: {  	_ =	shalt  }
0x73: {  	_ =	shalt  }
0x74: {  	_ =	shalt  }
0x75: {  	_ =	shalt  }
0x76: {  	_ =	shalt  }
0x77: {  	_ =	shalt  }
0x78: {  	_ =	shalt  }
0x79: {  	_ =	shalt  }
0x7a: {  	_ =	shalt  }
0x7b: {  	_ =	shalt  }
0x7c: {  	_ =	shalt  }
0x7d: {  	_ =	shalt  }
0x7e: {  	_ =	shalt  }
0x7f: {  	_ =	shalt  }
0x80: {  	_ =	shalt  }
0x81: {  	_ =	shalt  }
0x82: {  	_ =	shalt  }
0x83: {  	_ =	shalt  }
0x84: {  	_ =	shalt  }
0x85: {  	_ =	shalt  }
0x86: {  	_ =	shalt  }
0x87: {  	_ =	shalt  }
.Lfunc_end0:
.L_simem_size_0:
called_computation_lowered:
.L_overlay_start_0:
0x88: {  	s2 =	sld [smem:$0x3FD9]  }
0x89: {  	s3 =	sld [smem:$0x3FFE];
	_ =	sdelay $0x1  }
0x8a: {  	s1 =	srdreg.scid  }
0x8b: {  	s0 =	sand.u32 $0x1, s1  }
0x8c: {  	s17 =	sshll.u32 s0, $0xA;
	s2 =	sadd.s32 s3, s2  }
0x8d: {  	s2 =	sadd.s32 s2, s17  }
0x8e: {  	[smem:$0x3FC2] =	sst s2  }
0x8f: {  	_ = 	snop  }
0x90: {  	s2 =	sld [smem:$0x3FD0];
	(tm) =	ssettm $0x1  }
0x91: {  	s18 =	sld [smem:$0x3FFB];
	_ =	sdelay $0x3  }
0x92: {  	_ =	strace s18  }
0x93: {  	s3 =	sld [smem:$0x3FFC];
	_ =	sdelay $0x3  }
0x94: {  	_ =	strace s3  }
0x95: {  	s3 =	sld [smem:$0x3FFD];
	_ =	sdelay $0x3  }
0x96: {  	_ =	strace s3  }
0x97: {  	_ =	strace $0x8FFFFFFF  }
0x98: {  	s19 =	sld [smem:$0x3FDB];
	_ =	sdelay $0x1  }
0x99: {  	s4 =	simm.s32 $_scs_section_size  }
0x9a: {  	s5 =	simm.s32 $_size__tile_overlayer_lowered;
	s6 =	simm.s32 $_tile_overlayer_lowered  }
0x9b: {  	s22 =	simm.s32 $0x1BFF;
	s21 =	sshll.u32 s6, $0x1;
	s3 =	sadd.s32 s4, s19  }
0x9c: {  	s7 =	simm.s32 $0x0;
	s20 =	sshll.u32 s5, $0x1;
	s5 =	sadd.s32 s21, s3  }
0x9d: {  	[timem:s7], [sflag:s22] =	dma.local [hbm:s5], s20  }
0x9e: {  	_ =	swait.ge [sflag:s22], s20  }
0x9f: {  	s4 =	ssub.s32 $0x0, s20;
	[sflag:s22] =	ssyncset.done $0x0  }
0xa0: {  	[sflag:s22] =	ssyncadd.s32 s4;
	_ =	sdelay $0x1  }
0xa1: {  	s23 =	simm.s32 $0x1B8B  }
0xa2: {  	_ =	swait.ge [sflag:s23], $0x1  }
0xa3: {  	[sflag:s23] =	ssyncset.done $0x0  }
0xa4: {  	s25 =	simm.s32 $0x1B8E;
	s24 =	sld [smem:$0x3FFE];
	[sflag:s23] =	ssyncadd.s32 $0xFFFFFFFF  }
0xa5: {  	s26 =	simm.s32 $execute0_lowered;
	[smem:$0x3FD2] =	sst s25  }
0xa6: {  	s5 =	sshll.u32 s26, $0x1;
	_ =	strace $0x80000046;
	[dreg:$0x1] =	wrdreg $0xFFFFFFFF  }
0xa7: {  	s28 =	simm.s32 $_size_execute0_lowered;
	s3 =	sadd.s32 s3, s5;
	[dreg:$0x0] =	wrdreg $0x0  }
0xa8: {  	s5 =	sshll.u32 s28, $0x1;
	[dreg:$0x2] =	wrdreg s3  }
0xa9: {  	[dreg:$0x3] =	wrdreg s5  }
0xaa: {  	[dreg:$0x4] =	wrdreg $0xC0  }
0xab: {  	_ =	task [dreg:s7], $0x5FFFF  }
0xac: {  	[dreg:$0x1] =	wrdreg $0xFFFFFFFF  }
0xad: {  	[dreg:$0x0] =	wrdreg $0x60  }
0xae: {  	[dreg:$0x2] =	wrdreg s2  }
0xaf: {  	[dreg:$0x3] =	wrdreg s24  }
0xb0: {  	[dreg:$0x4] =	wrdreg $0x51800  }
0xb1: {  	[dreg:$0x5] =	wrdreg $0x9  }
0xb2: {  	_ =	task.clear_ibuf [dreg:s7], $0x6FFFF;
	_ =	strace $0x90000046  }
0xb3: {  	s29 =	simm.s32 $0x9;
	_ =	strace $0x80000048  }
0xb4: {  	_ =	swait.ge [sflag:s29], $0x1  }
0xb5: {  	[sflag:s29] =	ssyncadd.s32 $0xFFFFFFFF  }
0xb6: {  	_ =	strace $0x90000048  }
0xb7: {  	_ =	sfence  }
0xb8: {  	s30 =	sld [smem:$0x0];
	_ =	sdelay $0x2  }
0xb9: {  	s31 =	sshll.u32 s1, $0xD;
	s1 =	sshrl.u32 s1, $0x2  }
0xba: {  	s3 =	sand.u32 $0x4000, s31;
	s1 =	sadd.s32 s1, s30  }
0xbb: {  	s0 =	sor.u32 s3, s0;
	s1 =	sshll.u32 s1, $0x11  }
0xbc: {  	s0 =	sor.u32 s1, s0  }
0xbd: {  	s0 =	sadd.s32 $0x8F2B, s0  }
0xbe: {  	[sflag:s0] =	ssyncadd.remote.s32 $0x1  }
0xbf: {  	_ =	sfence.sel $0xFFFF  }
0xc0: {  	[dreg:$0x0] =	wrdreg $0xFFFFFFFF;
	(pc) =	sbr.abs _section_cstart, $3  }
0xc1: {  	[dreg:$0x1] =	wrdreg $0xFFFFFFFF  }
0xc2: {  	_ =	task.clear_ibuf [dreg:s7], $0x2FFFF;
	_ =	strace $0x9FFFFFFF  }
0xc3: {  	(tm) =	ssettm $0x7FFFFFFF  }
tec
execute0_lowered:
.L_overlay_start_1:
0x0: {  	(tag) =	ssettag $0x1  }
0x1: {  	s0 =	rddreg [dreg:$0x0]  }
0x2: {  	s2 =	rddreg [dreg:$0x1]  }
0x3: {  	s1 =	rddreg [dreg:$0x2];
	s9 =	stileid.u32  }
0x4: {  	s3 =	srdreg.scid;
	s28 =	simm.s32 $0x3;
	s6 =	smul.u32 $0x2710, s9  }
0x5: {  	s29 =	simm.s32 $0x5000;
	s30 =	simm.s32 $0x5080;
	s24 =	smul.u32 $0x50000, s9  }
0x6: {  	s31 =	simm.s32 $0x5;
	s4 =	sand.u32 $0x1, s3;
	s12 =	smul.u32 $0x14000, s9  }
0x7: {  	s3 =	simm.s32 $0x0;
	s2 =	sadd.s32 $0xC600, s2;
	s5 =	smul.u32 $0x27100, s4  }
0x8: {  	[smem:$0x7FF] =	sst s3;
	s7 =	ssub.s32 $0x2, s4;
	s4 =	smul.u32 $0x140000, s4  }
0x9: {  	_ =	strace $0x80000047;
	s8 =	sshrl.u32 s7, $0x1;
	s25 =	sshrl.u32 s24, $0x2  }
0xa: {  	s26 =	sor.u32 $0x2800, s12;
	s14 =	sadd.s32 $0x5000, s12;
	s15 =	sadd.s32 $0x7800, s12  }
0xb: {  	s16 =	sadd.s32 $0xA000, s12;
	s18 =	sadd.s32 $0xC800, s12;
	s19 =	sadd.s32 $0xF000, s12  }
0xc: {  	s20 =	sadd.s32 $0x11800, s12;
	s5 =	sadd.s32 s6, s5;
	s13 =	ssub.s32 s7, s8  }
0xd: {  	s6 =	sadd.s32 s26, s1;
	s7 =	sadd.s32 s14, s1;
	s8 =	sadd.s32 s15, s1  }
0xe: {  	s9 =	sadd.s32 s16, s1;
	s10 =	sadd.s32 s18, s1;
	s11 =	sadd.s32 s19, s1  }
0xf: {  	s17 =	sadd.s32 s12, s4;
	s12 =	sadd.s32 s20, s1;
	s21 =	sadd.s32 s4, s15  }
0x10: {  	s22 =	sadd.s32 s4, s16;
	s24 =	sadd.s32 s4, s18;
	s5 =	sshrl.u32 s5, $0x3  }
0x11: {  	s17 =	sshrl.u32 s17, $0x3;
	s23 =	sshrl.u32 s22, $0x3;
	s22 =	simm.s32 $0x4  }
0x12: {  	s0 =	sadd.s32 s0, s5;
	s5 =	sadd.s32 s25, s1;
	s17 =	sadd.s32 s2, s17  }
0x13: {  	s25 =	sadd.s32 s4, s19;
	[dreg:$0x4] =	wrdreg s0;
	s0 =	sadd.s32 s4, s26  }
0x14: {  	[dreg:$0x5] =	wrdreg s17;
	s17 =	sadd.s32 s4, s14;
	s14 =	sshrl.u32 s21, $0x3  }
0x15: {  	s4 =	sadd.s32 s4, s20;
	s21 =	smax.u32 s13, $0x1;
	s0 =	sshrl.u32 s0, $0x3  }
0x16: {  	s16 =	sadd.s32 s2, s14;
	s14 =	sshrl.u32 s25, $0x3;
	s26 =	sshrl.u32 s4, $0x3  }
0x17: {  	s25 =	simm.s32 $0x50;
	s4 =	simm.s32 $0x0;
	s0 =	sadd.s32 s2, s0  }
.Ltmp0:
0x18: {  	s19 =	sadd.s32 s2, s14;
	s20 =	sadd.s32 s2, s26;
	(pc) =	sbr.rel .LBB2_1-.Ltmp0, $4  }
0x19: {  	s26 =	simm.s32 $0x4F80;
	[dreg:$0x6] =	wrdreg s0;
	s0 =	sshrl.u32 s17, $0x3  }
0x1a: {  	s17 =	sadd.s32 s2, s23;
	s23 =	simm.s32 $0x6;
	s0 =	sadd.s32 s2, s0  }
0x1b: {  	[dreg:$0x7] =	wrdreg s0;
	s0 =	sshrl.u32 s24, $0x3;
	s24 =	simm.s32 $0x1  }
0x1c: {  	v0 =	vimm.f32 $0.0e+00;
	v1 =	vimm.f32 $1.000000000e+00;
	s18 =	sadd.s32 s2, s0;
	s0 =	simm.s32 $0x5100;
	s2 =	simm.s32 $0x2  }
.LBB2_14:
0x1d: {  	_ =	swait.ge [sflag:s2], $0x2800  }
0x1e: {  	[sflag:s2] =	ssyncset.done $0x0  }
0x1f: {  	[sflag:s2] =	ssyncadd.s32 $0xFFFFD800  }
0x20: {  	_ =	swait.ge [sflag:s28], $0x2800  }
0x21: {  	[sflag:s28] =	ssyncset.done $0x0  }
0x22: {  	[sflag:s28] =	ssyncadd.s32 $0xFFFFD800  }
0x23: {  	_ =	swait.ge [sflag:s22], $0x2800  }
0x24: {  	[sflag:s22] =	ssyncset.done $0x0  }
0x25: {  	[sflag:s22] =	ssyncadd.s32 $0xFFFFD800  }
0x26: {  	_ =	swait.ge [sflag:s31], $0x2800  }
0x27: {  	[sflag:s31] =	ssyncset.done $0x0  }
0x28: {  	s13 =	stileid.u32;
	[sflag:s31] =	ssyncadd.s32 $0xFFFFD800  }
0x29: {  	s13 =	sshll.u32 s13, $0x6;
	[bflag:$0x0] =	sbarrier.arrive $0xFFFF  }
0x2a: {  	s14 =	sshrl.u32 s5, $0x3;
	s13 =	sor.u32 $0x1C06, s13;
	s15 =	rddreg [dreg:$0x5]  }
0x2b: {  	[hbm:s15], [sflag:s13] =	dma.local [spmem:s14], $0x500  }
0x2c: {  	_ =	swait.ge [sflag:s23], $0x500  }
0x2d: {  	[sflag:s23] =	ssyncset.done $0x0  }
0x2e: {  	s14 =	sshrl.u32 s6, $0x3;
	s15 =	rddreg [dreg:$0x6];
	[sflag:s23] =	ssyncadd.s32 $0xFFFFFB00  }
0x2f: {  	[hbm:s15], [sflag:s13] =	dma.local [spmem:s14], $0x500  }
0x30: {  	_ =	swait.ge [sflag:s23], $0x500  }
0x31: {  	[sflag:s23] =	ssyncset.done $0x0  }
0x32: {  	s14 =	sshrl.u32 s7, $0x3;
	s15 =	rddreg [dreg:$0x7];
	[sflag:s23] =	ssyncadd.s32 $0xFFFFFB00  }
0x33: {  	[hbm:s15], [sflag:s13] =	dma.local [spmem:s14], $0x500  }
0x34: {  	_ =	swait.ge [sflag:s23], $0x500  }
0x35: {  	[sflag:s23] =	ssyncset.done $0x0  }
0x36: {  	s15 =	sshrl.u32 s8, $0x3;
	[sflag:s23] =	ssyncadd.s32 $0xFFFFFB00  }
0x37: {  	[hbm:s16], [sflag:s13] =	dma.local [spmem:s15], $0x500  }
0x38: {  	_ =	swait.ge [sflag:s23], $0x500  }
0x39: {  	[sflag:s23] =	ssyncset.done $0x0  }
0x3a: {  	s15 =	sshrl.u32 s9, $0x3;
	[sflag:s23] =	ssyncadd.s32 $0xFFFFFB00  }
0x3b: {  	[hbm:s17], [sflag:s13] =	dma.local [spmem:s15], $0x500  }
0x3c: {  	_ =	swait.ge [sflag:s23], $0x500  }
0x3d: {  	[sflag:s23] =	ssyncset.done $0x0  }
0x3e: {  	s15 =	sshrl.u32 s10, $0x3;
	[sflag:s23] =	ssyncadd.s32 $0xFFFFFB00  }
0x3f: {  	[hbm:s18], [sflag:s13] =	dma.local [spmem:s15], $0x500  }
0x40: {  	_ =	swait.ge [sflag:s23], $0x500  }
0x41: {  	[sflag:s23] =	ssyncset.done $0x0  }
0x42: {  	s15 =	sshrl.u32 s11, $0x3;
	[sflag:s23] =	ssyncadd.s32 $0xFFFFFB00  }
0x43: {  	[hbm:s19], [sflag:s13] =	dma.local [spmem:s15], $0x500  }
0x44: {  	s4 =	sadd.s32 $0x1, s4;
	_ =	swait.ge [sflag:s23], $0x500  }
0x45: {  	p0 =	sne.s32 s4, s21;
	[sflag:s23] =	ssyncset.done $0x0  }
.Ltmp1:
0x46: {  	s15 =	sshrl.u32 s12, $0x3;
	[sflag:s23] =	ssyncadd.s32 $0xFFFFFB00;
	(pc) =	sbr.rel @!p0 .LBB2_15-.Ltmp1, $4  }
0x47: {  	[hbm:s20], [sflag:s13] =	dma.local [spmem:s15], $0x500  }
0x48: {  	_ =	swait.ge [sflag:s23], $0x500  }
0x49: {  	[sflag:s23] =	ssyncset.done $0x0  }
0x4a: {  	[sflag:s23] =	ssyncadd.s32 $0xFFFFFB00  }
.LBB2_1:
0x4b: {  	s13 =	rddreg [dreg:$0x4];
	s14 =	simm.s32 $0x2800  }
0x4c: {  	[tilespmem:s14], [sflag:$0x1] =	stream.linear.gather [hbm4b:s13+s3], $0x2710, $0x38;
	[tilespmem:$0x19180] =	vst v63  }
0x4d: {  	s13 =	simm.s32 $0x0;
	s14 =	simm.s32 $0x200  }
.LBB2_2:
0x4e: {  	p0 =	sne.s32 s14, $0x9E00;
	[tilespmem:s13+$0x70] =	vst v0  }
0x4f: {  	[tilespmem:s13+$0x0] =	vst v0  }
0x50: {  	[tilespmem:s13+$0x10] =	vst v0  }
.Ltmp2:
0x51: {  	[tilespmem:s13+$0x20] =	vst v0;
	(pc) =	sbr.rel @p0 .LBB2_2-.Ltmp2, $4  }
0x52: {  	[tilespmem:s13+$0x30] =	vst v0  }
0x53: {  	[tilespmem:s13+$0x40] =	vst v0  }
0x54: {  	[tilespmem:s13+$0x50] =	vst v0  }
0x55: {  	[tilespmem:s13+$0x60] =	vst v0;
	s13 =	sshra.s32 s14, $0x2;
	s14 =	sadd.s32 $0x200, s14  }
0x56: {  	[tilespmem:s13+$0x70] =	vst v0  }
0x57: {  	[tilespmem:s13+$0x0] =	vst v0  }
0x58: {  	[tilespmem:s13+$0x10] =	vst v0  }
0x59: {  	[tilespmem:s13+$0x20] =	vst v0  }
0x5a: {  	[tilespmem:s13+$0x30] =	vst v0  }
0x5b: {  	[tilespmem:s13+$0x40] =	vst v0  }
0x5c: {  	[tilespmem:s13+$0x50] =	vst v0  }
0x5d: {  	[tilespmem:s13+$0x60] =	vst v0;
	s15 =	simm.s32 $0x0  }
0x5e: {  	[spmem:s5] =	stream.linear.scatter [tilespmem:s15], [sflag:$0x6], $0x2800, $0x38;
	[tilespmem:$0x19180] =	vst v63  }
0x5f: {  	_ =	swait.ge [sflag:s23], $0x2800  }
0x60: {  	[sflag:s23] =	ssyncset.done $0x0  }
0x61: {  	[sflag:s23] =	ssyncadd.s32 $0xFFFFD800  }
0x62: {  	[spmem:s6] =	stream.linear.scatter [tilespmem:s15], [sflag:$0x6], $0x2800, $0x38;
	[tilespmem:$0x19180] =	vst v63  }
0x63: {  	_ =	swait.ge [sflag:s23], $0x2800  }
0x64: {  	[sflag:s23] =	ssyncset.done $0x0  }
0x65: {  	[sflag:s23] =	ssyncadd.s32 $0xFFFFD800  }
0x66: {  	[spmem:s7] =	stream.linear.scatter [tilespmem:s15], [sflag:$0x6], $0x2800, $0x38;
	[tilespmem:$0x19180] =	vst v63  }
0x67: {  	_ =	swait.ge [sflag:s23], $0x2800  }
0x68: {  	[sflag:s23] =	ssyncset.done $0x0  }
0x69: {  	[sflag:s23] =	ssyncadd.s32 $0xFFFFD800  }
0x6a: {  	[spmem:s8] =	stream.linear.scatter [tilespmem:s15], [sflag:$0x6], $0x2800, $0x38;
	[tilespmem:$0x19180] =	vst v63  }
0x6b: {  	_ =	swait.ge [sflag:s23], $0x2800  }
0x6c: {  	[sflag:s23] =	ssyncset.done $0x0  }
0x6d: {  	[sflag:s23] =	ssyncadd.s32 $0xFFFFD800  }
0x6e: {  	[spmem:s9] =	stream.linear.scatter [tilespmem:s15], [sflag:$0x6], $0x2800, $0x38;
	[tilespmem:$0x19180] =	vst v63  }
0x6f: {  	_ =	swait.ge [sflag:s23], $0x2800  }
0x70: {  	[sflag:s23] =	ssyncset.done $0x0  }
0x71: {  	[sflag:s23] =	ssyncadd.s32 $0xFFFFD800  }
0x72: {  	[spmem:s10] =	stream.linear.scatter [tilespmem:s15], [sflag:$0x6], $0x2800, $0x38;
	[tilespmem:$0x19180] =	vst v63  }
0x73: {  	_ =	swait.ge [sflag:s23], $0x2800  }
0x74: {  	[sflag:s23] =	ssyncset.done $0x0  }
0x75: {  	[sflag:s23] =	ssyncadd.s32 $0xFFFFD800  }
0x76: {  	[spmem:s11] =	stream.linear.scatter [tilespmem:s15], [sflag:$0x6], $0x2800, $0x38;
	[tilespmem:$0x19180] =	vst v63  }
0x77: {  	_ =	swait.ge [sflag:s23], $0x2800  }
0x78: {  	[sflag:s23] =	ssyncset.done $0x0  }
0x79: {  	[sflag:s23] =	ssyncadd.s32 $0xFFFFD800  }
0x7a: {  	[spmem:s12] =	stream.linear.scatter [tilespmem:s15], [sflag:$0x6], $0x2800, $0x38;
	[tilespmem:$0x19180] =	vst v63  }
0x7b: {  	_ =	swait.ge [sflag:s23], $0x2800  }
0x7c: {  	[sflag:s23] =	ssyncset.done $0x0  }
0x7d: {  	s13 =	simm.s32 $0x0;
	s14 =	simm.s32 $0x200;
	[sflag:s23] =	ssyncadd.s32 $0xFFFFD800  }
.LBB2_4:
0x7e: {  	p0 =	sne.s32 s14, $0x9E00;
	[tilespmem:s13+$0x70] =	vst v1  }
0x7f: {  	[tilespmem:s13+$0x0] =	vst v1  }
0x80: {  	[tilespmem:s13+$0x10] =	vst v1  }
.Ltmp3:
0x81: {  	[tilespmem:s13+$0x20] =	vst v1;
	(pc) =	sbr.rel @p0 .LBB2_4-.Ltmp3, $4  }
0x82: {  	[tilespmem:s13+$0x30] =	vst v1  }
0x83: {  	[tilespmem:s13+$0x40] =	vst v1  }
0x84: {  	[tilespmem:s13+$0x50] =	vst v1  }
0x85: {  	[tilespmem:s13+$0x60] =	vst v1;
	s13 =	sshra.s32 s14, $0x2;
	s14 =	sadd.s32 $0x200, s14  }
0x86: {  	[tilespmem:s13+$0x70] =	vst v1  }
0x87: {  	[tilespmem:s13+$0x0] =	vst v1  }
0x88: {  	[tilespmem:s13+$0x10] =	vst v1  }
0x89: {  	[tilespmem:s13+$0x20] =	vst v1  }
0x8a: {  	[tilespmem:s13+$0x30] =	vst v1  }
0x8b: {  	[tilespmem:s13+$0x40] =	vst v1  }
0x8c: {  	[tilespmem:s13+$0x50] =	vst v1  }
0x8d: {  	[tilespmem:s13+$0x60] =	vst v1  }
.Ltmp4:
0x8e: {  	_ =	swait.ge [sflag:s24], $0x2710;
	(pc) =	sbr.rel .LBB2_6-.Ltmp4, $4  }
0x8f: {  	[sflag:s24] =	ssyncset.done $0x0  }
0x90: {  	[sflag:s24] =	ssyncadd.s32 $0xFFFFD8F0  }
0x91: {  	[bflag:$0x0] =	sbarrier.arrive $0xFFFF  }
0x92: {  	s13 =	simm.s32 $0x3;
	s14 =	simm.s32 $0x28A0  }
.LBB2_10:
0x93: {  	_ =	swait.ge [sflag:s31], $0x2800  }
0x94: {  	[sflag:s31] =	ssyncset.done $0x0  }
0x95: {  	[sflag:s31] =	ssyncadd.s32 $0xFFFFD800  }
.LBB2_12:
0x96: {  	v2 =	vld [tilespmem:s14+$0x50];
	_ =	sdelay $0x4  }
0x97: {  	[tilespmem:$0x5100] =	vst v2  }
0x98: {  	v2 =	vld [tilespmem:s14+$0x60];
	_ =	sdelay $0x4  }
0x99: {  	[tilespmem:$0x5110] =	vst v2  }
0x9a: {  	v2 =	vld [tilespmem:s14+$0x70];
	_ =	sdelay $0x4  }
0x9b: {  	[tilespmem:$0x5120] =	vst v2  }
0x9c: {  	v2 =	vld [tilespmem:s14+$0x80];
	_ =	sdelay $0x4  }
0x9d: {  	[tilespmem:$0x5130] =	vst v2  }
0x9e: {  	v2 =	vld [tilespmem:s14+$0x90];
	_ =	sdelay $0x4  }
0x9f: {  	[tilespmem:$0x5140] =	vst v2  }
0xa0: {  	[spmem:s1] =	stream.indirect.scatter.add.f32 [tilespmem:s3], [sflag:$0x5], $0x80, s0, s25, $0xb8;
	[tilespmem:$0x19180] =	vst v63  }
.LBB2_13:
0xa1: {  	s13 =	sadd.s32 $0x4, s13  }
0xa2: {  	p0 =	sne.s32 s13, $0x83  }
.Ltmp5:
0xa3: {  	_ = 	snop;
	(pc) =	sbr.rel @!p0 .LBB2_14-.Ltmp5, $2  }
0xa4: {  	_ =	sdelay $0x2  }
0xa5: {  	s14 =	sadd.s32 $0x140, s14  }
.LBB2_6:
0xa6: {  	s15 =	sadd.s32 $0xFFFFFFF9, s13  }
0xa7: {  	p0 =	sgt.u32 s15, $0x78  }
0xa8: {  	s15 =	simm.s32 @!p0 $0x2  }
0xa9: {  	_ =	swait.ge @!p0 [sflag:s15], $0x2800  }
0xaa: {  	[sflag:s15] =	ssyncset.done @!p0 $0x0  }
0xab: {  	[sflag:s15] =	ssyncadd.s32 @!p0 $0xFFFFD800  }
0xac: {  	v2 =	vld [tilespmem:s14+$0xFFFFFF60];
	_ =	sdelay $0x4  }
0xad: {  	[tilespmem:$0x4F80] =	vst v2  }
0xae: {  	v2 =	vld [tilespmem:s14+$0xFFFFFF70];
	_ =	sdelay $0x4  }
0xaf: {  	[tilespmem:$0x4F90] =	vst v2  }
0xb0: {  	v2 =	vld [tilespmem:s14+$0xFFFFFF80];
	_ =	sdelay $0x4  }
0xb1: {  	[tilespmem:$0x4FA0] =	vst v2  }
0xb2: {  	v2 =	vld [tilespmem:s14+$0xFFFFFF90];
	_ =	sdelay $0x4  }
0xb3: {  	s15 =	sadd.s32 $0xFFFFFFFE, s13;
	p0 =	seq.s32 s13, $0x3;
	[tilespmem:$0x4FB0] =	vst v2  }
0xb4: {  	p1 =	sgt.u32 @!p0 s15, $0x7C;
	v2 =	vld [tilespmem:s14+$0xFFFFFFA0]  }
0xb5: {  	p1 =	por p0, p1  }
.Ltmp6:
0xb6: {  	_ = 	snop;
	(pc) =	sbr.rel @p1 .LBB2_8-.Ltmp6, $3  }
0xb7: {  	_ =	sdelay $0x1  }
0xb8: {  	[tilespmem:$0x4FC0] =	vst v2  }
0xb9: {  	[spmem:s1] =	stream.indirect.scatter.add.f32 [tilespmem:s3], [sflag:$0x2], $0x80, s26, s25, $0xb8;
	[tilespmem:$0x19180] =	vst v63  }
0xba: {  	_ =	swait.ge [sflag:s28], $0x2800  }
0xbb: {  	[sflag:s28] =	ssyncset.done $0x0  }
0xbc: {  	[sflag:s28] =	ssyncadd.s32 $0xFFFFD800  }
.LBB2_9:
0xbd: {  	v2 =	vld [tilespmem:s14+$0xFFFFFFB0];
	_ =	sdelay $0x4  }
0xbe: {  	[tilespmem:$0x5000] =	vst v2  }
0xbf: {  	v2 =	vld [tilespmem:s14+$0xFFFFFFC0];
	_ =	sdelay $0x4  }
0xc0: {  	[tilespmem:$0x5010] =	vst v2  }
0xc1: {  	v2 =	vld [tilespmem:s14+$0xFFFFFFD0];
	_ =	sdelay $0x4  }
0xc2: {  	[tilespmem:$0x5020] =	vst v2  }
0xc3: {  	v2 =	vld [tilespmem:s14+$0xFFFFFFE0];
	_ =	sdelay $0x4  }
0xc4: {  	[tilespmem:$0x5030] =	vst v2  }
0xc5: {  	v2 =	vld [tilespmem:s14+$0xFFFFFFF0];
	_ =	sdelay $0x2  }
0xc6: {  	s15 =	sadd.s32 $0xFFFFFFFB, s13  }
0xc7: {  	p1 =	sgt.u32 s15, $0x78  }
0xc8: {  	s15 =	simm.s32 @!p1 $0x4;
	[tilespmem:$0x5040] =	vst v2  }
0xc9: {  	[spmem:s1] =	stream.indirect.scatter.add.f32 [tilespmem:s3], [sflag:$0x3], $0x80, s29, s25, $0xb8;
	[tilespmem:$0x19180] =	vst v63  }
0xca: {  	_ =	swait.ge @!p1 [sflag:s15], $0x2800  }
0xcb: {  	[sflag:s15] =	ssyncset.done @!p1 $0x0  }
0xcc: {  	[sflag:s15] =	ssyncadd.s32 @!p1 $0xFFFFD800  }
0xcd: {  	v2 =	vld [tilespmem:s14+$0x0];
	_ =	sdelay $0x4  }
0xce: {  	[tilespmem:$0x5080] =	vst v2  }
0xcf: {  	v2 =	vld [tilespmem:s14+$0x10];
	_ =	sdelay $0x4  }
0xd0: {  	[tilespmem:$0x5090] =	vst v2  }
0xd1: {  	v2 =	vld [tilespmem:s14+$0x20];
	_ =	sdelay $0x4  }
0xd2: {  	[tilespmem:$0x50A0] =	vst v2  }
0xd3: {  	v2 =	vld [tilespmem:s14+$0x30];
	_ =	sdelay $0x4  }
0xd4: {  	[tilespmem:$0x50B0] =	vst v2  }
0xd5: {  	p1 =	sgt.u32 @!p0 s13, $0x7C;
	v2 =	vld [tilespmem:s14+$0x40]  }
0xd6: {  	p0 =	por p0, p1  }
.Ltmp7:
0xd7: {  	_ = 	snop;
	(pc) =	sbr.rel @!p0 .LBB2_10-.Ltmp7, $3  }
0xd8: {  	_ =	sdelay $0x1  }
0xd9: {  	[tilespmem:$0x50C0] =	vst v2  }
0xda: {  	[spmem:s1] =	stream.indirect.scatter.add.f32 [tilespmem:s3], [sflag:$0x4], $0x80, s30, s25, $0xb8;
	[tilespmem:$0x19180] =	vst v63  }
0xdb: {  	p0 =	sgt.u32 s13, $0x7C  }
.Ltmp8:
0xdc: {  	_ = 	snop;
	(pc) =	sbr.rel @p0 .LBB2_13-.Ltmp8, $4  }
.Ltmp9:
0xdd: {  	_ = 	snop;
	(pc) =	sbr.rel @!p0 .LBB2_12-.Ltmp9, $4  }
0xde: {  	_ = 	snop  }
0xdf: {  	_ = 	snop  }
0xe0: {  	_ = 	snop  }
0xe1: {  	_ = 	snop  }
.LBB2_8:
0xe2: {  	p1 =	sgt.u32 s15, $0x7C  }
.Ltmp10:
0xe3: {  	_ = 	snop;
	(pc) =	sbr.rel @p1 .LBB2_13-.Ltmp10, $4  }
.Ltmp11:
0xe4: {  	_ = 	snop;
	(pc) =	sbr.rel @!p1 .LBB2_9-.Ltmp11, $4  }
0xe5: {  	_ = 	snop  }
0xe6: {  	_ = 	snop  }
0xe7: {  	_ = 	snop  }
0xe8: {  	_ = 	snop  }
.LBB2_15:
0xe9: {  	_ =	sfence.sel $0x180000  }
0xea: {  	[bflag:$0x0] =	sbarrier.arrive $0xFFFF  }
0xeb: {  	_ =	strace $0x90000047  }
0xec: {  	s0 =	stileid.u32;
	[bflag:$0x2] =	sbarrier.arrive $0xFFFF  }
0xed: {  	p0 =	sne.s32 s0, $0x0;
	s0 =	rddreg [dreg:$0x3]  }
0xee: {  	s0 =	sadd.s32 @!p0 $0x100000, s0  }
0xef: {  	[sflag:s0] =	ssyncadd.tile.s32 @!p0 $0x1;
	_ =	shalt  }
.Lfunc_end2:
_tile_overlayer_lowered:
.L_overlay_start_2:
0xf0: {  	(tag) =	ssettag $0x2  }
0xf1: {  	s0 =	rddreg [dreg:$0x0];
	s2 =	stileid.u32  }
0xf2: {  	s1 =	rddreg [dreg:$0x1];
	p0 =	sne.s32 s2, $0x0  }
0xf3: {  	s3 =	rddreg [dreg:$0x2];
	[bflag:$0x3] =	sbarrier.arrive $0xFFFF;
	s2 =	simm.s32 @!p0 $0x1C06  }
0xf4: {  	[timem:s3], [sflag:s2] =	dma.local @!p0 [hbm:s0], s1  }
0xf5: {  	s0 =	simm.s32 @!p0 $0x6  }
0xf6: {  	_ =	swait.ge @!p0 [sflag:s0], s1  }
0xf7: {  	s1 =	ssub.s32 @!p0 $0x0, s1;
	[sflag:s0] =	ssyncset.done @!p0 $0x0  }
0xf8: {  	[sflag:s0] =	ssyncadd.s32 @!p0 s1  }
0xf9: {  	[bflag:$0x3] =	sbarrier.arrive $0xFFFF  }
0xfa: {  	_ =	shalt  }

</sc_bundles>
